<compile_context>
chip_gen: v7x
topology: tpu7x:2x2x1
jax: 0.10.2.dev20260603
libtpu: 0.0.44.dev20260713+nightly
codegen_flags: <defaults>
</compile_context>

<pallas_src>
import functools

import jax
import jax.numpy as jnp
from jax import lax
from jax.experimental import pallas as pl
from jax.experimental.pallas import tpu as pltpu
from jax.experimental.pallas import tpu_sc as plsc

DIM = 64
PAD = 0
LANES = 16

N_CORES = 2
N_SUBCORES = 16
NW = N_CORES * N_SUBCORES

CHUNK = 128
SUPER = 5
SROWS = SUPER * CHUNK
NROWS = 7


def _emb_body(idx_hbm, table_hbm, out_hbm, idx_v, rows_v, gsem, *, n_super, bc):
    cid = lax.axis_index("c")
    sid = lax.axis_index("s")
    wid = sid * N_CORES + cid
    n_chunks = n_super * SUPER
    c_base = wid * n_chunks
    l0 = c_base // bc

    pltpu.sync_copy(idx_hbm.at[pl.ds(l0, NROWS)], idx_v)

    zeros = jnp.zeros((LANES,), jnp.float32)

    def chunk_coords(c):
        return c // bc - l0, (c % bc) * CHUNK

    def fire(sup, buf):
        for j in range(SUPER):
            lr, b0 = chunk_coords(c_base + sup * SUPER + j)
            pltpu.async_copy(
                table_hbm.at[idx_v.at[lr, pl.ds(b0, CHUNK)]],
                rows_v.at[buf, pl.ds(j * CHUNK, CHUNK)],
                gsem,
            )

    def drain(sup, buf):
        for j in range(SUPER):
            lr, b0 = chunk_coords(c_base + sup * SUPER + j)
            pltpu.make_async_copy(
                table_hbm.at[idx_v.at[lr, pl.ds(b0, CHUNK)]],
                rows_v.at[buf, pl.ds(j * CHUNK, CHUNK)],
                gsem,
            ).wait()

    def process(sup, buf):
        def group_body(g, carry):
            lr, b0 = chunk_coords(c_base + sup * SUPER + g // (CHUNK // LANES))
            off = (g % (CHUNK // LANES)) * LANES
            iv = idx_v[lr, pl.ds(b0 + off, LANES)]
            m = iv == PAD
            npad = plsc.all_reduce_population_count(m)[0]

            @pl.when(npad > 0)
            def _zero_pad_rows():
                rows16 = g * LANES + lax.iota(jnp.int32, LANES)
                for col in range(DIM):
                    plsc.store_scatter(
                        rows_v.at[buf],
                        [rows16, jnp.full((LANES,), col, jnp.int32)],
                        zeros,
                        mask=m,
                    )

            return carry

        lax.fori_loop(0, SROWS // LANES, group_body, 0)

    def write(sup, buf):
        for j in range(SUPER):
            lr, b0 = chunk_coords(c_base + sup * SUPER + j)
            pltpu.sync_copy(
                rows_v.at[buf, pl.ds(j * CHUNK, CHUNK)],
                out_hbm.at[lr + l0, pl.ds(b0, CHUNK)],
            )

    fire(0, 0)

    def pipe_body(t, carry):
        s0 = 2 * t
        s1 = 2 * t + 1

        drain(s0, 0)
        fire(s1, 1)
        process(s0, 0)
        write(s0, 0)

        drain(s1, 1)

        @pl.when(s1 + 1 < n_super)
        def _fire_next():
            fire(s1 + 1, 0)

        process(s1, 1)
        write(s1, 1)
        return carry

    lax.fori_loop(0, n_super // 2, pipe_body, 0)


def kernel(src_input, emb_table):
    L, B, _ = src_input.shape
    total = L * B
    assert B % CHUNK == 0
    bc = B // CHUNK
    assert total % (NW * SROWS) == 0 and (total // (NW * SROWS)) % 2 == 0
    n_super = total // (NW * SROWS)
    assert (n_super * SUPER) % 2 == 0 or NROWS * bc >= n_super * SUPER + bc - 1

    idx = jnp.max(src_input, axis=2)

    mesh = plsc.VectorSubcoreMesh(core_axis_name="c", subcore_axis_name="s")
    run = functools.partial(
        pl.kernel,
        mesh=mesh,
        out_type=jax.ShapeDtypeStruct((L, B, DIM), jnp.float32),
        scratch_types=[
            pltpu.VMEM((NROWS, B), jnp.int32),
            pltpu.VMEM((2, SROWS, DIM), jnp.float32),
            pltpu.SemaphoreType.DMA,
        ],
        compiler_params=pltpu.CompilerParams(
            needs_layout_passes=False, use_tc_tiling_on_sc=False
        ),
    )(functools.partial(_emb_body, n_super=n_super, bc=bc))

    return run(idx, emb_table)

# --- scband reference (transcript-rebuilt; emitter-appended) ---
"""Pipeline reference for scband-embeddings-55370718380142 (READ-ONLY COPY).

The authoritative reference and input builder live on the scoring server;
editing this copy changes nothing except your own understanding.
"""

import jax, jax.numpy as jnp
import numpy as np

VOCAB = 1000000
DIM = 64
L = 200
B = 1024
PAD = 0


def setup_inputs(seed: int = 0) -> dict:
    key = jax.random.key(seed)
    k1, k2 = jax.random.split(key)
    src_input = jax.random.randint(k1, (L, B, 1), 0, VOCAB, dtype=jnp.int32)
    emb_table = jax.random.normal(k2, (VOCAB, DIM), dtype=jnp.float32) * 0.02
    return {"src_input": src_input, "emb_table": emb_table}


def reference(src_input, emb_table):
    # Single emb_lut path (no feature_dicts), no positional encoding.
    # src_input: int[L, B, 1] -> squeeze(2) -> [L, B]
    idx = src_input[..., 0]
    emb = jnp.take(emb_table, idx, axis=0)  # [L, B, DIM]
    # nn.Embedding(padding_idx=PAD): padding rows produce zeros
    mask = (idx != PAD)[..., None].astype(emb.dtype)
    return emb * mask

if __name__ == "__main__":
    import jax
    _d = setup_inputs()
    print(jax.jit(kernel)(*tuple(_d.values())))

</pallas_src>

<mosaic_0001>
#map = affine_map<(d0, d1) -> (0, 0)>
#map1 = affine_map<(d0, d1) -> (0, 0, 0)>
module attributes {stable_mosaic.version = 14 : i64} {
  func.func @_emb_body(%arg0: i32, %arg1: i32, %arg2: memref<200x1024xi32, #tpu.memory_space<hbm>>, %arg3: memref<1000000x64xf32, #tpu.memory_space<hbm>>, %arg4: memref<200x1024x64xf32, #tpu.memory_space<hbm>>, %arg5: memref<7x1024xi32, #tpu.memory_space<vmem>>, %arg6: memref<2x640x64xf32, #tpu.memory_space<vmem>>, %arg7: memref<!tpu.dma_semaphore, #tpu.memory_space<semaphore_mem>>) attributes {dimension_semantics = [#tpu.dimension_semantics<core_parallel>, #tpu.dimension_semantics<subcore_parallel>], iteration_bounds = array<i64: 2, 16>, scalar_prefetch = 0 : i64, scratch_operands = 3 : i64, tpu.core_type = #tpu.core_type<sc_vector_subcore>, window_params = [{transform_indices = #map}, {transform_indices = #map}, {transform_indices = #map1}]} {
    %mul3A = arith.constant 2 : i32
    %mul3A_0 = arith.muli %arg1, %mul3A : i32
    %add3A = arith.addi %mul3A_0, %arg0 : i32
    %mul3A_1 = arith.constant 50 : i32
    %mul3A_2 = arith.muli %add3A, %mul3A_1 : i32
    %jit3A = arith.constant 8 : i32
    %div3A = arith.divsi %mul3A_2, %jit3A : i32
    %sign3A = arith.constant 0 : i32
    %sign3A_3 = arith.cmpi sgt, %mul3A_2, %sign3A : i32
    %sign3A_4 = arith.extui %sign3A_3 : i1 to i32
    %sign3A_5 = arith.constant 0 : i32
    %sign3A_6 = arith.cmpi slt, %mul3A_2, %sign3A_5 : i32
    %sign3A_7 = arith.extui %sign3A_6 : i1 to i32
    %sign3A_8 = arith.subi %sign3A_4, %sign3A_7 : i32
    %sign3A_9 = arith.constant 0 : i32
    %sign3A_10 = arith.cmpi sgt, %jit3A, %sign3A_9 : i32
    %sign3A_11 = arith.extui %sign3A_10 : i1 to i32
    %sign3A_12 = arith.constant 0 : i32
    %sign3A_13 = arith.cmpi slt, %jit3A, %sign3A_12 : i32
    %sign3A_14 = arith.extui %sign3A_13 : i1 to i32
    %sign3A_15 = arith.subi %sign3A_11, %sign3A_14 : i32
    %ne3A = arith.cmpi ne, %sign3A_8, %sign3A_15 : i32
    %rem3A = arith.remsi %mul3A_2, %jit3A : i32
    %ne3A_16 = arith.constant 0 : i32
    %ne3A_17 = arith.cmpi ne, %rem3A, %ne3A_16 : i32
    %and3A = arith.andi %ne3A, %ne3A_17 : i1
    %sub3A = arith.constant 1 : i32
    %sub3A_18 = arith.subi %div3A, %sub3A : i32
    %select_n3A = arith.select %and3A, %sub3A_18, %div3A : i32
    "tpu.region"() ({
      %run_scoped3A = tpu.sem_alloc : memref<!tpu.dma_semaphore, #tpu.memory_space<semaphore_mem>>
      %dma_start3A_307 = arith.constant 0 : i32
      %dma_start3A_308 = tpu.memref_slice %arg2[%select_n3A, %dma_start3A_307] : memref<200x1024xi32, #tpu.memory_space<hbm>> -> memref<7x1024xi32, #tpu.memory_space<hbm>>
      %dma_start3A_309 = arith.constant 0 : i32
      %dma_start3A_310 = tpu.memref_slice %arg2[%select_n3A, %dma_start3A_309] : memref<200x1024xi32, #tpu.memory_space<hbm>> -> memref<7x1024xi32, #tpu.memory_space<hbm>>
      tpu.enqueue_dma source(%dma_start3A_310 : memref<7x1024xi32, #tpu.memory_space<hbm>>) target(%arg5 : memref<7x1024xi32, #tpu.memory_space<vmem>>) target_semaphore(%run_scoped3A : memref<!tpu.dma_semaphore, #tpu.memory_space<semaphore_mem>>)
      %dma_wait3A = arith.constant 0 : i32
      %dma_wait3A_311 = tpu.memref_slice %arg2[%select_n3A, %dma_wait3A] : memref<200x1024xi32, #tpu.memory_space<hbm>> -> memref<7x1024xi32, #tpu.memory_space<hbm>>
      %dma_wait3A_312 = arith.constant 0 : i32
      %dma_wait3A_313 = tpu.memref_slice %arg2[%select_n3A, %dma_wait3A_312] : memref<200x1024xi32, #tpu.memory_space<hbm>> -> memref<7x1024xi32, #tpu.memory_space<hbm>>
      tpu.wait_dma2 semaphore(%run_scoped3A : memref<!tpu.dma_semaphore, #tpu.memory_space<semaphore_mem>>) src(%dma_wait3A_313 : memref<7x1024xi32, #tpu.memory_space<hbm>>) dst(%arg5 : memref<7x1024xi32, #tpu.memory_space<vmem>>)
      tpu.yield
    }) : () -> ()
    %broadcast_in_dim3A = arith.constant 0.000000e+00 : f32
    %broadcast_in_dim3A_19 = vector.broadcast %broadcast_in_dim3A : f32 to vector<16xf32>
    %add3A_20 = arith.constant 0 : i32
    %add3A_21 = arith.addi %mul3A_2, %add3A_20 : i32
    %add3A_22 = arith.constant 0 : i32
    %add3A_23 = arith.addi %add3A_21, %add3A_22 : i32
    %jit3A_24 = arith.constant 8 : i32
    %div3A_25 = arith.divsi %add3A_23, %jit3A_24 : i32
    %sign3A_26 = arith.constant 0 : i32
    %sign3A_27 = arith.cmpi sgt, %add3A_23, %sign3A_26 : i32
    %sign3A_28 = arith.extui %sign3A_27 : i1 to i32
    %sign3A_29 = arith.constant 0 : i32
    %sign3A_30 = arith.cmpi slt, %add3A_23, %sign3A_29 : i32
    %sign3A_31 = arith.extui %sign3A_30 : i1 to i32
    %sign3A_32 = arith.subi %sign3A_28, %sign3A_31 : i32
    %sign3A_33 = arith.constant 0 : i32
    %sign3A_34 = arith.cmpi sgt, %jit3A_24, %sign3A_33 : i32
    %sign3A_35 = arith.extui %sign3A_34 : i1 to i32
    %sign3A_36 = arith.constant 0 : i32
    %sign3A_37 = arith.cmpi slt, %jit3A_24, %sign3A_36 : i32
    %sign3A_38 = arith.extui %sign3A_37 : i1 to i32
    %sign3A_39 = arith.subi %sign3A_35, %sign3A_38 : i32
    %ne3A_40 = arith.cmpi ne, %sign3A_32, %sign3A_39 : i32
    %rem3A_41 = arith.remsi %add3A_23, %jit3A_24 : i32
    %ne3A_42 = arith.constant 0 : i32
    %ne3A_43 = arith.cmpi ne, %rem3A_41, %ne3A_42 : i32
    %and3A_44 = arith.andi %ne3A_40, %ne3A_43 : i1
    %sub3A_45 = arith.constant 1 : i32
    %sub3A_46 = arith.subi %div3A_25, %sub3A_45 : i32
    %select_n3A_47 = arith.select %and3A_44, %sub3A_46, %div3A_25 : i32
    %sub3A_48 = arith.subi %select_n3A_47, %select_n3A : i32
    %jit3A_49 = arith.constant 8 : i32
    %eq3A = arith.constant 0 : i32
    %eq3A_50 = arith.cmpi eq, %jit3A_49, %eq3A : i32
    %jit3A_51 = arith.constant 1 : i32
    %select_n3A_52 = arith.select %eq3A_50, %jit3A_51, %jit3A_49 : i32
    %rem3A_53 = arith.remsi %add3A_23, %select_n3A_52 : i32
    %ne3A_54 = arith.constant 0 : i32
    %ne3A_55 = arith.cmpi ne, %rem3A_53, %ne3A_54 : i32
    %lt3A = arith.constant 0 : i32
    %lt3A_56 = arith.cmpi slt, %rem3A_53, %lt3A : i32
    %lt3A_57 = arith.constant 0 : i32
    %lt3A_58 = arith.cmpi slt, %select_n3A_52, %lt3A_57 : i32
    %ne3A_59 = arith.xori %lt3A_56, %lt3A_58 : i1
    %and3A_60 = arith.andi %ne3A_59, %ne3A_55 : i1
    %add3A_61 = arith.addi %rem3A_53, %select_n3A_52 : i32
    %select_n3A_62 = arith.select %and3A_60, %add3A_61, %rem3A_53 : i32
    %mul3A_63 = arith.constant 128 : i32
    %mul3A_64 = arith.muli %select_n3A_62, %mul3A_63 : i32
    %dma_start3A = arith.constant 0 : i32
    %dma_start3A_65 = arith.constant 0 : i32
    %dma_start3A_66 = arith.constant 0 : i32
    %dma_start3A_67 = tpu.memref_slice %arg6[%dma_start3A, %dma_start3A_65, %dma_start3A_66] : memref<2x640x64xf32, #tpu.memory_space<vmem>> -> memref<1x128x64xf32, #tpu.memory_space<vmem>>
    %dma_start3A_68 = tpu.memref_squeeze %dma_start3A_67 : memref<1x128x64xf32, #tpu.memory_space<vmem>> -> memref<128x64xf32, #tpu.memory_space<vmem>>
    %dma_start3A_69 = tpu.memref_slice %arg5[%sub3A_48, %mul3A_64] : memref<7x1024xi32, #tpu.memory_space<vmem>> -> memref<1x128xi32, #tpu.memory_space<vmem>>
    %dma_start3A_70 = tpu.memref_squeeze %dma_start3A_69 : memref<1x128xi32, #tpu.memory_space<vmem>> -> memref<128xi32, #tpu.memory_space<vmem>>
    %dma_start3A_71 = arith.constant 0 : i32
    %dma_start3A_72 = arith.constant 0 : i32
    %dma_start3A_73 = tpu.memref_slice %arg3[%dma_start3A_71, %dma_start3A_72] : memref<1000000x64xf32, #tpu.memory_space<hbm>> -> memref<1000000x64xf32, #tpu.memory_space<hbm>>
    tpu.enqueue_indirect_dma source(%dma_start3A_73 : memref<1000000x64xf32, #tpu.memory_space<hbm>>) target(%dma_start3A_68 : memref<128x64xf32, #tpu.memory_space<vmem>>) offsets(%dma_start3A_70 : memref<128xi32, #tpu.memory_space<vmem>>) semaphore(%arg7 : memref<!tpu.dma_semaphore, #tpu.memory_space<semaphore_mem>>)
    %add3A_74 = arith.constant 0 : i32
    %add3A_75 = arith.addi %mul3A_2, %add3A_74 : i32
    %add3A_76 = arith.constant 1 : i32
    %add3A_77 = arith.addi %add3A_75, %add3A_76 : i32
    %jit3A_78 = arith.constant 8 : i32
    %div3A_79 = arith.divsi %add3A_77, %jit3A_78 : i32
    %sign3A_80 = arith.constant 0 : i32
    %sign3A_81 = arith.cmpi sgt, %add3A_77, %sign3A_80 : i32
    %sign3A_82 = arith.extui %sign3A_81 : i1 to i32
    %sign3A_83 = arith.constant 0 : i32
    %sign3A_84 = arith.cmpi slt, %add3A_77, %sign3A_83 : i32
    %sign3A_85 = arith.extui %sign3A_84 : i1 to i32
    %sign3A_86 = arith.subi %sign3A_82, %sign3A_85 : i32
    %sign3A_87 = arith.constant 0 : i32
    %sign3A_88 = arith.cmpi sgt, %jit3A_78, %sign3A_87 : i32
    %sign3A_89 = arith.extui %sign3A_88 : i1 to i32
    %sign3A_90 = arith.constant 0 : i32
    %sign3A_91 = arith.cmpi slt, %jit3A_78, %sign3A_90 : i32
    %sign3A_92 = arith.extui %sign3A_91 : i1 to i32
    %sign3A_93 = arith.subi %sign3A_89, %sign3A_92 : i32
    %ne3A_94 = arith.cmpi ne, %sign3A_86, %sign3A_93 : i32
    %rem3A_95 = arith.remsi %add3A_77, %jit3A_78 : i32
    %ne3A_96 = arith.constant 0 : i32
    %ne3A_97 = arith.cmpi ne, %rem3A_95, %ne3A_96 : i32
    %and3A_98 = arith.andi %ne3A_94, %ne3A_97 : i1
    %sub3A_99 = arith.constant 1 : i32
    %sub3A_100 = arith.subi %div3A_79, %sub3A_99 : i32
    %select_n3A_101 = arith.select %and3A_98, %sub3A_100, %div3A_79 : i32
    %sub3A_102 = arith.subi %select_n3A_101, %select_n3A : i32
    %jit3A_103 = arith.constant 8 : i32
    %eq3A_104 = arith.constant 0 : i32
    %eq3A_105 = arith.cmpi eq, %jit3A_103, %eq3A_104 : i32
    %jit3A_106 = arith.constant 1 : i32
    %select_n3A_107 = arith.select %eq3A_105, %jit3A_106, %jit3A_103 : i32
    %rem3A_108 = arith.remsi %add3A_77, %select_n3A_107 : i32
    %ne3A_109 = arith.constant 0 : i32
    %ne3A_110 = arith.cmpi ne, %rem3A_108, %ne3A_109 : i32
    %lt3A_111 = arith.constant 0 : i32
    %lt3A_112 = arith.cmpi slt, %rem3A_108, %lt3A_111 : i32
    %lt3A_113 = arith.constant 0 : i32
    %lt3A_114 = arith.cmpi slt, %select_n3A_107, %lt3A_113 : i32
    %ne3A_115 = arith.xori %lt3A_112, %lt3A_114 : i1
    %and3A_116 = arith.andi %ne3A_115, %ne3A_110 : i1
    %add3A_117 = arith.addi %rem3A_108, %select_n3A_107 : i32
    %select_n3A_118 = arith.select %and3A_116, %add3A_117, %rem3A_108 : i32
    %mul3A_119 = arith.constant 128 : i32
    %mul3A_120 = arith.muli %select_n3A_118, %mul3A_119 : i32
    %dma_start3A_121 = arith.constant 0 : i32
    %dma_start3A_122 = arith.constant 128 : i32
    %dma_start3A_123 = arith.constant 0 : i32
    %dma_start3A_124 = tpu.memref_slice %arg6[%dma_start3A_121, %dma_start3A_122, %dma_start3A_123] : memref<2x640x64xf32, #tpu.memory_space<vmem>> -> memref<1x128x64xf32, #tpu.memory_space<vmem>>
    %dma_start3A_125 = tpu.memref_squeeze %dma_start3A_124 : memref<1x128x64xf32, #tpu.memory_space<vmem>> -> memref<128x64xf32, #tpu.memory_space<vmem>>
    %dma_start3A_126 = tpu.memref_slice %arg5[%sub3A_102, %mul3A_120] : memref<7x1024xi32, #tpu.memory_space<vmem>> -> memref<1x128xi32, #tpu.memory_space<vmem>>
    %dma_start3A_127 = tpu.memref_squeeze %dma_start3A_126 : memref<1x128xi32, #tpu.memory_space<vmem>> -> memref<128xi32, #tpu.memory_space<vmem>>
    %dma_start3A_128 = arith.constant 0 : i32
    %dma_start3A_129 = arith.constant 0 : i32
    %dma_start3A_130 = tpu.memref_slice %arg3[%dma_start3A_128, %dma_start3A_129] : memref<1000000x64xf32, #tpu.memory_space<hbm>> -> memref<1000000x64xf32, #tpu.memory_space<hbm>>
    tpu.enqueue_indirect_dma source(%dma_start3A_130 : memref<1000000x64xf32, #tpu.memory_space<hbm>>) target(%dma_start3A_125 : memref<128x64xf32, #tpu.memory_space<vmem>>) offsets(%dma_start3A_127 : memref<128xi32, #tpu.memory_space<vmem>>) semaphore(%arg7 : memref<!tpu.dma_semaphore, #tpu.memory_space<semaphore_mem>>)
    %add3A_131 = arith.constant 0 : i32
    %add3A_132 = arith.addi %mul3A_2, %add3A_131 : i32
    %add3A_133 = arith.constant 2 : i32
    %add3A_134 = arith.addi %add3A_132, %add3A_133 : i32
    %jit3A_135 = arith.constant 8 : i32
    %div3A_136 = arith.divsi %add3A_134, %jit3A_135 : i32
    %sign3A_137 = arith.constant 0 : i32
    %sign3A_138 = arith.cmpi sgt, %add3A_134, %sign3A_137 : i32
    %sign3A_139 = arith.extui %sign3A_138 : i1 to i32
    %sign3A_140 = arith.constant 0 : i32
    %sign3A_141 = arith.cmpi slt, %add3A_134, %sign3A_140 : i32
    %sign3A_142 = arith.extui %sign3A_141 : i1 to i32
    %sign3A_143 = arith.subi %sign3A_139, %sign3A_142 : i32
    %sign3A_144 = arith.constant 0 : i32
    %sign3A_145 = arith.cmpi sgt, %jit3A_135, %sign3A_144 : i32
    %sign3A_146 = arith.extui %sign3A_145 : i1 to i32
    %sign3A_147 = arith.constant 0 : i32
    %sign3A_148 = arith.cmpi slt, %jit3A_135, %sign3A_147 : i32
    %sign3A_149 = arith.extui %sign3A_148 : i1 to i32
    %sign3A_150 = arith.subi %sign3A_146, %sign3A_149 : i32
    %ne3A_151 = arith.cmpi ne, %sign3A_143, %sign3A_150 : i32
    %rem3A_152 = arith.remsi %add3A_134, %jit3A_135 : i32
    %ne3A_153 = arith.constant 0 : i32
    %ne3A_154 = arith.cmpi ne, %rem3A_152, %ne3A_153 : i32
    %and3A_155 = arith.andi %ne3A_151, %ne3A_154 : i1
    %sub3A_156 = arith.constant 1 : i32
    %sub3A_157 = arith.subi %div3A_136, %sub3A_156 : i32
    %select_n3A_158 = arith.select %and3A_155, %sub3A_157, %div3A_136 : i32
    %sub3A_159 = arith.subi %select_n3A_158, %select_n3A : i32
    %jit3A_160 = arith.constant 8 : i32
    %eq3A_161 = arith.constant 0 : i32
    %eq3A_162 = arith.cmpi eq, %jit3A_160, %eq3A_161 : i32
    %jit3A_163 = arith.constant 1 : i32
    %select_n3A_164 = arith.select %eq3A_162, %jit3A_163, %jit3A_160 : i32
    %rem3A_165 = arith.remsi %add3A_134, %select_n3A_164 : i32
    %ne3A_166 = arith.constant 0 : i32
    %ne3A_167 = arith.cmpi ne, %rem3A_165, %ne3A_166 : i32
    %lt3A_168 = arith.constant 0 : i32
    %lt3A_169 = arith.cmpi slt, %rem3A_165, %lt3A_168 : i32
    %lt3A_170 = arith.constant 0 : i32
    %lt3A_171 = arith.cmpi slt, %select_n3A_164, %lt3A_170 : i32
    %ne3A_172 = arith.xori %lt3A_169, %lt3A_171 : i1
    %and3A_173 = arith.andi %ne3A_172, %ne3A_167 : i1
    %add3A_174 = arith.addi %rem3A_165, %select_n3A_164 : i32
    %select_n3A_175 = arith.select %and3A_173, %add3A_174, %rem3A_165 : i32
    %mul3A_176 = arith.constant 128 : i32
    %mul3A_177 = arith.muli %select_n3A_175, %mul3A_176 : i32
    %dma_start3A_178 = arith.constant 0 : i32
    %dma_start3A_179 = arith.constant 256 : i32
    %dma_start3A_180 = arith.constant 0 : i32
    %dma_start3A_181 = tpu.memref_slice %arg6[%dma_start3A_178, %dma_start3A_179, %dma_start3A_180] : memref<2x640x64xf32, #tpu.memory_space<vmem>> -> memref<1x128x64xf32, #tpu.memory_space<vmem>>
    %dma_start3A_182 = tpu.memref_squeeze %dma_start3A_181 : memref<1x128x64xf32, #tpu.memory_space<vmem>> -> memref<128x64xf32, #tpu.memory_space<vmem>>
    %dma_start3A_183 = tpu.memref_slice %arg5[%sub3A_159, %mul3A_177] : memref<7x1024xi32, #tpu.memory_space<vmem>> -> memref<1x128xi32, #tpu.memory_space<vmem>>
    %dma_start3A_184 = tpu.memref_squeeze %dma_start3A_183 : memref<1x128xi32, #tpu.memory_space<vmem>> -> memref<128xi32, #tpu.memory_space<vmem>>
    %dma_start3A_185 = arith.constant 0 : i32
    %dma_start3A_186 = arith.constant 0 : i32
    %dma_start3A_187 = tpu.memref_slice %arg3[%dma_start3A_185, %dma_start3A_186] : memref<1000000x64xf32, #tpu.memory_space<hbm>> -> memref<1000000x64xf32, #tpu.memory_space<hbm>>
    tpu.enqueue_indirect_dma source(%dma_start3A_187 : memref<1000000x64xf32, #tpu.memory_space<hbm>>) target(%dma_start3A_182 : memref<128x64xf32, #tpu.memory_space<vmem>>) offsets(%dma_start3A_184 : memref<128xi32, #tpu.memory_space<vmem>>) semaphore(%arg7 : memref<!tpu.dma_semaphore, #tpu.memory_space<semaphore_mem>>)
    %add3A_188 = arith.constant 0 : i32
    %add3A_189 = arith.addi %mul3A_2, %add3A_188 : i32
    %add3A_190 = arith.constant 3 : i32
    %add3A_191 = arith.addi %add3A_189, %add3A_190 : i32
    %jit3A_192 = arith.constant 8 : i32
    %div3A_193 = arith.divsi %add3A_191, %jit3A_192 : i32
    %sign3A_194 = arith.constant 0 : i32
    %sign3A_195 = arith.cmpi sgt, %add3A_191, %sign3A_194 : i32
    %sign3A_196 = arith.extui %sign3A_195 : i1 to i32
    %sign3A_197 = arith.constant 0 : i32
    %sign3A_198 = arith.cmpi slt, %add3A_191, %sign3A_197 : i32
    %sign3A_199 = arith.extui %sign3A_198 : i1 to i32
    %sign3A_200 = arith.subi %sign3A_196, %sign3A_199 : i32
    %sign3A_201 = arith.constant 0 : i32
    %sign3A_202 = arith.cmpi sgt, %jit3A_192, %sign3A_201 : i32
    %sign3A_203 = arith.extui %sign3A_202 : i1 to i32
    %sign3A_204 = arith.constant 0 : i32
    %sign3A_205 = arith.cmpi slt, %jit3A_192, %sign3A_204 : i32
    %sign3A_206 = arith.extui %sign3A_205 : i1 to i32
    %sign3A_207 = arith.subi %sign3A_203, %sign3A_206 : i32
    %ne3A_208 = arith.cmpi ne, %sign3A_200, %sign3A_207 : i32
    %rem3A_209 = arith.remsi %add3A_191, %jit3A_192 : i32
    %ne3A_210 = arith.constant 0 : i32
    %ne3A_211 = arith.cmpi ne, %rem3A_209, %ne3A_210 : i32
    %and3A_212 = arith.andi %ne3A_208, %ne3A_211 : i1
    %sub3A_213 = arith.constant 1 : i32
    %sub3A_214 = arith.subi %div3A_193, %sub3A_213 : i32
    %select_n3A_215 = arith.select %and3A_212, %sub3A_214, %div3A_193 : i32
    %sub3A_216 = arith.subi %select_n3A_215, %select_n3A : i32
    %jit3A_217 = arith.constant 8 : i32
    %eq3A_218 = arith.constant 0 : i32
    %eq3A_219 = arith.cmpi eq, %jit3A_217, %eq3A_218 : i32
    %jit3A_220 = arith.constant 1 : i32
    %select_n3A_221 = arith.select %eq3A_219, %jit3A_220, %jit3A_217 : i32
    %rem3A_222 = arith.remsi %add3A_191, %select_n3A_221 : i32
    %ne3A_223 = arith.constant 0 : i32
    %ne3A_224 = arith.cmpi ne, %rem3A_222, %ne3A_223 : i32
    %lt3A_225 = arith.constant 0 : i32
    %lt3A_226 = arith.cmpi slt, %rem3A_222, %lt3A_225 : i32
    %lt3A_227 = arith.constant 0 : i32
    %lt3A_228 = arith.cmpi slt, %select_n3A_221, %lt3A_227 : i32
    %ne3A_229 = arith.xori %lt3A_226, %lt3A_228 : i1
    %and3A_230 = arith.andi %ne3A_229, %ne3A_224 : i1
    %add3A_231 = arith.addi %rem3A_222, %select_n3A_221 : i32
    %select_n3A_232 = arith.select %and3A_230, %add3A_231, %rem3A_222 : i32
    %mul3A_233 = arith.constant 128 : i32
    %mul3A_234 = arith.muli %select_n3A_232, %mul3A_233 : i32
    %dma_start3A_235 = arith.constant 0 : i32
    %dma_start3A_236 = arith.constant 384 : i32
    %dma_start3A_237 = arith.constant 0 : i32
    %dma_start3A_238 = tpu.memref_slice %arg6[%dma_start3A_235, %dma_start3A_236, %dma_start3A_237] : memref<2x640x64xf32, #tpu.memory_space<vmem>> -> memref<1x128x64xf32, #tpu.memory_space<vmem>>
    %dma_start3A_239 = tpu.memref_squeeze %dma_start3A_238 : memref<1x128x64xf32, #tpu.memory_space<vmem>> -> memref<128x64xf32, #tpu.memory_space<vmem>>
    %dma_start3A_240 = tpu.memref_slice %arg5[%sub3A_216, %mul3A_234] : memref<7x1024xi32, #tpu.memory_space<vmem>> -> memref<1x128xi32, #tpu.memory_space<vmem>>
    %dma_start3A_241 = tpu.memref_squeeze %dma_start3A_240 : memref<1x128xi32, #tpu.memory_space<vmem>> -> memref<128xi32, #tpu.memory_space<vmem>>
    %dma_start3A_242 = arith.constant 0 : i32
    %dma_start3A_243 = arith.constant 0 : i32
    %dma_start3A_244 = tpu.memref_slice %arg3[%dma_start3A_242, %dma_start3A_243] : memref<1000000x64xf32, #tpu.memory_space<hbm>> -> memref<1000000x64xf32, #tpu.memory_space<hbm>>
    tpu.enqueue_indirect_dma source(%dma_start3A_244 : memref<1000000x64xf32, #tpu.memory_space<hbm>>) target(%dma_start3A_239 : memref<128x64xf32, #tpu.memory_space<vmem>>) offsets(%dma_start3A_241 : memref<128xi32, #tpu.memory_space<vmem>>) semaphore(%arg7 : memref<!tpu.dma_semaphore, #tpu.memory_space<semaphore_mem>>)
    %add3A_245 = arith.constant 0 : i32
    %add3A_246 = arith.addi %mul3A_2, %add3A_245 : i32
    %add3A_247 = arith.constant 4 : i32
    %add3A_248 = arith.addi %add3A_246, %add3A_247 : i32
    %jit3A_249 = arith.constant 8 : i32
    %div3A_250 = arith.divsi %add3A_248, %jit3A_249 : i32
    %sign3A_251 = arith.constant 0 : i32
    %sign3A_252 = arith.cmpi sgt, %add3A_248, %sign3A_251 : i32
    %sign3A_253 = arith.extui %sign3A_252 : i1 to i32
    %sign3A_254 = arith.constant 0 : i32
    %sign3A_255 = arith.cmpi slt, %add3A_248, %sign3A_254 : i32
    %sign3A_256 = arith.extui %sign3A_255 : i1 to i32
    %sign3A_257 = arith.subi %sign3A_253, %sign3A_256 : i32
    %sign3A_258 = arith.constant 0 : i32
    %sign3A_259 = arith.cmpi sgt, %jit3A_249, %sign3A_258 : i32
    %sign3A_260 = arith.extui %sign3A_259 : i1 to i32
    %sign3A_261 = arith.constant 0 : i32
    %sign3A_262 = arith.cmpi slt, %jit3A_249, %sign3A_261 : i32
    %sign3A_263 = arith.extui %sign3A_262 : i1 to i32
    %sign3A_264 = arith.subi %sign3A_260, %sign3A_263 : i32
    %ne3A_265 = arith.cmpi ne, %sign3A_257, %sign3A_264 : i32
    %rem3A_266 = arith.remsi %add3A_248, %jit3A_249 : i32
    %ne3A_267 = arith.constant 0 : i32
    %ne3A_268 = arith.cmpi ne, %rem3A_266, %ne3A_267 : i32
    %and3A_269 = arith.andi %ne3A_265, %ne3A_268 : i1
    %sub3A_270 = arith.constant 1 : i32
    %sub3A_271 = arith.subi %div3A_250, %sub3A_270 : i32
    %select_n3A_272 = arith.select %and3A_269, %sub3A_271, %div3A_250 : i32
    %sub3A_273 = arith.subi %select_n3A_272, %select_n3A : i32
    %jit3A_274 = arith.constant 8 : i32
    %eq3A_275 = arith.constant 0 : i32
    %eq3A_276 = arith.cmpi eq, %jit3A_274, %eq3A_275 : i32
    %jit3A_277 = arith.constant 1 : i32
    %select_n3A_278 = arith.select %eq3A_276, %jit3A_277, %jit3A_274 : i32
    %rem3A_279 = arith.remsi %add3A_248, %select_n3A_278 : i32
    %ne3A_280 = arith.constant 0 : i32
    %ne3A_281 = arith.cmpi ne, %rem3A_279, %ne3A_280 : i32
    %lt3A_282 = arith.constant 0 : i32
    %lt3A_283 = arith.cmpi slt, %rem3A_279, %lt3A_282 : i32
    %lt3A_284 = arith.constant 0 : i32
    %lt3A_285 = arith.cmpi slt, %select_n3A_278, %lt3A_284 : i32
    %ne3A_286 = arith.xori %lt3A_283, %lt3A_285 : i1
    %and3A_287 = arith.andi %ne3A_286, %ne3A_281 : i1
    %add3A_288 = arith.addi %rem3A_279, %select_n3A_278 : i32
    %select_n3A_289 = arith.select %and3A_287, %add3A_288, %rem3A_279 : i32
    %mul3A_290 = arith.constant 128 : i32
    %mul3A_291 = arith.muli %select_n3A_289, %mul3A_290 : i32
    %dma_start3A_292 = arith.constant 0 : i32
    %dma_start3A_293 = arith.constant 512 : i32
    %dma_start3A_294 = arith.constant 0 : i32
    %dma_start3A_295 = tpu.memref_slice %arg6[%dma_start3A_292, %dma_start3A_293, %dma_start3A_294] : memref<2x640x64xf32, #tpu.memory_space<vmem>> -> memref<1x128x64xf32, #tpu.memory_space<vmem>>
    %dma_start3A_296 = tpu.memref_squeeze %dma_start3A_295 : memref<1x128x64xf32, #tpu.memory_space<vmem>> -> memref<128x64xf32, #tpu.memory_space<vmem>>
    %dma_start3A_297 = tpu.memref_slice %arg5[%sub3A_273, %mul3A_291] : memref<7x1024xi32, #tpu.memory_space<vmem>> -> memref<1x128xi32, #tpu.memory_space<vmem>>
    %dma_start3A_298 = tpu.memref_squeeze %dma_start3A_297 : memref<1x128xi32, #tpu.memory_space<vmem>> -> memref<128xi32, #tpu.memory_space<vmem>>
    %dma_start3A_299 = arith.constant 0 : i32
    %dma_start3A_300 = arith.constant 0 : i32
    %dma_start3A_301 = tpu.memref_slice %arg3[%dma_start3A_299, %dma_start3A_300] : memref<1000000x64xf32, #tpu.memory_space<hbm>> -> memref<1000000x64xf32, #tpu.memory_space<hbm>>
    tpu.enqueue_indirect_dma source(%dma_start3A_301 : memref<1000000x64xf32, #tpu.memory_space<hbm>>) target(%dma_start3A_296 : memref<128x64xf32, #tpu.memory_space<vmem>>) offsets(%dma_start3A_298 : memref<128xi32, #tpu.memory_space<vmem>>) semaphore(%arg7 : memref<!tpu.dma_semaphore, #tpu.memory_space<semaphore_mem>>)
    %scan3A = arith.constant 0 : i32
    %scan3A_302 = arith.constant 0 : i32
    %scan3A_303 = arith.constant 5 : i32
    %scan3A_304 = arith.addi %scan3A_302, %scan3A_303 : i32
    %scan3A_305 = arith.constant 1 : i32
    scf.for %scan3A_307 = %scan3A_302 to %scan3A_304 step %scan3A_305  : i32 {
      %mul3A_308 = arith.constant 2 : i32
      %mul3A_309 = arith.muli %mul3A_308, %scan3A_307 : i32
      %mul3A_310 = arith.constant 2 : i32
      %mul3A_311 = arith.muli %mul3A_310, %scan3A_307 : i32
      %add3A_312 = arith.constant 1 : i32
      %add3A_313 = arith.addi %mul3A_311, %add3A_312 : i32
      %mul3A_314 = arith.constant 5 : i32
      %mul3A_315 = arith.muli %mul3A_309, %mul3A_314 : i32
      %add3A_316 = arith.addi %mul3A_2, %mul3A_315 : i32
      %add3A_317 = arith.constant 0 : i32
      %add3A_318 = arith.addi %add3A_316, %add3A_317 : i32
      %jit3A_319 = arith.constant 8 : i32
      %div3A_320 = arith.divsi %add3A_318, %jit3A_319 : i32
      %sign3A_321 = arith.constant 0 : i32
      %sign3A_322 = arith.cmpi sgt, %add3A_318, %sign3A_321 : i32
      %sign3A_323 = arith.extui %sign3A_322 : i1 to i32
      %sign3A_324 = arith.constant 0 : i32
      %sign3A_325 = arith.cmpi slt, %add3A_318, %sign3A_324 : i32
      %sign3A_326 = arith.extui %sign3A_325 : i1 to i32
      %sign3A_327 = arith.subi %sign3A_323, %sign3A_326 : i32
      %sign3A_328 = arith.constant 0 : i32
      %sign3A_329 = arith.cmpi sgt, %jit3A_319, %sign3A_328 : i32
      %sign3A_330 = arith.extui %sign3A_329 : i1 to i32
      %sign3A_331 = arith.constant 0 : i32
      %sign3A_332 = arith.cmpi slt, %jit3A_319, %sign3A_331 : i32
      %sign3A_333 = arith.extui %sign3A_332 : i1 to i32
      %sign3A_334 = arith.subi %sign3A_330, %sign3A_333 : i32
      %ne3A_335 = arith.cmpi ne, %sign3A_327, %sign3A_334 : i32
      %rem3A_336 = arith.remsi %add3A_318, %jit3A_319 : i32
      %ne3A_337 = arith.constant 0 : i32
      %ne3A_338 = arith.cmpi ne, %rem3A_336, %ne3A_337 : i32
      %and3A_339 = arith.andi %ne3A_335, %ne3A_338 : i1
      %sub3A_340 = arith.constant 1 : i32
      %sub3A_341 = arith.subi %div3A_320, %sub3A_340 : i32
      %select_n3A_342 = arith.select %and3A_339, %sub3A_341, %div3A_320 : i32
      %sub3A_343 = arith.subi %select_n3A_342, %select_n3A : i32
      %jit3A_344 = arith.constant 8 : i32
      %eq3A_345 = arith.constant 0 : i32
      %eq3A_346 = arith.cmpi eq, %jit3A_344, %eq3A_345 : i32
      %jit3A_347 = arith.constant 1 : i32
      %select_n3A_348 = arith.select %eq3A_346, %jit3A_347, %jit3A_344 : i32
      %rem3A_349 = arith.remsi %add3A_318, %select_n3A_348 : i32
      %ne3A_350 = arith.constant 0 : i32
      %ne3A_351 = arith.cmpi ne, %rem3A_349, %ne3A_350 : i32
      %lt3A_352 = arith.constant 0 : i32
      %lt3A_353 = arith.cmpi slt, %rem3A_349, %lt3A_352 : i32
      %lt3A_354 = arith.constant 0 : i32
      %lt3A_355 = arith.cmpi slt, %select_n3A_348, %lt3A_354 : i32
      %ne3A_356 = arith.xori %lt3A_353, %lt3A_355 : i1
      %and3A_357 = arith.andi %ne3A_356, %ne3A_351 : i1
      %add3A_358 = arith.addi %rem3A_349, %select_n3A_348 : i32
      %select_n3A_359 = arith.select %and3A_357, %add3A_358, %rem3A_349 : i32
      %mul3A_360 = arith.constant 128 : i32
      %mul3A_361 = arith.muli %select_n3A_359, %mul3A_360 : i32
      %dma_wait3A = arith.constant 0 : i32
      %dma_wait3A_362 = arith.constant 0 : i32
      %dma_wait3A_363 = arith.constant 0 : i32
      %dma_wait3A_364 = tpu.memref_slice %arg6[%dma_wait3A, %dma_wait3A_362, %dma_wait3A_363] : memref<2x640x64xf32, #tpu.memory_space<vmem>> -> memref<1x128x64xf32, #tpu.memory_space<vmem>>
      %dma_wait3A_365 = tpu.memref_squeeze %dma_wait3A_364 : memref<1x128x64xf32, #tpu.memory_space<vmem>> -> memref<128x64xf32, #tpu.memory_space<vmem>>
      %dma_wait3A_366 = tpu.memref_slice %arg5[%sub3A_343, %mul3A_361] : memref<7x1024xi32, #tpu.memory_space<vmem>> -> memref<1x128xi32, #tpu.memory_space<vmem>>
      %dma_wait3A_367 = tpu.memref_squeeze %dma_wait3A_366 : memref<1x128xi32, #tpu.memory_space<vmem>> -> memref<128xi32, #tpu.memory_space<vmem>>
      %dma_wait3A_368 = arith.constant 0 : i32
      %dma_wait3A_369 = arith.constant 0 : i32
      %dma_wait3A_370 = tpu.memref_slice %arg3[%dma_wait3A_368, %dma_wait3A_369] : memref<1000000x64xf32, #tpu.memory_space<hbm>> -> memref<1000000x64xf32, #tpu.memory_space<hbm>>
      tpu.wait_indirect_dma semaphore(%arg7 : memref<!tpu.dma_semaphore, #tpu.memory_space<semaphore_mem>>) src(%dma_wait3A_370 : memref<1000000x64xf32, #tpu.memory_space<hbm>>) dst(%dma_wait3A_365 : memref<128x64xf32, #tpu.memory_space<vmem>>)
      %mul3A_371 = arith.constant 5 : i32
      %mul3A_372 = arith.muli %mul3A_309, %mul3A_371 : i32
      %add3A_373 = arith.addi %mul3A_2, %mul3A_372 : i32
      %add3A_374 = arith.constant 1 : i32
      %add3A_375 = arith.addi %add3A_373, %add3A_374 : i32
      %jit3A_376 = arith.constant 8 : i32
      %div3A_377 = arith.divsi %add3A_375, %jit3A_376 : i32
      %sign3A_378 = arith.constant 0 : i32
      %sign3A_379 = arith.cmpi sgt, %add3A_375, %sign3A_378 : i32
      %sign3A_380 = arith.extui %sign3A_379 : i1 to i32
      %sign3A_381 = arith.constant 0 : i32
      %sign3A_382 = arith.cmpi slt, %add3A_375, %sign3A_381 : i32
      %sign3A_383 = arith.extui %sign3A_382 : i1 to i32
      %sign3A_384 = arith.subi %sign3A_380, %sign3A_383 : i32
      %sign3A_385 = arith.constant 0 : i32
      %sign3A_386 = arith.cmpi sgt, %jit3A_376, %sign3A_385 : i32
      %sign3A_387 = arith.extui %sign3A_386 : i1 to i32
      %sign3A_388 = arith.constant 0 : i32
      %sign3A_389 = arith.cmpi slt, %jit3A_376, %sign3A_388 : i32
      %sign3A_390 = arith.extui %sign3A_389 : i1 to i32
      %sign3A_391 = arith.subi %sign3A_387, %sign3A_390 : i32
      %ne3A_392 = arith.cmpi ne, %sign3A_384, %sign3A_391 : i32
      %rem3A_393 = arith.remsi %add3A_375, %jit3A_376 : i32
      %ne3A_394 = arith.constant 0 : i32
      %ne3A_395 = arith.cmpi ne, %rem3A_393, %ne3A_394 : i32
      %and3A_396 = arith.andi %ne3A_392, %ne3A_395 : i1
      %sub3A_397 = arith.constant 1 : i32
      %sub3A_398 = arith.subi %div3A_377, %sub3A_397 : i32
      %select_n3A_399 = arith.select %and3A_396, %sub3A_398, %div3A_377 : i32
      %sub3A_400 = arith.subi %select_n3A_399, %select_n3A : i32
      %jit3A_401 = arith.constant 8 : i32
      %eq3A_402 = arith.constant 0 : i32
      %eq3A_403 = arith.cmpi eq, %jit3A_401, %eq3A_402 : i32
      %jit3A_404 = arith.constant 1 : i32
      %select_n3A_405 = arith.select %eq3A_403, %jit3A_404, %jit3A_401 : i32
      %rem3A_406 = arith.remsi %add3A_375, %select_n3A_405 : i32
      %ne3A_407 = arith.constant 0 : i32
      %ne3A_408 = arith.cmpi ne, %rem3A_406, %ne3A_407 : i32
      %lt3A_409 = arith.constant 0 : i32
      %lt3A_410 = arith.cmpi slt, %rem3A_406, %lt3A_409 : i32
      %lt3A_411 = arith.constant 0 : i32
      %lt3A_412 = arith.cmpi slt, %select_n3A_405, %lt3A_411 : i32
      %ne3A_413 = arith.xori %lt3A_410, %lt3A_412 : i1
      %and3A_414 = arith.andi %ne3A_413, %ne3A_408 : i1
      %add3A_415 = arith.addi %rem3A_406, %select_n3A_405 : i32
      %select_n3A_416 = arith.select %and3A_414, %add3A_415, %rem3A_406 : i32
      %mul3A_417 = arith.constant 128 : i32
      %mul3A_418 = arith.muli %select_n3A_416, %mul3A_417 : i32
      %dma_wait3A_419 = arith.constant 0 : i32
      %dma_wait3A_420 = arith.constant 128 : i32
      %dma_wait3A_421 = arith.constant 0 : i32
      %dma_wait3A_422 = tpu.memref_slice %arg6[%dma_wait3A_419, %dma_wait3A_420, %dma_wait3A_421] : memref<2x640x64xf32, #tpu.memory_space<vmem>> -> memref<1x128x64xf32, #tpu.memory_space<vmem>>
      %dma_wait3A_423 = tpu.memref_squeeze %dma_wait3A_422 : memref<1x128x64xf32, #tpu.memory_space<vmem>> -> memref<128x64xf32, #tpu.memory_space<vmem>>
      %dma_wait3A_424 = tpu.memref_slice %arg5[%sub3A_400, %mul3A_418] : memref<7x1024xi32, #tpu.memory_space<vmem>> -> memref<1x128xi32, #tpu.memory_space<vmem>>
      %dma_wait3A_425 = tpu.memref_squeeze %dma_wait3A_424 : memref<1x128xi32, #tpu.memory_space<vmem>> -> memref<128xi32, #tpu.memory_space<vmem>>
      %dma_wait3A_426 = arith.constant 0 : i32
      %dma_wait3A_427 = arith.constant 0 : i32
      %dma_wait3A_428 = tpu.memref_slice %arg3[%dma_wait3A_426, %dma_wait3A_427] : memref<1000000x64xf32, #tpu.memory_space<hbm>> -> memref<1000000x64xf32, #tpu.memory_space<hbm>>
      tpu.wait_indirect_dma semaphore(%arg7 : memref<!tpu.dma_semaphore, #tpu.memory_space<semaphore_mem>>) src(%dma_wait3A_428 : memref<1000000x64xf32, #tpu.memory_space<hbm>>) dst(%dma_wait3A_423 : memref<128x64xf32, #tpu.memory_space<vmem>>)
      %mul3A_429 = arith.constant 5 : i32
      %mul3A_430 = arith.muli %mul3A_309, %mul3A_429 : i32
      %add3A_431 = arith.addi %mul3A_2, %mul3A_430 : i32
      %add3A_432 = arith.constant 2 : i32
      %add3A_433 = arith.addi %add3A_431, %add3A_432 : i32
      %jit3A_434 = arith.constant 8 : i32
      %div3A_435 = arith.divsi %add3A_433, %jit3A_434 : i32
      %sign3A_436 = arith.constant 0 : i32
      %sign3A_437 = arith.cmpi sgt, %add3A_433, %sign3A_436 : i32
      %sign3A_438 = arith.extui %sign3A_437 : i1 to i32
      %sign3A_439 = arith.constant 0 : i32
      %sign3A_440 = arith.cmpi slt, %add3A_433, %sign3A_439 : i32
      %sign3A_441 = arith.extui %sign3A_440 : i1 to i32
      %sign3A_442 = arith.subi %sign3A_438, %sign3A_441 : i32
      %sign3A_443 = arith.constant 0 : i32
      %sign3A_444 = arith.cmpi sgt, %jit3A_434, %sign3A_443 : i32
      %sign3A_445 = arith.extui %sign3A_444 : i1 to i32
      %sign3A_446 = arith.constant 0 : i32
      %sign3A_447 = arith.cmpi slt, %jit3A_434, %sign3A_446 : i32
      %sign3A_448 = arith.extui %sign3A_447 : i1 to i32
      %sign3A_449 = arith.subi %sign3A_445, %sign3A_448 : i32
      %ne3A_450 = arith.cmpi ne, %sign3A_442, %sign3A_449 : i32
      %rem3A_451 = arith.remsi %add3A_433, %jit3A_434 : i32
      %ne3A_452 = arith.constant 0 : i32
      %ne3A_453 = arith.cmpi ne, %rem3A_451, %ne3A_452 : i32
      %and3A_454 = arith.andi %ne3A_450, %ne3A_453 : i1
      %sub3A_455 = arith.constant 1 : i32
      %sub3A_456 = arith.subi %div3A_435, %sub3A_455 : i32
      %select_n3A_457 = arith.select %and3A_454, %sub3A_456, %div3A_435 : i32
      %sub3A_458 = arith.subi %select_n3A_457, %select_n3A : i32
      %jit3A_459 = arith.constant 8 : i32
      %eq3A_460 = arith.constant 0 : i32
      %eq3A_461 = arith.cmpi eq, %jit3A_459, %eq3A_460 : i32
      %jit3A_462 = arith.constant 1 : i32
      %select_n3A_463 = arith.select %eq3A_461, %jit3A_462, %jit3A_459 : i32
      %rem3A_464 = arith.remsi %add3A_433, %select_n3A_463 : i32
      %ne3A_465 = arith.constant 0 : i32
      %ne3A_466 = arith.cmpi ne, %rem3A_464, %ne3A_465 : i32
      %lt3A_467 = arith.constant 0 : i32
      %lt3A_468 = arith.cmpi slt, %rem3A_464, %lt3A_467 : i32
      %lt3A_469 = arith.constant 0 : i32
      %lt3A_470 = arith.cmpi slt, %select_n3A_463, %lt3A_469 : i32
      %ne3A_471 = arith.xori %lt3A_468, %lt3A_470 : i1
      %and3A_472 = arith.andi %ne3A_471, %ne3A_466 : i1
      %add3A_473 = arith.addi %rem3A_464, %select_n3A_463 : i32
      %select_n3A_474 = arith.select %and3A_472, %add3A_473, %rem3A_464 : i32
      %mul3A_475 = arith.constant 128 : i32
      %mul3A_476 = arith.muli %select_n3A_474, %mul3A_475 : i32
      %dma_wait3A_477 = arith.constant 0 : i32
      %dma_wait3A_478 = arith.constant 256 : i32
      %dma_wait3A_479 = arith.constant 0 : i32
      %dma_wait3A_480 = tpu.memref_slice %arg6[%dma_wait3A_477, %dma_wait3A_478, %dma_wait3A_479] : memref<2x640x64xf32, #tpu.memory_space<vmem>> -> memref<1x128x64xf32, #tpu.memory_space<vmem>>
      %dma_wait3A_481 = tpu.memref_squeeze %dma_wait3A_480 : memref<1x128x64xf32, #tpu.memory_space<vmem>> -> memref<128x64xf32, #tpu.memory_space<vmem>>
      %dma_wait3A_482 = tpu.memref_slice %arg5[%sub3A_458, %mul3A_476] : memref<7x1024xi32, #tpu.memory_space<vmem>> -> memref<1x128xi32, #tpu.memory_space<vmem>>
      %dma_wait3A_483 = tpu.memref_squeeze %dma_wait3A_482 : memref<1x128xi32, #tpu.memory_space<vmem>> -> memref<128xi32, #tpu.memory_space<vmem>>
      %dma_wait3A_484 = arith.constant 0 : i32
      %dma_wait3A_485 = arith.constant 0 : i32
      %dma_wait3A_486 = tpu.memref_slice %arg3[%dma_wait3A_484, %dma_wait3A_485] : memref<1000000x64xf32, #tpu.memory_space<hbm>> -> memref<1000000x64xf32, #tpu.memory_space<hbm>>
      tpu.wait_indirect_dma semaphore(%arg7 : memref<!tpu.dma_semaphore, #tpu.memory_space<semaphore_mem>>) src(%dma_wait3A_486 : memref<1000000x64xf32, #tpu.memory_space<hbm>>) dst(%dma_wait3A_481 : memref<128x64xf32, #tpu.memory_space<vmem>>)
      %mul3A_487 = arith.constant 5 : i32
      %mul3A_488 = arith.muli %mul3A_309, %mul3A_487 : i32
      %add3A_489 = arith.addi %mul3A_2, %mul3A_488 : i32
      %add3A_490 = arith.constant 3 : i32
      %add3A_491 = arith.addi %add3A_489, %add3A_490 : i32
      %jit3A_492 = arith.constant 8 : i32
      %div3A_493 = arith.divsi %add3A_491, %jit3A_492 : i32
      %sign3A_494 = arith.constant 0 : i32
      %sign3A_495 = arith.cmpi sgt, %add3A_491, %sign3A_494 : i32
      %sign3A_496 = arith.extui %sign3A_495 : i1 to i32
      %sign3A_497 = arith.constant 0 : i32
      %sign3A_498 = arith.cmpi slt, %add3A_491, %sign3A_497 : i32
      %sign3A_499 = arith.extui %sign3A_498 : i1 to i32
      %sign3A_500 = arith.subi %sign3A_496, %sign3A_499 : i32
      %sign3A_501 = arith.constant 0 : i32
      %sign3A_502 = arith.cmpi sgt, %jit3A_492, %sign3A_501 : i32
      %sign3A_503 = arith.extui %sign3A_502 : i1 to i32
      %sign3A_504 = arith.constant 0 : i32
      %sign3A_505 = arith.cmpi slt, %jit3A_492, %sign3A_504 : i32
      %sign3A_506 = arith.extui %sign3A_505 : i1 to i32
      %sign3A_507 = arith.subi %sign3A_503, %sign3A_506 : i32
      %ne3A_508 = arith.cmpi ne, %sign3A_500, %sign3A_507 : i32
      %rem3A_509 = arith.remsi %add3A_491, %jit3A_492 : i32
      %ne3A_510 = arith.constant 0 : i32
      %ne3A_511 = arith.cmpi ne, %rem3A_509, %ne3A_510 : i32
      %and3A_512 = arith.andi %ne3A_508, %ne3A_511 : i1
      %sub3A_513 = arith.constant 1 : i32
      %sub3A_514 = arith.subi %div3A_493, %sub3A_513 : i32
      %select_n3A_515 = arith.select %and3A_512, %sub3A_514, %div3A_493 : i32
      %sub3A_516 = arith.subi %select_n3A_515, %select_n3A : i32
      %jit3A_517 = arith.constant 8 : i32
      %eq3A_518 = arith.constant 0 : i32
      %eq3A_519 = arith.cmpi eq, %jit3A_517, %eq3A_518 : i32
      %jit3A_520 = arith.constant 1 : i32
      %select_n3A_521 = arith.select %eq3A_519, %jit3A_520, %jit3A_517 : i32
      %rem3A_522 = arith.remsi %add3A_491, %select_n3A_521 : i32
      %ne3A_523 = arith.constant 0 : i32
      %ne3A_524 = arith.cmpi ne, %rem3A_522, %ne3A_523 : i32
      %lt3A_525 = arith.constant 0 : i32
      %lt3A_526 = arith.cmpi slt, %rem3A_522, %lt3A_525 : i32
      %lt3A_527 = arith.constant 0 : i32
      %lt3A_528 = arith.cmpi slt, %select_n3A_521, %lt3A_527 : i32
      %ne3A_529 = arith.xori %lt3A_526, %lt3A_528 : i1
      %and3A_530 = arith.andi %ne3A_529, %ne3A_524 : i1
      %add3A_531 = arith.addi %rem3A_522, %select_n3A_521 : i32
      %select_n3A_532 = arith.select %and3A_530, %add3A_531, %rem3A_522 : i32
      %mul3A_533 = arith.constant 128 : i32
      %mul3A_534 = arith.muli %select_n3A_532, %mul3A_533 : i32
      %dma_wait3A_535 = arith.constant 0 : i32
      %dma_wait3A_536 = arith.constant 384 : i32
      %dma_wait3A_537 = arith.constant 0 : i32
      %dma_wait3A_538 = tpu.memref_slice %arg6[%dma_wait3A_535, %dma_wait3A_536, %dma_wait3A_537] : memref<2x640x64xf32, #tpu.memory_space<vmem>> -> memref<1x128x64xf32, #tpu.memory_space<vmem>>
      %dma_wait3A_539 = tpu.memref_squeeze %dma_wait3A_538 : memref<1x128x64xf32, #tpu.memory_space<vmem>> -> memref<128x64xf32, #tpu.memory_space<vmem>>
      %dma_wait3A_540 = tpu.memref_slice %arg5[%sub3A_516, %mul3A_534] : memref<7x1024xi32, #tpu.memory_space<vmem>> -> memref<1x128xi32, #tpu.memory_space<vmem>>
      %dma_wait3A_541 = tpu.memref_squeeze %dma_wait3A_540 : memref<1x128xi32, #tpu.memory_space<vmem>> -> memref<128xi32, #tpu.memory_space<vmem>>
      %dma_wait3A_542 = arith.constant 0 : i32
      %dma_wait3A_543 = arith.constant 0 : i32
      %dma_wait3A_544 = tpu.memref_slice %arg3[%dma_wait3A_542, %dma_wait3A_543] : memref<1000000x64xf32, #tpu.memory_space<hbm>> -> memref<1000000x64xf32, #tpu.memory_space<hbm>>
      tpu.wait_indirect_dma semaphore(%arg7 : memref<!tpu.dma_semaphore, #tpu.memory_space<semaphore_mem>>) src(%dma_wait3A_544 : memref<1000000x64xf32, #tpu.memory_space<hbm>>) dst(%dma_wait3A_539 : memref<128x64xf32, #tpu.memory_space<vmem>>)
      %mul3A_545 = arith.constant 5 : i32
      %mul3A_546 = arith.muli %mul3A_309, %mul3A_545 : i32
      %add3A_547 = arith.addi %mul3A_2, %mul3A_546 : i32
      %add3A_548 = arith.constant 4 : i32
      %add3A_549 = arith.addi %add3A_547, %add3A_548 : i32
      %jit3A_550 = arith.constant 8 : i32
      %div3A_551 = arith.divsi %add3A_549, %jit3A_550 : i32
      %sign3A_552 = arith.constant 0 : i32
      %sign3A_553 = arith.cmpi sgt, %add3A_549, %sign3A_552 : i32
      %sign3A_554 = arith.extui %sign3A_553 : i1 to i32
      %sign3A_555 = arith.constant 0 : i32
      %sign3A_556 = arith.cmpi slt, %add3A_549, %sign3A_555 : i32
      %sign3A_557 = arith.extui %sign3A_556 : i1 to i32
      %sign3A_558 = arith.subi %sign3A_554, %sign3A_557 : i32
      %sign3A_559 = arith.constant 0 : i32
      %sign3A_560 = arith.cmpi sgt, %jit3A_550, %sign3A_559 : i32
      %sign3A_561 = arith.extui %sign3A_560 : i1 to i32
      %sign3A_562 = arith.constant 0 : i32
      %sign3A_563 = arith.cmpi slt, %jit3A_550, %sign3A_562 : i32
      %sign3A_564 = arith.extui %sign3A_563 : i1 to i32
      %sign3A_565 = arith.subi %sign3A_561, %sign3A_564 : i32
      %ne3A_566 = arith.cmpi ne, %sign3A_558, %sign3A_565 : i32
      %rem3A_567 = arith.remsi %add3A_549, %jit3A_550 : i32
      %ne3A_568 = arith.constant 0 : i32
      %ne3A_569 = arith.cmpi ne, %rem3A_567, %ne3A_568 : i32
      %and3A_570 = arith.andi %ne3A_566, %ne3A_569 : i1
      %sub3A_571 = arith.constant 1 : i32
      %sub3A_572 = arith.subi %div3A_551, %sub3A_571 : i32
      %select_n3A_573 = arith.select %and3A_570, %sub3A_572, %div3A_551 : i32
      %sub3A_574 = arith.subi %select_n3A_573, %select_n3A : i32
      %jit3A_575 = arith.constant 8 : i32
      %eq3A_576 = arith.constant 0 : i32
      %eq3A_577 = arith.cmpi eq, %jit3A_575, %eq3A_576 : i32
      %jit3A_578 = arith.constant 1 : i32
      %select_n3A_579 = arith.select %eq3A_577, %jit3A_578, %jit3A_575 : i32
      %rem3A_580 = arith.remsi %add3A_549, %select_n3A_579 : i32
      %ne3A_581 = arith.constant 0 : i32
      %ne3A_582 = arith.cmpi ne, %rem3A_580, %ne3A_581 : i32
      %lt3A_583 = arith.constant 0 : i32
      %lt3A_584 = arith.cmpi slt, %rem3A_580, %lt3A_583 : i32
      %lt3A_585 = arith.constant 0 : i32
      %lt3A_586 = arith.cmpi slt, %select_n3A_579, %lt3A_585 : i32
      %ne3A_587 = arith.xori %lt3A_584, %lt3A_586 : i1
      %and3A_588 = arith.andi %ne3A_587, %ne3A_582 : i1
      %add3A_589 = arith.addi %rem3A_580, %select_n3A_579 : i32
      %select_n3A_590 = arith.select %and3A_588, %add3A_589, %rem3A_580 : i32
      %mul3A_591 = arith.constant 128 : i32
      %mul3A_592 = arith.muli %select_n3A_590, %mul3A_591 : i32
      %dma_wait3A_593 = arith.constant 0 : i32
      %dma_wait3A_594 = arith.constant 512 : i32
      %dma_wait3A_595 = arith.constant 0 : i32
      %dma_wait3A_596 = tpu.memref_slice %arg6[%dma_wait3A_593, %dma_wait3A_594, %dma_wait3A_595] : memref<2x640x64xf32, #tpu.memory_space<vmem>> -> memref<1x128x64xf32, #tpu.memory_space<vmem>>
      %dma_wait3A_597 = tpu.memref_squeeze %dma_wait3A_596 : memref<1x128x64xf32, #tpu.memory_space<vmem>> -> memref<128x64xf32, #tpu.memory_space<vmem>>
      %dma_wait3A_598 = tpu.memref_slice %arg5[%sub3A_574, %mul3A_592] : memref<7x1024xi32, #tpu.memory_space<vmem>> -> memref<1x128xi32, #tpu.memory_space<vmem>>
      %dma_wait3A_599 = tpu.memref_squeeze %dma_wait3A_598 : memref<1x128xi32, #tpu.memory_space<vmem>> -> memref<128xi32, #tpu.memory_space<vmem>>
      %dma_wait3A_600 = arith.constant 0 : i32
      %dma_wait3A_601 = arith.constant 0 : i32
      %dma_wait3A_602 = tpu.memref_slice %arg3[%dma_wait3A_600, %dma_wait3A_601] : memref<1000000x64xf32, #tpu.memory_space<hbm>> -> memref<1000000x64xf32, #tpu.memory_space<hbm>>
      tpu.wait_indirect_dma semaphore(%arg7 : memref<!tpu.dma_semaphore, #tpu.memory_space<semaphore_mem>>) src(%dma_wait3A_602 : memref<1000000x64xf32, #tpu.memory_space<hbm>>) dst(%dma_wait3A_597 : memref<128x64xf32, #tpu.memory_space<vmem>>)
      %mul3A_603 = arith.constant 5 : i32
      %mul3A_604 = arith.muli %add3A_313, %mul3A_603 : i32
      %add3A_605 = arith.addi %mul3A_2, %mul3A_604 : i32
      %add3A_606 = arith.constant 0 : i32
      %add3A_607 = arith.addi %add3A_605, %add3A_606 : i32
      %jit3A_608 = arith.constant 8 : i32
      %div3A_609 = arith.divsi %add3A_607, %jit3A_608 : i32
      %sign3A_610 = arith.constant 0 : i32
      %sign3A_611 = arith.cmpi sgt, %add3A_607, %sign3A_610 : i32
      %sign3A_612 = arith.extui %sign3A_611 : i1 to i32
      %sign3A_613 = arith.constant 0 : i32
      %sign3A_614 = arith.cmpi slt, %add3A_607, %sign3A_613 : i32
      %sign3A_615 = arith.extui %sign3A_614 : i1 to i32
      %sign3A_616 = arith.subi %sign3A_612, %sign3A_615 : i32
      %sign3A_617 = arith.constant 0 : i32
      %sign3A_618 = arith.cmpi sgt, %jit3A_608, %sign3A_617 : i32
      %sign3A_619 = arith.extui %sign3A_618 : i1 to i32
      %sign3A_620 = arith.constant 0 : i32
      %sign3A_621 = arith.cmpi slt, %jit3A_608, %sign3A_620 : i32
      %sign3A_622 = arith.extui %sign3A_621 : i1 to i32
      %sign3A_623 = arith.subi %sign3A_619, %sign3A_622 : i32
      %ne3A_624 = arith.cmpi ne, %sign3A_616, %sign3A_623 : i32
      %rem3A_625 = arith.remsi %add3A_607, %jit3A_608 : i32
      %ne3A_626 = arith.constant 0 : i32
      %ne3A_627 = arith.cmpi ne, %rem3A_625, %ne3A_626 : i32
      %and3A_628 = arith.andi %ne3A_624, %ne3A_627 : i1
      %sub3A_629 = arith.constant 1 : i32
      %sub3A_630 = arith.subi %div3A_609, %sub3A_629 : i32
      %select_n3A_631 = arith.select %and3A_628, %sub3A_630, %div3A_609 : i32
      %sub3A_632 = arith.subi %select_n3A_631, %select_n3A : i32
      %jit3A_633 = arith.constant 8 : i32
      %eq3A_634 = arith.constant 0 : i32
      %eq3A_635 = arith.cmpi eq, %jit3A_633, %eq3A_634 : i32
      %jit3A_636 = arith.constant 1 : i32
      %select_n3A_637 = arith.select %eq3A_635, %jit3A_636, %jit3A_633 : i32
      %rem3A_638 = arith.remsi %add3A_607, %select_n3A_637 : i32
      %ne3A_639 = arith.constant 0 : i32
      %ne3A_640 = arith.cmpi ne, %rem3A_638, %ne3A_639 : i32
      %lt3A_641 = arith.constant 0 : i32
      %lt3A_642 = arith.cmpi slt, %rem3A_638, %lt3A_641 : i32
      %lt3A_643 = arith.constant 0 : i32
      %lt3A_644 = arith.cmpi slt, %select_n3A_637, %lt3A_643 : i32
      %ne3A_645 = arith.xori %lt3A_642, %lt3A_644 : i1
      %and3A_646 = arith.andi %ne3A_645, %ne3A_640 : i1
      %add3A_647 = arith.addi %rem3A_638, %select_n3A_637 : i32
      %select_n3A_648 = arith.select %and3A_646, %add3A_647, %rem3A_638 : i32
      %mul3A_649 = arith.constant 128 : i32
      %mul3A_650 = arith.muli %select_n3A_648, %mul3A_649 : i32
      %dma_start3A_651 = arith.constant 1 : i32
      %dma_start3A_652 = arith.constant 0 : i32
      %dma_start3A_653 = arith.constant 0 : i32
      %dma_start3A_654 = tpu.memref_slice %arg6[%dma_start3A_651, %dma_start3A_652, %dma_start3A_653] : memref<2x640x64xf32, #tpu.memory_space<vmem>> -> memref<1x128x64xf32, #tpu.memory_space<vmem>>
      %dma_start3A_655 = tpu.memref_squeeze %dma_start3A_654 : memref<1x128x64xf32, #tpu.memory_space<vmem>> -> memref<128x64xf32, #tpu.memory_space<vmem>>
      %dma_start3A_656 = tpu.memref_slice %arg5[%sub3A_632, %mul3A_650] : memref<7x1024xi32, #tpu.memory_space<vmem>> -> memref<1x128xi32, #tpu.memory_space<vmem>>
      %dma_start3A_657 = tpu.memref_squeeze %dma_start3A_656 : memref<1x128xi32, #tpu.memory_space<vmem>> -> memref<128xi32, #tpu.memory_space<vmem>>
      %dma_start3A_658 = arith.constant 0 : i32
      %dma_start3A_659 = arith.constant 0 : i32
      %dma_start3A_660 = tpu.memref_slice %arg3[%dma_start3A_658, %dma_start3A_659] : memref<1000000x64xf32, #tpu.memory_space<hbm>> -> memref<1000000x64xf32, #tpu.memory_space<hbm>>
      tpu.enqueue_indirect_dma source(%dma_start3A_660 : memref<1000000x64xf32, #tpu.memory_space<hbm>>) target(%dma_start3A_655 : memref<128x64xf32, #tpu.memory_space<vmem>>) offsets(%dma_start3A_657 : memref<128xi32, #tpu.memory_space<vmem>>) semaphore(%arg7 : memref<!tpu.dma_semaphore, #tpu.memory_space<semaphore_mem>>)
      %mul3A_661 = arith.constant 5 : i32
      %mul3A_662 = arith.muli %add3A_313, %mul3A_661 : i32
      %add3A_663 = arith.addi %mul3A_2, %mul3A_662 : i32
      %add3A_664 = arith.constant 1 : i32
      %add3A_665 = arith.addi %add3A_663, %add3A_664 : i32
      %jit3A_666 = arith.constant 8 : i32
      %div3A_667 = arith.divsi %add3A_665, %jit3A_666 : i32
      %sign3A_668 = arith.constant 0 : i32
      %sign3A_669 = arith.cmpi sgt, %add3A_665, %sign3A_668 : i32
      %sign3A_670 = arith.extui %sign3A_669 : i1 to i32
      %sign3A_671 = arith.constant 0 : i32
      %sign3A_672 = arith.cmpi slt, %add3A_665, %sign3A_671 : i32
      %sign3A_673 = arith.extui %sign3A_672 : i1 to i32
      %sign3A_674 = arith.subi %sign3A_670, %sign3A_673 : i32
      %sign3A_675 = arith.constant 0 : i32
      %sign3A_676 = arith.cmpi sgt, %jit3A_666, %sign3A_675 : i32
      %sign3A_677 = arith.extui %sign3A_676 : i1 to i32
      %sign3A_678 = arith.constant 0 : i32
      %sign3A_679 = arith.cmpi slt, %jit3A_666, %sign3A_678 : i32
      %sign3A_680 = arith.extui %sign3A_679 : i1 to i32
      %sign3A_681 = arith.subi %sign3A_677, %sign3A_680 : i32
      %ne3A_682 = arith.cmpi ne, %sign3A_674, %sign3A_681 : i32
      %rem3A_683 = arith.remsi %add3A_665, %jit3A_666 : i32
      %ne3A_684 = arith.constant 0 : i32
      %ne3A_685 = arith.cmpi ne, %rem3A_683, %ne3A_684 : i32
      %and3A_686 = arith.andi %ne3A_682, %ne3A_685 : i1
      %sub3A_687 = arith.constant 1 : i32
      %sub3A_688 = arith.subi %div3A_667, %sub3A_687 : i32
      %select_n3A_689 = arith.select %and3A_686, %sub3A_688, %div3A_667 : i32
      %sub3A_690 = arith.subi %select_n3A_689, %select_n3A : i32
      %jit3A_691 = arith.constant 8 : i32
      %eq3A_692 = arith.constant 0 : i32
      %eq3A_693 = arith.cmpi eq, %jit3A_691, %eq3A_692 : i32
      %jit3A_694 = arith.constant 1 : i32
      %select_n3A_695 = arith.select %eq3A_693, %jit3A_694, %jit3A_691 : i32
      %rem3A_696 = arith.remsi %add3A_665, %select_n3A_695 : i32
      %ne3A_697 = arith.constant 0 : i32
      %ne3A_698 = arith.cmpi ne, %rem3A_696, %ne3A_697 : i32
      %lt3A_699 = arith.constant 0 : i32
      %lt3A_700 = arith.cmpi slt, %rem3A_696, %lt3A_699 : i32
      %lt3A_701 = arith.constant 0 : i32
      %lt3A_702 = arith.cmpi slt, %select_n3A_695, %lt3A_701 : i32
      %ne3A_703 = arith.xori %lt3A_700, %lt3A_702 : i1
      %and3A_704 = arith.andi %ne3A_703, %ne3A_698 : i1
      %add3A_705 = arith.addi %rem3A_696, %select_n3A_695 : i32
      %select_n3A_706 = arith.select %and3A_704, %add3A_705, %rem3A_696 : i32
      %mul3A_707 = arith.constant 128 : i32
      %mul3A_708 = arith.muli %select_n3A_706, %mul3A_707 : i32
      %dma_start3A_709 = arith.constant 1 : i32
      %dma_start3A_710 = arith.constant 128 : i32
      %dma_start3A_711 = arith.constant 0 : i32
      %dma_start3A_712 = tpu.memref_slice %arg6[%dma_start3A_709, %dma_start3A_710, %dma_start3A_711] : memref<2x640x64xf32, #tpu.memory_space<vmem>> -> memref<1x128x64xf32, #tpu.memory_space<vmem>>
      %dma_start3A_713 = tpu.memref_squeeze %dma_start3A_712 : memref<1x128x64xf32, #tpu.memory_space<vmem>> -> memref<128x64xf32, #tpu.memory_space<vmem>>
      %dma_start3A_714 = tpu.memref_slice %arg5[%sub3A_690, %mul3A_708] : memref<7x1024xi32, #tpu.memory_space<vmem>> -> memref<1x128xi32, #tpu.memory_space<vmem>>
      %dma_start3A_715 = tpu.memref_squeeze %dma_start3A_714 : memref<1x128xi32, #tpu.memory_space<vmem>> -> memref<128xi32, #tpu.memory_space<vmem>>
      %dma_start3A_716 = arith.constant 0 : i32
      %dma_start3A_717 = arith.constant 0 : i32
      %dma_start3A_718 = tpu.memref_slice %arg3[%dma_start3A_716, %dma_start3A_717] : memref<1000000x64xf32, #tpu.memory_space<hbm>> -> memref<1000000x64xf32, #tpu.memory_space<hbm>>
      tpu.enqueue_indirect_dma source(%dma_start3A_718 : memref<1000000x64xf32, #tpu.memory_space<hbm>>) target(%dma_start3A_713 : memref<128x64xf32, #tpu.memory_space<vmem>>) offsets(%dma_start3A_715 : memref<128xi32, #tpu.memory_space<vmem>>) semaphore(%arg7 : memref<!tpu.dma_semaphore, #tpu.memory_space<semaphore_mem>>)
      %mul3A_719 = arith.constant 5 : i32
      %mul3A_720 = arith.muli %add3A_313, %mul3A_719 : i32
      %add3A_721 = arith.addi %mul3A_2, %mul3A_720 : i32
      %add3A_722 = arith.constant 2 : i32
      %add3A_723 = arith.addi %add3A_721, %add3A_722 : i32
      %jit3A_724 = arith.constant 8 : i32
      %div3A_725 = arith.divsi %add3A_723, %jit3A_724 : i32
      %sign3A_726 = arith.constant 0 : i32
      %sign3A_727 = arith.cmpi sgt, %add3A_723, %sign3A_726 : i32
      %sign3A_728 = arith.extui %sign3A_727 : i1 to i32
      %sign3A_729 = arith.constant 0 : i32
      %sign3A_730 = arith.cmpi slt, %add3A_723, %sign3A_729 : i32
      %sign3A_731 = arith.extui %sign3A_730 : i1 to i32
      %sign3A_732 = arith.subi %sign3A_728, %sign3A_731 : i32
      %sign3A_733 = arith.constant 0 : i32
      %sign3A_734 = arith.cmpi sgt, %jit3A_724, %sign3A_733 : i32
      %sign3A_735 = arith.extui %sign3A_734 : i1 to i32
      %sign3A_736 = arith.constant 0 : i32
      %sign3A_737 = arith.cmpi slt, %jit3A_724, %sign3A_736 : i32
      %sign3A_738 = arith.extui %sign3A_737 : i1 to i32
      %sign3A_739 = arith.subi %sign3A_735, %sign3A_738 : i32
      %ne3A_740 = arith.cmpi ne, %sign3A_732, %sign3A_739 : i32
      %rem3A_741 = arith.remsi %add3A_723, %jit3A_724 : i32
      %ne3A_742 = arith.constant 0 : i32
      %ne3A_743 = arith.cmpi ne, %rem3A_741, %ne3A_742 : i32
      %and3A_744 = arith.andi %ne3A_740, %ne3A_743 : i1
      %sub3A_745 = arith.constant 1 : i32
      %sub3A_746 = arith.subi %div3A_725, %sub3A_745 : i32
      %select_n3A_747 = arith.select %and3A_744, %sub3A_746, %div3A_725 : i32
      %sub3A_748 = arith.subi %select_n3A_747, %select_n3A : i32
      %jit3A_749 = arith.constant 8 : i32
      %eq3A_750 = arith.constant 0 : i32
      %eq3A_751 = arith.cmpi eq, %jit3A_749, %eq3A_750 : i32
      %jit3A_752 = arith.constant 1 : i32
      %select_n3A_753 = arith.select %eq3A_751, %jit3A_752, %jit3A_749 : i32
      %rem3A_754 = arith.remsi %add3A_723, %select_n3A_753 : i32
      %ne3A_755 = arith.constant 0 : i32
      %ne3A_756 = arith.cmpi ne, %rem3A_754, %ne3A_755 : i32
      %lt3A_757 = arith.constant 0 : i32
      %lt3A_758 = arith.cmpi slt, %rem3A_754, %lt3A_757 : i32
      %lt3A_759 = arith.constant 0 : i32
      %lt3A_760 = arith.cmpi slt, %select_n3A_753, %lt3A_759 : i32
      %ne3A_761 = arith.xori %lt3A_758, %lt3A_760 : i1
      %and3A_762 = arith.andi %ne3A_761, %ne3A_756 : i1
      %add3A_763 = arith.addi %rem3A_754, %select_n3A_753 : i32
      %select_n3A_764 = arith.select %and3A_762, %add3A_763, %rem3A_754 : i32
      %mul3A_765 = arith.constant 128 : i32
      %mul3A_766 = arith.muli %select_n3A_764, %mul3A_765 : i32
      %dma_start3A_767 = arith.constant 1 : i32
      %dma_start3A_768 = arith.constant 256 : i32
      %dma_start3A_769 = arith.constant 0 : i32
      %dma_start3A_770 = tpu.memref_slice %arg6[%dma_start3A_767, %dma_start3A_768, %dma_start3A_769] : memref<2x640x64xf32, #tpu.memory_space<vmem>> -> memref<1x128x64xf32, #tpu.memory_space<vmem>>
      %dma_start3A_771 = tpu.memref_squeeze %dma_start3A_770 : memref<1x128x64xf32, #tpu.memory_space<vmem>> -> memref<128x64xf32, #tpu.memory_space<vmem>>
      %dma_start3A_772 = tpu.memref_slice %arg5[%sub3A_748, %mul3A_766] : memref<7x1024xi32, #tpu.memory_space<vmem>> -> memref<1x128xi32, #tpu.memory_space<vmem>>
      %dma_start3A_773 = tpu.memref_squeeze %dma_start3A_772 : memref<1x128xi32, #tpu.memory_space<vmem>> -> memref<128xi32, #tpu.memory_space<vmem>>
      %dma_start3A_774 = arith.constant 0 : i32
      %dma_start3A_775 = arith.constant 0 : i32
      %dma_start3A_776 = tpu.memref_slice %arg3[%dma_start3A_774, %dma_start3A_775] : memref<1000000x64xf32, #tpu.memory_space<hbm>> -> memref<1000000x64xf32, #tpu.memory_space<hbm>>
      tpu.enqueue_indirect_dma source(%dma_start3A_776 : memref<1000000x64xf32, #tpu.memory_space<hbm>>) target(%dma_start3A_771 : memref<128x64xf32, #tpu.memory_space<vmem>>) offsets(%dma_start3A_773 : memref<128xi32, #tpu.memory_space<vmem>>) semaphore(%arg7 : memref<!tpu.dma_semaphore, #tpu.memory_space<semaphore_mem>>)
      %mul3A_777 = arith.constant 5 : i32
      %mul3A_778 = arith.muli %add3A_313, %mul3A_777 : i32
      %add3A_779 = arith.addi %mul3A_2, %mul3A_778 : i32
      %add3A_780 = arith.constant 3 : i32
      %add3A_781 = arith.addi %add3A_779, %add3A_780 : i32
      %jit3A_782 = arith.constant 8 : i32
      %div3A_783 = arith.divsi %add3A_781, %jit3A_782 : i32
      %sign3A_784 = arith.constant 0 : i32
      %sign3A_785 = arith.cmpi sgt, %add3A_781, %sign3A_784 : i32
      %sign3A_786 = arith.extui %sign3A_785 : i1 to i32
      %sign3A_787 = arith.constant 0 : i32
      %sign3A_788 = arith.cmpi slt, %add3A_781, %sign3A_787 : i32
      %sign3A_789 = arith.extui %sign3A_788 : i1 to i32
      %sign3A_790 = arith.subi %sign3A_786, %sign3A_789 : i32
      %sign3A_791 = arith.constant 0 : i32
      %sign3A_792 = arith.cmpi sgt, %jit3A_782, %sign3A_791 : i32
      %sign3A_793 = arith.extui %sign3A_792 : i1 to i32
      %sign3A_794 = arith.constant 0 : i32
      %sign3A_795 = arith.cmpi slt, %jit3A_782, %sign3A_794 : i32
      %sign3A_796 = arith.extui %sign3A_795 : i1 to i32
      %sign3A_797 = arith.subi %sign3A_793, %sign3A_796 : i32
      %ne3A_798 = arith.cmpi ne, %sign3A_790, %sign3A_797 : i32
      %rem3A_799 = arith.remsi %add3A_781, %jit3A_782 : i32
      %ne3A_800 = arith.constant 0 : i32
      %ne3A_801 = arith.cmpi ne, %rem3A_799, %ne3A_800 : i32
      %and3A_802 = arith.andi %ne3A_798, %ne3A_801 : i1
      %sub3A_803 = arith.constant 1 : i32
      %sub3A_804 = arith.subi %div3A_783, %sub3A_803 : i32
      %select_n3A_805 = arith.select %and3A_802, %sub3A_804, %div3A_783 : i32
      %sub3A_806 = arith.subi %select_n3A_805, %select_n3A : i32
      %jit3A_807 = arith.constant 8 : i32
      %eq3A_808 = arith.constant 0 : i32
      %eq3A_809 = arith.cmpi eq, %jit3A_807, %eq3A_808 : i32
      %jit3A_810 = arith.constant 1 : i32
      %select_n3A_811 = arith.select %eq3A_809, %jit3A_810, %jit3A_807 : i32
      %rem3A_812 = arith.remsi %add3A_781, %select_n3A_811 : i32
      %ne3A_813 = arith.constant 0 : i32
      %ne3A_814 = arith.cmpi ne, %rem3A_812, %ne3A_813 : i32
      %lt3A_815 = arith.constant 0 : i32
      %lt3A_816 = arith.cmpi slt, %rem3A_812, %lt3A_815 : i32
      %lt3A_817 = arith.constant 0 : i32
      %lt3A_818 = arith.cmpi slt, %select_n3A_811, %lt3A_817 : i32
      %ne3A_819 = arith.xori %lt3A_816, %lt3A_818 : i1
      %and3A_820 = arith.andi %ne3A_819, %ne3A_814 : i1
      %add3A_821 = arith.addi %rem3A_812, %select_n3A_811 : i32
      %select_n3A_822 = arith.select %and3A_820, %add3A_821, %rem3A_812 : i32
      %mul3A_823 = arith.constant 128 : i32
      %mul3A_824 = arith.muli %select_n3A_822, %mul3A_823 : i32
      %dma_start3A_825 = arith.constant 1 : i32
      %dma_start3A_826 = arith.constant 384 : i32
      %dma_start3A_827 = arith.constant 0 : i32
      %dma_start3A_828 = tpu.memref_slice %arg6[%dma_start3A_825, %dma_start3A_826, %dma_start3A_827] : memref<2x640x64xf32, #tpu.memory_space<vmem>> -> memref<1x128x64xf32, #tpu.memory_space<vmem>>
      %dma_start3A_829 = tpu.memref_squeeze %dma_start3A_828 : memref<1x128x64xf32, #tpu.memory_space<vmem>> -> memref<128x64xf32, #tpu.memory_space<vmem>>
      %dma_start3A_830 = tpu.memref_slice %arg5[%sub3A_806, %mul3A_824] : memref<7x1024xi32, #tpu.memory_space<vmem>> -> memref<1x128xi32, #tpu.memory_space<vmem>>
      %dma_start3A_831 = tpu.memref_squeeze %dma_start3A_830 : memref<1x128xi32, #tpu.memory_space<vmem>> -> memref<128xi32, #tpu.memory_space<vmem>>
      %dma_start3A_832 = arith.constant 0 : i32
      %dma_start3A_833 = arith.constant 0 : i32
      %dma_start3A_834 = tpu.memref_slice %arg3[%dma_start3A_832, %dma_start3A_833] : memref<1000000x64xf32, #tpu.memory_space<hbm>> -> memref<1000000x64xf32, #tpu.memory_space<hbm>>
      tpu.enqueue_indirect_dma source(%dma_start3A_834 : memref<1000000x64xf32, #tpu.memory_space<hbm>>) target(%dma_start3A_829 : memref<128x64xf32, #tpu.memory_space<vmem>>) offsets(%dma_start3A_831 : memref<128xi32, #tpu.memory_space<vmem>>) semaphore(%arg7 : memref<!tpu.dma_semaphore, #tpu.memory_space<semaphore_mem>>)
      %mul3A_835 = arith.constant 5 : i32
      %mul3A_836 = arith.muli %add3A_313, %mul3A_835 : i32
      %add3A_837 = arith.addi %mul3A_2, %mul3A_836 : i32
      %add3A_838 = arith.constant 4 : i32
      %add3A_839 = arith.addi %add3A_837, %add3A_838 : i32
      %jit3A_840 = arith.constant 8 : i32
      %div3A_841 = arith.divsi %add3A_839, %jit3A_840 : i32
      %sign3A_842 = arith.constant 0 : i32
      %sign3A_843 = arith.cmpi sgt, %add3A_839, %sign3A_842 : i32
      %sign3A_844 = arith.extui %sign3A_843 : i1 to i32
      %sign3A_845 = arith.constant 0 : i32
      %sign3A_846 = arith.cmpi slt, %add3A_839, %sign3A_845 : i32
      %sign3A_847 = arith.extui %sign3A_846 : i1 to i32
      %sign3A_848 = arith.subi %sign3A_844, %sign3A_847 : i32
      %sign3A_849 = arith.constant 0 : i32
      %sign3A_850 = arith.cmpi sgt, %jit3A_840, %sign3A_849 : i32
      %sign3A_851 = arith.extui %sign3A_850 : i1 to i32
      %sign3A_852 = arith.constant 0 : i32
      %sign3A_853 = arith.cmpi slt, %jit3A_840, %sign3A_852 : i32
      %sign3A_854 = arith.extui %sign3A_853 : i1 to i32
      %sign3A_855 = arith.subi %sign3A_851, %sign3A_854 : i32
      %ne3A_856 = arith.cmpi ne, %sign3A_848, %sign3A_855 : i32
      %rem3A_857 = arith.remsi %add3A_839, %jit3A_840 : i32
      %ne3A_858 = arith.constant 0 : i32
      %ne3A_859 = arith.cmpi ne, %rem3A_857, %ne3A_858 : i32
      %and3A_860 = arith.andi %ne3A_856, %ne3A_859 : i1
      %sub3A_861 = arith.constant 1 : i32
      %sub3A_862 = arith.subi %div3A_841, %sub3A_861 : i32
      %select_n3A_863 = arith.select %and3A_860, %sub3A_862, %div3A_841 : i32
      %sub3A_864 = arith.subi %select_n3A_863, %select_n3A : i32
      %jit3A_865 = arith.constant 8 : i32
      %eq3A_866 = arith.constant 0 : i32
      %eq3A_867 = arith.cmpi eq, %jit3A_865, %eq3A_866 : i32
      %jit3A_868 = arith.constant 1 : i32
      %select_n3A_869 = arith.select %eq3A_867, %jit3A_868, %jit3A_865 : i32
      %rem3A_870 = arith.remsi %add3A_839, %select_n3A_869 : i32
      %ne3A_871 = arith.constant 0 : i32
      %ne3A_872 = arith.cmpi ne, %rem3A_870, %ne3A_871 : i32
      %lt3A_873 = arith.constant 0 : i32
      %lt3A_874 = arith.cmpi slt, %rem3A_870, %lt3A_873 : i32
      %lt3A_875 = arith.constant 0 : i32
      %lt3A_876 = arith.cmpi slt, %select_n3A_869, %lt3A_875 : i32
      %ne3A_877 = arith.xori %lt3A_874, %lt3A_876 : i1
      %and3A_878 = arith.andi %ne3A_877, %ne3A_872 : i1
      %add3A_879 = arith.addi %rem3A_870, %select_n3A_869 : i32
      %select_n3A_880 = arith.select %and3A_878, %add3A_879, %rem3A_870 : i32
      %mul3A_881 = arith.constant 128 : i32
      %mul3A_882 = arith.muli %select_n3A_880, %mul3A_881 : i32
      %dma_start3A_883 = arith.constant 1 : i32
      %dma_start3A_884 = arith.constant 512 : i32
      %dma_start3A_885 = arith.constant 0 : i32
      %dma_start3A_886 = tpu.memref_slice %arg6[%dma_start3A_883, %dma_start3A_884, %dma_start3A_885] : memref<2x640x64xf32, #tpu.memory_space<vmem>> -> memref<1x128x64xf32, #tpu.memory_space<vmem>>
      %dma_start3A_887 = tpu.memref_squeeze %dma_start3A_886 : memref<1x128x64xf32, #tpu.memory_space<vmem>> -> memref<128x64xf32, #tpu.memory_space<vmem>>
      %dma_start3A_888 = tpu.memref_slice %arg5[%sub3A_864, %mul3A_882] : memref<7x1024xi32, #tpu.memory_space<vmem>> -> memref<1x128xi32, #tpu.memory_space<vmem>>
      %dma_start3A_889 = tpu.memref_squeeze %dma_start3A_888 : memref<1x128xi32, #tpu.memory_space<vmem>> -> memref<128xi32, #tpu.memory_space<vmem>>
      %dma_start3A_890 = arith.constant 0 : i32
      %dma_start3A_891 = arith.constant 0 : i32
      %dma_start3A_892 = tpu.memref_slice %arg3[%dma_start3A_890, %dma_start3A_891] : memref<1000000x64xf32, #tpu.memory_space<hbm>> -> memref<1000000x64xf32, #tpu.memory_space<hbm>>
      tpu.enqueue_indirect_dma source(%dma_start3A_892 : memref<1000000x64xf32, #tpu.memory_space<hbm>>) target(%dma_start3A_887 : memref<128x64xf32, #tpu.memory_space<vmem>>) offsets(%dma_start3A_889 : memref<128xi32, #tpu.memory_space<vmem>>) semaphore(%arg7 : memref<!tpu.dma_semaphore, #tpu.memory_space<semaphore_mem>>)
      %scan3A_893 = arith.constant 0 : i32
      %scan3A_894 = arith.constant 0 : i32
      %scan3A_895 = arith.constant 40 : i32
      %scan3A_896 = arith.addi %scan3A_894, %scan3A_895 : i32
      %scan3A_897 = arith.constant 1 : i32
      scf.for %scan3A_1699 = %scan3A_894 to %scan3A_896 step %scan3A_897  : i32 {
        %mul3A_1700 = arith.constant 5 : i32
        %mul3A_1701 = arith.muli %mul3A_309, %mul3A_1700 : i32
        %add3A_1702 = arith.addi %mul3A_2, %mul3A_1701 : i32
        %jit3A_1703 = arith.constant 8 : i32
        %div3A_1704 = arith.divsi %scan3A_1699, %jit3A_1703 : i32
        %sign3A_1705 = arith.constant 0 : i32
        %sign3A_1706 = arith.cmpi sgt, %scan3A_1699, %sign3A_1705 : i32
        %sign3A_1707 = arith.extui %sign3A_1706 : i1 to i32
        %sign3A_1708 = arith.constant 0 : i32
        %sign3A_1709 = arith.cmpi slt, %scan3A_1699, %sign3A_1708 : i32
        %sign3A_1710 = arith.extui %sign3A_1709 : i1 to i32
        %sign3A_1711 = arith.subi %sign3A_1707, %sign3A_1710 : i32
        %sign3A_1712 = arith.constant 0 : i32
        %sign3A_1713 = arith.cmpi sgt, %jit3A_1703, %sign3A_1712 : i32
        %sign3A_1714 = arith.extui %sign3A_1713 : i1 to i32
        %sign3A_1715 = arith.constant 0 : i32
        %sign3A_1716 = arith.cmpi slt, %jit3A_1703, %sign3A_1715 : i32
        %sign3A_1717 = arith.extui %sign3A_1716 : i1 to i32
        %sign3A_1718 = arith.subi %sign3A_1714, %sign3A_1717 : i32
        %ne3A_1719 = arith.cmpi ne, %sign3A_1711, %sign3A_1718 : i32
        %rem3A_1720 = arith.remsi %scan3A_1699, %jit3A_1703 : i32
        %ne3A_1721 = arith.constant 0 : i32
        %ne3A_1722 = arith.cmpi ne, %rem3A_1720, %ne3A_1721 : i32
        %and3A_1723 = arith.andi %ne3A_1719, %ne3A_1722 : i1
        %sub3A_1724 = arith.constant 1 : i32
        %sub3A_1725 = arith.subi %div3A_1704, %sub3A_1724 : i32
        %select_n3A_1726 = arith.select %and3A_1723, %sub3A_1725, %div3A_1704 : i32
        %add3A_1727 = arith.addi %add3A_1702, %select_n3A_1726 : i32
        %jit3A_1728 = arith.constant 8 : i32
        %div3A_1729 = arith.divsi %add3A_1727, %jit3A_1728 : i32
        %sign3A_1730 = arith.constant 0 : i32
        %sign3A_1731 = arith.cmpi sgt, %add3A_1727, %sign3A_1730 : i32
        %sign3A_1732 = arith.extui %sign3A_1731 : i1 to i32
        %sign3A_1733 = arith.constant 0 : i32
        %sign3A_1734 = arith.cmpi slt, %add3A_1727, %sign3A_1733 : i32
        %sign3A_1735 = arith.extui %sign3A_1734 : i1 to i32
        %sign3A_1736 = arith.subi %sign3A_1732, %sign3A_1735 : i32
        %sign3A_1737 = arith.constant 0 : i32
        %sign3A_1738 = arith.cmpi sgt, %jit3A_1728, %sign3A_1737 : i32
        %sign3A_1739 = arith.extui %sign3A_1738 : i1 to i32
        %sign3A_1740 = arith.constant 0 : i32
        %sign3A_1741 = arith.cmpi slt, %jit3A_1728, %sign3A_1740 : i32
        %sign3A_1742 = arith.extui %sign3A_1741 : i1 to i32
        %sign3A_1743 = arith.subi %sign3A_1739, %sign3A_1742 : i32
        %ne3A_1744 = arith.cmpi ne, %sign3A_1736, %sign3A_1743 : i32
        %rem3A_1745 = arith.remsi %add3A_1727, %jit3A_1728 : i32
        %ne3A_1746 = arith.constant 0 : i32
        %ne3A_1747 = arith.cmpi ne, %rem3A_1745, %ne3A_1746 : i32
        %and3A_1748 = arith.andi %ne3A_1744, %ne3A_1747 : i1
        %sub3A_1749 = arith.constant 1 : i32
        %sub3A_1750 = arith.subi %div3A_1729, %sub3A_1749 : i32
        %select_n3A_1751 = arith.select %and3A_1748, %sub3A_1750, %div3A_1729 : i32
        %sub3A_1752 = arith.subi %select_n3A_1751, %select_n3A : i32
        %jit3A_1753 = arith.constant 8 : i32
        %eq3A_1754 = arith.constant 0 : i32
        %eq3A_1755 = arith.cmpi eq, %jit3A_1753, %eq3A_1754 : i32
        %jit3A_1756 = arith.constant 1 : i32
        %select_n3A_1757 = arith.select %eq3A_1755, %jit3A_1756, %jit3A_1753 : i32
        %rem3A_1758 = arith.remsi %add3A_1727, %select_n3A_1757 : i32
        %ne3A_1759 = arith.constant 0 : i32
        %ne3A_1760 = arith.cmpi ne, %rem3A_1758, %ne3A_1759 : i32
        %lt3A_1761 = arith.constant 0 : i32
        %lt3A_1762 = arith.cmpi slt, %rem3A_1758, %lt3A_1761 : i32
        %lt3A_1763 = arith.constant 0 : i32
        %lt3A_1764 = arith.cmpi slt, %select_n3A_1757, %lt3A_1763 : i32
        %ne3A_1765 = arith.xori %lt3A_1762, %lt3A_1764 : i1
        %and3A_1766 = arith.andi %ne3A_1765, %ne3A_1760 : i1
        %add3A_1767 = arith.addi %rem3A_1758, %select_n3A_1757 : i32
        %select_n3A_1768 = arith.select %and3A_1766, %add3A_1767, %rem3A_1758 : i32
        %mul3A_1769 = arith.constant 128 : i32
        %mul3A_1770 = arith.muli %select_n3A_1768, %mul3A_1769 : i32
        %jit3A_1771 = arith.constant 8 : i32
        %eq3A_1772 = arith.constant 0 : i32
        %eq3A_1773 = arith.cmpi eq, %jit3A_1771, %eq3A_1772 : i32
        %jit3A_1774 = arith.constant 1 : i32
        %select_n3A_1775 = arith.select %eq3A_1773, %jit3A_1774, %jit3A_1771 : i32
        %rem3A_1776 = arith.remsi %scan3A_1699, %select_n3A_1775 : i32
        %ne3A_1777 = arith.constant 0 : i32
        %ne3A_1778 = arith.cmpi ne, %rem3A_1776, %ne3A_1777 : i32
        %lt3A_1779 = arith.constant 0 : i32
        %lt3A_1780 = arith.cmpi slt, %rem3A_1776, %lt3A_1779 : i32
        %lt3A_1781 = arith.constant 0 : i32
        %lt3A_1782 = arith.cmpi slt, %select_n3A_1775, %lt3A_1781 : i32
        %ne3A_1783 = arith.xori %lt3A_1780, %lt3A_1782 : i1
        %and3A_1784 = arith.andi %ne3A_1783, %ne3A_1778 : i1
        %add3A_1785 = arith.addi %rem3A_1776, %select_n3A_1775 : i32
        %select_n3A_1786 = arith.select %and3A_1784, %add3A_1785, %rem3A_1776 : i32
        %mul3A_1787 = arith.constant 16 : i32
        %mul3A_1788 = arith.muli %select_n3A_1786, %mul3A_1787 : i32
        %add3A_1789 = arith.addi %mul3A_1770, %mul3A_1788 : i32
        %get3A = arith.index_cast %sub3A_1752 : i32 to index
        %get3A_1790 = arith.index_cast %add3A_1789 : i32 to index
        %get3A_1791 = tpu.vector_load %arg5[%get3A, %get3A_1790] {strides = array<i32>} : memref<7x1024xi32, #tpu.memory_space<vmem>>, vector<16xi32>,
        %eq3A_1792 = arith.constant 0 : i32
        %eq3A_1793 = vector.broadcast %eq3A_1792 : i32 to vector<16xi32>
        %eq3A_1794 = arith.cmpi eq, %get3A_1791, %eq3A_1793 : vector<16xi32>
        %all_reduce_population_count3A = tpu.all_reduce %eq3A_1794 {dim = 0 : i64, kind = #tpu.reduction_kind<sum>} : vector<16xi1> -> vector<16xi32>
        %slice3A = vector.extract_strided_slice %all_reduce_population_count3A {offsets = [0], sizes = [1], strides = [1]} : vector<16xi32> to vector<1xi32>
        %squeeze3A = vector.extract %slice3A[0] : i32 from vector<1xi32>
        %gt3A = arith.constant 0 : i32
        %gt3A_1795 = arith.cmpi sgt, %squeeze3A, %gt3A : i32
        %convert_element_type3A_1796 = arith.extui %gt3A_1795 : i1 to i32
        %cond3A_1797 = arith.constant 0 : i32
        %cond3A_1798 = arith.cmpi ne, %convert_element_type3A_1796, %cond3A_1797 : i32
        scf.if %cond3A_1798 {
          %mul3A_1799 = arith.constant 16 : i32
          %mul3A_1800 = arith.muli %scan3A_1699, %mul3A_1799 : i32
          %iota3A = tpu.iota {dimensions = array<i32: 0>} : vector<16xi32>
          %add3A_1801 = vector.broadcast %mul3A_1800 : i32 to vector<16xi32>
          %add3A_1802 = arith.addi %add3A_1801, %iota3A : vector<16xi32>
          %broadcast_in_dim3A_1803 = arith.constant 0 : i32
          %broadcast_in_dim3A_1804 = vector.broadcast %broadcast_in_dim3A_1803 : i32 to vector<16xi32>
          %scatter3A = arith.constant 0 : i32
          %scatter3A_1805 = arith.constant 0 : i32
          %scatter3A_1806 = arith.constant 0 : i32
          %scatter3A_1807 = tpu.memref_slice %arg6[%scatter3A, %scatter3A_1805, %scatter3A_1806] : memref<2x640x64xf32, #tpu.memory_space<vmem>> -> memref<1x640x64xf32, #tpu.memory_space<vmem>>
          %scatter3A_1808 = tpu.memref_squeeze %scatter3A_1807 : memref<1x640x64xf32, #tpu.memory_space<vmem>> -> memref<640x64xf32, #tpu.memory_space<vmem>>
          tpu.vector_store_idx %scatter3A_1808[%add3A_1802, %broadcast_in_dim3A_1804], %broadcast_in_dim3A_19 masked %eq3A_1794 : memref<640x64xf32, #tpu.memory_space<vmem>>[vector<16xi32>, vector<16xi32>], vector<16xf32>, vector<16xi1>
          %broadcast_in_dim3A_1809 = arith.constant 1 : i32
          %broadcast_in_dim3A_1810 = vector.broadcast %broadcast_in_dim3A_1809 : i32 to vector<16xi32>
          %scatter3A_1811 = arith.constant 0 : i32
          %scatter3A_1812 = arith.constant 0 : i32
          %scatter3A_1813 = arith.constant 0 : i32
          %scatter3A_1814 = tpu.memref_slice %arg6[%scatter3A_1811, %scatter3A_1812, %scatter3A_1813] : memref<2x640x64xf32, #tpu.memory_space<vmem>> -> memref<1x640x64xf32, #tpu.memory_space<vmem>>
          %scatter3A_1815 = tpu.memref_squeeze %scatter3A_1814 : memref<1x640x64xf32, #tpu.memory_space<vmem>> -> memref<640x64xf32, #tpu.memory_space<vmem>>
          tpu.vector_store_idx %scatter3A_1815[%add3A_1802, %broadcast_in_dim3A_1810], %broadcast_in_dim3A_19 masked %eq3A_1794 : memref<640x64xf32, #tpu.memory_space<vmem>>[vector<16xi32>, vector<16xi32>], vector<16xf32>, vector<16xi1>
          %broadcast_in_dim3A_1816 = arith.constant 2 : i32
          %broadcast_in_dim3A_1817 = vector.broadcast %broadcast_in_dim3A_1816 : i32 to vector<16xi32>
          %scatter3A_1818 = arith.constant 0 : i32
          %scatter3A_1819 = arith.constant 0 : i32
          %scatter3A_1820 = arith.constant 0 : i32
          %scatter3A_1821 = tpu.memref_slice %arg6[%scatter3A_1818, %scatter3A_1819, %scatter3A_1820] : memref<2x640x64xf32, #tpu.memory_space<vmem>> -> memref<1x640x64xf32, #tpu.memory_space<vmem>>
          %scatter3A_1822 = tpu.memref_squeeze %scatter3A_1821 : memref<1x640x64xf32, #tpu.memory_space<vmem>> -> memref<640x64xf32, #tpu.memory_space<vmem>>
          tpu.vector_store_idx %scatter3A_1822[%add3A_1802, %broadcast_in_dim3A_1817], %broadcast_in_dim3A_19 masked %eq3A_1794 : memref<640x64xf32, #tpu.memory_space<vmem>>[vector<16xi32>, vector<16xi32>], vector<16xf32>, vector<16xi1>
          %broadcast_in_dim3A_1823 = arith.constant 3 : i32
          %broadcast_in_dim3A_1824 = vector.broadcast %broadcast_in_dim3A_1823 : i32 to vector<16xi32>
          %scatter3A_1825 = arith.constant 0 : i32
          %scatter3A_1826 = arith.constant 0 : i32
          %scatter3A_1827 = arith.constant 0 : i32
          %scatter3A_1828 = tpu.memref_slice %arg6[%scatter3A_1825, %scatter3A_1826, %scatter3A_1827] : memref<2x640x64xf32, #tpu.memory_space<vmem>> -> memref<1x640x64xf32, #tpu.memory_space<vmem>>
          %scatter3A_1829 = tpu.memref_squeeze %scatter3A_1828 : memref<1x640x64xf32, #tpu.memory_space<vmem>> -> memref<640x64xf32, #tpu.memory_space<vmem>>
          tpu.vector_store_idx %scatter3A_1829[%add3A_1802, %broadcast_in_dim3A_1824], %broadcast_in_dim3A_19 masked %eq3A_1794 : memref<640x64xf32, #tpu.memory_space<vmem>>[vector<16xi32>, vector<16xi32>], vector<16xf32>, vector<16xi1>
          %broadcast_in_dim3A_1830 = arith.constant 4 : i32
          %broadcast_in_dim3A_1831 = vector.broadcast %broadcast_in_dim3A_1830 : i32 to vector<16xi32>
          %scatter3A_1832 = arith.constant 0 : i32
          %scatter3A_1833 = arith.constant 0 : i32
          %scatter3A_1834 = arith.constant 0 : i32
          %scatter3A_1835 = tpu.memref_slice %arg6[%scatter3A_1832, %scatter3A_1833, %scatter3A_1834] : memref<2x640x64xf32, #tpu.memory_space<vmem>> -> memref<1x640x64xf32, #tpu.memory_space<vmem>>
          %scatter3A_1836 = tpu.memref_squeeze %scatter3A_1835 : memref<1x640x64xf32, #tpu.memory_space<vmem>> -> memref<640x64xf32, #tpu.memory_space<vmem>>
          tpu.vector_store_idx %scatter3A_1836[%add3A_1802, %broadcast_in_dim3A_1831], %broadcast_in_dim3A_19 masked %eq3A_1794 : memref<640x64xf32, #tpu.memory_space<vmem>>[vector<16xi32>, vector<16xi32>], vector<16xf32>, vector<16xi1>
          %broadcast_in_dim3A_1837 = arith.constant 5 : i32
          %broadcast_in_dim3A_1838 = vector.broadcast %broadcast_in_dim3A_1837 : i32 to vector<16xi32>
          %scatter3A_1839 = arith.constant 0 : i32
          %scatter3A_1840 = arith.constant 0 : i32
          %scatter3A_1841 = arith.constant 0 : i32
          %scatter3A_1842 = tpu.memref_slice %arg6[%scatter3A_1839, %scatter3A_1840, %scatter3A_1841] : memref<2x640x64xf32, #tpu.memory_space<vmem>> -> memref<1x640x64xf32, #tpu.memory_space<vmem>>
          %scatter3A_1843 = tpu.memref_squeeze %scatter3A_1842 : memref<1x640x64xf32, #tpu.memory_space<vmem>> -> memref<640x64xf32, #tpu.memory_space<vmem>>
          tpu.vector_store_idx %scatter3A_1843[%add3A_1802, %broadcast_in_dim3A_1838], %broadcast_in_dim3A_19 masked %eq3A_1794 : memref<640x64xf32, #tpu.memory_space<vmem>>[vector<16xi32>, vector<16xi32>], vector<16xf32>, vector<16xi1>
          %broadcast_in_dim3A_1844 = arith.constant 6 : i32
          %broadcast_in_dim3A_1845 = vector.broadcast %broadcast_in_dim3A_1844 : i32 to vector<16xi32>
          %scatter3A_1846 = arith.constant 0 : i32
          %scatter3A_1847 = arith.constant 0 : i32
          %scatter3A_1848 = arith.constant 0 : i32
          %scatter3A_1849 = tpu.memref_slice %arg6[%scatter3A_1846, %scatter3A_1847, %scatter3A_1848] : memref<2x640x64xf32, #tpu.memory_space<vmem>> -> memref<1x640x64xf32, #tpu.memory_space<vmem>>
          %scatter3A_1850 = tpu.memref_squeeze %scatter3A_1849 : memref<1x640x64xf32, #tpu.memory_space<vmem>> -> memref<640x64xf32, #tpu.memory_space<vmem>>
          tpu.vector_store_idx %scatter3A_1850[%add3A_1802, %broadcast_in_dim3A_1845], %broadcast_in_dim3A_19 masked %eq3A_1794 : memref<640x64xf32, #tpu.memory_space<vmem>>[vector<16xi32>, vector<16xi32>], vector<16xf32>, vector<16xi1>
          %broadcast_in_dim3A_1851 = arith.constant 7 : i32
          %broadcast_in_dim3A_1852 = vector.broadcast %broadcast_in_dim3A_1851 : i32 to vector<16xi32>
          %scatter3A_1853 = arith.constant 0 : i32
          %scatter3A_1854 = arith.constant 0 : i32
          %scatter3A_1855 = arith.constant 0 : i32
          %scatter3A_1856 = tpu.memref_slice %arg6[%scatter3A_1853, %scatter3A_1854, %scatter3A_1855] : memref<2x640x64xf32, #tpu.memory_space<vmem>> -> memref<1x640x64xf32, #tpu.memory_space<vmem>>
          %scatter3A_1857 = tpu.memref_squeeze %scatter3A_1856 : memref<1x640x64xf32, #tpu.memory_space<vmem>> -> memref<640x64xf32, #tpu.memory_space<vmem>>
          tpu.vector_store_idx %scatter3A_1857[%add3A_1802, %broadcast_in_dim3A_1852], %broadcast_in_dim3A_19 masked %eq3A_1794 : memref<640x64xf32, #tpu.memory_space<vmem>>[vector<16xi32>, vector<16xi32>], vector<16xf32>, vector<16xi1>
          %broadcast_in_dim3A_1858 = arith.constant 8 : i32
          %broadcast_in_dim3A_1859 = vector.broadcast %broadcast_in_dim3A_1858 : i32 to vector<16xi32>
          %scatter3A_1860 = arith.constant 0 : i32
          %scatter3A_1861 = arith.constant 0 : i32
          %scatter3A_1862 = arith.constant 0 : i32
          %scatter3A_1863 = tpu.memref_slice %arg6[%scatter3A_1860, %scatter3A_1861, %scatter3A_1862] : memref<2x640x64xf32, #tpu.memory_space<vmem>> -> memref<1x640x64xf32, #tpu.memory_space<vmem>>
          %scatter3A_1864 = tpu.memref_squeeze %scatter3A_1863 : memref<1x640x64xf32, #tpu.memory_space<vmem>> -> memref<640x64xf32, #tpu.memory_space<vmem>>
          tpu.vector_store_idx %scatter3A_1864[%add3A_1802, %broadcast_in_dim3A_1859], %broadcast_in_dim3A_19 masked %eq3A_1794 : memref<640x64xf32, #tpu.memory_space<vmem>>[vector<16xi32>, vector<16xi32>], vector<16xf32>, vector<16xi1>
          %broadcast_in_dim3A_1865 = arith.constant 9 : i32
          %broadcast_in_dim3A_1866 = vector.broadcast %broadcast_in_dim3A_1865 : i32 to vector<16xi32>
          %scatter3A_1867 = arith.constant 0 : i32
          %scatter3A_1868 = arith.constant 0 : i32
          %scatter3A_1869 = arith.constant 0 : i32
          %scatter3A_1870 = tpu.memref_slice %arg6[%scatter3A_1867, %scatter3A_1868, %scatter3A_1869] : memref<2x640x64xf32, #tpu.memory_space<vmem>> -> memref<1x640x64xf32, #tpu.memory_space<vmem>>
          %scatter3A_1871 = tpu.memref_squeeze %scatter3A_1870 : memref<1x640x64xf32, #tpu.memory_space<vmem>> -> memref<640x64xf32, #tpu.memory_space<vmem>>
          tpu.vector_store_idx %scatter3A_1871[%add3A_1802, %broadcast_in_dim3A_1866], %broadcast_in_dim3A_19 masked %eq3A_1794 : memref<640x64xf32, #tpu.memory_space<vmem>>[vector<16xi32>, vector<16xi32>], vector<16xf32>, vector<16xi1>
          %broadcast_in_dim3A_1872 = arith.constant 10 : i32
          %broadcast_in_dim3A_1873 = vector.broadcast %broadcast_in_dim3A_1872 : i32 to vector<16xi32>
          %scatter3A_1874 = arith.constant 0 : i32
          %scatter3A_1875 = arith.constant 0 : i32
          %scatter3A_1876 = arith.constant 0 : i32
          %scatter3A_1877 = tpu.memref_slice %arg6[%scatter3A_1874, %scatter3A_1875, %scatter3A_1876] : memref<2x640x64xf32, #tpu.memory_space<vmem>> -> memref<1x640x64xf32, #tpu.memory_space<vmem>>
          %scatter3A_1878 = tpu.memref_squeeze %scatter3A_1877 : memref<1x640x64xf32, #tpu.memory_space<vmem>> -> memref<640x64xf32, #tpu.memory_space<vmem>>
          tpu.vector_store_idx %scatter3A_1878[%add3A_1802, %broadcast_in_dim3A_1873], %broadcast_in_dim3A_19 masked %eq3A_1794 : memref<640x64xf32, #tpu.memory_space<vmem>>[vector<16xi32>, vector<16xi32>], vector<16xf32>, vector<16xi1>
          %broadcast_in_dim3A_1879 = arith.constant 11 : i32
          %broadcast_in_dim3A_1880 = vector.broadcast %broadcast_in_dim3A_1879 : i32 to vector<16xi32>
          %scatter3A_1881 = arith.constant 0 : i32
          %scatter3A_1882 = arith.constant 0 : i32
          %scatter3A_1883 = arith.constant 0 : i32
          %scatter3A_1884 = tpu.memref_slice %arg6[%scatter3A_1881, %scatter3A_1882, %scatter3A_1883] : memref<2x640x64xf32, #tpu.memory_space<vmem>> -> memref<1x640x64xf32, #tpu.memory_space<vmem>>
          %scatter3A_1885 = tpu.memref_squeeze %scatter3A_1884 : memref<1x640x64xf32, #tpu.memory_space<vmem>> -> memref<640x64xf32, #tpu.memory_space<vmem>>
          tpu.vector_store_idx %scatter3A_1885[%add3A_1802, %broadcast_in_dim3A_1880], %broadcast_in_dim3A_19 masked %eq3A_1794 : memref<640x64xf32, #tpu.memory_space<vmem>>[vector<16xi32>, vector<16xi32>], vector<16xf32>, vector<16xi1>
          %broadcast_in_dim3A_1886 = arith.constant 12 : i32
          %broadcast_in_dim3A_1887 = vector.broadcast %broadcast_in_dim3A_1886 : i32 to vector<16xi32>
          %scatter3A_1888 = arith.constant 0 : i32
          %scatter3A_1889 = arith.constant 0 : i32
          %scatter3A_1890 = arith.constant 0 : i32
          %scatter3A_1891 = tpu.memref_slice %arg6[%scatter3A_1888, %scatter3A_1889, %scatter3A_1890] : memref<2x640x64xf32, #tpu.memory_space<vmem>> -> memref<1x640x64xf32, #tpu.memory_space<vmem>>
          %scatter3A_1892 = tpu.memref_squeeze %scatter3A_1891 : memref<1x640x64xf32, #tpu.memory_space<vmem>> -> memref<640x64xf32, #tpu.memory_space<vmem>>
          tpu.vector_store_idx %scatter3A_1892[%add3A_1802, %broadcast_in_dim3A_1887], %broadcast_in_dim3A_19 masked %eq3A_1794 : memref<640x64xf32, #tpu.memory_space<vmem>>[vector<16xi32>, vector<16xi32>], vector<16xf32>, vector<16xi1>
          %broadcast_in_dim3A_1893 = arith.constant 13 : i32
          %broadcast_in_dim3A_1894 = vector.broadcast %broadcast_in_dim3A_1893 : i32 to vector<16xi32>
          %scatter3A_1895 = arith.constant 0 : i32
          %scatter3A_1896 = arith.constant 0 : i32
          %scatter3A_1897 = arith.constant 0 : i32
          %scatter3A_1898 = tpu.memref_slice %arg6[%scatter3A_1895, %scatter3A_1896, %scatter3A_1897] : memref<2x640x64xf32, #tpu.memory_space<vmem>> -> memref<1x640x64xf32, #tpu.memory_space<vmem>>
          %scatter3A_1899 = tpu.memref_squeeze %scatter3A_1898 : memref<1x640x64xf32, #tpu.memory_space<vmem>> -> memref<640x64xf32, #tpu.memory_space<vmem>>
          tpu.vector_store_idx %scatter3A_1899[%add3A_1802, %broadcast_in_dim3A_1894], %broadcast_in_dim3A_19 masked %eq3A_1794 : memref<640x64xf32, #tpu.memory_space<vmem>>[vector<16xi32>, vector<16xi32>], vector<16xf32>, vector<16xi1>
          %broadcast_in_dim3A_1900 = arith.constant 14 : i32
          %broadcast_in_dim3A_1901 = vector.broadcast %broadcast_in_dim3A_1900 : i32 to vector<16xi32>
          %scatter3A_1902 = arith.constant 0 : i32
          %scatter3A_1903 = arith.constant 0 : i32
          %scatter3A_1904 = arith.constant 0 : i32
          %scatter3A_1905 = tpu.memref_slice %arg6[%scatter3A_1902, %scatter3A_1903, %scatter3A_1904] : memref<2x640x64xf32, #tpu.memory_space<vmem>> -> memref<1x640x64xf32, #tpu.memory_space<vmem>>
          %scatter3A_1906 = tpu.memref_squeeze %scatter3A_1905 : memref<1x640x64xf32, #tpu.memory_space<vmem>> -> memref<640x64xf32, #tpu.memory_space<vmem>>
          tpu.vector_store_idx %scatter3A_1906[%add3A_1802, %broadcast_in_dim3A_1901], %broadcast_in_dim3A_19 masked %eq3A_1794 : memref<640x64xf32, #tpu.memory_space<vmem>>[vector<16xi32>, vector<16xi32>], vector<16xf32>, vector<16xi1>
          %broadcast_in_dim3A_1907 = arith.constant 15 : i32
          %broadcast_in_dim3A_1908 = vector.broadcast %broadcast_in_dim3A_1907 : i32 to vector<16xi32>
          %scatter3A_1909 = arith.constant 0 : i32
          %scatter3A_1910 = arith.constant 0 : i32
          %scatter3A_1911 = arith.constant 0 : i32
          %scatter3A_1912 = tpu.memref_slice %arg6[%scatter3A_1909, %scatter3A_1910, %scatter3A_1911] : memref<2x640x64xf32, #tpu.memory_space<vmem>> -> memref<1x640x64xf32, #tpu.memory_space<vmem>>
          %scatter3A_1913 = tpu.memref_squeeze %scatter3A_1912 : memref<1x640x64xf32, #tpu.memory_space<vmem>> -> memref<640x64xf32, #tpu.memory_space<vmem>>
          tpu.vector_store_idx %scatter3A_1913[%add3A_1802, %broadcast_in_dim3A_1908], %broadcast_in_dim3A_19 masked %eq3A_1794 : memref<640x64xf32, #tpu.memory_space<vmem>>[vector<16xi32>, vector<16xi32>], vector<16xf32>, vector<16xi1>
          %broadcast_in_dim3A_1914 = arith.constant 16 : i32
          %broadcast_in_dim3A_1915 = vector.broadcast %broadcast_in_dim3A_1914 : i32 to vector<16xi32>
          %scatter3A_1916 = arith.constant 0 : i32
          %scatter3A_1917 = arith.constant 0 : i32
          %scatter3A_1918 = arith.constant 0 : i32
          %scatter3A_1919 = tpu.memref_slice %arg6[%scatter3A_1916, %scatter3A_1917, %scatter3A_1918] : memref<2x640x64xf32, #tpu.memory_space<vmem>> -> memref<1x640x64xf32, #tpu.memory_space<vmem>>
          %scatter3A_1920 = tpu.memref_squeeze %scatter3A_1919 : memref<1x640x64xf32, #tpu.memory_space<vmem>> -> memref<640x64xf32, #tpu.memory_space<vmem>>
          tpu.vector_store_idx %scatter3A_1920[%add3A_1802, %broadcast_in_dim3A_1915], %broadcast_in_dim3A_19 masked %eq3A_1794 : memref<640x64xf32, #tpu.memory_space<vmem>>[vector<16xi32>, vector<16xi32>], vector<16xf32>, vector<16xi1>
          %broadcast_in_dim3A_1921 = arith.constant 17 : i32
          %broadcast_in_dim3A_1922 = vector.broadcast %broadcast_in_dim3A_1921 : i32 to vector<16xi32>
          %scatter3A_1923 = arith.constant 0 : i32
          %scatter3A_1924 = arith.constant 0 : i32
          %scatter3A_1925 = arith.constant 0 : i32
          %scatter3A_1926 = tpu.memref_slice %arg6[%scatter3A_1923, %scatter3A_1924, %scatter3A_1925] : memref<2x640x64xf32, #tpu.memory_space<vmem>> -> memref<1x640x64xf32, #tpu.memory_space<vmem>>
          %scatter3A_1927 = tpu.memref_squeeze %scatter3A_1926 : memref<1x640x64xf32, #tpu.memory_space<vmem>> -> memref<640x64xf32, #tpu.memory_space<vmem>>
          tpu.vector_store_idx %scatter3A_1927[%add3A_1802, %broadcast_in_dim3A_1922], %broadcast_in_dim3A_19 masked %eq3A_1794 : memref<640x64xf32, #tpu.memory_space<vmem>>[vector<16xi32>, vector<16xi32>], vector<16xf32>, vector<16xi1>
          %broadcast_in_dim3A_1928 = arith.constant 18 : i32
          %broadcast_in_dim3A_1929 = vector.broadcast %broadcast_in_dim3A_1928 : i32 to vector<16xi32>
          %scatter3A_1930 = arith.constant 0 : i32
          %scatter3A_1931 = arith.constant 0 : i32
          %scatter3A_1932 = arith.constant 0 : i32
          %scatter3A_1933 = tpu.memref_slice %arg6[%scatter3A_1930, %scatter3A_1931, %scatter3A_1932] : memref<2x640x64xf32, #tpu.memory_space<vmem>> -> memref<1x640x64xf32, #tpu.memory_space<vmem>>
          %scatter3A_1934 = tpu.memref_squeeze %scatter3A_1933 : memref<1x640x64xf32, #tpu.memory_space<vmem>> -> memref<640x64xf32, #tpu.memory_space<vmem>>
          tpu.vector_store_idx %scatter3A_1934[%add3A_1802, %broadcast_in_dim3A_1929], %broadcast_in_dim3A_19 masked %eq3A_1794 : memref<640x64xf32, #tpu.memory_space<vmem>>[vector<16xi32>, vector<16xi32>], vector<16xf32>, vector<16xi1>
          %broadcast_in_dim3A_1935 = arith.constant 19 : i32
          %broadcast_in_dim3A_1936 = vector.broadcast %broadcast_in_dim3A_1935 : i32 to vector<16xi32>
          %scatter3A_1937 = arith.constant 0 : i32
          %scatter3A_1938 = arith.constant 0 : i32
          %scatter3A_1939 = arith.constant 0 : i32
          %scatter3A_1940 = tpu.memref_slice %arg6[%scatter3A_1937, %scatter3A_1938, %scatter3A_1939] : memref<2x640x64xf32, #tpu.memory_space<vmem>> -> memref<1x640x64xf32, #tpu.memory_space<vmem>>
          %scatter3A_1941 = tpu.memref_squeeze %scatter3A_1940 : memref<1x640x64xf32, #tpu.memory_space<vmem>> -> memref<640x64xf32, #tpu.memory_space<vmem>>
          tpu.vector_store_idx %scatter3A_1941[%add3A_1802, %broadcast_in_dim3A_1936], %broadcast_in_dim3A_19 masked %eq3A_1794 : memref<640x64xf32, #tpu.memory_space<vmem>>[vector<16xi32>, vector<16xi32>], vector<16xf32>, vector<16xi1>
          %broadcast_in_dim3A_1942 = arith.constant 20 : i32
          %broadcast_in_dim3A_1943 = vector.broadcast %broadcast_in_dim3A_1942 : i32 to vector<16xi32>
          %scatter3A_1944 = arith.constant 0 : i32
          %scatter3A_1945 = arith.constant 0 : i32
          %scatter3A_1946 = arith.constant 0 : i32
          %scatter3A_1947 = tpu.memref_slice %arg6[%scatter3A_1944, %scatter3A_1945, %scatter3A_1946] : memref<2x640x64xf32, #tpu.memory_space<vmem>> -> memref<1x640x64xf32, #tpu.memory_space<vmem>>
          %scatter3A_1948 = tpu.memref_squeeze %scatter3A_1947 : memref<1x640x64xf32, #tpu.memory_space<vmem>> -> memref<640x64xf32, #tpu.memory_space<vmem>>
          tpu.vector_store_idx %scatter3A_1948[%add3A_1802, %broadcast_in_dim3A_1943], %broadcast_in_dim3A_19 masked %eq3A_1794 : memref<640x64xf32, #tpu.memory_space<vmem>>[vector<16xi32>, vector<16xi32>], vector<16xf32>, vector<16xi1>
          %broadcast_in_dim3A_1949 = arith.constant 21 : i32
          %broadcast_in_dim3A_1950 = vector.broadcast %broadcast_in_dim3A_1949 : i32 to vector<16xi32>
          %scatter3A_1951 = arith.constant 0 : i32
          %scatter3A_1952 = arith.constant 0 : i32
          %scatter3A_1953 = arith.constant 0 : i32
          %scatter3A_1954 = tpu.memref_slice %arg6[%scatter3A_1951, %scatter3A_1952, %scatter3A_1953] : memref<2x640x64xf32, #tpu.memory_space<vmem>> -> memref<1x640x64xf32, #tpu.memory_space<vmem>>
          %scatter3A_1955 = tpu.memref_squeeze %scatter3A_1954 : memref<1x640x64xf32, #tpu.memory_space<vmem>> -> memref<640x64xf32, #tpu.memory_space<vmem>>
          tpu.vector_store_idx %scatter3A_1955[%add3A_1802, %broadcast_in_dim3A_1950], %broadcast_in_dim3A_19 masked %eq3A_1794 : memref<640x64xf32, #tpu.memory_space<vmem>>[vector<16xi32>, vector<16xi32>], vector<16xf32>, vector<16xi1>
          %broadcast_in_dim3A_1956 = arith.constant 22 : i32
          %broadcast_in_dim3A_1957 = vector.broadcast %broadcast_in_dim3A_1956 : i32 to vector<16xi32>
          %scatter3A_1958 = arith.constant 0 : i32
          %scatter3A_1959 = arith.constant 0 : i32
          %scatter3A_1960 = arith.constant 0 : i32
          %scatter3A_1961 = tpu.memref_slice %arg6[%scatter3A_1958, %scatter3A_1959, %scatter3A_1960] : memref<2x640x64xf32, #tpu.memory_space<vmem>> -> memref<1x640x64xf32, #tpu.memory_space<vmem>>
          %scatter3A_1962 = tpu.memref_squeeze %scatter3A_1961 : memref<1x640x64xf32, #tpu.memory_space<vmem>> -> memref<640x64xf32, #tpu.memory_space<vmem>>
          tpu.vector_store_idx %scatter3A_1962[%add3A_1802, %broadcast_in_dim3A_1957], %broadcast_in_dim3A_19 masked %eq3A_1794 : memref<640x64xf32, #tpu.memory_space<vmem>>[vector<16xi32>, vector<16xi32>], vector<16xf32>, vector<16xi1>
          %broadcast_in_dim3A_1963 = arith.constant 23 : i32
          %broadcast_in_dim3A_1964 = vector.broadcast %broadcast_in_dim3A_1963 : i32 to vector<16xi32>
          %scatter3A_1965 = arith.constant 0 : i32
          %scatter3A_1966 = arith.constant 0 : i32
          %scatter3A_1967 = arith.constant 0 : i32
          %scatter3A_1968 = tpu.memref_slice %arg6[%scatter3A_1965, %scatter3A_1966, %scatter3A_1967] : memref<2x640x64xf32, #tpu.memory_space<vmem>> -> memref<1x640x64xf32, #tpu.memory_space<vmem>>
          %scatter3A_1969 = tpu.memref_squeeze %scatter3A_1968 : memref<1x640x64xf32, #tpu.memory_space<vmem>> -> memref<640x64xf32, #tpu.memory_space<vmem>>
          tpu.vector_store_idx %scatter3A_1969[%add3A_1802, %broadcast_in_dim3A_1964], %broadcast_in_dim3A_19 masked %eq3A_1794 : memref<640x64xf32, #tpu.memory_space<vmem>>[vector<16xi32>, vector<16xi32>], vector<16xf32>, vector<16xi1>
          %broadcast_in_dim3A_1970 = arith.constant 24 : i32
          %broadcast_in_dim3A_1971 = vector.broadcast %broadcast_in_dim3A_1970 : i32 to vector<16xi32>
          %scatter3A_1972 = arith.constant 0 : i32
          %scatter3A_1973 = arith.constant 0 : i32
          %scatter3A_1974 = arith.constant 0 : i32
          %scatter3A_1975 = tpu.memref_slice %arg6[%scatter3A_1972, %scatter3A_1973, %scatter3A_1974] : memref<2x640x64xf32, #tpu.memory_space<vmem>> -> memref<1x640x64xf32, #tpu.memory_space<vmem>>
          %scatter3A_1976 = tpu.memref_squeeze %scatter3A_1975 : memref<1x640x64xf32, #tpu.memory_space<vmem>> -> memref<640x64xf32, #tpu.memory_space<vmem>>
          tpu.vector_store_idx %scatter3A_1976[%add3A_1802, %broadcast_in_dim3A_1971], %broadcast_in_dim3A_19 masked %eq3A_1794 : memref<640x64xf32, #tpu.memory_space<vmem>>[vector<16xi32>, vector<16xi32>], vector<16xf32>, vector<16xi1>
          %broadcast_in_dim3A_1977 = arith.constant 25 : i32
          %broadcast_in_dim3A_1978 = vector.broadcast %broadcast_in_dim3A_1977 : i32 to vector<16xi32>
          %scatter3A_1979 = arith.constant 0 : i32
          %scatter3A_1980 = arith.constant 0 : i32
          %scatter3A_1981 = arith.constant 0 : i32
          %scatter3A_1982 = tpu.memref_slice %arg6[%scatter3A_1979, %scatter3A_1980, %scatter3A_1981] : memref<2x640x64xf32, #tpu.memory_space<vmem>> -> memref<1x640x64xf32, #tpu.memory_space<vmem>>
          %scatter3A_1983 = tpu.memref_squeeze %scatter3A_1982 : memref<1x640x64xf32, #tpu.memory_space<vmem>> -> memref<640x64xf32, #tpu.memory_space<vmem>>
          tpu.vector_store_idx %scatter3A_1983[%add3A_1802, %broadcast_in_dim3A_1978], %broadcast_in_dim3A_19 masked %eq3A_1794 : memref<640x64xf32, #tpu.memory_space<vmem>>[vector<16xi32>, vector<16xi32>], vector<16xf32>, vector<16xi1>
          %broadcast_in_dim3A_1984 = arith.constant 26 : i32
          %broadcast_in_dim3A_1985 = vector.broadcast %broadcast_in_dim3A_1984 : i32 to vector<16xi32>
          %scatter3A_1986 = arith.constant 0 : i32
          %scatter3A_1987 = arith.constant 0 : i32
          %scatter3A_1988 = arith.constant 0 : i32
          %scatter3A_1989 = tpu.memref_slice %arg6[%scatter3A_1986, %scatter3A_1987, %scatter3A_1988] : memref<2x640x64xf32, #tpu.memory_space<vmem>> -> memref<1x640x64xf32, #tpu.memory_space<vmem>>
          %scatter3A_1990 = tpu.memref_squeeze %scatter3A_1989 : memref<1x640x64xf32, #tpu.memory_space<vmem>> -> memref<640x64xf32, #tpu.memory_space<vmem>>
          tpu.vector_store_idx %scatter3A_1990[%add3A_1802, %broadcast_in_dim3A_1985], %broadcast_in_dim3A_19 masked %eq3A_1794 : memref<640x64xf32, #tpu.memory_space<vmem>>[vector<16xi32>, vector<16xi32>], vector<16xf32>, vector<16xi1>
          %broadcast_in_dim3A_1991 = arith.constant 27 : i32
          %broadcast_in_dim3A_1992 = vector.broadcast %broadcast_in_dim3A_1991 : i32 to vector<16xi32>
          %scatter3A_1993 = arith.constant 0 : i32
          %scatter3A_1994 = arith.constant 0 : i32
          %scatter3A_1995 = arith.constant 0 : i32
          %scatter3A_1996 = tpu.memref_slice %arg6[%scatter3A_1993, %scatter3A_1994, %scatter3A_1995] : memref<2x640x64xf32, #tpu.memory_space<vmem>> -> memref<1x640x64xf32, #tpu.memory_space<vmem>>
          %scatter3A_1997 = tpu.memref_squeeze %scatter3A_1996 : memref<1x640x64xf32, #tpu.memory_space<vmem>> -> memref<640x64xf32, #tpu.memory_space<vmem>>
          tpu.vector_store_idx %scatter3A_1997[%add3A_1802, %broadcast_in_dim3A_1992], %broadcast_in_dim3A_19 masked %eq3A_1794 : memref<640x64xf32, #tpu.memory_space<vmem>>[vector<16xi32>, vector<16xi32>], vector<16xf32>, vector<16xi1>
          %broadcast_in_dim3A_1998 = arith.constant 28 : i32
          %broadcast_in_dim3A_1999 = vector.broadcast %broadcast_in_dim3A_1998 : i32 to vector<16xi32>
          %scatter3A_2000 = arith.constant 0 : i32
          %scatter3A_2001 = arith.constant 0 : i32
          %scatter3A_2002 = arith.constant 0 : i32
          %scatter3A_2003 = tpu.memref_slice %arg6[%scatter3A_2000, %scatter3A_2001, %scatter3A_2002] : memref<2x640x64xf32, #tpu.memory_space<vmem>> -> memref<1x640x64xf32, #tpu.memory_space<vmem>>
          %scatter3A_2004 = tpu.memref_squeeze %scatter3A_2003 : memref<1x640x64xf32, #tpu.memory_space<vmem>> -> memref<640x64xf32, #tpu.memory_space<vmem>>
          tpu.vector_store_idx %scatter3A_2004[%add3A_1802, %broadcast_in_dim3A_1999], %broadcast_in_dim3A_19 masked %eq3A_1794 : memref<640x64xf32, #tpu.memory_space<vmem>>[vector<16xi32>, vector<16xi32>], vector<16xf32>, vector<16xi1>
          %broadcast_in_dim3A_2005 = arith.constant 29 : i32
          %broadcast_in_dim3A_2006 = vector.broadcast %broadcast_in_dim3A_2005 : i32 to vector<16xi32>
          %scatter3A_2007 = arith.constant 0 : i32
          %scatter3A_2008 = arith.constant 0 : i32
          %scatter3A_2009 = arith.constant 0 : i32
          %scatter3A_2010 = tpu.memref_slice %arg6[%scatter3A_2007, %scatter3A_2008, %scatter3A_2009] : memref<2x640x64xf32, #tpu.memory_space<vmem>> -> memref<1x640x64xf32, #tpu.memory_space<vmem>>
          %scatter3A_2011 = tpu.memref_squeeze %scatter3A_2010 : memref<1x640x64xf32, #tpu.memory_space<vmem>> -> memref<640x64xf32, #tpu.memory_space<vmem>>
          tpu.vector_store_idx %scatter3A_2011[%add3A_1802, %broadcast_in_dim3A_2006], %broadcast_in_dim3A_19 masked %eq3A_1794 : memref<640x64xf32, #tpu.memory_space<vmem>>[vector<16xi32>, vector<16xi32>], vector<16xf32>, vector<16xi1>
          %broadcast_in_dim3A_2012 = arith.constant 30 : i32
          %broadcast_in_dim3A_2013 = vector.broadcast %broadcast_in_dim3A_2012 : i32 to vector<16xi32>
          %scatter3A_2014 = arith.constant 0 : i32
          %scatter3A_2015 = arith.constant 0 : i32
          %scatter3A_2016 = arith.constant 0 : i32
          %scatter3A_2017 = tpu.memref_slice %arg6[%scatter3A_2014, %scatter3A_2015, %scatter3A_2016] : memref<2x640x64xf32, #tpu.memory_space<vmem>> -> memref<1x640x64xf32, #tpu.memory_space<vmem>>
          %scatter3A_2018 = tpu.memref_squeeze %scatter3A_2017 : memref<1x640x64xf32, #tpu.memory_space<vmem>> -> memref<640x64xf32, #tpu.memory_space<vmem>>
          tpu.vector_store_idx %scatter3A_2018[%add3A_1802, %broadcast_in_dim3A_2013], %broadcast_in_dim3A_19 masked %eq3A_1794 : memref<640x64xf32, #tpu.memory_space<vmem>>[vector<16xi32>, vector<16xi32>], vector<16xf32>, vector<16xi1>
          %broadcast_in_dim3A_2019 = arith.constant 31 : i32
          %broadcast_in_dim3A_2020 = vector.broadcast %broadcast_in_dim3A_2019 : i32 to vector<16xi32>
          %scatter3A_2021 = arith.constant 0 : i32
          %scatter3A_2022 = arith.constant 0 : i32
          %scatter3A_2023 = arith.constant 0 : i32
          %scatter3A_2024 = tpu.memref_slice %arg6[%scatter3A_2021, %scatter3A_2022, %scatter3A_2023] : memref<2x640x64xf32, #tpu.memory_space<vmem>> -> memref<1x640x64xf32, #tpu.memory_space<vmem>>
          %scatter3A_2025 = tpu.memref_squeeze %scatter3A_2024 : memref<1x640x64xf32, #tpu.memory_space<vmem>> -> memref<640x64xf32, #tpu.memory_space<vmem>>
          tpu.vector_store_idx %scatter3A_2025[%add3A_1802, %broadcast_in_dim3A_2020], %broadcast_in_dim3A_19 masked %eq3A_1794 : memref<640x64xf32, #tpu.memory_space<vmem>>[vector<16xi32>, vector<16xi32>], vector<16xf32>, vector<16xi1>
          %broadcast_in_dim3A_2026 = arith.constant 32 : i32
          %broadcast_in_dim3A_2027 = vector.broadcast %broadcast_in_dim3A_2026 : i32 to vector<16xi32>
          %scatter3A_2028 = arith.constant 0 : i32
          %scatter3A_2029 = arith.constant 0 : i32
          %scatter3A_2030 = arith.constant 0 : i32
          %scatter3A_2031 = tpu.memref_slice %arg6[%scatter3A_2028, %scatter3A_2029, %scatter3A_2030] : memref<2x640x64xf32, #tpu.memory_space<vmem>> -> memref<1x640x64xf32, #tpu.memory_space<vmem>>
          %scatter3A_2032 = tpu.memref_squeeze %scatter3A_2031 : memref<1x640x64xf32, #tpu.memory_space<vmem>> -> memref<640x64xf32, #tpu.memory_space<vmem>>
          tpu.vector_store_idx %scatter3A_2032[%add3A_1802, %broadcast_in_dim3A_2027], %broadcast_in_dim3A_19 masked %eq3A_1794 : memref<640x64xf32, #tpu.memory_space<vmem>>[vector<16xi32>, vector<16xi32>], vector<16xf32>, vector<16xi1>
          %broadcast_in_dim3A_2033 = arith.constant 33 : i32
          %broadcast_in_dim3A_2034 = vector.broadcast %broadcast_in_dim3A_2033 : i32 to vector<16xi32>
          %scatter3A_2035 = arith.constant 0 : i32
          %scatter3A_2036 = arith.constant 0 : i32
          %scatter3A_2037 = arith.constant 0 : i32
          %scatter3A_2038 = tpu.memref_slice %arg6[%scatter3A_2035, %scatter3A_2036, %scatter3A_2037] : memref<2x640x64xf32, #tpu.memory_space<vmem>> -> memref<1x640x64xf32, #tpu.memory_space<vmem>>
          %scatter3A_2039 = tpu.memref_squeeze %scatter3A_2038 : memref<1x640x64xf32, #tpu.memory_space<vmem>> -> memref<640x64xf32, #tpu.memory_space<vmem>>
          tpu.vector_store_idx %scatter3A_2039[%add3A_1802, %broadcast_in_dim3A_2034], %broadcast_in_dim3A_19 masked %eq3A_1794 : memref<640x64xf32, #tpu.memory_space<vmem>>[vector<16xi32>, vector<16xi32>], vector<16xf32>, vector<16xi1>
          %broadcast_in_dim3A_2040 = arith.constant 34 : i32
          %broadcast_in_dim3A_2041 = vector.broadcast %broadcast_in_dim3A_2040 : i32 to vector<16xi32>
          %scatter3A_2042 = arith.constant 0 : i32
          %scatter3A_2043 = arith.constant 0 : i32
          %scatter3A_2044 = arith.constant 0 : i32
          %scatter3A_2045 = tpu.memref_slice %arg6[%scatter3A_2042, %scatter3A_2043, %scatter3A_2044] : memref<2x640x64xf32, #tpu.memory_space<vmem>> -> memref<1x640x64xf32, #tpu.memory_space<vmem>>
          %scatter3A_2046 = tpu.memref_squeeze %scatter3A_2045 : memref<1x640x64xf32, #tpu.memory_space<vmem>> -> memref<640x64xf32, #tpu.memory_space<vmem>>
          tpu.vector_store_idx %scatter3A_2046[%add3A_1802, %broadcast_in_dim3A_2041], %broadcast_in_dim3A_19 masked %eq3A_1794 : memref<640x64xf32, #tpu.memory_space<vmem>>[vector<16xi32>, vector<16xi32>], vector<16xf32>, vector<16xi1>
          %broadcast_in_dim3A_2047 = arith.constant 35 : i32
          %broadcast_in_dim3A_2048 = vector.broadcast %broadcast_in_dim3A_2047 : i32 to vector<16xi32>
          %scatter3A_2049 = arith.constant 0 : i32
          %scatter3A_2050 = arith.constant 0 : i32
          %scatter3A_2051 = arith.constant 0 : i32
          %scatter3A_2052 = tpu.memref_slice %arg6[%scatter3A_2049, %scatter3A_2050, %scatter3A_2051] : memref<2x640x64xf32, #tpu.memory_space<vmem>> -> memref<1x640x64xf32, #tpu.memory_space<vmem>>
          %scatter3A_2053 = tpu.memref_squeeze %scatter3A_2052 : memref<1x640x64xf32, #tpu.memory_space<vmem>> -> memref<640x64xf32, #tpu.memory_space<vmem>>
          tpu.vector_store_idx %scatter3A_2053[%add3A_1802, %broadcast_in_dim3A_2048], %broadcast_in_dim3A_19 masked %eq3A_1794 : memref<640x64xf32, #tpu.memory_space<vmem>>[vector<16xi32>, vector<16xi32>], vector<16xf32>, vector<16xi1>
          %broadcast_in_dim3A_2054 = arith.constant 36 : i32
          %broadcast_in_dim3A_2055 = vector.broadcast %broadcast_in_dim3A_2054 : i32 to vector<16xi32>
          %scatter3A_2056 = arith.constant 0 : i32
          %scatter3A_2057 = arith.constant 0 : i32
          %scatter3A_2058 = arith.constant 0 : i32
          %scatter3A_2059 = tpu.memref_slice %arg6[%scatter3A_2056, %scatter3A_2057, %scatter3A_2058] : memref<2x640x64xf32, #tpu.memory_space<vmem>> -> memref<1x640x64xf32, #tpu.memory_space<vmem>>
          %scatter3A_2060 = tpu.memref_squeeze %scatter3A_2059 : memref<1x640x64xf32, #tpu.memory_space<vmem>> -> memref<640x64xf32, #tpu.memory_space<vmem>>
          tpu.vector_store_idx %scatter3A_2060[%add3A_1802, %broadcast_in_dim3A_2055], %broadcast_in_dim3A_19 masked %eq3A_1794 : memref<640x64xf32, #tpu.memory_space<vmem>>[vector<16xi32>, vector<16xi32>], vector<16xf32>, vector<16xi1>
          %broadcast_in_dim3A_2061 = arith.constant 37 : i32
          %broadcast_in_dim3A_2062 = vector.broadcast %broadcast_in_dim3A_2061 : i32 to vector<16xi32>
          %scatter3A_2063 = arith.constant 0 : i32
          %scatter3A_2064 = arith.constant 0 : i32
          %scatter3A_2065 = arith.constant 0 : i32
          %scatter3A_2066 = tpu.memref_slice %arg6[%scatter3A_2063, %scatter3A_2064, %scatter3A_2065] : memref<2x640x64xf32, #tpu.memory_space<vmem>> -> memref<1x640x64xf32, #tpu.memory_space<vmem>>
          %scatter3A_2067 = tpu.memref_squeeze %scatter3A_2066 : memref<1x640x64xf32, #tpu.memory_space<vmem>> -> memref<640x64xf32, #tpu.memory_space<vmem>>
          tpu.vector_store_idx %scatter3A_2067[%add3A_1802, %broadcast_in_dim3A_2062], %broadcast_in_dim3A_19 masked %eq3A_1794 : memref<640x64xf32, #tpu.memory_space<vmem>>[vector<16xi32>, vector<16xi32>], vector<16xf32>, vector<16xi1>
          %broadcast_in_dim3A_2068 = arith.constant 38 : i32
          %broadcast_in_dim3A_2069 = vector.broadcast %broadcast_in_dim3A_2068 : i32 to vector<16xi32>
          %scatter3A_2070 = arith.constant 0 : i32
          %scatter3A_2071 = arith.constant 0 : i32
          %scatter3A_2072 = arith.constant 0 : i32
          %scatter3A_2073 = tpu.memref_slice %arg6[%scatter3A_2070, %scatter3A_2071, %scatter3A_2072] : memref<2x640x64xf32, #tpu.memory_space<vmem>> -> memref<1x640x64xf32, #tpu.memory_space<vmem>>
          %scatter3A_2074 = tpu.memref_squeeze %scatter3A_2073 : memref<1x640x64xf32, #tpu.memory_space<vmem>> -> memref<640x64xf32, #tpu.memory_space<vmem>>
          tpu.vector_store_idx %scatter3A_2074[%add3A_1802, %broadcast_in_dim3A_2069], %broadcast_in_dim3A_19 masked %eq3A_1794 : memref<640x64xf32, #tpu.memory_space<vmem>>[vector<16xi32>, vector<16xi32>], vector<16xf32>, vector<16xi1>
          %broadcast_in_dim3A_2075 = arith.constant 39 : i32
          %broadcast_in_dim3A_2076 = vector.broadcast %broadcast_in_dim3A_2075 : i32 to vector<16xi32>
          %scatter3A_2077 = arith.constant 0 : i32
          %scatter3A_2078 = arith.constant 0 : i32
          %scatter3A_2079 = arith.constant 0 : i32
          %scatter3A_2080 = tpu.memref_slice %arg6[%scatter3A_2077, %scatter3A_2078, %scatter3A_2079] : memref<2x640x64xf32, #tpu.memory_space<vmem>> -> memref<1x640x64xf32, #tpu.memory_space<vmem>>
          %scatter3A_2081 = tpu.memref_squeeze %scatter3A_2080 : memref<1x640x64xf32, #tpu.memory_space<vmem>> -> memref<640x64xf32, #tpu.memory_space<vmem>>
          tpu.vector_store_idx %scatter3A_2081[%add3A_1802, %broadcast_in_dim3A_2076], %broadcast_in_dim3A_19 masked %eq3A_1794 : memref<640x64xf32, #tpu.memory_space<vmem>>[vector<16xi32>, vector<16xi32>], vector<16xf32>, vector<16xi1>
          %broadcast_in_dim3A_2082 = arith.constant 40 : i32
          %broadcast_in_dim3A_2083 = vector.broadcast %broadcast_in_dim3A_2082 : i32 to vector<16xi32>
          %scatter3A_2084 = arith.constant 0 : i32
          %scatter3A_2085 = arith.constant 0 : i32
          %scatter3A_2086 = arith.constant 0 : i32
          %scatter3A_2087 = tpu.memref_slice %arg6[%scatter3A_2084, %scatter3A_2085, %scatter3A_2086] : memref<2x640x64xf32, #tpu.memory_space<vmem>> -> memref<1x640x64xf32, #tpu.memory_space<vmem>>
          %scatter3A_2088 = tpu.memref_squeeze %scatter3A_2087 : memref<1x640x64xf32, #tpu.memory_space<vmem>> -> memref<640x64xf32, #tpu.memory_space<vmem>>
          tpu.vector_store_idx %scatter3A_2088[%add3A_1802, %broadcast_in_dim3A_2083], %broadcast_in_dim3A_19 masked %eq3A_1794 : memref<640x64xf32, #tpu.memory_space<vmem>>[vector<16xi32>, vector<16xi32>], vector<16xf32>, vector<16xi1>
          %broadcast_in_dim3A_2089 = arith.constant 41 : i32
          %broadcast_in_dim3A_2090 = vector.broadcast %broadcast_in_dim3A_2089 : i32 to vector<16xi32>
          %scatter3A_2091 = arith.constant 0 : i32
          %scatter3A_2092 = arith.constant 0 : i32
          %scatter3A_2093 = arith.constant 0 : i32
          %scatter3A_2094 = tpu.memref_slice %arg6[%scatter3A_2091, %scatter3A_2092, %scatter3A_2093] : memref<2x640x64xf32, #tpu.memory_space<vmem>> -> memref<1x640x64xf32, #tpu.memory_space<vmem>>
          %scatter3A_2095 = tpu.memref_squeeze %scatter3A_2094 : memref<1x640x64xf32, #tpu.memory_space<vmem>> -> memref<640x64xf32, #tpu.memory_space<vmem>>
          tpu.vector_store_idx %scatter3A_2095[%add3A_1802, %broadcast_in_dim3A_2090], %broadcast_in_dim3A_19 masked %eq3A_1794 : memref<640x64xf32, #tpu.memory_space<vmem>>[vector<16xi32>, vector<16xi32>], vector<16xf32>, vector<16xi1>
          %broadcast_in_dim3A_2096 = arith.constant 42 : i32
          %broadcast_in_dim3A_2097 = vector.broadcast %broadcast_in_dim3A_2096 : i32 to vector<16xi32>
          %scatter3A_2098 = arith.constant 0 : i32
          %scatter3A_2099 = arith.constant 0 : i32
          %scatter3A_2100 = arith.constant 0 : i32
          %scatter3A_2101 = tpu.memref_slice %arg6[%scatter3A_2098, %scatter3A_2099, %scatter3A_2100] : memref<2x640x64xf32, #tpu.memory_space<vmem>> -> memref<1x640x64xf32, #tpu.memory_space<vmem>>
          %scatter3A_2102 = tpu.memref_squeeze %scatter3A_2101 : memref<1x640x64xf32, #tpu.memory_space<vmem>> -> memref<640x64xf32, #tpu.memory_space<vmem>>
          tpu.vector_store_idx %scatter3A_2102[%add3A_1802, %broadcast_in_dim3A_2097], %broadcast_in_dim3A_19 masked %eq3A_1794 : memref<640x64xf32, #tpu.memory_space<vmem>>[vector<16xi32>, vector<16xi32>], vector<16xf32>, vector<16xi1>
          %broadcast_in_dim3A_2103 = arith.constant 43 : i32
          %broadcast_in_dim3A_2104 = vector.broadcast %broadcast_in_dim3A_2103 : i32 to vector<16xi32>
          %scatter3A_2105 = arith.constant 0 : i32
          %scatter3A_2106 = arith.constant 0 : i32
          %scatter3A_2107 = arith.constant 0 : i32
          %scatter3A_2108 = tpu.memref_slice %arg6[%scatter3A_2105, %scatter3A_2106, %scatter3A_2107] : memref<2x640x64xf32, #tpu.memory_space<vmem>> -> memref<1x640x64xf32, #tpu.memory_space<vmem>>
          %scatter3A_2109 = tpu.memref_squeeze %scatter3A_2108 : memref<1x640x64xf32, #tpu.memory_space<vmem>> -> memref<640x64xf32, #tpu.memory_space<vmem>>
          tpu.vector_store_idx %scatter3A_2109[%add3A_1802, %broadcast_in_dim3A_2104], %broadcast_in_dim3A_19 masked %eq3A_1794 : memref<640x64xf32, #tpu.memory_space<vmem>>[vector<16xi32>, vector<16xi32>], vector<16xf32>, vector<16xi1>
          %broadcast_in_dim3A_2110 = arith.constant 44 : i32
          %broadcast_in_dim3A_2111 = vector.broadcast %broadcast_in_dim3A_2110 : i32 to vector<16xi32>
          %scatter3A_2112 = arith.constant 0 : i32
          %scatter3A_2113 = arith.constant 0 : i32
          %scatter3A_2114 = arith.constant 0 : i32
          %scatter3A_2115 = tpu.memref_slice %arg6[%scatter3A_2112, %scatter3A_2113, %scatter3A_2114] : memref<2x640x64xf32, #tpu.memory_space<vmem>> -> memref<1x640x64xf32, #tpu.memory_space<vmem>>
          %scatter3A_2116 = tpu.memref_squeeze %scatter3A_2115 : memref<1x640x64xf32, #tpu.memory_space<vmem>> -> memref<640x64xf32, #tpu.memory_space<vmem>>
          tpu.vector_store_idx %scatter3A_2116[%add3A_1802, %broadcast_in_dim3A_2111], %broadcast_in_dim3A_19 masked %eq3A_1794 : memref<640x64xf32, #tpu.memory_space<vmem>>[vector<16xi32>, vector<16xi32>], vector<16xf32>, vector<16xi1>
          %broadcast_in_dim3A_2117 = arith.constant 45 : i32
          %broadcast_in_dim3A_2118 = vector.broadcast %broadcast_in_dim3A_2117 : i32 to vector<16xi32>
          %scatter3A_2119 = arith.constant 0 : i32
          %scatter3A_2120 = arith.constant 0 : i32
          %scatter3A_2121 = arith.constant 0 : i32
          %scatter3A_2122 = tpu.memref_slice %arg6[%scatter3A_2119, %scatter3A_2120, %scatter3A_2121] : memref<2x640x64xf32, #tpu.memory_space<vmem>> -> memref<1x640x64xf32, #tpu.memory_space<vmem>>
          %scatter3A_2123 = tpu.memref_squeeze %scatter3A_2122 : memref<1x640x64xf32, #tpu.memory_space<vmem>> -> memref<640x64xf32, #tpu.memory_space<vmem>>
          tpu.vector_store_idx %scatter3A_2123[%add3A_1802, %broadcast_in_dim3A_2118], %broadcast_in_dim3A_19 masked %eq3A_1794 : memref<640x64xf32, #tpu.memory_space<vmem>>[vector<16xi32>, vector<16xi32>], vector<16xf32>, vector<16xi1>
          %broadcast_in_dim3A_2124 = arith.constant 46 : i32
          %broadcast_in_dim3A_2125 = vector.broadcast %broadcast_in_dim3A_2124 : i32 to vector<16xi32>
          %scatter3A_2126 = arith.constant 0 : i32
          %scatter3A_2127 = arith.constant 0 : i32
          %scatter3A_2128 = arith.constant 0 : i32
          %scatter3A_2129 = tpu.memref_slice %arg6[%scatter3A_2126, %scatter3A_2127, %scatter3A_2128] : memref<2x640x64xf32, #tpu.memory_space<vmem>> -> memref<1x640x64xf32, #tpu.memory_space<vmem>>
          %scatter3A_2130 = tpu.memref_squeeze %scatter3A_2129 : memref<1x640x64xf32, #tpu.memory_space<vmem>> -> memref<640x64xf32, #tpu.memory_space<vmem>>
          tpu.vector_store_idx %scatter3A_2130[%add3A_1802, %broadcast_in_dim3A_2125], %broadcast_in_dim3A_19 masked %eq3A_1794 : memref<640x64xf32, #tpu.memory_space<vmem>>[vector<16xi32>, vector<16xi32>], vector<16xf32>, vector<16xi1>
          %broadcast_in_dim3A_2131 = arith.constant 47 : i32
          %broadcast_in_dim3A_2132 = vector.broadcast %broadcast_in_dim3A_2131 : i32 to vector<16xi32>
          %scatter3A_2133 = arith.constant 0 : i32
          %scatter3A_2134 = arith.constant 0 : i32
          %scatter3A_2135 = arith.constant 0 : i32
          %scatter3A_2136 = tpu.memref_slice %arg6[%scatter3A_2133, %scatter3A_2134, %scatter3A_2135] : memref<2x640x64xf32, #tpu.memory_space<vmem>> -> memref<1x640x64xf32, #tpu.memory_space<vmem>>
          %scatter3A_2137 = tpu.memref_squeeze %scatter3A_2136 : memref<1x640x64xf32, #tpu.memory_space<vmem>> -> memref<640x64xf32, #tpu.memory_space<vmem>>
          tpu.vector_store_idx %scatter3A_2137[%add3A_1802, %broadcast_in_dim3A_2132], %broadcast_in_dim3A_19 masked %eq3A_1794 : memref<640x64xf32, #tpu.memory_space<vmem>>[vector<16xi32>, vector<16xi32>], vector<16xf32>, vector<16xi1>
          %broadcast_in_dim3A_2138 = arith.constant 48 : i32
          %broadcast_in_dim3A_2139 = vector.broadcast %broadcast_in_dim3A_2138 : i32 to vector<16xi32>
          %scatter3A_2140 = arith.constant 0 : i32
          %scatter3A_2141 = arith.constant 0 : i32
          %scatter3A_2142 = arith.constant 0 : i32
          %scatter3A_2143 = tpu.memref_slice %arg6[%scatter3A_2140, %scatter3A_2141, %scatter3A_2142] : memref<2x640x64xf32, #tpu.memory_space<vmem>> -> memref<1x640x64xf32, #tpu.memory_space<vmem>>
          %scatter3A_2144 = tpu.memref_squeeze %scatter3A_2143 : memref<1x640x64xf32, #tpu.memory_space<vmem>> -> memref<640x64xf32, #tpu.memory_space<vmem>>
          tpu.vector_store_idx %scatter3A_2144[%add3A_1802, %broadcast_in_dim3A_2139], %broadcast_in_dim3A_19 masked %eq3A_1794 : memref<640x64xf32, #tpu.memory_space<vmem>>[vector<16xi32>, vector<16xi32>], vector<16xf32>, vector<16xi1>
          %broadcast_in_dim3A_2145 = arith.constant 49 : i32
          %broadcast_in_dim3A_2146 = vector.broadcast %broadcast_in_dim3A_2145 : i32 to vector<16xi32>
          %scatter3A_2147 = arith.constant 0 : i32
          %scatter3A_2148 = arith.constant 0 : i32
          %scatter3A_2149 = arith.constant 0 : i32
          %scatter3A_2150 = tpu.memref_slice %arg6[%scatter3A_2147, %scatter3A_2148, %scatter3A_2149] : memref<2x640x64xf32, #tpu.memory_space<vmem>> -> memref<1x640x64xf32, #tpu.memory_space<vmem>>
          %scatter3A_2151 = tpu.memref_squeeze %scatter3A_2150 : memref<1x640x64xf32, #tpu.memory_space<vmem>> -> memref<640x64xf32, #tpu.memory_space<vmem>>
          tpu.vector_store_idx %scatter3A_2151[%add3A_1802, %broadcast_in_dim3A_2146], %broadcast_in_dim3A_19 masked %eq3A_1794 : memref<640x64xf32, #tpu.memory_space<vmem>>[vector<16xi32>, vector<16xi32>], vector<16xf32>, vector<16xi1>
          %broadcast_in_dim3A_2152 = arith.constant 50 : i32
          %broadcast_in_dim3A_2153 = vector.broadcast %broadcast_in_dim3A_2152 : i32 to vector<16xi32>
          %scatter3A_2154 = arith.constant 0 : i32
          %scatter3A_2155 = arith.constant 0 : i32
          %scatter3A_2156 = arith.constant 0 : i32
          %scatter3A_2157 = tpu.memref_slice %arg6[%scatter3A_2154, %scatter3A_2155, %scatter3A_2156] : memref<2x640x64xf32, #tpu.memory_space<vmem>> -> memref<1x640x64xf32, #tpu.memory_space<vmem>>
          %scatter3A_2158 = tpu.memref_squeeze %scatter3A_2157 : memref<1x640x64xf32, #tpu.memory_space<vmem>> -> memref<640x64xf32, #tpu.memory_space<vmem>>
          tpu.vector_store_idx %scatter3A_2158[%add3A_1802, %broadcast_in_dim3A_2153], %broadcast_in_dim3A_19 masked %eq3A_1794 : memref<640x64xf32, #tpu.memory_space<vmem>>[vector<16xi32>, vector<16xi32>], vector<16xf32>, vector<16xi1>
          %broadcast_in_dim3A_2159 = arith.constant 51 : i32
          %broadcast_in_dim3A_2160 = vector.broadcast %broadcast_in_dim3A_2159 : i32 to vector<16xi32>
          %scatter3A_2161 = arith.constant 0 : i32
          %scatter3A_2162 = arith.constant 0 : i32
          %scatter3A_2163 = arith.constant 0 : i32
          %scatter3A_2164 = tpu.memref_slice %arg6[%scatter3A_2161, %scatter3A_2162, %scatter3A_2163] : memref<2x640x64xf32, #tpu.memory_space<vmem>> -> memref<1x640x64xf32, #tpu.memory_space<vmem>>
          %scatter3A_2165 = tpu.memref_squeeze %scatter3A_2164 : memref<1x640x64xf32, #tpu.memory_space<vmem>> -> memref<640x64xf32, #tpu.memory_space<vmem>>
          tpu.vector_store_idx %scatter3A_2165[%add3A_1802, %broadcast_in_dim3A_2160], %broadcast_in_dim3A_19 masked %eq3A_1794 : memref<640x64xf32, #tpu.memory_space<vmem>>[vector<16xi32>, vector<16xi32>], vector<16xf32>, vector<16xi1>
          %broadcast_in_dim3A_2166 = arith.constant 52 : i32
          %broadcast_in_dim3A_2167 = vector.broadcast %broadcast_in_dim3A_2166 : i32 to vector<16xi32>
          %scatter3A_2168 = arith.constant 0 : i32
          %scatter3A_2169 = arith.constant 0 : i32
          %scatter3A_2170 = arith.constant 0 : i32
          %scatter3A_2171 = tpu.memref_slice %arg6[%scatter3A_2168, %scatter3A_2169, %scatter3A_2170] : memref<2x640x64xf32, #tpu.memory_space<vmem>> -> memref<1x640x64xf32, #tpu.memory_space<vmem>>
          %scatter3A_2172 = tpu.memref_squeeze %scatter3A_2171 : memref<1x640x64xf32, #tpu.memory_space<vmem>> -> memref<640x64xf32, #tpu.memory_space<vmem>>
          tpu.vector_store_idx %scatter3A_2172[%add3A_1802, %broadcast_in_dim3A_2167], %broadcast_in_dim3A_19 masked %eq3A_1794 : memref<640x64xf32, #tpu.memory_space<vmem>>[vector<16xi32>, vector<16xi32>], vector<16xf32>, vector<16xi1>
          %broadcast_in_dim3A_2173 = arith.constant 53 : i32
          %broadcast_in_dim3A_2174 = vector.broadcast %broadcast_in_dim3A_2173 : i32 to vector<16xi32>
          %scatter3A_2175 = arith.constant 0 : i32
          %scatter3A_2176 = arith.constant 0 : i32
          %scatter3A_2177 = arith.constant 0 : i32
          %scatter3A_2178 = tpu.memref_slice %arg6[%scatter3A_2175, %scatter3A_2176, %scatter3A_2177] : memref<2x640x64xf32, #tpu.memory_space<vmem>> -> memref<1x640x64xf32, #tpu.memory_space<vmem>>
          %scatter3A_2179 = tpu.memref_squeeze %scatter3A_2178 : memref<1x640x64xf32, #tpu.memory_space<vmem>> -> memref<640x64xf32, #tpu.memory_space<vmem>>
          tpu.vector_store_idx %scatter3A_2179[%add3A_1802, %broadcast_in_dim3A_2174], %broadcast_in_dim3A_19 masked %eq3A_1794 : memref<640x64xf32, #tpu.memory_space<vmem>>[vector<16xi32>, vector<16xi32>], vector<16xf32>, vector<16xi1>
          %broadcast_in_dim3A_2180 = arith.constant 54 : i32
          %broadcast_in_dim3A_2181 = vector.broadcast %broadcast_in_dim3A_2180 : i32 to vector<16xi32>
          %scatter3A_2182 = arith.constant 0 : i32
          %scatter3A_2183 = arith.constant 0 : i32
          %scatter3A_2184 = arith.constant 0 : i32
          %scatter3A_2185 = tpu.memref_slice %arg6[%scatter3A_2182, %scatter3A_2183, %scatter3A_2184] : memref<2x640x64xf32, #tpu.memory_space<vmem>> -> memref<1x640x64xf32, #tpu.memory_space<vmem>>
          %scatter3A_2186 = tpu.memref_squeeze %scatter3A_2185 : memref<1x640x64xf32, #tpu.memory_space<vmem>> -> memref<640x64xf32, #tpu.memory_space<vmem>>
          tpu.vector_store_idx %scatter3A_2186[%add3A_1802, %broadcast_in_dim3A_2181], %broadcast_in_dim3A_19 masked %eq3A_1794 : memref<640x64xf32, #tpu.memory_space<vmem>>[vector<16xi32>, vector<16xi32>], vector<16xf32>, vector<16xi1>
          %broadcast_in_dim3A_2187 = arith.constant 55 : i32
          %broadcast_in_dim3A_2188 = vector.broadcast %broadcast_in_dim3A_2187 : i32 to vector<16xi32>
          %scatter3A_2189 = arith.constant 0 : i32
          %scatter3A_2190 = arith.constant 0 : i32
          %scatter3A_2191 = arith.constant 0 : i32
          %scatter3A_2192 = tpu.memref_slice %arg6[%scatter3A_2189, %scatter3A_2190, %scatter3A_2191] : memref<2x640x64xf32, #tpu.memory_space<vmem>> -> memref<1x640x64xf32, #tpu.memory_space<vmem>>
          %scatter3A_2193 = tpu.memref_squeeze %scatter3A_2192 : memref<1x640x64xf32, #tpu.memory_space<vmem>> -> memref<640x64xf32, #tpu.memory_space<vmem>>
          tpu.vector_store_idx %scatter3A_2193[%add3A_1802, %broadcast_in_dim3A_2188], %broadcast_in_dim3A_19 masked %eq3A_1794 : memref<640x64xf32, #tpu.memory_space<vmem>>[vector<16xi32>, vector<16xi32>], vector<16xf32>, vector<16xi1>
          %broadcast_in_dim3A_2194 = arith.constant 56 : i32
          %broadcast_in_dim3A_2195 = vector.broadcast %broadcast_in_dim3A_2194 : i32 to vector<16xi32>
          %scatter3A_2196 = arith.constant 0 : i32
          %scatter3A_2197 = arith.constant 0 : i32
          %scatter3A_2198 = arith.constant 0 : i32
          %scatter3A_2199 = tpu.memref_slice %arg6[%scatter3A_2196, %scatter3A_2197, %scatter3A_2198] : memref<2x640x64xf32, #tpu.memory_space<vmem>> -> memref<1x640x64xf32, #tpu.memory_space<vmem>>
          %scatter3A_2200 = tpu.memref_squeeze %scatter3A_2199 : memref<1x640x64xf32, #tpu.memory_space<vmem>> -> memref<640x64xf32, #tpu.memory_space<vmem>>
          tpu.vector_store_idx %scatter3A_2200[%add3A_1802, %broadcast_in_dim3A_2195], %broadcast_in_dim3A_19 masked %eq3A_1794 : memref<640x64xf32, #tpu.memory_space<vmem>>[vector<16xi32>, vector<16xi32>], vector<16xf32>, vector<16xi1>
          %broadcast_in_dim3A_2201 = arith.constant 57 : i32
          %broadcast_in_dim3A_2202 = vector.broadcast %broadcast_in_dim3A_2201 : i32 to vector<16xi32>
          %scatter3A_2203 = arith.constant 0 : i32
          %scatter3A_2204 = arith.constant 0 : i32
          %scatter3A_2205 = arith.constant 0 : i32
          %scatter3A_2206 = tpu.memref_slice %arg6[%scatter3A_2203, %scatter3A_2204, %scatter3A_2205] : memref<2x640x64xf32, #tpu.memory_space<vmem>> -> memref<1x640x64xf32, #tpu.memory_space<vmem>>
          %scatter3A_2207 = tpu.memref_squeeze %scatter3A_2206 : memref<1x640x64xf32, #tpu.memory_space<vmem>> -> memref<640x64xf32, #tpu.memory_space<vmem>>
          tpu.vector_store_idx %scatter3A_2207[%add3A_1802, %broadcast_in_dim3A_2202], %broadcast_in_dim3A_19 masked %eq3A_1794 : memref<640x64xf32, #tpu.memory_space<vmem>>[vector<16xi32>, vector<16xi32>], vector<16xf32>, vector<16xi1>
          %broadcast_in_dim3A_2208 = arith.constant 58 : i32
          %broadcast_in_dim3A_2209 = vector.broadcast %broadcast_in_dim3A_2208 : i32 to vector<16xi32>
          %scatter3A_2210 = arith.constant 0 : i32
          %scatter3A_2211 = arith.constant 0 : i32
          %scatter3A_2212 = arith.constant 0 : i32
          %scatter3A_2213 = tpu.memref_slice %arg6[%scatter3A_2210, %scatter3A_2211, %scatter3A_2212] : memref<2x640x64xf32, #tpu.memory_space<vmem>> -> memref<1x640x64xf32, #tpu.memory_space<vmem>>
          %scatter3A_2214 = tpu.memref_squeeze %scatter3A_2213 : memref<1x640x64xf32, #tpu.memory_space<vmem>> -> memref<640x64xf32, #tpu.memory_space<vmem>>
          tpu.vector_store_idx %scatter3A_2214[%add3A_1802, %broadcast_in_dim3A_2209], %broadcast_in_dim3A_19 masked %eq3A_1794 : memref<640x64xf32, #tpu.memory_space<vmem>>[vector<16xi32>, vector<16xi32>], vector<16xf32>, vector<16xi1>
          %broadcast_in_dim3A_2215 = arith.constant 59 : i32
          %broadcast_in_dim3A_2216 = vector.broadcast %broadcast_in_dim3A_2215 : i32 to vector<16xi32>
          %scatter3A_2217 = arith.constant 0 : i32
          %scatter3A_2218 = arith.constant 0 : i32
          %scatter3A_2219 = arith.constant 0 : i32
          %scatter3A_2220 = tpu.memref_slice %arg6[%scatter3A_2217, %scatter3A_2218, %scatter3A_2219] : memref<2x640x64xf32, #tpu.memory_space<vmem>> -> memref<1x640x64xf32, #tpu.memory_space<vmem>>
          %scatter3A_2221 = tpu.memref_squeeze %scatter3A_2220 : memref<1x640x64xf32, #tpu.memory_space<vmem>> -> memref<640x64xf32, #tpu.memory_space<vmem>>
          tpu.vector_store_idx %scatter3A_2221[%add3A_1802, %broadcast_in_dim3A_2216], %broadcast_in_dim3A_19 masked %eq3A_1794 : memref<640x64xf32, #tpu.memory_space<vmem>>[vector<16xi32>, vector<16xi32>], vector<16xf32>, vector<16xi1>
          %broadcast_in_dim3A_2222 = arith.constant 60 : i32
          %broadcast_in_dim3A_2223 = vector.broadcast %broadcast_in_dim3A_2222 : i32 to vector<16xi32>
          %scatter3A_2224 = arith.constant 0 : i32
          %scatter3A_2225 = arith.constant 0 : i32
          %scatter3A_2226 = arith.constant 0 : i32
          %scatter3A_2227 = tpu.memref_slice %arg6[%scatter3A_2224, %scatter3A_2225, %scatter3A_2226] : memref<2x640x64xf32, #tpu.memory_space<vmem>> -> memref<1x640x64xf32, #tpu.memory_space<vmem>>
          %scatter3A_2228 = tpu.memref_squeeze %scatter3A_2227 : memref<1x640x64xf32, #tpu.memory_space<vmem>> -> memref<640x64xf32, #tpu.memory_space<vmem>>
          tpu.vector_store_idx %scatter3A_2228[%add3A_1802, %broadcast_in_dim3A_2223], %broadcast_in_dim3A_19 masked %eq3A_1794 : memref<640x64xf32, #tpu.memory_space<vmem>>[vector<16xi32>, vector<16xi32>], vector<16xf32>, vector<16xi1>
          %broadcast_in_dim3A_2229 = arith.constant 61 : i32
          %broadcast_in_dim3A_2230 = vector.broadcast %broadcast_in_dim3A_2229 : i32 to vector<16xi32>
          %scatter3A_2231 = arith.constant 0 : i32
          %scatter3A_2232 = arith.constant 0 : i32
          %scatter3A_2233 = arith.constant 0 : i32
          %scatter3A_2234 = tpu.memref_slice %arg6[%scatter3A_2231, %scatter3A_2232, %scatter3A_2233] : memref<2x640x64xf32, #tpu.memory_space<vmem>> -> memref<1x640x64xf32, #tpu.memory_space<vmem>>
          %scatter3A_2235 = tpu.memref_squeeze %scatter3A_2234 : memref<1x640x64xf32, #tpu.memory_space<vmem>> -> memref<640x64xf32, #tpu.memory_space<vmem>>
          tpu.vector_store_idx %scatter3A_2235[%add3A_1802, %broadcast_in_dim3A_2230], %broadcast_in_dim3A_19 masked %eq3A_1794 : memref<640x64xf32, #tpu.memory_space<vmem>>[vector<16xi32>, vector<16xi32>], vector<16xf32>, vector<16xi1>
          %broadcast_in_dim3A_2236 = arith.constant 62 : i32
          %broadcast_in_dim3A_2237 = vector.broadcast %broadcast_in_dim3A_2236 : i32 to vector<16xi32>
          %scatter3A_2238 = arith.constant 0 : i32
          %scatter3A_2239 = arith.constant 0 : i32
          %scatter3A_2240 = arith.constant 0 : i32
          %scatter3A_2241 = tpu.memref_slice %arg6[%scatter3A_2238, %scatter3A_2239, %scatter3A_2240] : memref<2x640x64xf32, #tpu.memory_space<vmem>> -> memref<1x640x64xf32, #tpu.memory_space<vmem>>
          %scatter3A_2242 = tpu.memref_squeeze %scatter3A_2241 : memref<1x640x64xf32, #tpu.memory_space<vmem>> -> memref<640x64xf32, #tpu.memory_space<vmem>>
          tpu.vector_store_idx %scatter3A_2242[%add3A_1802, %broadcast_in_dim3A_2237], %broadcast_in_dim3A_19 masked %eq3A_1794 : memref<640x64xf32, #tpu.memory_space<vmem>>[vector<16xi32>, vector<16xi32>], vector<16xf32>, vector<16xi1>
          %broadcast_in_dim3A_2243 = arith.constant 63 : i32
          %broadcast_in_dim3A_2244 = vector.broadcast %broadcast_in_dim3A_2243 : i32 to vector<16xi32>
          %scatter3A_2245 = arith.constant 0 : i32
          %scatter3A_2246 = arith.constant 0 : i32
          %scatter3A_2247 = arith.constant 0 : i32
          %scatter3A_2248 = tpu.memref_slice %arg6[%scatter3A_2245, %scatter3A_2246, %scatter3A_2247] : memref<2x640x64xf32, #tpu.memory_space<vmem>> -> memref<1x640x64xf32, #tpu.memory_space<vmem>>
          %scatter3A_2249 = tpu.memref_squeeze %scatter3A_2248 : memref<1x640x64xf32, #tpu.memory_space<vmem>> -> memref<640x64xf32, #tpu.memory_space<vmem>>
          tpu.vector_store_idx %scatter3A_2249[%add3A_1802, %broadcast_in_dim3A_2244], %broadcast_in_dim3A_19 masked %eq3A_1794 : memref<640x64xf32, #tpu.memory_space<vmem>>[vector<16xi32>, vector<16xi32>], vector<16xf32>, vector<16xi1>
        } else {
        }
      }
      %scan3A_898 = arith.constant 40 : i32
      %mul3A_899 = arith.constant 5 : i32
      %mul3A_900 = arith.muli %mul3A_309, %mul3A_899 : i32
      %add3A_901 = arith.addi %mul3A_2, %mul3A_900 : i32
      %add3A_902 = arith.constant 0 : i32
      %add3A_903 = arith.addi %add3A_901, %add3A_902 : i32
      %jit3A_904 = arith.constant 8 : i32
      %div3A_905 = arith.divsi %add3A_903, %jit3A_904 : i32
      %sign3A_906 = arith.constant 0 : i32
      %sign3A_907 = arith.cmpi sgt, %add3A_903, %sign3A_906 : i32
      %sign3A_908 = arith.extui %sign3A_907 : i1 to i32
      %sign3A_909 = arith.constant 0 : i32
      %sign3A_910 = arith.cmpi slt, %add3A_903, %sign3A_909 : i32
      %sign3A_911 = arith.extui %sign3A_910 : i1 to i32
      %sign3A_912 = arith.subi %sign3A_908, %sign3A_911 : i32
      %sign3A_913 = arith.constant 0 : i32
      %sign3A_914 = arith.cmpi sgt, %jit3A_904, %sign3A_913 : i32
      %sign3A_915 = arith.extui %sign3A_914 : i1 to i32
      %sign3A_916 = arith.constant 0 : i32
      %sign3A_917 = arith.cmpi slt, %jit3A_904, %sign3A_916 : i32
      %sign3A_918 = arith.extui %sign3A_917 : i1 to i32
      %sign3A_919 = arith.subi %sign3A_915, %sign3A_918 : i32
      %ne3A_920 = arith.cmpi ne, %sign3A_912, %sign3A_919 : i32
      %rem3A_921 = arith.remsi %add3A_903, %jit3A_904 : i32
      %ne3A_922 = arith.constant 0 : i32
      %ne3A_923 = arith.cmpi ne, %rem3A_921, %ne3A_922 : i32
      %and3A_924 = arith.andi %ne3A_920, %ne3A_923 : i1
      %sub3A_925 = arith.constant 1 : i32
      %sub3A_926 = arith.subi %div3A_905, %sub3A_925 : i32
      %select_n3A_927 = arith.select %and3A_924, %sub3A_926, %div3A_905 : i32
      %sub3A_928 = arith.subi %select_n3A_927, %select_n3A : i32
      %jit3A_929 = arith.constant 8 : i32
      %eq3A_930 = arith.constant 0 : i32
      %eq3A_931 = arith.cmpi eq, %jit3A_929, %eq3A_930 : i32
      %jit3A_932 = arith.constant 1 : i32
      %select_n3A_933 = arith.select %eq3A_931, %jit3A_932, %jit3A_929 : i32
      %rem3A_934 = arith.remsi %add3A_903, %select_n3A_933 : i32
      %ne3A_935 = arith.constant 0 : i32
      %ne3A_936 = arith.cmpi ne, %rem3A_934, %ne3A_935 : i32
      %lt3A_937 = arith.constant 0 : i32
      %lt3A_938 = arith.cmpi slt, %rem3A_934, %lt3A_937 : i32
      %lt3A_939 = arith.constant 0 : i32
      %lt3A_940 = arith.cmpi slt, %select_n3A_933, %lt3A_939 : i32
      %ne3A_941 = arith.xori %lt3A_938, %lt3A_940 : i1
      %and3A_942 = arith.andi %ne3A_941, %ne3A_936 : i1
      %add3A_943 = arith.addi %rem3A_934, %select_n3A_933 : i32
      %select_n3A_944 = arith.select %and3A_942, %add3A_943, %rem3A_934 : i32
      %mul3A_945 = arith.constant 128 : i32
      %mul3A_946 = arith.muli %select_n3A_944, %mul3A_945 : i32
      %add3A_947 = arith.addi %sub3A_928, %select_n3A : i32
      %run_scoped3A = arith.constant 0 : i32
      "tpu.region"() ({
        %run_scoped3A_1699 = tpu.sem_alloc : memref<!tpu.dma_semaphore, #tpu.memory_space<semaphore_mem>>
        %dma_start3A_1700 = arith.constant 0 : i32
        %dma_start3A_1701 = arith.constant 0 : i32
        %dma_start3A_1702 = tpu.memref_slice %arg6[%run_scoped3A, %dma_start3A_1700, %dma_start3A_1701] : memref<2x640x64xf32, #tpu.memory_space<vmem>> -> memref<1x128x64xf32, #tpu.memory_space<vmem>>
        %dma_start3A_1703 = tpu.memref_squeeze %dma_start3A_1702 : memref<1x128x64xf32, #tpu.memory_space<vmem>> -> memref<128x64xf32, #tpu.memory_space<vmem>>
        %dma_start3A_1704 = arith.constant 0 : i32
        %dma_start3A_1705 = tpu.memref_slice %arg4[%add3A_947, %mul3A_946, %dma_start3A_1704] : memref<200x1024x64xf32, #tpu.memory_space<hbm>> -> memref<1x128x64xf32, #tpu.memory_space<hbm>>
        %dma_start3A_1706 = tpu.memref_squeeze %dma_start3A_1705 : memref<1x128x64xf32, #tpu.memory_space<hbm>> -> memref<128x64xf32, #tpu.memory_space<hbm>>
        %dma_start3A_1707 = arith.constant 0 : i32
        %dma_start3A_1708 = tpu.memref_slice %arg4[%add3A_947, %mul3A_946, %dma_start3A_1707] : memref<200x1024x64xf32, #tpu.memory_space<hbm>> -> memref<1x128x64xf32, #tpu.memory_space<hbm>>
        %dma_start3A_1709 = tpu.memref_squeeze %dma_start3A_1708 : memref<1x128x64xf32, #tpu.memory_space<hbm>> -> memref<128x64xf32, #tpu.memory_space<hbm>>
        %dma_start3A_1710 = arith.constant 0 : i32
        %dma_start3A_1711 = arith.constant 0 : i32
        %dma_start3A_1712 = tpu.memref_slice %arg6[%run_scoped3A, %dma_start3A_1710, %dma_start3A_1711] : memref<2x640x64xf32, #tpu.memory_space<vmem>> -> memref<1x128x64xf32, #tpu.memory_space<vmem>>
        %dma_start3A_1713 = tpu.memref_squeeze %dma_start3A_1712 : memref<1x128x64xf32, #tpu.memory_space<vmem>> -> memref<128x64xf32, #tpu.memory_space<vmem>>
        tpu.enqueue_dma source(%dma_start3A_1713 : memref<128x64xf32, #tpu.memory_space<vmem>>) target(%dma_start3A_1709 : memref<128x64xf32, #tpu.memory_space<hbm>>) target_semaphore(%run_scoped3A_1699 : memref<!tpu.dma_semaphore, #tpu.memory_space<semaphore_mem>>)
        %dma_wait3A_1714 = arith.constant 0 : i32
        %dma_wait3A_1715 = arith.constant 0 : i32
        %dma_wait3A_1716 = tpu.memref_slice %arg6[%run_scoped3A, %dma_wait3A_1714, %dma_wait3A_1715] : memref<2x640x64xf32, #tpu.memory_space<vmem>> -> memref<1x128x64xf32, #tpu.memory_space<vmem>>
        %dma_wait3A_1717 = tpu.memref_squeeze %dma_wait3A_1716 : memref<1x128x64xf32, #tpu.memory_space<vmem>> -> memref<128x64xf32, #tpu.memory_space<vmem>>
        %dma_wait3A_1718 = arith.constant 0 : i32
        %dma_wait3A_1719 = tpu.memref_slice %arg4[%add3A_947, %mul3A_946, %dma_wait3A_1718] : memref<200x1024x64xf32, #tpu.memory_space<hbm>> -> memref<1x128x64xf32, #tpu.memory_space<hbm>>
        %dma_wait3A_1720 = tpu.memref_squeeze %dma_wait3A_1719 : memref<1x128x64xf32, #tpu.memory_space<hbm>> -> memref<128x64xf32, #tpu.memory_space<hbm>>
        %dma_wait3A_1721 = arith.constant 0 : i32
        %dma_wait3A_1722 = tpu.memref_slice %arg4[%add3A_947, %mul3A_946, %dma_wait3A_1721] : memref<200x1024x64xf32, #tpu.memory_space<hbm>> -> memref<1x128x64xf32, #tpu.memory_space<hbm>>
        %dma_wait3A_1723 = tpu.memref_squeeze %dma_wait3A_1722 : memref<1x128x64xf32, #tpu.memory_space<hbm>> -> memref<128x64xf32, #tpu.memory_space<hbm>>
        %dma_wait3A_1724 = arith.constant 0 : i32
        %dma_wait3A_1725 = arith.constant 0 : i32
        %dma_wait3A_1726 = tpu.memref_slice %arg6[%run_scoped3A, %dma_wait3A_1724, %dma_wait3A_1725] : memref<2x640x64xf32, #tpu.memory_space<vmem>> -> memref<1x128x64xf32, #tpu.memory_space<vmem>>
        %dma_wait3A_1727 = tpu.memref_squeeze %dma_wait3A_1726 : memref<1x128x64xf32, #tpu.memory_space<vmem>> -> memref<128x64xf32, #tpu.memory_space<vmem>>
        tpu.wait_dma2 semaphore(%run_scoped3A_1699 : memref<!tpu.dma_semaphore, #tpu.memory_space<semaphore_mem>>) src(%dma_wait3A_1727 : memref<128x64xf32, #tpu.memory_space<vmem>>) dst(%dma_wait3A_1723 : memref<128x64xf32, #tpu.memory_space<hbm>>)
        tpu.yield
      }) : () -> ()
      %mul3A_948 = arith.constant 5 : i32
      %mul3A_949 = arith.muli %mul3A_309, %mul3A_948 : i32
      %add3A_950 = arith.addi %mul3A_2, %mul3A_949 : i32
      %add3A_951 = arith.constant 1 : i32
      %add3A_952 = arith.addi %add3A_950, %add3A_951 : i32
      %jit3A_953 = arith.constant 8 : i32
      %div3A_954 = arith.divsi %add3A_952, %jit3A_953 : i32
      %sign3A_955 = arith.constant 0 : i32
      %sign3A_956 = arith.cmpi sgt, %add3A_952, %sign3A_955 : i32
      %sign3A_957 = arith.extui %sign3A_956 : i1 to i32
      %sign3A_958 = arith.constant 0 : i32
      %sign3A_959 = arith.cmpi slt, %add3A_952, %sign3A_958 : i32
      %sign3A_960 = arith.extui %sign3A_959 : i1 to i32
      %sign3A_961 = arith.subi %sign3A_957, %sign3A_960 : i32
      %sign3A_962 = arith.constant 0 : i32
      %sign3A_963 = arith.cmpi sgt, %jit3A_953, %sign3A_962 : i32
      %sign3A_964 = arith.extui %sign3A_963 : i1 to i32
      %sign3A_965 = arith.constant 0 : i32
      %sign3A_966 = arith.cmpi slt, %jit3A_953, %sign3A_965 : i32
      %sign3A_967 = arith.extui %sign3A_966 : i1 to i32
      %sign3A_968 = arith.subi %sign3A_964, %sign3A_967 : i32
      %ne3A_969 = arith.cmpi ne, %sign3A_961, %sign3A_968 : i32
      %rem3A_970 = arith.remsi %add3A_952, %jit3A_953 : i32
      %ne3A_971 = arith.constant 0 : i32
      %ne3A_972 = arith.cmpi ne, %rem3A_970, %ne3A_971 : i32
      %and3A_973 = arith.andi %ne3A_969, %ne3A_972 : i1
      %sub3A_974 = arith.constant 1 : i32
      %sub3A_975 = arith.subi %div3A_954, %sub3A_974 : i32
      %select_n3A_976 = arith.select %and3A_973, %sub3A_975, %div3A_954 : i32
      %sub3A_977 = arith.subi %select_n3A_976, %select_n3A : i32
      %jit3A_978 = arith.constant 8 : i32
      %eq3A_979 = arith.constant 0 : i32
      %eq3A_980 = arith.cmpi eq, %jit3A_978, %eq3A_979 : i32
      %jit3A_981 = arith.constant 1 : i32
      %select_n3A_982 = arith.select %eq3A_980, %jit3A_981, %jit3A_978 : i32
      %rem3A_983 = arith.remsi %add3A_952, %select_n3A_982 : i32
      %ne3A_984 = arith.constant 0 : i32
      %ne3A_985 = arith.cmpi ne, %rem3A_983, %ne3A_984 : i32
      %lt3A_986 = arith.constant 0 : i32
      %lt3A_987 = arith.cmpi slt, %rem3A_983, %lt3A_986 : i32
      %lt3A_988 = arith.constant 0 : i32
      %lt3A_989 = arith.cmpi slt, %select_n3A_982, %lt3A_988 : i32
      %ne3A_990 = arith.xori %lt3A_987, %lt3A_989 : i1
      %and3A_991 = arith.andi %ne3A_990, %ne3A_985 : i1
      %add3A_992 = arith.addi %rem3A_983, %select_n3A_982 : i32
      %select_n3A_993 = arith.select %and3A_991, %add3A_992, %rem3A_983 : i32
      %mul3A_994 = arith.constant 128 : i32
      %mul3A_995 = arith.muli %select_n3A_993, %mul3A_994 : i32
      %add3A_996 = arith.addi %sub3A_977, %select_n3A : i32
      %run_scoped3A_997 = arith.constant 0 : i32
      "tpu.region"() ({
        %run_scoped3A_1699 = tpu.sem_alloc : memref<!tpu.dma_semaphore, #tpu.memory_space<semaphore_mem>>
        %dma_start3A_1700 = arith.constant 128 : i32
        %dma_start3A_1701 = arith.constant 0 : i32
        %dma_start3A_1702 = tpu.memref_slice %arg6[%run_scoped3A_997, %dma_start3A_1700, %dma_start3A_1701] : memref<2x640x64xf32, #tpu.memory_space<vmem>> -> memref<1x128x64xf32, #tpu.memory_space<vmem>>
        %dma_start3A_1703 = tpu.memref_squeeze %dma_start3A_1702 : memref<1x128x64xf32, #tpu.memory_space<vmem>> -> memref<128x64xf32, #tpu.memory_space<vmem>>
        %dma_start3A_1704 = arith.constant 0 : i32
        %dma_start3A_1705 = tpu.memref_slice %arg4[%add3A_996, %mul3A_995, %dma_start3A_1704] : memref<200x1024x64xf32, #tpu.memory_space<hbm>> -> memref<1x128x64xf32, #tpu.memory_space<hbm>>
        %dma_start3A_1706 = tpu.memref_squeeze %dma_start3A_1705 : memref<1x128x64xf32, #tpu.memory_space<hbm>> -> memref<128x64xf32, #tpu.memory_space<hbm>>
        %dma_start3A_1707 = arith.constant 0 : i32
        %dma_start3A_1708 = tpu.memref_slice %arg4[%add3A_996, %mul3A_995, %dma_start3A_1707] : memref<200x1024x64xf32, #tpu.memory_space<hbm>> -> memref<1x128x64xf32, #tpu.memory_space<hbm>>
        %dma_start3A_1709 = tpu.memref_squeeze %dma_start3A_1708 : memref<1x128x64xf32, #tpu.memory_space<hbm>> -> memref<128x64xf32, #tpu.memory_space<hbm>>
        %dma_start3A_1710 = arith.constant 128 : i32
        %dma_start3A_1711 = arith.constant 0 : i32
        %dma_start3A_1712 = tpu.memref_slice %arg6[%run_scoped3A_997, %dma_start3A_1710, %dma_start3A_1711] : memref<2x640x64xf32, #tpu.memory_space<vmem>> -> memref<1x128x64xf32, #tpu.memory_space<vmem>>
        %dma_start3A_1713 = tpu.memref_squeeze %dma_start3A_1712 : memref<1x128x64xf32, #tpu.memory_space<vmem>> -> memref<128x64xf32, #tpu.memory_space<vmem>>
        tpu.enqueue_dma source(%dma_start3A_1713 : memref<128x64xf32, #tpu.memory_space<vmem>>) target(%dma_start3A_1709 : memref<128x64xf32, #tpu.memory_space<hbm>>) target_semaphore(%run_scoped3A_1699 : memref<!tpu.dma_semaphore, #tpu.memory_space<semaphore_mem>>)
        %dma_wait3A_1714 = arith.constant 128 : i32
        %dma_wait3A_1715 = arith.constant 0 : i32
        %dma_wait3A_1716 = tpu.memref_slice %arg6[%run_scoped3A_997, %dma_wait3A_1714, %dma_wait3A_1715] : memref<2x640x64xf32, #tpu.memory_space<vmem>> -> memref<1x128x64xf32, #tpu.memory_space<vmem>>
        %dma_wait3A_1717 = tpu.memref_squeeze %dma_wait3A_1716 : memref<1x128x64xf32, #tpu.memory_space<vmem>> -> memref<128x64xf32, #tpu.memory_space<vmem>>
        %dma_wait3A_1718 = arith.constant 0 : i32
        %dma_wait3A_1719 = tpu.memref_slice %arg4[%add3A_996, %mul3A_995, %dma_wait3A_1718] : memref<200x1024x64xf32, #tpu.memory_space<hbm>> -> memref<1x128x64xf32, #tpu.memory_space<hbm>>
        %dma_wait3A_1720 = tpu.memref_squeeze %dma_wait3A_1719 : memref<1x128x64xf32, #tpu.memory_space<hbm>> -> memref<128x64xf32, #tpu.memory_space<hbm>>
        %dma_wait3A_1721 = arith.constant 0 : i32
        %dma_wait3A_1722 = tpu.memref_slice %arg4[%add3A_996, %mul3A_995, %dma_wait3A_1721] : memref<200x1024x64xf32, #tpu.memory_space<hbm>> -> memref<1x128x64xf32, #tpu.memory_space<hbm>>
        %dma_wait3A_1723 = tpu.memref_squeeze %dma_wait3A_1722 : memref<1x128x64xf32, #tpu.memory_space<hbm>> -> memref<128x64xf32, #tpu.memory_space<hbm>>
        %dma_wait3A_1724 = arith.constant 128 : i32
        %dma_wait3A_1725 = arith.constant 0 : i32
        %dma_wait3A_1726 = tpu.memref_slice %arg6[%run_scoped3A_997, %dma_wait3A_1724, %dma_wait3A_1725] : memref<2x640x64xf32, #tpu.memory_space<vmem>> -> memref<1x128x64xf32, #tpu.memory_space<vmem>>
        %dma_wait3A_1727 = tpu.memref_squeeze %dma_wait3A_1726 : memref<1x128x64xf32, #tpu.memory_space<vmem>> -> memref<128x64xf32, #tpu.memory_space<vmem>>
        tpu.wait_dma2 semaphore(%run_scoped3A_1699 : memref<!tpu.dma_semaphore, #tpu.memory_space<semaphore_mem>>) src(%dma_wait3A_1727 : memref<128x64xf32, #tpu.memory_space<vmem>>) dst(%dma_wait3A_1723 : memref<128x64xf32, #tpu.memory_space<hbm>>)
        tpu.yield
      }) : () -> ()
      %mul3A_998 = arith.constant 5 : i32
      %mul3A_999 = arith.muli %mul3A_309, %mul3A_998 : i32
      %add3A_1000 = arith.addi %mul3A_2, %mul3A_999 : i32
      %add3A_1001 = arith.constant 2 : i32
      %add3A_1002 = arith.addi %add3A_1000, %add3A_1001 : i32
      %jit3A_1003 = arith.constant 8 : i32
      %div3A_1004 = arith.divsi %add3A_1002, %jit3A_1003 : i32
      %sign3A_1005 = arith.constant 0 : i32
      %sign3A_1006 = arith.cmpi sgt, %add3A_1002, %sign3A_1005 : i32
      %sign3A_1007 = arith.extui %sign3A_1006 : i1 to i32
      %sign3A_1008 = arith.constant 0 : i32
      %sign3A_1009 = arith.cmpi slt, %add3A_1002, %sign3A_1008 : i32
      %sign3A_1010 = arith.extui %sign3A_1009 : i1 to i32
      %sign3A_1011 = arith.subi %sign3A_1007, %sign3A_1010 : i32
      %sign3A_1012 = arith.constant 0 : i32
      %sign3A_1013 = arith.cmpi sgt, %jit3A_1003, %sign3A_1012 : i32
      %sign3A_1014 = arith.extui %sign3A_1013 : i1 to i32
      %sign3A_1015 = arith.constant 0 : i32
      %sign3A_1016 = arith.cmpi slt, %jit3A_1003, %sign3A_1015 : i32
      %sign3A_1017 = arith.extui %sign3A_1016 : i1 to i32
      %sign3A_1018 = arith.subi %sign3A_1014, %sign3A_1017 : i32
      %ne3A_1019 = arith.cmpi ne, %sign3A_1011, %sign3A_1018 : i32
      %rem3A_1020 = arith.remsi %add3A_1002, %jit3A_1003 : i32
      %ne3A_1021 = arith.constant 0 : i32
      %ne3A_1022 = arith.cmpi ne, %rem3A_1020, %ne3A_1021 : i32
      %and3A_1023 = arith.andi %ne3A_1019, %ne3A_1022 : i1
      %sub3A_1024 = arith.constant 1 : i32
      %sub3A_1025 = arith.subi %div3A_1004, %sub3A_1024 : i32
      %select_n3A_1026 = arith.select %and3A_1023, %sub3A_1025, %div3A_1004 : i32
      %sub3A_1027 = arith.subi %select_n3A_1026, %select_n3A : i32
      %jit3A_1028 = arith.constant 8 : i32
      %eq3A_1029 = arith.constant 0 : i32
      %eq3A_1030 = arith.cmpi eq, %jit3A_1028, %eq3A_1029 : i32
      %jit3A_1031 = arith.constant 1 : i32
      %select_n3A_1032 = arith.select %eq3A_1030, %jit3A_1031, %jit3A_1028 : i32
      %rem3A_1033 = arith.remsi %add3A_1002, %select_n3A_1032 : i32
      %ne3A_1034 = arith.constant 0 : i32
      %ne3A_1035 = arith.cmpi ne, %rem3A_1033, %ne3A_1034 : i32
      %lt3A_1036 = arith.constant 0 : i32
      %lt3A_1037 = arith.cmpi slt, %rem3A_1033, %lt3A_1036 : i32
      %lt3A_1038 = arith.constant 0 : i32
      %lt3A_1039 = arith.cmpi slt, %select_n3A_1032, %lt3A_1038 : i32
      %ne3A_1040 = arith.xori %lt3A_1037, %lt3A_1039 : i1
      %and3A_1041 = arith.andi %ne3A_1040, %ne3A_1035 : i1
      %add3A_1042 = arith.addi %rem3A_1033, %select_n3A_1032 : i32
      %select_n3A_1043 = arith.select %and3A_1041, %add3A_1042, %rem3A_1033 : i32
      %mul3A_1044 = arith.constant 128 : i32
      %mul3A_1045 = arith.muli %select_n3A_1043, %mul3A_1044 : i32
      %add3A_1046 = arith.addi %sub3A_1027, %select_n3A : i32
      %run_scoped3A_1047 = arith.constant 0 : i32
      "tpu.region"() ({
        %run_scoped3A_1699 = tpu.sem_alloc : memref<!tpu.dma_semaphore, #tpu.memory_space<semaphore_mem>>
        %dma_start3A_1700 = arith.constant 256 : i32
        %dma_start3A_1701 = arith.constant 0 : i32
        %dma_start3A_1702 = tpu.memref_slice %arg6[%run_scoped3A_1047, %dma_start3A_1700, %dma_start3A_1701] : memref<2x640x64xf32, #tpu.memory_space<vmem>> -> memref<1x128x64xf32, #tpu.memory_space<vmem>>
        %dma_start3A_1703 = tpu.memref_squeeze %dma_start3A_1702 : memref<1x128x64xf32, #tpu.memory_space<vmem>> -> memref<128x64xf32, #tpu.memory_space<vmem>>
        %dma_start3A_1704 = arith.constant 0 : i32
        %dma_start3A_1705 = tpu.memref_slice %arg4[%add3A_1046, %mul3A_1045, %dma_start3A_1704] : memref<200x1024x64xf32, #tpu.memory_space<hbm>> -> memref<1x128x64xf32, #tpu.memory_space<hbm>>
        %dma_start3A_1706 = tpu.memref_squeeze %dma_start3A_1705 : memref<1x128x64xf32, #tpu.memory_space<hbm>> -> memref<128x64xf32, #tpu.memory_space<hbm>>
        %dma_start3A_1707 = arith.constant 0 : i32
        %dma_start3A_1708 = tpu.memref_slice %arg4[%add3A_1046, %mul3A_1045, %dma_start3A_1707] : memref<200x1024x64xf32, #tpu.memory_space<hbm>> -> memref<1x128x64xf32, #tpu.memory_space<hbm>>
        %dma_start3A_1709 = tpu.memref_squeeze %dma_start3A_1708 : memref<1x128x64xf32, #tpu.memory_space<hbm>> -> memref<128x64xf32, #tpu.memory_space<hbm>>
        %dma_start3A_1710 = arith.constant 256 : i32
        %dma_start3A_1711 = arith.constant 0 : i32
        %dma_start3A_1712 = tpu.memref_slice %arg6[%run_scoped3A_1047, %dma_start3A_1710, %dma_start3A_1711] : memref<2x640x64xf32, #tpu.memory_space<vmem>> -> memref<1x128x64xf32, #tpu.memory_space<vmem>>
        %dma_start3A_1713 = tpu.memref_squeeze %dma_start3A_1712 : memref<1x128x64xf32, #tpu.memory_space<vmem>> -> memref<128x64xf32, #tpu.memory_space<vmem>>
        tpu.enqueue_dma source(%dma_start3A_1713 : memref<128x64xf32, #tpu.memory_space<vmem>>) target(%dma_start3A_1709 : memref<128x64xf32, #tpu.memory_space<hbm>>) target_semaphore(%run_scoped3A_1699 : memref<!tpu.dma_semaphore, #tpu.memory_space<semaphore_mem>>)
        %dma_wait3A_1714 = arith.constant 256 : i32
        %dma_wait3A_1715 = arith.constant 0 : i32
        %dma_wait3A_1716 = tpu.memref_slice %arg6[%run_scoped3A_1047, %dma_wait3A_1714, %dma_wait3A_1715] : memref<2x640x64xf32, #tpu.memory_space<vmem>> -> memref<1x128x64xf32, #tpu.memory_space<vmem>>
        %dma_wait3A_1717 = tpu.memref_squeeze %dma_wait3A_1716 : memref<1x128x64xf32, #tpu.memory_space<vmem>> -> memref<128x64xf32, #tpu.memory_space<vmem>>
        %dma_wait3A_1718 = arith.constant 0 : i32
        %dma_wait3A_1719 = tpu.memref_slice %arg4[%add3A_1046, %mul3A_1045, %dma_wait3A_1718] : memref<200x1024x64xf32, #tpu.memory_space<hbm>> -> memref<1x128x64xf32, #tpu.memory_space<hbm>>
        %dma_wait3A_1720 = tpu.memref_squeeze %dma_wait3A_1719 : memref<1x128x64xf32, #tpu.memory_space<hbm>> -> memref<128x64xf32, #tpu.memory_space<hbm>>
        %dma_wait3A_1721 = arith.constant 0 : i32
        %dma_wait3A_1722 = tpu.memref_slice %arg4[%add3A_1046, %mul3A_1045, %dma_wait3A_1721] : memref<200x1024x64xf32, #tpu.memory_space<hbm>> -> memref<1x128x64xf32, #tpu.memory_space<hbm>>
        %dma_wait3A_1723 = tpu.memref_squeeze %dma_wait3A_1722 : memref<1x128x64xf32, #tpu.memory_space<hbm>> -> memref<128x64xf32, #tpu.memory_space<hbm>>
        %dma_wait3A_1724 = arith.constant 256 : i32
        %dma_wait3A_1725 = arith.constant 0 : i32
        %dma_wait3A_1726 = tpu.memref_slice %arg6[%run_scoped3A_1047, %dma_wait3A_1724, %dma_wait3A_1725] : memref<2x640x64xf32, #tpu.memory_space<vmem>> -> memref<1x128x64xf32, #tpu.memory_space<vmem>>
        %dma_wait3A_1727 = tpu.memref_squeeze %dma_wait3A_1726 : memref<1x128x64xf32, #tpu.memory_space<vmem>> -> memref<128x64xf32, #tpu.memory_space<vmem>>
        tpu.wait_dma2 semaphore(%run_scoped3A_1699 : memref<!tpu.dma_semaphore, #tpu.memory_space<semaphore_mem>>) src(%dma_wait3A_1727 : memref<128x64xf32, #tpu.memory_space<vmem>>) dst(%dma_wait3A_1723 : memref<128x64xf32, #tpu.memory_space<hbm>>)
        tpu.yield
      }) : () -> ()
      %mul3A_1048 = arith.constant 5 : i32
      %mul3A_1049 = arith.muli %mul3A_309, %mul3A_1048 : i32
      %add3A_1050 = arith.addi %mul3A_2, %mul3A_1049 : i32
      %add3A_1051 = arith.constant 3 : i32
      %add3A_1052 = arith.addi %add3A_1050, %add3A_1051 : i32
      %jit3A_1053 = arith.constant 8 : i32
      %div3A_1054 = arith.divsi %add3A_1052, %jit3A_1053 : i32
      %sign3A_1055 = arith.constant 0 : i32
      %sign3A_1056 = arith.cmpi sgt, %add3A_1052, %sign3A_1055 : i32
      %sign3A_1057 = arith.extui %sign3A_1056 : i1 to i32
      %sign3A_1058 = arith.constant 0 : i32
      %sign3A_1059 = arith.cmpi slt, %add3A_1052, %sign3A_1058 : i32
      %sign3A_1060 = arith.extui %sign3A_1059 : i1 to i32
      %sign3A_1061 = arith.subi %sign3A_1057, %sign3A_1060 : i32
      %sign3A_1062 = arith.constant 0 : i32
      %sign3A_1063 = arith.cmpi sgt, %jit3A_1053, %sign3A_1062 : i32
      %sign3A_1064 = arith.extui %sign3A_1063 : i1 to i32
      %sign3A_1065 = arith.constant 0 : i32
      %sign3A_1066 = arith.cmpi slt, %jit3A_1053, %sign3A_1065 : i32
      %sign3A_1067 = arith.extui %sign3A_1066 : i1 to i32
      %sign3A_1068 = arith.subi %sign3A_1064, %sign3A_1067 : i32
      %ne3A_1069 = arith.cmpi ne, %sign3A_1061, %sign3A_1068 : i32
      %rem3A_1070 = arith.remsi %add3A_1052, %jit3A_1053 : i32
      %ne3A_1071 = arith.constant 0 : i32
      %ne3A_1072 = arith.cmpi ne, %rem3A_1070, %ne3A_1071 : i32
      %and3A_1073 = arith.andi %ne3A_1069, %ne3A_1072 : i1
      %sub3A_1074 = arith.constant 1 : i32
      %sub3A_1075 = arith.subi %div3A_1054, %sub3A_1074 : i32
      %select_n3A_1076 = arith.select %and3A_1073, %sub3A_1075, %div3A_1054 : i32
      %sub3A_1077 = arith.subi %select_n3A_1076, %select_n3A : i32
      %jit3A_1078 = arith.constant 8 : i32
      %eq3A_1079 = arith.constant 0 : i32
      %eq3A_1080 = arith.cmpi eq, %jit3A_1078, %eq3A_1079 : i32
      %jit3A_1081 = arith.constant 1 : i32
      %select_n3A_1082 = arith.select %eq3A_1080, %jit3A_1081, %jit3A_1078 : i32
      %rem3A_1083 = arith.remsi %add3A_1052, %select_n3A_1082 : i32
      %ne3A_1084 = arith.constant 0 : i32
      %ne3A_1085 = arith.cmpi ne, %rem3A_1083, %ne3A_1084 : i32
      %lt3A_1086 = arith.constant 0 : i32
      %lt3A_1087 = arith.cmpi slt, %rem3A_1083, %lt3A_1086 : i32
      %lt3A_1088 = arith.constant 0 : i32
      %lt3A_1089 = arith.cmpi slt, %select_n3A_1082, %lt3A_1088 : i32
      %ne3A_1090 = arith.xori %lt3A_1087, %lt3A_1089 : i1
      %and3A_1091 = arith.andi %ne3A_1090, %ne3A_1085 : i1
      %add3A_1092 = arith.addi %rem3A_1083, %select_n3A_1082 : i32
      %select_n3A_1093 = arith.select %and3A_1091, %add3A_1092, %rem3A_1083 : i32
      %mul3A_1094 = arith.constant 128 : i32
      %mul3A_1095 = arith.muli %select_n3A_1093, %mul3A_1094 : i32
      %add3A_1096 = arith.addi %sub3A_1077, %select_n3A : i32
      %run_scoped3A_1097 = arith.constant 0 : i32
      "tpu.region"() ({
        %run_scoped3A_1699 = tpu.sem_alloc : memref<!tpu.dma_semaphore, #tpu.memory_space<semaphore_mem>>
        %dma_start3A_1700 = arith.constant 384 : i32
        %dma_start3A_1701 = arith.constant 0 : i32
        %dma_start3A_1702 = tpu.memref_slice %arg6[%run_scoped3A_1097, %dma_start3A_1700, %dma_start3A_1701] : memref<2x640x64xf32, #tpu.memory_space<vmem>> -> memref<1x128x64xf32, #tpu.memory_space<vmem>>
        %dma_start3A_1703 = tpu.memref_squeeze %dma_start3A_1702 : memref<1x128x64xf32, #tpu.memory_space<vmem>> -> memref<128x64xf32, #tpu.memory_space<vmem>>
        %dma_start3A_1704 = arith.constant 0 : i32
        %dma_start3A_1705 = tpu.memref_slice %arg4[%add3A_1096, %mul3A_1095, %dma_start3A_1704] : memref<200x1024x64xf32, #tpu.memory_space<hbm>> -> memref<1x128x64xf32, #tpu.memory_space<hbm>>
        %dma_start3A_1706 = tpu.memref_squeeze %dma_start3A_1705 : memref<1x128x64xf32, #tpu.memory_space<hbm>> -> memref<128x64xf32, #tpu.memory_space<hbm>>
        %dma_start3A_1707 = arith.constant 0 : i32
        %dma_start3A_1708 = tpu.memref_slice %arg4[%add3A_1096, %mul3A_1095, %dma_start3A_1707] : memref<200x1024x64xf32, #tpu.memory_space<hbm>> -> memref<1x128x64xf32, #tpu.memory_space<hbm>>
        %dma_start3A_1709 = tpu.memref_squeeze %dma_start3A_1708 : memref<1x128x64xf32, #tpu.memory_space<hbm>> -> memref<128x64xf32, #tpu.memory_space<hbm>>
        %dma_start3A_1710 = arith.constant 384 : i32
        %dma_start3A_1711 = arith.constant 0 : i32
        %dma_start3A_1712 = tpu.memref_slice %arg6[%run_scoped3A_1097, %dma_start3A_1710, %dma_start3A_1711] : memref<2x640x64xf32, #tpu.memory_space<vmem>> -> memref<1x128x64xf32, #tpu.memory_space<vmem>>
        %dma_start3A_1713 = tpu.memref_squeeze %dma_start3A_1712 : memref<1x128x64xf32, #tpu.memory_space<vmem>> -> memref<128x64xf32, #tpu.memory_space<vmem>>
        tpu.enqueue_dma source(%dma_start3A_1713 : memref<128x64xf32, #tpu.memory_space<vmem>>) target(%dma_start3A_1709 : memref<128x64xf32, #tpu.memory_space<hbm>>) target_semaphore(%run_scoped3A_1699 : memref<!tpu.dma_semaphore, #tpu.memory_space<semaphore_mem>>)
        %dma_wait3A_1714 = arith.constant 384 : i32
        %dma_wait3A_1715 = arith.constant 0 : i32
        %dma_wait3A_1716 = tpu.memref_slice %arg6[%run_scoped3A_1097, %dma_wait3A_1714, %dma_wait3A_1715] : memref<2x640x64xf32, #tpu.memory_space<vmem>> -> memref<1x128x64xf32, #tpu.memory_space<vmem>>
        %dma_wait3A_1717 = tpu.memref_squeeze %dma_wait3A_1716 : memref<1x128x64xf32, #tpu.memory_space<vmem>> -> memref<128x64xf32, #tpu.memory_space<vmem>>
        %dma_wait3A_1718 = arith.constant 0 : i32
        %dma_wait3A_1719 = tpu.memref_slice %arg4[%add3A_1096, %mul3A_1095, %dma_wait3A_1718] : memref<200x1024x64xf32, #tpu.memory_space<hbm>> -> memref<1x128x64xf32, #tpu.memory_space<hbm>>
        %dma_wait3A_1720 = tpu.memref_squeeze %dma_wait3A_1719 : memref<1x128x64xf32, #tpu.memory_space<hbm>> -> memref<128x64xf32, #tpu.memory_space<hbm>>
        %dma_wait3A_1721 = arith.constant 0 : i32
        %dma_wait3A_1722 = tpu.memref_slice %arg4[%add3A_1096, %mul3A_1095, %dma_wait3A_1721] : memref<200x1024x64xf32, #tpu.memory_space<hbm>> -> memref<1x128x64xf32, #tpu.memory_space<hbm>>
        %dma_wait3A_1723 = tpu.memref_squeeze %dma_wait3A_1722 : memref<1x128x64xf32, #tpu.memory_space<hbm>> -> memref<128x64xf32, #tpu.memory_space<hbm>>
        %dma_wait3A_1724 = arith.constant 384 : i32
        %dma_wait3A_1725 = arith.constant 0 : i32
        %dma_wait3A_1726 = tpu.memref_slice %arg6[%run_scoped3A_1097, %dma_wait3A_1724, %dma_wait3A_1725] : memref<2x640x64xf32, #tpu.memory_space<vmem>> -> memref<1x128x64xf32, #tpu.memory_space<vmem>>
        %dma_wait3A_1727 = tpu.memref_squeeze %dma_wait3A_1726 : memref<1x128x64xf32, #tpu.memory_space<vmem>> -> memref<128x64xf32, #tpu.memory_space<vmem>>
        tpu.wait_dma2 semaphore(%run_scoped3A_1699 : memref<!tpu.dma_semaphore, #tpu.memory_space<semaphore_mem>>) src(%dma_wait3A_1727 : memref<128x64xf32, #tpu.memory_space<vmem>>) dst(%dma_wait3A_1723 : memref<128x64xf32, #tpu.memory_space<hbm>>)
        tpu.yield
      }) : () -> ()
      %mul3A_1098 = arith.constant 5 : i32
      %mul3A_1099 = arith.muli %mul3A_309, %mul3A_1098 : i32
      %add3A_1100 = arith.addi %mul3A_2, %mul3A_1099 : i32
      %add3A_1101 = arith.constant 4 : i32
      %add3A_1102 = arith.addi %add3A_1100, %add3A_1101 : i32
      %jit3A_1103 = arith.constant 8 : i32
      %div3A_1104 = arith.divsi %add3A_1102, %jit3A_1103 : i32
      %sign3A_1105 = arith.constant 0 : i32
      %sign3A_1106 = arith.cmpi sgt, %add3A_1102, %sign3A_1105 : i32
      %sign3A_1107 = arith.extui %sign3A_1106 : i1 to i32
      %sign3A_1108 = arith.constant 0 : i32
      %sign3A_1109 = arith.cmpi slt, %add3A_1102, %sign3A_1108 : i32
      %sign3A_1110 = arith.extui %sign3A_1109 : i1 to i32
      %sign3A_1111 = arith.subi %sign3A_1107, %sign3A_1110 : i32
      %sign3A_1112 = arith.constant 0 : i32
      %sign3A_1113 = arith.cmpi sgt, %jit3A_1103, %sign3A_1112 : i32
      %sign3A_1114 = arith.extui %sign3A_1113 : i1 to i32
      %sign3A_1115 = arith.constant 0 : i32
      %sign3A_1116 = arith.cmpi slt, %jit3A_1103, %sign3A_1115 : i32
      %sign3A_1117 = arith.extui %sign3A_1116 : i1 to i32
      %sign3A_1118 = arith.subi %sign3A_1114, %sign3A_1117 : i32
      %ne3A_1119 = arith.cmpi ne, %sign3A_1111, %sign3A_1118 : i32
      %rem3A_1120 = arith.remsi %add3A_1102, %jit3A_1103 : i32
      %ne3A_1121 = arith.constant 0 : i32
      %ne3A_1122 = arith.cmpi ne, %rem3A_1120, %ne3A_1121 : i32
      %and3A_1123 = arith.andi %ne3A_1119, %ne3A_1122 : i1
      %sub3A_1124 = arith.constant 1 : i32
      %sub3A_1125 = arith.subi %div3A_1104, %sub3A_1124 : i32
      %select_n3A_1126 = arith.select %and3A_1123, %sub3A_1125, %div3A_1104 : i32
      %sub3A_1127 = arith.subi %select_n3A_1126, %select_n3A : i32
      %jit3A_1128 = arith.constant 8 : i32
      %eq3A_1129 = arith.constant 0 : i32
      %eq3A_1130 = arith.cmpi eq, %jit3A_1128, %eq3A_1129 : i32
      %jit3A_1131 = arith.constant 1 : i32
      %select_n3A_1132 = arith.select %eq3A_1130, %jit3A_1131, %jit3A_1128 : i32
      %rem3A_1133 = arith.remsi %add3A_1102, %select_n3A_1132 : i32
      %ne3A_1134 = arith.constant 0 : i32
      %ne3A_1135 = arith.cmpi ne, %rem3A_1133, %ne3A_1134 : i32
      %lt3A_1136 = arith.constant 0 : i32
      %lt3A_1137 = arith.cmpi slt, %rem3A_1133, %lt3A_1136 : i32
      %lt3A_1138 = arith.constant 0 : i32
      %lt3A_1139 = arith.cmpi slt, %select_n3A_1132, %lt3A_1138 : i32
      %ne3A_1140 = arith.xori %lt3A_1137, %lt3A_1139 : i1
      %and3A_1141 = arith.andi %ne3A_1140, %ne3A_1135 : i1
      %add3A_1142 = arith.addi %rem3A_1133, %select_n3A_1132 : i32
      %select_n3A_1143 = arith.select %and3A_1141, %add3A_1142, %rem3A_1133 : i32
      %mul3A_1144 = arith.constant 128 : i32
      %mul3A_1145 = arith.muli %select_n3A_1143, %mul3A_1144 : i32
      %add3A_1146 = arith.addi %sub3A_1127, %select_n3A : i32
      %run_scoped3A_1147 = arith.constant 0 : i32
      "tpu.region"() ({
        %run_scoped3A_1699 = tpu.sem_alloc : memref<!tpu.dma_semaphore, #tpu.memory_space<semaphore_mem>>
        %dma_start3A_1700 = arith.constant 512 : i32
        %dma_start3A_1701 = arith.constant 0 : i32
        %dma_start3A_1702 = tpu.memref_slice %arg6[%run_scoped3A_1147, %dma_start3A_1700, %dma_start3A_1701] : memref<2x640x64xf32, #tpu.memory_space<vmem>> -> memref<1x128x64xf32, #tpu.memory_space<vmem>>
        %dma_start3A_1703 = tpu.memref_squeeze %dma_start3A_1702 : memref<1x128x64xf32, #tpu.memory_space<vmem>> -> memref<128x64xf32, #tpu.memory_space<vmem>>
        %dma_start3A_1704 = arith.constant 0 : i32
        %dma_start3A_1705 = tpu.memref_slice %arg4[%add3A_1146, %mul3A_1145, %dma_start3A_1704] : memref<200x1024x64xf32, #tpu.memory_space<hbm>> -> memref<1x128x64xf32, #tpu.memory_space<hbm>>
        %dma_start3A_1706 = tpu.memref_squeeze %dma_start3A_1705 : memref<1x128x64xf32, #tpu.memory_space<hbm>> -> memref<128x64xf32, #tpu.memory_space<hbm>>
        %dma_start3A_1707 = arith.constant 0 : i32
        %dma_start3A_1708 = tpu.memref_slice %arg4[%add3A_1146, %mul3A_1145, %dma_start3A_1707] : memref<200x1024x64xf32, #tpu.memory_space<hbm>> -> memref<1x128x64xf32, #tpu.memory_space<hbm>>
        %dma_start3A_1709 = tpu.memref_squeeze %dma_start3A_1708 : memref<1x128x64xf32, #tpu.memory_space<hbm>> -> memref<128x64xf32, #tpu.memory_space<hbm>>
        %dma_start3A_1710 = arith.constant 512 : i32
        %dma_start3A_1711 = arith.constant 0 : i32
        %dma_start3A_1712 = tpu.memref_slice %arg6[%run_scoped3A_1147, %dma_start3A_1710, %dma_start3A_1711] : memref<2x640x64xf32, #tpu.memory_space<vmem>> -> memref<1x128x64xf32, #tpu.memory_space<vmem>>
        %dma_start3A_1713 = tpu.memref_squeeze %dma_start3A_1712 : memref<1x128x64xf32, #tpu.memory_space<vmem>> -> memref<128x64xf32, #tpu.memory_space<vmem>>
        tpu.enqueue_dma source(%dma_start3A_1713 : memref<128x64xf32, #tpu.memory_space<vmem>>) target(%dma_start3A_1709 : memref<128x64xf32, #tpu.memory_space<hbm>>) target_semaphore(%run_scoped3A_1699 : memref<!tpu.dma_semaphore, #tpu.memory_space<semaphore_mem>>)
        %dma_wait3A_1714 = arith.constant 512 : i32
        %dma_wait3A_1715 = arith.constant 0 : i32
        %dma_wait3A_1716 = tpu.memref_slice %arg6[%run_scoped3A_1147, %dma_wait3A_1714, %dma_wait3A_1715] : memref<2x640x64xf32, #tpu.memory_space<vmem>> -> memref<1x128x64xf32, #tpu.memory_space<vmem>>
        %dma_wait3A_1717 = tpu.memref_squeeze %dma_wait3A_1716 : memref<1x128x64xf32, #tpu.memory_space<vmem>> -> memref<128x64xf32, #tpu.memory_space<vmem>>
        %dma_wait3A_1718 = arith.constant 0 : i32
        %dma_wait3A_1719 = tpu.memref_slice %arg4[%add3A_1146, %mul3A_1145, %dma_wait3A_1718] : memref<200x1024x64xf32, #tpu.memory_space<hbm>> -> memref<1x128x64xf32, #tpu.memory_space<hbm>>
        %dma_wait3A_1720 = tpu.memref_squeeze %dma_wait3A_1719 : memref<1x128x64xf32, #tpu.memory_space<hbm>> -> memref<128x64xf32, #tpu.memory_space<hbm>>
        %dma_wait3A_1721 = arith.constant 0 : i32
        %dma_wait3A_1722 = tpu.memref_slice %arg4[%add3A_1146, %mul3A_1145, %dma_wait3A_1721] : memref<200x1024x64xf32, #tpu.memory_space<hbm>> -> memref<1x128x64xf32, #tpu.memory_space<hbm>>
        %dma_wait3A_1723 = tpu.memref_squeeze %dma_wait3A_1722 : memref<1x128x64xf32, #tpu.memory_space<hbm>> -> memref<128x64xf32, #tpu.memory_space<hbm>>
        %dma_wait3A_1724 = arith.constant 512 : i32
        %dma_wait3A_1725 = arith.constant 0 : i32
        %dma_wait3A_1726 = tpu.memref_slice %arg6[%run_scoped3A_1147, %dma_wait3A_1724, %dma_wait3A_1725] : memref<2x640x64xf32, #tpu.memory_space<vmem>> -> memref<1x128x64xf32, #tpu.memory_space<vmem>>
        %dma_wait3A_1727 = tpu.memref_squeeze %dma_wait3A_1726 : memref<1x128x64xf32, #tpu.memory_space<vmem>> -> memref<128x64xf32, #tpu.memory_space<vmem>>
        tpu.wait_dma2 semaphore(%run_scoped3A_1699 : memref<!tpu.dma_semaphore, #tpu.memory_space<semaphore_mem>>) src(%dma_wait3A_1727 : memref<128x64xf32, #tpu.memory_space<vmem>>) dst(%dma_wait3A_1723 : memref<128x64xf32, #tpu.memory_space<hbm>>)
        tpu.yield
      }) : () -> ()
      %mul3A_1148 = arith.constant 5 : i32
      %mul3A_1149 = arith.muli %add3A_313, %mul3A_1148 : i32
      %add3A_1150 = arith.addi %mul3A_2, %mul3A_1149 : i32
      %add3A_1151 = arith.constant 0 : i32
      %add3A_1152 = arith.addi %add3A_1150, %add3A_1151 : i32
      %jit3A_1153 = arith.constant 8 : i32
      %div3A_1154 = arith.divsi %add3A_1152, %jit3A_1153 : i32
      %sign3A_1155 = arith.constant 0 : i32
      %sign3A_1156 = arith.cmpi sgt, %add3A_1152, %sign3A_1155 : i32
      %sign3A_1157 = arith.extui %sign3A_1156 : i1 to i32
      %sign3A_1158 = arith.constant 0 : i32
      %sign3A_1159 = arith.cmpi slt, %add3A_1152, %sign3A_1158 : i32
      %sign3A_1160 = arith.extui %sign3A_1159 : i1 to i32
      %sign3A_1161 = arith.subi %sign3A_1157, %sign3A_1160 : i32
      %sign3A_1162 = arith.constant 0 : i32
      %sign3A_1163 = arith.cmpi sgt, %jit3A_1153, %sign3A_1162 : i32
      %sign3A_1164 = arith.extui %sign3A_1163 : i1 to i32
      %sign3A_1165 = arith.constant 0 : i32
      %sign3A_1166 = arith.cmpi slt, %jit3A_1153, %sign3A_1165 : i32
      %sign3A_1167 = arith.extui %sign3A_1166 : i1 to i32
      %sign3A_1168 = arith.subi %sign3A_1164, %sign3A_1167 : i32
      %ne3A_1169 = arith.cmpi ne, %sign3A_1161, %sign3A_1168 : i32
      %rem3A_1170 = arith.remsi %add3A_1152, %jit3A_1153 : i32
      %ne3A_1171 = arith.constant 0 : i32
      %ne3A_1172 = arith.cmpi ne, %rem3A_1170, %ne3A_1171 : i32
      %and3A_1173 = arith.andi %ne3A_1169, %ne3A_1172 : i1
      %sub3A_1174 = arith.constant 1 : i32
      %sub3A_1175 = arith.subi %div3A_1154, %sub3A_1174 : i32
      %select_n3A_1176 = arith.select %and3A_1173, %sub3A_1175, %div3A_1154 : i32
      %sub3A_1177 = arith.subi %select_n3A_1176, %select_n3A : i32
      %jit3A_1178 = arith.constant 8 : i32
      %eq3A_1179 = arith.constant 0 : i32
      %eq3A_1180 = arith.cmpi eq, %jit3A_1178, %eq3A_1179 : i32
      %jit3A_1181 = arith.constant 1 : i32
      %select_n3A_1182 = arith.select %eq3A_1180, %jit3A_1181, %jit3A_1178 : i32
      %rem3A_1183 = arith.remsi %add3A_1152, %select_n3A_1182 : i32
      %ne3A_1184 = arith.constant 0 : i32
      %ne3A_1185 = arith.cmpi ne, %rem3A_1183, %ne3A_1184 : i32
      %lt3A_1186 = arith.constant 0 : i32
      %lt3A_1187 = arith.cmpi slt, %rem3A_1183, %lt3A_1186 : i32
      %lt3A_1188 = arith.constant 0 : i32
      %lt3A_1189 = arith.cmpi slt, %select_n3A_1182, %lt3A_1188 : i32
      %ne3A_1190 = arith.xori %lt3A_1187, %lt3A_1189 : i1
      %and3A_1191 = arith.andi %ne3A_1190, %ne3A_1185 : i1
      %add3A_1192 = arith.addi %rem3A_1183, %select_n3A_1182 : i32
      %select_n3A_1193 = arith.select %and3A_1191, %add3A_1192, %rem3A_1183 : i32
      %mul3A_1194 = arith.constant 128 : i32
      %mul3A_1195 = arith.muli %select_n3A_1193, %mul3A_1194 : i32
      %dma_wait3A_1196 = arith.constant 1 : i32
      %dma_wait3A_1197 = arith.constant 0 : i32
      %dma_wait3A_1198 = arith.constant 0 : i32
      %dma_wait3A_1199 = tpu.memref_slice %arg6[%dma_wait3A_1196, %dma_wait3A_1197, %dma_wait3A_1198] : memref<2x640x64xf32, #tpu.memory_space<vmem>> -> memref<1x128x64xf32, #tpu.memory_space<vmem>>
      %dma_wait3A_1200 = tpu.memref_squeeze %dma_wait3A_1199 : memref<1x128x64xf32, #tpu.memory_space<vmem>> -> memref<128x64xf32, #tpu.memory_space<vmem>>
      %dma_wait3A_1201 = tpu.memref_slice %arg5[%sub3A_1177, %mul3A_1195] : memref<7x1024xi32, #tpu.memory_space<vmem>> -> memref<1x128xi32, #tpu.memory_space<vmem>>
      %dma_wait3A_1202 = tpu.memref_squeeze %dma_wait3A_1201 : memref<1x128xi32, #tpu.memory_space<vmem>> -> memref<128xi32, #tpu.memory_space<vmem>>
      %dma_wait3A_1203 = arith.constant 0 : i32
      %dma_wait3A_1204 = arith.constant 0 : i32
      %dma_wait3A_1205 = tpu.memref_slice %arg3[%dma_wait3A_1203, %dma_wait3A_1204] : memref<1000000x64xf32, #tpu.memory_space<hbm>> -> memref<1000000x64xf32, #tpu.memory_space<hbm>>
      tpu.wait_indirect_dma semaphore(%arg7 : memref<!tpu.dma_semaphore, #tpu.memory_space<semaphore_mem>>) src(%dma_wait3A_1205 : memref<1000000x64xf32, #tpu.memory_space<hbm>>) dst(%dma_wait3A_1200 : memref<128x64xf32, #tpu.memory_space<vmem>>)
      %mul3A_1206 = arith.constant 5 : i32
      %mul3A_1207 = arith.muli %add3A_313, %mul3A_1206 : i32
      %add3A_1208 = arith.addi %mul3A_2, %mul3A_1207 : i32
      %add3A_1209 = arith.constant 1 : i32
      %add3A_1210 = arith.addi %add3A_1208, %add3A_1209 : i32
      %jit3A_1211 = arith.constant 8 : i32
      %div3A_1212 = arith.divsi %add3A_1210, %jit3A_1211 : i32
      %sign3A_1213 = arith.constant 0 : i32
      %sign3A_1214 = arith.cmpi sgt, %add3A_1210, %sign3A_1213 : i32
      %sign3A_1215 = arith.extui %sign3A_1214 : i1 to i32
      %sign3A_1216 = arith.constant 0 : i32
      %sign3A_1217 = arith.cmpi slt, %add3A_1210, %sign3A_1216 : i32
      %sign3A_1218 = arith.extui %sign3A_1217 : i1 to i32
      %sign3A_1219 = arith.subi %sign3A_1215, %sign3A_1218 : i32
      %sign3A_1220 = arith.constant 0 : i32
      %sign3A_1221 = arith.cmpi sgt, %jit3A_1211, %sign3A_1220 : i32
      %sign3A_1222 = arith.extui %sign3A_1221 : i1 to i32
      %sign3A_1223 = arith.constant 0 : i32
      %sign3A_1224 = arith.cmpi slt, %jit3A_1211, %sign3A_1223 : i32
      %sign3A_1225 = arith.extui %sign3A_1224 : i1 to i32
      %sign3A_1226 = arith.subi %sign3A_1222, %sign3A_1225 : i32
      %ne3A_1227 = arith.cmpi ne, %sign3A_1219, %sign3A_1226 : i32
      %rem3A_1228 = arith.remsi %add3A_1210, %jit3A_1211 : i32
      %ne3A_1229 = arith.constant 0 : i32
      %ne3A_1230 = arith.cmpi ne, %rem3A_1228, %ne3A_1229 : i32
      %and3A_1231 = arith.andi %ne3A_1227, %ne3A_1230 : i1
      %sub3A_1232 = arith.constant 1 : i32
      %sub3A_1233 = arith.subi %div3A_1212, %sub3A_1232 : i32
      %select_n3A_1234 = arith.select %and3A_1231, %sub3A_1233, %div3A_1212 : i32
      %sub3A_1235 = arith.subi %select_n3A_1234, %select_n3A : i32
      %jit3A_1236 = arith.constant 8 : i32
      %eq3A_1237 = arith.constant 0 : i32
      %eq3A_1238 = arith.cmpi eq, %jit3A_1236, %eq3A_1237 : i32
      %jit3A_1239 = arith.constant 1 : i32
      %select_n3A_1240 = arith.select %eq3A_1238, %jit3A_1239, %jit3A_1236 : i32
      %rem3A_1241 = arith.remsi %add3A_1210, %select_n3A_1240 : i32
      %ne3A_1242 = arith.constant 0 : i32
      %ne3A_1243 = arith.cmpi ne, %rem3A_1241, %ne3A_1242 : i32
      %lt3A_1244 = arith.constant 0 : i32
      %lt3A_1245 = arith.cmpi slt, %rem3A_1241, %lt3A_1244 : i32
      %lt3A_1246 = arith.constant 0 : i32
      %lt3A_1247 = arith.cmpi slt, %select_n3A_1240, %lt3A_1246 : i32
      %ne3A_1248 = arith.xori %lt3A_1245, %lt3A_1247 : i1
      %and3A_1249 = arith.andi %ne3A_1248, %ne3A_1243 : i1
      %add3A_1250 = arith.addi %rem3A_1241, %select_n3A_1240 : i32
      %select_n3A_1251 = arith.select %and3A_1249, %add3A_1250, %rem3A_1241 : i32
      %mul3A_1252 = arith.constant 128 : i32
      %mul3A_1253 = arith.muli %select_n3A_1251, %mul3A_1252 : i32
      %dma_wait3A_1254 = arith.constant 1 : i32
      %dma_wait3A_1255 = arith.constant 128 : i32
      %dma_wait3A_1256 = arith.constant 0 : i32
      %dma_wait3A_1257 = tpu.memref_slice %arg6[%dma_wait3A_1254, %dma_wait3A_1255, %dma_wait3A_1256] : memref<2x640x64xf32, #tpu.memory_space<vmem>> -> memref<1x128x64xf32, #tpu.memory_space<vmem>>
      %dma_wait3A_1258 = tpu.memref_squeeze %dma_wait3A_1257 : memref<1x128x64xf32, #tpu.memory_space<vmem>> -> memref<128x64xf32, #tpu.memory_space<vmem>>
      %dma_wait3A_1259 = tpu.memref_slice %arg5[%sub3A_1235, %mul3A_1253] : memref<7x1024xi32, #tpu.memory_space<vmem>> -> memref<1x128xi32, #tpu.memory_space<vmem>>
      %dma_wait3A_1260 = tpu.memref_squeeze %dma_wait3A_1259 : memref<1x128xi32, #tpu.memory_space<vmem>> -> memref<128xi32, #tpu.memory_space<vmem>>
      %dma_wait3A_1261 = arith.constant 0 : i32
      %dma_wait3A_1262 = arith.constant 0 : i32
      %dma_wait3A_1263 = tpu.memref_slice %arg3[%dma_wait3A_1261, %dma_wait3A_1262] : memref<1000000x64xf32, #tpu.memory_space<hbm>> -> memref<1000000x64xf32, #tpu.memory_space<hbm>>
      tpu.wait_indirect_dma semaphore(%arg7 : memref<!tpu.dma_semaphore, #tpu.memory_space<semaphore_mem>>) src(%dma_wait3A_1263 : memref<1000000x64xf32, #tpu.memory_space<hbm>>) dst(%dma_wait3A_1258 : memref<128x64xf32, #tpu.memory_space<vmem>>)
      %mul3A_1264 = arith.constant 5 : i32
      %mul3A_1265 = arith.muli %add3A_313, %mul3A_1264 : i32
      %add3A_1266 = arith.addi %mul3A_2, %mul3A_1265 : i32
      %add3A_1267 = arith.constant 2 : i32
      %add3A_1268 = arith.addi %add3A_1266, %add3A_1267 : i32
      %jit3A_1269 = arith.constant 8 : i32
      %div3A_1270 = arith.divsi %add3A_1268, %jit3A_1269 : i32
      %sign3A_1271 = arith.constant 0 : i32
      %sign3A_1272 = arith.cmpi sgt, %add3A_1268, %sign3A_1271 : i32
      %sign3A_1273 = arith.extui %sign3A_1272 : i1 to i32
      %sign3A_1274 = arith.constant 0 : i32
      %sign3A_1275 = arith.cmpi slt, %add3A_1268, %sign3A_1274 : i32
      %sign3A_1276 = arith.extui %sign3A_1275 : i1 to i32
      %sign3A_1277 = arith.subi %sign3A_1273, %sign3A_1276 : i32
      %sign3A_1278 = arith.constant 0 : i32
      %sign3A_1279 = arith.cmpi sgt, %jit3A_1269, %sign3A_1278 : i32
      %sign3A_1280 = arith.extui %sign3A_1279 : i1 to i32
      %sign3A_1281 = arith.constant 0 : i32
      %sign3A_1282 = arith.cmpi slt, %jit3A_1269, %sign3A_1281 : i32
      %sign3A_1283 = arith.extui %sign3A_1282 : i1 to i32
      %sign3A_1284 = arith.subi %sign3A_1280, %sign3A_1283 : i32
      %ne3A_1285 = arith.cmpi ne, %sign3A_1277, %sign3A_1284 : i32
      %rem3A_1286 = arith.remsi %add3A_1268, %jit3A_1269 : i32
      %ne3A_1287 = arith.constant 0 : i32
      %ne3A_1288 = arith.cmpi ne, %rem3A_1286, %ne3A_1287 : i32
      %and3A_1289 = arith.andi %ne3A_1285, %ne3A_1288 : i1
      %sub3A_1290 = arith.constant 1 : i32
      %sub3A_1291 = arith.subi %div3A_1270, %sub3A_1290 : i32
      %select_n3A_1292 = arith.select %and3A_1289, %sub3A_1291, %div3A_1270 : i32
      %sub3A_1293 = arith.subi %select_n3A_1292, %select_n3A : i32
      %jit3A_1294 = arith.constant 8 : i32
      %eq3A_1295 = arith.constant 0 : i32
      %eq3A_1296 = arith.cmpi eq, %jit3A_1294, %eq3A_1295 : i32
      %jit3A_1297 = arith.constant 1 : i32
      %select_n3A_1298 = arith.select %eq3A_1296, %jit3A_1297, %jit3A_1294 : i32
      %rem3A_1299 = arith.remsi %add3A_1268, %select_n3A_1298 : i32
      %ne3A_1300 = arith.constant 0 : i32
      %ne3A_1301 = arith.cmpi ne, %rem3A_1299, %ne3A_1300 : i32
      %lt3A_1302 = arith.constant 0 : i32
      %lt3A_1303 = arith.cmpi slt, %rem3A_1299, %lt3A_1302 : i32
      %lt3A_1304 = arith.constant 0 : i32
      %lt3A_1305 = arith.cmpi slt, %select_n3A_1298, %lt3A_1304 : i32
      %ne3A_1306 = arith.xori %lt3A_1303, %lt3A_1305 : i1
      %and3A_1307 = arith.andi %ne3A_1306, %ne3A_1301 : i1
      %add3A_1308 = arith.addi %rem3A_1299, %select_n3A_1298 : i32
      %select_n3A_1309 = arith.select %and3A_1307, %add3A_1308, %rem3A_1299 : i32
      %mul3A_1310 = arith.constant 128 : i32
      %mul3A_1311 = arith.muli %select_n3A_1309, %mul3A_1310 : i32
      %dma_wait3A_1312 = arith.constant 1 : i32
      %dma_wait3A_1313 = arith.constant 256 : i32
      %dma_wait3A_1314 = arith.constant 0 : i32
      %dma_wait3A_1315 = tpu.memref_slice %arg6[%dma_wait3A_1312, %dma_wait3A_1313, %dma_wait3A_1314] : memref<2x640x64xf32, #tpu.memory_space<vmem>> -> memref<1x128x64xf32, #tpu.memory_space<vmem>>
      %dma_wait3A_1316 = tpu.memref_squeeze %dma_wait3A_1315 : memref<1x128x64xf32, #tpu.memory_space<vmem>> -> memref<128x64xf32, #tpu.memory_space<vmem>>
      %dma_wait3A_1317 = tpu.memref_slice %arg5[%sub3A_1293, %mul3A_1311] : memref<7x1024xi32, #tpu.memory_space<vmem>> -> memref<1x128xi32, #tpu.memory_space<vmem>>
      %dma_wait3A_1318 = tpu.memref_squeeze %dma_wait3A_1317 : memref<1x128xi32, #tpu.memory_space<vmem>> -> memref<128xi32, #tpu.memory_space<vmem>>
      %dma_wait3A_1319 = arith.constant 0 : i32
      %dma_wait3A_1320 = arith.constant 0 : i32
      %dma_wait3A_1321 = tpu.memref_slice %arg3[%dma_wait3A_1319, %dma_wait3A_1320] : memref<1000000x64xf32, #tpu.memory_space<hbm>> -> memref<1000000x64xf32, #tpu.memory_space<hbm>>
      tpu.wait_indirect_dma semaphore(%arg7 : memref<!tpu.dma_semaphore, #tpu.memory_space<semaphore_mem>>) src(%dma_wait3A_1321 : memref<1000000x64xf32, #tpu.memory_space<hbm>>) dst(%dma_wait3A_1316 : memref<128x64xf32, #tpu.memory_space<vmem>>)
      %mul3A_1322 = arith.constant 5 : i32
      %mul3A_1323 = arith.muli %add3A_313, %mul3A_1322 : i32
      %add3A_1324 = arith.addi %mul3A_2, %mul3A_1323 : i32
      %add3A_1325 = arith.constant 3 : i32
      %add3A_1326 = arith.addi %add3A_1324, %add3A_1325 : i32
      %jit3A_1327 = arith.constant 8 : i32
      %div3A_1328 = arith.divsi %add3A_1326, %jit3A_1327 : i32
      %sign3A_1329 = arith.constant 0 : i32
      %sign3A_1330 = arith.cmpi sgt, %add3A_1326, %sign3A_1329 : i32
      %sign3A_1331 = arith.extui %sign3A_1330 : i1 to i32
      %sign3A_1332 = arith.constant 0 : i32
      %sign3A_1333 = arith.cmpi slt, %add3A_1326, %sign3A_1332 : i32
      %sign3A_1334 = arith.extui %sign3A_1333 : i1 to i32
      %sign3A_1335 = arith.subi %sign3A_1331, %sign3A_1334 : i32
      %sign3A_1336 = arith.constant 0 : i32
      %sign3A_1337 = arith.cmpi sgt, %jit3A_1327, %sign3A_1336 : i32
      %sign3A_1338 = arith.extui %sign3A_1337 : i1 to i32
      %sign3A_1339 = arith.constant 0 : i32
      %sign3A_1340 = arith.cmpi slt, %jit3A_1327, %sign3A_1339 : i32
      %sign3A_1341 = arith.extui %sign3A_1340 : i1 to i32
      %sign3A_1342 = arith.subi %sign3A_1338, %sign3A_1341 : i32
      %ne3A_1343 = arith.cmpi ne, %sign3A_1335, %sign3A_1342 : i32
      %rem3A_1344 = arith.remsi %add3A_1326, %jit3A_1327 : i32
      %ne3A_1345 = arith.constant 0 : i32
      %ne3A_1346 = arith.cmpi ne, %rem3A_1344, %ne3A_1345 : i32
      %and3A_1347 = arith.andi %ne3A_1343, %ne3A_1346 : i1
      %sub3A_1348 = arith.constant 1 : i32
      %sub3A_1349 = arith.subi %div3A_1328, %sub3A_1348 : i32
      %select_n3A_1350 = arith.select %and3A_1347, %sub3A_1349, %div3A_1328 : i32
      %sub3A_1351 = arith.subi %select_n3A_1350, %select_n3A : i32
      %jit3A_1352 = arith.constant 8 : i32
      %eq3A_1353 = arith.constant 0 : i32
      %eq3A_1354 = arith.cmpi eq, %jit3A_1352, %eq3A_1353 : i32
      %jit3A_1355 = arith.constant 1 : i32
      %select_n3A_1356 = arith.select %eq3A_1354, %jit3A_1355, %jit3A_1352 : i32
      %rem3A_1357 = arith.remsi %add3A_1326, %select_n3A_1356 : i32
      %ne3A_1358 = arith.constant 0 : i32
      %ne3A_1359 = arith.cmpi ne, %rem3A_1357, %ne3A_1358 : i32
      %lt3A_1360 = arith.constant 0 : i32
      %lt3A_1361 = arith.cmpi slt, %rem3A_1357, %lt3A_1360 : i32
      %lt3A_1362 = arith.constant 0 : i32
      %lt3A_1363 = arith.cmpi slt, %select_n3A_1356, %lt3A_1362 : i32
      %ne3A_1364 = arith.xori %lt3A_1361, %lt3A_1363 : i1
      %and3A_1365 = arith.andi %ne3A_1364, %ne3A_1359 : i1
      %add3A_1366 = arith.addi %rem3A_1357, %select_n3A_1356 : i32
      %select_n3A_1367 = arith.select %and3A_1365, %add3A_1366, %rem3A_1357 : i32
      %mul3A_1368 = arith.constant 128 : i32
      %mul3A_1369 = arith.muli %select_n3A_1367, %mul3A_1368 : i32
      %dma_wait3A_1370 = arith.constant 1 : i32
      %dma_wait3A_1371 = arith.constant 384 : i32
      %dma_wait3A_1372 = arith.constant 0 : i32
      %dma_wait3A_1373 = tpu.memref_slice %arg6[%dma_wait3A_1370, %dma_wait3A_1371, %dma_wait3A_1372] : memref<2x640x64xf32, #tpu.memory_space<vmem>> -> memref<1x128x64xf32, #tpu.memory_space<vmem>>
      %dma_wait3A_1374 = tpu.memref_squeeze %dma_wait3A_1373 : memref<1x128x64xf32, #tpu.memory_space<vmem>> -> memref<128x64xf32, #tpu.memory_space<vmem>>
      %dma_wait3A_1375 = tpu.memref_slice %arg5[%sub3A_1351, %mul3A_1369] : memref<7x1024xi32, #tpu.memory_space<vmem>> -> memref<1x128xi32, #tpu.memory_space<vmem>>
      %dma_wait3A_1376 = tpu.memref_squeeze %dma_wait3A_1375 : memref<1x128xi32, #tpu.memory_space<vmem>> -> memref<128xi32, #tpu.memory_space<vmem>>
      %dma_wait3A_1377 = arith.constant 0 : i32
      %dma_wait3A_1378 = arith.constant 0 : i32
      %dma_wait3A_1379 = tpu.memref_slice %arg3[%dma_wait3A_1377, %dma_wait3A_1378] : memref<1000000x64xf32, #tpu.memory_space<hbm>> -> memref<1000000x64xf32, #tpu.memory_space<hbm>>
      tpu.wait_indirect_dma semaphore(%arg7 : memref<!tpu.dma_semaphore, #tpu.memory_space<semaphore_mem>>) src(%dma_wait3A_1379 : memref<1000000x64xf32, #tpu.memory_space<hbm>>) dst(%dma_wait3A_1374 : memref<128x64xf32, #tpu.memory_space<vmem>>)
      %mul3A_1380 = arith.constant 5 : i32
      %mul3A_1381 = arith.muli %add3A_313, %mul3A_1380 : i32
      %add3A_1382 = arith.addi %mul3A_2, %mul3A_1381 : i32
      %add3A_1383 = arith.constant 4 : i32
      %add3A_1384 = arith.addi %add3A_1382, %add3A_1383 : i32
      %jit3A_1385 = arith.constant 8 : i32
      %div3A_1386 = arith.divsi %add3A_1384, %jit3A_1385 : i32
      %sign3A_1387 = arith.constant 0 : i32
      %sign3A_1388 = arith.cmpi sgt, %add3A_1384, %sign3A_1387 : i32
      %sign3A_1389 = arith.extui %sign3A_1388 : i1 to i32
      %sign3A_1390 = arith.constant 0 : i32
      %sign3A_1391 = arith.cmpi slt, %add3A_1384, %sign3A_1390 : i32
      %sign3A_1392 = arith.extui %sign3A_1391 : i1 to i32
      %sign3A_1393 = arith.subi %sign3A_1389, %sign3A_1392 : i32
      %sign3A_1394 = arith.constant 0 : i32
      %sign3A_1395 = arith.cmpi sgt, %jit3A_1385, %sign3A_1394 : i32
      %sign3A_1396 = arith.extui %sign3A_1395 : i1 to i32
      %sign3A_1397 = arith.constant 0 : i32
      %sign3A_1398 = arith.cmpi slt, %jit3A_1385, %sign3A_1397 : i32
      %sign3A_1399 = arith.extui %sign3A_1398 : i1 to i32
      %sign3A_1400 = arith.subi %sign3A_1396, %sign3A_1399 : i32
      %ne3A_1401 = arith.cmpi ne, %sign3A_1393, %sign3A_1400 : i32
      %rem3A_1402 = arith.remsi %add3A_1384, %jit3A_1385 : i32
      %ne3A_1403 = arith.constant 0 : i32
      %ne3A_1404 = arith.cmpi ne, %rem3A_1402, %ne3A_1403 : i32
      %and3A_1405 = arith.andi %ne3A_1401, %ne3A_1404 : i1
      %sub3A_1406 = arith.constant 1 : i32
      %sub3A_1407 = arith.subi %div3A_1386, %sub3A_1406 : i32
      %select_n3A_1408 = arith.select %and3A_1405, %sub3A_1407, %div3A_1386 : i32
      %sub3A_1409 = arith.subi %select_n3A_1408, %select_n3A : i32
      %jit3A_1410 = arith.constant 8 : i32
      %eq3A_1411 = arith.constant 0 : i32
      %eq3A_1412 = arith.cmpi eq, %jit3A_1410, %eq3A_1411 : i32
      %jit3A_1413 = arith.constant 1 : i32
      %select_n3A_1414 = arith.select %eq3A_1412, %jit3A_1413, %jit3A_1410 : i32
      %rem3A_1415 = arith.remsi %add3A_1384, %select_n3A_1414 : i32
      %ne3A_1416 = arith.constant 0 : i32
      %ne3A_1417 = arith.cmpi ne, %rem3A_1415, %ne3A_1416 : i32
      %lt3A_1418 = arith.constant 0 : i32
      %lt3A_1419 = arith.cmpi slt, %rem3A_1415, %lt3A_1418 : i32
      %lt3A_1420 = arith.constant 0 : i32
      %lt3A_1421 = arith.cmpi slt, %select_n3A_1414, %lt3A_1420 : i32
      %ne3A_1422 = arith.xori %lt3A_1419, %lt3A_1421 : i1
      %and3A_1423 = arith.andi %ne3A_1422, %ne3A_1417 : i1
      %add3A_1424 = arith.addi %rem3A_1415, %select_n3A_1414 : i32
      %select_n3A_1425 = arith.select %and3A_1423, %add3A_1424, %rem3A_1415 : i32
      %mul3A_1426 = arith.constant 128 : i32
      %mul3A_1427 = arith.muli %select_n3A_1425, %mul3A_1426 : i32
      %dma_wait3A_1428 = arith.constant 1 : i32
      %dma_wait3A_1429 = arith.constant 512 : i32
      %dma_wait3A_1430 = arith.constant 0 : i32
      %dma_wait3A_1431 = tpu.memref_slice %arg6[%dma_wait3A_1428, %dma_wait3A_1429, %dma_wait3A_1430] : memref<2x640x64xf32, #tpu.memory_space<vmem>> -> memref<1x128x64xf32, #tpu.memory_space<vmem>>
      %dma_wait3A_1432 = tpu.memref_squeeze %dma_wait3A_1431 : memref<1x128x64xf32, #tpu.memory_space<vmem>> -> memref<128x64xf32, #tpu.memory_space<vmem>>
      %dma_wait3A_1433 = tpu.memref_slice %arg5[%sub3A_1409, %mul3A_1427] : memref<7x1024xi32, #tpu.memory_space<vmem>> -> memref<1x128xi32, #tpu.memory_space<vmem>>
      %dma_wait3A_1434 = tpu.memref_squeeze %dma_wait3A_1433 : memref<1x128xi32, #tpu.memory_space<vmem>> -> memref<128xi32, #tpu.memory_space<vmem>>
      %dma_wait3A_1435 = arith.constant 0 : i32
      %dma_wait3A_1436 = arith.constant 0 : i32
      %dma_wait3A_1437 = tpu.memref_slice %arg3[%dma_wait3A_1435, %dma_wait3A_1436] : memref<1000000x64xf32, #tpu.memory_space<hbm>> -> memref<1000000x64xf32, #tpu.memory_space<hbm>>
      tpu.wait_indirect_dma semaphore(%arg7 : memref<!tpu.dma_semaphore, #tpu.memory_space<semaphore_mem>>) src(%dma_wait3A_1437 : memref<1000000x64xf32, #tpu.memory_space<hbm>>) dst(%dma_wait3A_1432 : memref<128x64xf32, #tpu.memory_space<vmem>>)
      %add3A_1438 = arith.constant 1 : i32
      %add3A_1439 = arith.addi %add3A_313, %add3A_1438 : i32
      %lt3A_1440 = arith.constant 10 : i32
      %lt3A_1441 = arith.cmpi slt, %add3A_1439, %lt3A_1440 : i32
      %convert_element_type3A = arith.extui %lt3A_1441 : i1 to i32
      %cond3A = arith.constant 0 : i32
      %cond3A_1442 = arith.cmpi ne, %convert_element_type3A, %cond3A : i32
      scf.if %cond3A_1442 {
        %add3A_1699 = arith.constant 1 : i32
        %add3A_1700 = arith.addi %add3A_313, %add3A_1699 : i32
        %mul3A_1701 = arith.constant 5 : i32
        %mul3A_1702 = arith.muli %add3A_1700, %mul3A_1701 : i32
        %add3A_1703 = arith.addi %mul3A_2, %mul3A_1702 : i32
        %add3A_1704 = arith.constant 0 : i32
        %add3A_1705 = arith.addi %add3A_1703, %add3A_1704 : i32
        %jit3A_1706 = arith.constant 8 : i32
        %div3A_1707 = arith.divsi %add3A_1705, %jit3A_1706 : i32
        %sign3A_1708 = arith.constant 0 : i32
        %sign3A_1709 = arith.cmpi sgt, %add3A_1705, %sign3A_1708 : i32
        %sign3A_1710 = arith.extui %sign3A_1709 : i1 to i32
        %sign3A_1711 = arith.constant 0 : i32
        %sign3A_1712 = arith.cmpi slt, %add3A_1705, %sign3A_1711 : i32
        %sign3A_1713 = arith.extui %sign3A_1712 : i1 to i32
        %sign3A_1714 = arith.subi %sign3A_1710, %sign3A_1713 : i32
        %sign3A_1715 = arith.constant 0 : i32
        %sign3A_1716 = arith.cmpi sgt, %jit3A_1706, %sign3A_1715 : i32
        %sign3A_1717 = arith.extui %sign3A_1716 : i1 to i32
        %sign3A_1718 = arith.constant 0 : i32
        %sign3A_1719 = arith.cmpi slt, %jit3A_1706, %sign3A_1718 : i32
        %sign3A_1720 = arith.extui %sign3A_1719 : i1 to i32
        %sign3A_1721 = arith.subi %sign3A_1717, %sign3A_1720 : i32
        %ne3A_1722 = arith.cmpi ne, %sign3A_1714, %sign3A_1721 : i32
        %rem3A_1723 = arith.remsi %add3A_1705, %jit3A_1706 : i32
        %ne3A_1724 = arith.constant 0 : i32
        %ne3A_1725 = arith.cmpi ne, %rem3A_1723, %ne3A_1724 : i32
        %and3A_1726 = arith.andi %ne3A_1722, %ne3A_1725 : i1
        %sub3A_1727 = arith.constant 1 : i32
        %sub3A_1728 = arith.subi %div3A_1707, %sub3A_1727 : i32
        %select_n3A_1729 = arith.select %and3A_1726, %sub3A_1728, %div3A_1707 : i32
        %sub3A_1730 = arith.subi %select_n3A_1729, %select_n3A : i32
        %jit3A_1731 = arith.constant 8 : i32
        %eq3A_1732 = arith.constant 0 : i32
        %eq3A_1733 = arith.cmpi eq, %jit3A_1731, %eq3A_1732 : i32
        %jit3A_1734 = arith.constant 1 : i32
        %select_n3A_1735 = arith.select %eq3A_1733, %jit3A_1734, %jit3A_1731 : i32
        %rem3A_1736 = arith.remsi %add3A_1705, %select_n3A_1735 : i32
        %ne3A_1737 = arith.constant 0 : i32
        %ne3A_1738 = arith.cmpi ne, %rem3A_1736, %ne3A_1737 : i32
        %lt3A_1739 = arith.constant 0 : i32
        %lt3A_1740 = arith.cmpi slt, %rem3A_1736, %lt3A_1739 : i32
        %lt3A_1741 = arith.constant 0 : i32
        %lt3A_1742 = arith.cmpi slt, %select_n3A_1735, %lt3A_1741 : i32
        %ne3A_1743 = arith.xori %lt3A_1740, %lt3A_1742 : i1
        %and3A_1744 = arith.andi %ne3A_1743, %ne3A_1738 : i1
        %add3A_1745 = arith.addi %rem3A_1736, %select_n3A_1735 : i32
        %select_n3A_1746 = arith.select %and3A_1744, %add3A_1745, %rem3A_1736 : i32
        %mul3A_1747 = arith.constant 128 : i32
        %mul3A_1748 = arith.muli %select_n3A_1746, %mul3A_1747 : i32
        %dma_start3A_1749 = arith.constant 0 : i32
        %dma_start3A_1750 = arith.constant 0 : i32
        %dma_start3A_1751 = arith.constant 0 : i32
        %dma_start3A_1752 = tpu.memref_slice %arg6[%dma_start3A_1749, %dma_start3A_1750, %dma_start3A_1751] : memref<2x640x64xf32, #tpu.memory_space<vmem>> -> memref<1x128x64xf32, #tpu.memory_space<vmem>>
        %dma_start3A_1753 = tpu.memref_squeeze %dma_start3A_1752 : memref<1x128x64xf32, #tpu.memory_space<vmem>> -> memref<128x64xf32, #tpu.memory_space<vmem>>
        %dma_start3A_1754 = tpu.memref_slice %arg5[%sub3A_1730, %mul3A_1748] : memref<7x1024xi32, #tpu.memory_space<vmem>> -> memref<1x128xi32, #tpu.memory_space<vmem>>
        %dma_start3A_1755 = tpu.memref_squeeze %dma_start3A_1754 : memref<1x128xi32, #tpu.memory_space<vmem>> -> memref<128xi32, #tpu.memory_space<vmem>>
        %dma_start3A_1756 = arith.constant 0 : i32
        %dma_start3A_1757 = arith.constant 0 : i32
        %dma_start3A_1758 = tpu.memref_slice %arg3[%dma_start3A_1756, %dma_start3A_1757] : memref<1000000x64xf32, #tpu.memory_space<hbm>> -> memref<1000000x64xf32, #tpu.memory_space<hbm>>
        tpu.enqueue_indirect_dma source(%dma_start3A_1758 : memref<1000000x64xf32, #tpu.memory_space<hbm>>) target(%dma_start3A_1753 : memref<128x64xf32, #tpu.memory_space<vmem>>) offsets(%dma_start3A_1755 : memref<128xi32, #tpu.memory_space<vmem>>) semaphore(%arg7 : memref<!tpu.dma_semaphore, #tpu.memory_space<semaphore_mem>>)
        %mul3A_1759 = arith.constant 5 : i32
        %mul3A_1760 = arith.muli %add3A_1700, %mul3A_1759 : i32
        %add3A_1761 = arith.addi %mul3A_2, %mul3A_1760 : i32
        %add3A_1762 = arith.constant 1 : i32
        %add3A_1763 = arith.addi %add3A_1761, %add3A_1762 : i32
        %jit3A_1764 = arith.constant 8 : i32
        %div3A_1765 = arith.divsi %add3A_1763, %jit3A_1764 : i32
        %sign3A_1766 = arith.constant 0 : i32
        %sign3A_1767 = arith.cmpi sgt, %add3A_1763, %sign3A_1766 : i32
        %sign3A_1768 = arith.extui %sign3A_1767 : i1 to i32
        %sign3A_1769 = arith.constant 0 : i32
        %sign3A_1770 = arith.cmpi slt, %add3A_1763, %sign3A_1769 : i32
        %sign3A_1771 = arith.extui %sign3A_1770 : i1 to i32
        %sign3A_1772 = arith.subi %sign3A_1768, %sign3A_1771 : i32
        %sign3A_1773 = arith.constant 0 : i32
        %sign3A_1774 = arith.cmpi sgt, %jit3A_1764, %sign3A_1773 : i32
        %sign3A_1775 = arith.extui %sign3A_1774 : i1 to i32
        %sign3A_1776 = arith.constant 0 : i32
        %sign3A_1777 = arith.cmpi slt, %jit3A_1764, %sign3A_1776 : i32
        %sign3A_1778 = arith.extui %sign3A_1777 : i1 to i32
        %sign3A_1779 = arith.subi %sign3A_1775, %sign3A_1778 : i32
        %ne3A_1780 = arith.cmpi ne, %sign3A_1772, %sign3A_1779 : i32
        %rem3A_1781 = arith.remsi %add3A_1763, %jit3A_1764 : i32
        %ne3A_1782 = arith.constant 0 : i32
        %ne3A_1783 = arith.cmpi ne, %rem3A_1781, %ne3A_1782 : i32
        %and3A_1784 = arith.andi %ne3A_1780, %ne3A_1783 : i1
        %sub3A_1785 = arith.constant 1 : i32
        %sub3A_1786 = arith.subi %div3A_1765, %sub3A_1785 : i32
        %select_n3A_1787 = arith.select %and3A_1784, %sub3A_1786, %div3A_1765 : i32
        %sub3A_1788 = arith.subi %select_n3A_1787, %select_n3A : i32
        %jit3A_1789 = arith.constant 8 : i32
        %eq3A_1790 = arith.constant 0 : i32
        %eq3A_1791 = arith.cmpi eq, %jit3A_1789, %eq3A_1790 : i32
        %jit3A_1792 = arith.constant 1 : i32
        %select_n3A_1793 = arith.select %eq3A_1791, %jit3A_1792, %jit3A_1789 : i32
        %rem3A_1794 = arith.remsi %add3A_1763, %select_n3A_1793 : i32
        %ne3A_1795 = arith.constant 0 : i32
        %ne3A_1796 = arith.cmpi ne, %rem3A_1794, %ne3A_1795 : i32
        %lt3A_1797 = arith.constant 0 : i32
        %lt3A_1798 = arith.cmpi slt, %rem3A_1794, %lt3A_1797 : i32
        %lt3A_1799 = arith.constant 0 : i32
        %lt3A_1800 = arith.cmpi slt, %select_n3A_1793, %lt3A_1799 : i32
        %ne3A_1801 = arith.xori %lt3A_1798, %lt3A_1800 : i1
        %and3A_1802 = arith.andi %ne3A_1801, %ne3A_1796 : i1
        %add3A_1803 = arith.addi %rem3A_1794, %select_n3A_1793 : i32
        %select_n3A_1804 = arith.select %and3A_1802, %add3A_1803, %rem3A_1794 : i32
        %mul3A_1805 = arith.constant 128 : i32
        %mul3A_1806 = arith.muli %select_n3A_1804, %mul3A_1805 : i32
        %dma_start3A_1807 = arith.constant 0 : i32
        %dma_start3A_1808 = arith.constant 128 : i32
        %dma_start3A_1809 = arith.constant 0 : i32
        %dma_start3A_1810 = tpu.memref_slice %arg6[%dma_start3A_1807, %dma_start3A_1808, %dma_start3A_1809] : memref<2x640x64xf32, #tpu.memory_space<vmem>> -> memref<1x128x64xf32, #tpu.memory_space<vmem>>
        %dma_start3A_1811 = tpu.memref_squeeze %dma_start3A_1810 : memref<1x128x64xf32, #tpu.memory_space<vmem>> -> memref<128x64xf32, #tpu.memory_space<vmem>>
        %dma_start3A_1812 = tpu.memref_slice %arg5[%sub3A_1788, %mul3A_1806] : memref<7x1024xi32, #tpu.memory_space<vmem>> -> memref<1x128xi32, #tpu.memory_space<vmem>>
        %dma_start3A_1813 = tpu.memref_squeeze %dma_start3A_1812 : memref<1x128xi32, #tpu.memory_space<vmem>> -> memref<128xi32, #tpu.memory_space<vmem>>
        %dma_start3A_1814 = arith.constant 0 : i32
        %dma_start3A_1815 = arith.constant 0 : i32
        %dma_start3A_1816 = tpu.memref_slice %arg3[%dma_start3A_1814, %dma_start3A_1815] : memref<1000000x64xf32, #tpu.memory_space<hbm>> -> memref<1000000x64xf32, #tpu.memory_space<hbm>>
        tpu.enqueue_indirect_dma source(%dma_start3A_1816 : memref<1000000x64xf32, #tpu.memory_space<hbm>>) target(%dma_start3A_1811 : memref<128x64xf32, #tpu.memory_space<vmem>>) offsets(%dma_start3A_1813 : memref<128xi32, #tpu.memory_space<vmem>>) semaphore(%arg7 : memref<!tpu.dma_semaphore, #tpu.memory_space<semaphore_mem>>)
        %mul3A_1817 = arith.constant 5 : i32
        %mul3A_1818 = arith.muli %add3A_1700, %mul3A_1817 : i32
        %add3A_1819 = arith.addi %mul3A_2, %mul3A_1818 : i32
        %add3A_1820 = arith.constant 2 : i32
        %add3A_1821 = arith.addi %add3A_1819, %add3A_1820 : i32
        %jit3A_1822 = arith.constant 8 : i32
        %div3A_1823 = arith.divsi %add3A_1821, %jit3A_1822 : i32
        %sign3A_1824 = arith.constant 0 : i32
        %sign3A_1825 = arith.cmpi sgt, %add3A_1821, %sign3A_1824 : i32
        %sign3A_1826 = arith.extui %sign3A_1825 : i1 to i32
        %sign3A_1827 = arith.constant 0 : i32
        %sign3A_1828 = arith.cmpi slt, %add3A_1821, %sign3A_1827 : i32
        %sign3A_1829 = arith.extui %sign3A_1828 : i1 to i32
        %sign3A_1830 = arith.subi %sign3A_1826, %sign3A_1829 : i32
        %sign3A_1831 = arith.constant 0 : i32
        %sign3A_1832 = arith.cmpi sgt, %jit3A_1822, %sign3A_1831 : i32
        %sign3A_1833 = arith.extui %sign3A_1832 : i1 to i32
        %sign3A_1834 = arith.constant 0 : i32
        %sign3A_1835 = arith.cmpi slt, %jit3A_1822, %sign3A_1834 : i32
        %sign3A_1836 = arith.extui %sign3A_1835 : i1 to i32
        %sign3A_1837 = arith.subi %sign3A_1833, %sign3A_1836 : i32
        %ne3A_1838 = arith.cmpi ne, %sign3A_1830, %sign3A_1837 : i32
        %rem3A_1839 = arith.remsi %add3A_1821, %jit3A_1822 : i32
        %ne3A_1840 = arith.constant 0 : i32
        %ne3A_1841 = arith.cmpi ne, %rem3A_1839, %ne3A_1840 : i32
        %and3A_1842 = arith.andi %ne3A_1838, %ne3A_1841 : i1
        %sub3A_1843 = arith.constant 1 : i32
        %sub3A_1844 = arith.subi %div3A_1823, %sub3A_1843 : i32
        %select_n3A_1845 = arith.select %and3A_1842, %sub3A_1844, %div3A_1823 : i32
        %sub3A_1846 = arith.subi %select_n3A_1845, %select_n3A : i32
        %jit3A_1847 = arith.constant 8 : i32
        %eq3A_1848 = arith.constant 0 : i32
        %eq3A_1849 = arith.cmpi eq, %jit3A_1847, %eq3A_1848 : i32
        %jit3A_1850 = arith.constant 1 : i32
        %select_n3A_1851 = arith.select %eq3A_1849, %jit3A_1850, %jit3A_1847 : i32
        %rem3A_1852 = arith.remsi %add3A_1821, %select_n3A_1851 : i32
        %ne3A_1853 = arith.constant 0 : i32
        %ne3A_1854 = arith.cmpi ne, %rem3A_1852, %ne3A_1853 : i32
        %lt3A_1855 = arith.constant 0 : i32
        %lt3A_1856 = arith.cmpi slt, %rem3A_1852, %lt3A_1855 : i32
        %lt3A_1857 = arith.constant 0 : i32
        %lt3A_1858 = arith.cmpi slt, %select_n3A_1851, %lt3A_1857 : i32
        %ne3A_1859 = arith.xori %lt3A_1856, %lt3A_1858 : i1
        %and3A_1860 = arith.andi %ne3A_1859, %ne3A_1854 : i1
        %add3A_1861 = arith.addi %rem3A_1852, %select_n3A_1851 : i32
        %select_n3A_1862 = arith.select %and3A_1860, %add3A_1861, %rem3A_1852 : i32
        %mul3A_1863 = arith.constant 128 : i32
        %mul3A_1864 = arith.muli %select_n3A_1862, %mul3A_1863 : i32
        %dma_start3A_1865 = arith.constant 0 : i32
        %dma_start3A_1866 = arith.constant 256 : i32
        %dma_start3A_1867 = arith.constant 0 : i32
        %dma_start3A_1868 = tpu.memref_slice %arg6[%dma_start3A_1865, %dma_start3A_1866, %dma_start3A_1867] : memref<2x640x64xf32, #tpu.memory_space<vmem>> -> memref<1x128x64xf32, #tpu.memory_space<vmem>>
        %dma_start3A_1869 = tpu.memref_squeeze %dma_start3A_1868 : memref<1x128x64xf32, #tpu.memory_space<vmem>> -> memref<128x64xf32, #tpu.memory_space<vmem>>
        %dma_start3A_1870 = tpu.memref_slice %arg5[%sub3A_1846, %mul3A_1864] : memref<7x1024xi32, #tpu.memory_space<vmem>> -> memref<1x128xi32, #tpu.memory_space<vmem>>
        %dma_start3A_1871 = tpu.memref_squeeze %dma_start3A_1870 : memref<1x128xi32, #tpu.memory_space<vmem>> -> memref<128xi32, #tpu.memory_space<vmem>>
        %dma_start3A_1872 = arith.constant 0 : i32
        %dma_start3A_1873 = arith.constant 0 : i32
        %dma_start3A_1874 = tpu.memref_slice %arg3[%dma_start3A_1872, %dma_start3A_1873] : memref<1000000x64xf32, #tpu.memory_space<hbm>> -> memref<1000000x64xf32, #tpu.memory_space<hbm>>
        tpu.enqueue_indirect_dma source(%dma_start3A_1874 : memref<1000000x64xf32, #tpu.memory_space<hbm>>) target(%dma_start3A_1869 : memref<128x64xf32, #tpu.memory_space<vmem>>) offsets(%dma_start3A_1871 : memref<128xi32, #tpu.memory_space<vmem>>) semaphore(%arg7 : memref<!tpu.dma_semaphore, #tpu.memory_space<semaphore_mem>>)
        %mul3A_1875 = arith.constant 5 : i32
        %mul3A_1876 = arith.muli %add3A_1700, %mul3A_1875 : i32
        %add3A_1877 = arith.addi %mul3A_2, %mul3A_1876 : i32
        %add3A_1878 = arith.constant 3 : i32
        %add3A_1879 = arith.addi %add3A_1877, %add3A_1878 : i32
        %jit3A_1880 = arith.constant 8 : i32
        %div3A_1881 = arith.divsi %add3A_1879, %jit3A_1880 : i32
        %sign3A_1882 = arith.constant 0 : i32
        %sign3A_1883 = arith.cmpi sgt, %add3A_1879, %sign3A_1882 : i32
        %sign3A_1884 = arith.extui %sign3A_1883 : i1 to i32
        %sign3A_1885 = arith.constant 0 : i32
        %sign3A_1886 = arith.cmpi slt, %add3A_1879, %sign3A_1885 : i32
        %sign3A_1887 = arith.extui %sign3A_1886 : i1 to i32
        %sign3A_1888 = arith.subi %sign3A_1884, %sign3A_1887 : i32
        %sign3A_1889 = arith.constant 0 : i32
        %sign3A_1890 = arith.cmpi sgt, %jit3A_1880, %sign3A_1889 : i32
        %sign3A_1891 = arith.extui %sign3A_1890 : i1 to i32
        %sign3A_1892 = arith.constant 0 : i32
        %sign3A_1893 = arith.cmpi slt, %jit3A_1880, %sign3A_1892 : i32
        %sign3A_1894 = arith.extui %sign3A_1893 : i1 to i32
        %sign3A_1895 = arith.subi %sign3A_1891, %sign3A_1894 : i32
        %ne3A_1896 = arith.cmpi ne, %sign3A_1888, %sign3A_1895 : i32
        %rem3A_1897 = arith.remsi %add3A_1879, %jit3A_1880 : i32
        %ne3A_1898 = arith.constant 0 : i32
        %ne3A_1899 = arith.cmpi ne, %rem3A_1897, %ne3A_1898 : i32
        %and3A_1900 = arith.andi %ne3A_1896, %ne3A_1899 : i1
        %sub3A_1901 = arith.constant 1 : i32
        %sub3A_1902 = arith.subi %div3A_1881, %sub3A_1901 : i32
        %select_n3A_1903 = arith.select %and3A_1900, %sub3A_1902, %div3A_1881 : i32
        %sub3A_1904 = arith.subi %select_n3A_1903, %select_n3A : i32
        %jit3A_1905 = arith.constant 8 : i32
        %eq3A_1906 = arith.constant 0 : i32
        %eq3A_1907 = arith.cmpi eq, %jit3A_1905, %eq3A_1906 : i32
        %jit3A_1908 = arith.constant 1 : i32
        %select_n3A_1909 = arith.select %eq3A_1907, %jit3A_1908, %jit3A_1905 : i32
        %rem3A_1910 = arith.remsi %add3A_1879, %select_n3A_1909 : i32
        %ne3A_1911 = arith.constant 0 : i32
        %ne3A_1912 = arith.cmpi ne, %rem3A_1910, %ne3A_1911 : i32
        %lt3A_1913 = arith.constant 0 : i32
        %lt3A_1914 = arith.cmpi slt, %rem3A_1910, %lt3A_1913 : i32
        %lt3A_1915 = arith.constant 0 : i32
        %lt3A_1916 = arith.cmpi slt, %select_n3A_1909, %lt3A_1915 : i32
        %ne3A_1917 = arith.xori %lt3A_1914, %lt3A_1916 : i1
        %and3A_1918 = arith.andi %ne3A_1917, %ne3A_1912 : i1
        %add3A_1919 = arith.addi %rem3A_1910, %select_n3A_1909 : i32
        %select_n3A_1920 = arith.select %and3A_1918, %add3A_1919, %rem3A_1910 : i32
        %mul3A_1921 = arith.constant 128 : i32
        %mul3A_1922 = arith.muli %select_n3A_1920, %mul3A_1921 : i32
        %dma_start3A_1923 = arith.constant 0 : i32
        %dma_start3A_1924 = arith.constant 384 : i32
        %dma_start3A_1925 = arith.constant 0 : i32
        %dma_start3A_1926 = tpu.memref_slice %arg6[%dma_start3A_1923, %dma_start3A_1924, %dma_start3A_1925] : memref<2x640x64xf32, #tpu.memory_space<vmem>> -> memref<1x128x64xf32, #tpu.memory_space<vmem>>
        %dma_start3A_1927 = tpu.memref_squeeze %dma_start3A_1926 : memref<1x128x64xf32, #tpu.memory_space<vmem>> -> memref<128x64xf32, #tpu.memory_space<vmem>>
        %dma_start3A_1928 = tpu.memref_slice %arg5[%sub3A_1904, %mul3A_1922] : memref<7x1024xi32, #tpu.memory_space<vmem>> -> memref<1x128xi32, #tpu.memory_space<vmem>>
        %dma_start3A_1929 = tpu.memref_squeeze %dma_start3A_1928 : memref<1x128xi32, #tpu.memory_space<vmem>> -> memref<128xi32, #tpu.memory_space<vmem>>
        %dma_start3A_1930 = arith.constant 0 : i32
        %dma_start3A_1931 = arith.constant 0 : i32
        %dma_start3A_1932 = tpu.memref_slice %arg3[%dma_start3A_1930, %dma_start3A_1931] : memref<1000000x64xf32, #tpu.memory_space<hbm>> -> memref<1000000x64xf32, #tpu.memory_space<hbm>>
        tpu.enqueue_indirect_dma source(%dma_start3A_1932 : memref<1000000x64xf32, #tpu.memory_space<hbm>>) target(%dma_start3A_1927 : memref<128x64xf32, #tpu.memory_space<vmem>>) offsets(%dma_start3A_1929 : memref<128xi32, #tpu.memory_space<vmem>>) semaphore(%arg7 : memref<!tpu.dma_semaphore, #tpu.memory_space<semaphore_mem>>)
        %mul3A_1933 = arith.constant 5 : i32
        %mul3A_1934 = arith.muli %add3A_1700, %mul3A_1933 : i32
        %add3A_1935 = arith.addi %mul3A_2, %mul3A_1934 : i32
        %add3A_1936 = arith.constant 4 : i32
        %add3A_1937 = arith.addi %add3A_1935, %add3A_1936 : i32
        %jit3A_1938 = arith.constant 8 : i32
        %div3A_1939 = arith.divsi %add3A_1937, %jit3A_1938 : i32
        %sign3A_1940 = arith.constant 0 : i32
        %sign3A_1941 = arith.cmpi sgt, %add3A_1937, %sign3A_1940 : i32
        %sign3A_1942 = arith.extui %sign3A_1941 : i1 to i32
        %sign3A_1943 = arith.constant 0 : i32
        %sign3A_1944 = arith.cmpi slt, %add3A_1937, %sign3A_1943 : i32
        %sign3A_1945 = arith.extui %sign3A_1944 : i1 to i32
        %sign3A_1946 = arith.subi %sign3A_1942, %sign3A_1945 : i32
        %sign3A_1947 = arith.constant 0 : i32
        %sign3A_1948 = arith.cmpi sgt, %jit3A_1938, %sign3A_1947 : i32
        %sign3A_1949 = arith.extui %sign3A_1948 : i1 to i32
        %sign3A_1950 = arith.constant 0 : i32
        %sign3A_1951 = arith.cmpi slt, %jit3A_1938, %sign3A_1950 : i32
        %sign3A_1952 = arith.extui %sign3A_1951 : i1 to i32
        %sign3A_1953 = arith.subi %sign3A_1949, %sign3A_1952 : i32
        %ne3A_1954 = arith.cmpi ne, %sign3A_1946, %sign3A_1953 : i32
        %rem3A_1955 = arith.remsi %add3A_1937, %jit3A_1938 : i32
        %ne3A_1956 = arith.constant 0 : i32
        %ne3A_1957 = arith.cmpi ne, %rem3A_1955, %ne3A_1956 : i32
        %and3A_1958 = arith.andi %ne3A_1954, %ne3A_1957 : i1
        %sub3A_1959 = arith.constant 1 : i32
        %sub3A_1960 = arith.subi %div3A_1939, %sub3A_1959 : i32
        %select_n3A_1961 = arith.select %and3A_1958, %sub3A_1960, %div3A_1939 : i32
        %sub3A_1962 = arith.subi %select_n3A_1961, %select_n3A : i32
        %jit3A_1963 = arith.constant 8 : i32
        %eq3A_1964 = arith.constant 0 : i32
        %eq3A_1965 = arith.cmpi eq, %jit3A_1963, %eq3A_1964 : i32
        %jit3A_1966 = arith.constant 1 : i32
        %select_n3A_1967 = arith.select %eq3A_1965, %jit3A_1966, %jit3A_1963 : i32
        %rem3A_1968 = arith.remsi %add3A_1937, %select_n3A_1967 : i32
        %ne3A_1969 = arith.constant 0 : i32
        %ne3A_1970 = arith.cmpi ne, %rem3A_1968, %ne3A_1969 : i32
        %lt3A_1971 = arith.constant 0 : i32
        %lt3A_1972 = arith.cmpi slt, %rem3A_1968, %lt3A_1971 : i32
        %lt3A_1973 = arith.constant 0 : i32
        %lt3A_1974 = arith.cmpi slt, %select_n3A_1967, %lt3A_1973 : i32
        %ne3A_1975 = arith.xori %lt3A_1972, %lt3A_1974 : i1
        %and3A_1976 = arith.andi %ne3A_1975, %ne3A_1970 : i1
        %add3A_1977 = arith.addi %rem3A_1968, %select_n3A_1967 : i32
        %select_n3A_1978 = arith.select %and3A_1976, %add3A_1977, %rem3A_1968 : i32
        %mul3A_1979 = arith.constant 128 : i32
        %mul3A_1980 = arith.muli %select_n3A_1978, %mul3A_1979 : i32
        %dma_start3A_1981 = arith.constant 0 : i32
        %dma_start3A_1982 = arith.constant 512 : i32
        %dma_start3A_1983 = arith.constant 0 : i32
        %dma_start3A_1984 = tpu.memref_slice %arg6[%dma_start3A_1981, %dma_start3A_1982, %dma_start3A_1983] : memref<2x640x64xf32, #tpu.memory_space<vmem>> -> memref<1x128x64xf32, #tpu.memory_space<vmem>>
        %dma_start3A_1985 = tpu.memref_squeeze %dma_start3A_1984 : memref<1x128x64xf32, #tpu.memory_space<vmem>> -> memref<128x64xf32, #tpu.memory_space<vmem>>
        %dma_start3A_1986 = tpu.memref_slice %arg5[%sub3A_1962, %mul3A_1980] : memref<7x1024xi32, #tpu.memory_space<vmem>> -> memref<1x128xi32, #tpu.memory_space<vmem>>
        %dma_start3A_1987 = tpu.memref_squeeze %dma_start3A_1986 : memref<1x128xi32, #tpu.memory_space<vmem>> -> memref<128xi32, #tpu.memory_space<vmem>>
        %dma_start3A_1988 = arith.constant 0 : i32
        %dma_start3A_1989 = arith.constant 0 : i32
        %dma_start3A_1990 = tpu.memref_slice %arg3[%dma_start3A_1988, %dma_start3A_1989] : memref<1000000x64xf32, #tpu.memory_space<hbm>> -> memref<1000000x64xf32, #tpu.memory_space<hbm>>
        tpu.enqueue_indirect_dma source(%dma_start3A_1990 : memref<1000000x64xf32, #tpu.memory_space<hbm>>) target(%dma_start3A_1985 : memref<128x64xf32, #tpu.memory_space<vmem>>) offsets(%dma_start3A_1987 : memref<128xi32, #tpu.memory_space<vmem>>) semaphore(%arg7 : memref<!tpu.dma_semaphore, #tpu.memory_space<semaphore_mem>>)
      } else {
      }
      %scan3A_1443 = arith.constant 0 : i32
      %scan3A_1444 = arith.constant 0 : i32
      %scan3A_1445 = arith.constant 40 : i32
      %scan3A_1446 = arith.addi %scan3A_1444, %scan3A_1445 : i32
      %scan3A_1447 = arith.constant 1 : i32
      scf.for %scan3A_1699 = %scan3A_1444 to %scan3A_1446 step %scan3A_1447  : i32 {
        %mul3A_1700 = arith.constant 5 : i32
        %mul3A_1701 = arith.muli %add3A_313, %mul3A_1700 : i32
        %add3A_1702 = arith.addi %mul3A_2, %mul3A_1701 : i32
        %jit3A_1703 = arith.constant 8 : i32
        %div3A_1704 = arith.divsi %scan3A_1699, %jit3A_1703 : i32
        %sign3A_1705 = arith.constant 0 : i32
        %sign3A_1706 = arith.cmpi sgt, %scan3A_1699, %sign3A_1705 : i32
        %sign3A_1707 = arith.extui %sign3A_1706 : i1 to i32
        %sign3A_1708 = arith.constant 0 : i32
        %sign3A_1709 = arith.cmpi slt, %scan3A_1699, %sign3A_1708 : i32
        %sign3A_1710 = arith.extui %sign3A_1709 : i1 to i32
        %sign3A_1711 = arith.subi %sign3A_1707, %sign3A_1710 : i32
        %sign3A_1712 = arith.constant 0 : i32
        %sign3A_1713 = arith.cmpi sgt, %jit3A_1703, %sign3A_1712 : i32
        %sign3A_1714 = arith.extui %sign3A_1713 : i1 to i32
        %sign3A_1715 = arith.constant 0 : i32
        %sign3A_1716 = arith.cmpi slt, %jit3A_1703, %sign3A_1715 : i32
        %sign3A_1717 = arith.extui %sign3A_1716 : i1 to i32
        %sign3A_1718 = arith.subi %sign3A_1714, %sign3A_1717 : i32
        %ne3A_1719 = arith.cmpi ne, %sign3A_1711, %sign3A_1718 : i32
        %rem3A_1720 = arith.remsi %scan3A_1699, %jit3A_1703 : i32
        %ne3A_1721 = arith.constant 0 : i32
        %ne3A_1722 = arith.cmpi ne, %rem3A_1720, %ne3A_1721 : i32
        %and3A_1723 = arith.andi %ne3A_1719, %ne3A_1722 : i1
        %sub3A_1724 = arith.constant 1 : i32
        %sub3A_1725 = arith.subi %div3A_1704, %sub3A_1724 : i32
        %select_n3A_1726 = arith.select %and3A_1723, %sub3A_1725, %div3A_1704 : i32
        %add3A_1727 = arith.addi %add3A_1702, %select_n3A_1726 : i32
        %jit3A_1728 = arith.constant 8 : i32
        %div3A_1729 = arith.divsi %add3A_1727, %jit3A_1728 : i32
        %sign3A_1730 = arith.constant 0 : i32
        %sign3A_1731 = arith.cmpi sgt, %add3A_1727, %sign3A_1730 : i32
        %sign3A_1732 = arith.extui %sign3A_1731 : i1 to i32
        %sign3A_1733 = arith.constant 0 : i32
        %sign3A_1734 = arith.cmpi slt, %add3A_1727, %sign3A_1733 : i32
        %sign3A_1735 = arith.extui %sign3A_1734 : i1 to i32
        %sign3A_1736 = arith.subi %sign3A_1732, %sign3A_1735 : i32
        %sign3A_1737 = arith.constant 0 : i32
        %sign3A_1738 = arith.cmpi sgt, %jit3A_1728, %sign3A_1737 : i32
        %sign3A_1739 = arith.extui %sign3A_1738 : i1 to i32
        %sign3A_1740 = arith.constant 0 : i32
        %sign3A_1741 = arith.cmpi slt, %jit3A_1728, %sign3A_1740 : i32
        %sign3A_1742 = arith.extui %sign3A_1741 : i1 to i32
        %sign3A_1743 = arith.subi %sign3A_1739, %sign3A_1742 : i32
        %ne3A_1744 = arith.cmpi ne, %sign3A_1736, %sign3A_1743 : i32
        %rem3A_1745 = arith.remsi %add3A_1727, %jit3A_1728 : i32
        %ne3A_1746 = arith.constant 0 : i32
        %ne3A_1747 = arith.cmpi ne, %rem3A_1745, %ne3A_1746 : i32
        %and3A_1748 = arith.andi %ne3A_1744, %ne3A_1747 : i1
        %sub3A_1749 = arith.constant 1 : i32
        %sub3A_1750 = arith.subi %div3A_1729, %sub3A_1749 : i32
        %select_n3A_1751 = arith.select %and3A_1748, %sub3A_1750, %div3A_1729 : i32
        %sub3A_1752 = arith.subi %select_n3A_1751, %select_n3A : i32
        %jit3A_1753 = arith.constant 8 : i32
        %eq3A_1754 = arith.constant 0 : i32
        %eq3A_1755 = arith.cmpi eq, %jit3A_1753, %eq3A_1754 : i32
        %jit3A_1756 = arith.constant 1 : i32
        %select_n3A_1757 = arith.select %eq3A_1755, %jit3A_1756, %jit3A_1753 : i32
        %rem3A_1758 = arith.remsi %add3A_1727, %select_n3A_1757 : i32
        %ne3A_1759 = arith.constant 0 : i32
        %ne3A_1760 = arith.cmpi ne, %rem3A_1758, %ne3A_1759 : i32
        %lt3A_1761 = arith.constant 0 : i32
        %lt3A_1762 = arith.cmpi slt, %rem3A_1758, %lt3A_1761 : i32
        %lt3A_1763 = arith.constant 0 : i32
        %lt3A_1764 = arith.cmpi slt, %select_n3A_1757, %lt3A_1763 : i32
        %ne3A_1765 = arith.xori %lt3A_1762, %lt3A_1764 : i1
        %and3A_1766 = arith.andi %ne3A_1765, %ne3A_1760 : i1
        %add3A_1767 = arith.addi %rem3A_1758, %select_n3A_1757 : i32
        %select_n3A_1768 = arith.select %and3A_1766, %add3A_1767, %rem3A_1758 : i32
        %mul3A_1769 = arith.constant 128 : i32
        %mul3A_1770 = arith.muli %select_n3A_1768, %mul3A_1769 : i32
        %jit3A_1771 = arith.constant 8 : i32
        %eq3A_1772 = arith.constant 0 : i32
        %eq3A_1773 = arith.cmpi eq, %jit3A_1771, %eq3A_1772 : i32
        %jit3A_1774 = arith.constant 1 : i32
        %select_n3A_1775 = arith.select %eq3A_1773, %jit3A_1774, %jit3A_1771 : i32
        %rem3A_1776 = arith.remsi %scan3A_1699, %select_n3A_1775 : i32
        %ne3A_1777 = arith.constant 0 : i32
        %ne3A_1778 = arith.cmpi ne, %rem3A_1776, %ne3A_1777 : i32
        %lt3A_1779 = arith.constant 0 : i32
        %lt3A_1780 = arith.cmpi slt, %rem3A_1776, %lt3A_1779 : i32
        %lt3A_1781 = arith.constant 0 : i32
        %lt3A_1782 = arith.cmpi slt, %select_n3A_1775, %lt3A_1781 : i32
        %ne3A_1783 = arith.xori %lt3A_1780, %lt3A_1782 : i1
        %and3A_1784 = arith.andi %ne3A_1783, %ne3A_1778 : i1
        %add3A_1785 = arith.addi %rem3A_1776, %select_n3A_1775 : i32
        %select_n3A_1786 = arith.select %and3A_1784, %add3A_1785, %rem3A_1776 : i32
        %mul3A_1787 = arith.constant 16 : i32
        %mul3A_1788 = arith.muli %select_n3A_1786, %mul3A_1787 : i32
        %add3A_1789 = arith.addi %mul3A_1770, %mul3A_1788 : i32
        %get3A = arith.index_cast %sub3A_1752 : i32 to index
        %get3A_1790 = arith.index_cast %add3A_1789 : i32 to index
        %get3A_1791 = tpu.vector_load %arg5[%get3A, %get3A_1790] {strides = array<i32>} : memref<7x1024xi32, #tpu.memory_space<vmem>>, vector<16xi32>,
        %eq3A_1792 = arith.constant 0 : i32
        %eq3A_1793 = vector.broadcast %eq3A_1792 : i32 to vector<16xi32>
        %eq3A_1794 = arith.cmpi eq, %get3A_1791, %eq3A_1793 : vector<16xi32>
        %all_reduce_population_count3A = tpu.all_reduce %eq3A_1794 {dim = 0 : i64, kind = #tpu.reduction_kind<sum>} : vector<16xi1> -> vector<16xi32>
        %slice3A = vector.extract_strided_slice %all_reduce_population_count3A {offsets = [0], sizes = [1], strides = [1]} : vector<16xi32> to vector<1xi32>
        %squeeze3A = vector.extract %slice3A[0] : i32 from vector<1xi32>
        %gt3A = arith.constant 0 : i32
        %gt3A_1795 = arith.cmpi sgt, %squeeze3A, %gt3A : i32
        %convert_element_type3A_1796 = arith.extui %gt3A_1795 : i1 to i32
        %cond3A_1797 = arith.constant 0 : i32
        %cond3A_1798 = arith.cmpi ne, %convert_element_type3A_1796, %cond3A_1797 : i32
        scf.if %cond3A_1798 {
          %mul3A_1799 = arith.constant 16 : i32
          %mul3A_1800 = arith.muli %scan3A_1699, %mul3A_1799 : i32
          %iota3A = tpu.iota {dimensions = array<i32: 0>} : vector<16xi32>
          %add3A_1801 = vector.broadcast %mul3A_1800 : i32 to vector<16xi32>
          %add3A_1802 = arith.addi %add3A_1801, %iota3A : vector<16xi32>
          %broadcast_in_dim3A_1803 = arith.constant 0 : i32
          %broadcast_in_dim3A_1804 = vector.broadcast %broadcast_in_dim3A_1803 : i32 to vector<16xi32>
          %scatter3A = arith.constant 1 : i32
          %scatter3A_1805 = arith.constant 0 : i32
          %scatter3A_1806 = arith.constant 0 : i32
          %scatter3A_1807 = tpu.memref_slice %arg6[%scatter3A, %scatter3A_1805, %scatter3A_1806] : memref<2x640x64xf32, #tpu.memory_space<vmem>> -> memref<1x640x64xf32, #tpu.memory_space<vmem>>
          %scatter3A_1808 = tpu.memref_squeeze %scatter3A_1807 : memref<1x640x64xf32, #tpu.memory_space<vmem>> -> memref<640x64xf32, #tpu.memory_space<vmem>>
          tpu.vector_store_idx %scatter3A_1808[%add3A_1802, %broadcast_in_dim3A_1804], %broadcast_in_dim3A_19 masked %eq3A_1794 : memref<640x64xf32, #tpu.memory_space<vmem>>[vector<16xi32>, vector<16xi32>], vector<16xf32>, vector<16xi1>
          %broadcast_in_dim3A_1809 = arith.constant 1 : i32
          %broadcast_in_dim3A_1810 = vector.broadcast %broadcast_in_dim3A_1809 : i32 to vector<16xi32>
          %scatter3A_1811 = arith.constant 1 : i32
          %scatter3A_1812 = arith.constant 0 : i32
          %scatter3A_1813 = arith.constant 0 : i32
          %scatter3A_1814 = tpu.memref_slice %arg6[%scatter3A_1811, %scatter3A_1812, %scatter3A_1813] : memref<2x640x64xf32, #tpu.memory_space<vmem>> -> memref<1x640x64xf32, #tpu.memory_space<vmem>>
          %scatter3A_1815 = tpu.memref_squeeze %scatter3A_1814 : memref<1x640x64xf32, #tpu.memory_space<vmem>> -> memref<640x64xf32, #tpu.memory_space<vmem>>
          tpu.vector_store_idx %scatter3A_1815[%add3A_1802, %broadcast_in_dim3A_1810], %broadcast_in_dim3A_19 masked %eq3A_1794 : memref<640x64xf32, #tpu.memory_space<vmem>>[vector<16xi32>, vector<16xi32>], vector<16xf32>, vector<16xi1>
          %broadcast_in_dim3A_1816 = arith.constant 2 : i32
          %broadcast_in_dim3A_1817 = vector.broadcast %broadcast_in_dim3A_1816 : i32 to vector<16xi32>
          %scatter3A_1818 = arith.constant 1 : i32
          %scatter3A_1819 = arith.constant 0 : i32
          %scatter3A_1820 = arith.constant 0 : i32
          %scatter3A_1821 = tpu.memref_slice %arg6[%scatter3A_1818, %scatter3A_1819, %scatter3A_1820] : memref<2x640x64xf32, #tpu.memory_space<vmem>> -> memref<1x640x64xf32, #tpu.memory_space<vmem>>
          %scatter3A_1822 = tpu.memref_squeeze %scatter3A_1821 : memref<1x640x64xf32, #tpu.memory_space<vmem>> -> memref<640x64xf32, #tpu.memory_space<vmem>>
          tpu.vector_store_idx %scatter3A_1822[%add3A_1802, %broadcast_in_dim3A_1817], %broadcast_in_dim3A_19 masked %eq3A_1794 : memref<640x64xf32, #tpu.memory_space<vmem>>[vector<16xi32>, vector<16xi32>], vector<16xf32>, vector<16xi1>
          %broadcast_in_dim3A_1823 = arith.constant 3 : i32
          %broadcast_in_dim3A_1824 = vector.broadcast %broadcast_in_dim3A_1823 : i32 to vector<16xi32>
          %scatter3A_1825 = arith.constant 1 : i32
          %scatter3A_1826 = arith.constant 0 : i32
          %scatter3A_1827 = arith.constant 0 : i32
          %scatter3A_1828 = tpu.memref_slice %arg6[%scatter3A_1825, %scatter3A_1826, %scatter3A_1827] : memref<2x640x64xf32, #tpu.memory_space<vmem>> -> memref<1x640x64xf32, #tpu.memory_space<vmem>>
          %scatter3A_1829 = tpu.memref_squeeze %scatter3A_1828 : memref<1x640x64xf32, #tpu.memory_space<vmem>> -> memref<640x64xf32, #tpu.memory_space<vmem>>
          tpu.vector_store_idx %scatter3A_1829[%add3A_1802, %broadcast_in_dim3A_1824], %broadcast_in_dim3A_19 masked %eq3A_1794 : memref<640x64xf32, #tpu.memory_space<vmem>>[vector<16xi32>, vector<16xi32>], vector<16xf32>, vector<16xi1>
          %broadcast_in_dim3A_1830 = arith.constant 4 : i32
          %broadcast_in_dim3A_1831 = vector.broadcast %broadcast_in_dim3A_1830 : i32 to vector<16xi32>
          %scatter3A_1832 = arith.constant 1 : i32
          %scatter3A_1833 = arith.constant 0 : i32
          %scatter3A_1834 = arith.constant 0 : i32
          %scatter3A_1835 = tpu.memref_slice %arg6[%scatter3A_1832, %scatter3A_1833, %scatter3A_1834] : memref<2x640x64xf32, #tpu.memory_space<vmem>> -> memref<1x640x64xf32, #tpu.memory_space<vmem>>
          %scatter3A_1836 = tpu.memref_squeeze %scatter3A_1835 : memref<1x640x64xf32, #tpu.memory_space<vmem>> -> memref<640x64xf32, #tpu.memory_space<vmem>>
          tpu.vector_store_idx %scatter3A_1836[%add3A_1802, %broadcast_in_dim3A_1831], %broadcast_in_dim3A_19 masked %eq3A_1794 : memref<640x64xf32, #tpu.memory_space<vmem>>[vector<16xi32>, vector<16xi32>], vector<16xf32>, vector<16xi1>
          %broadcast_in_dim3A_1837 = arith.constant 5 : i32
          %broadcast_in_dim3A_1838 = vector.broadcast %broadcast_in_dim3A_1837 : i32 to vector<16xi32>
          %scatter3A_1839 = arith.constant 1 : i32
          %scatter3A_1840 = arith.constant 0 : i32
          %scatter3A_1841 = arith.constant 0 : i32
          %scatter3A_1842 = tpu.memref_slice %arg6[%scatter3A_1839, %scatter3A_1840, %scatter3A_1841] : memref<2x640x64xf32, #tpu.memory_space<vmem>> -> memref<1x640x64xf32, #tpu.memory_space<vmem>>
          %scatter3A_1843 = tpu.memref_squeeze %scatter3A_1842 : memref<1x640x64xf32, #tpu.memory_space<vmem>> -> memref<640x64xf32, #tpu.memory_space<vmem>>
          tpu.vector_store_idx %scatter3A_1843[%add3A_1802, %broadcast_in_dim3A_1838], %broadcast_in_dim3A_19 masked %eq3A_1794 : memref<640x64xf32, #tpu.memory_space<vmem>>[vector<16xi32>, vector<16xi32>], vector<16xf32>, vector<16xi1>
          %broadcast_in_dim3A_1844 = arith.constant 6 : i32
          %broadcast_in_dim3A_1845 = vector.broadcast %broadcast_in_dim3A_1844 : i32 to vector<16xi32>
          %scatter3A_1846 = arith.constant 1 : i32
          %scatter3A_1847 = arith.constant 0 : i32
          %scatter3A_1848 = arith.constant 0 : i32
          %scatter3A_1849 = tpu.memref_slice %arg6[%scatter3A_1846, %scatter3A_1847, %scatter3A_1848] : memref<2x640x64xf32, #tpu.memory_space<vmem>> -> memref<1x640x64xf32, #tpu.memory_space<vmem>>
          %scatter3A_1850 = tpu.memref_squeeze %scatter3A_1849 : memref<1x640x64xf32, #tpu.memory_space<vmem>> -> memref<640x64xf32, #tpu.memory_space<vmem>>
          tpu.vector_store_idx %scatter3A_1850[%add3A_1802, %broadcast_in_dim3A_1845], %broadcast_in_dim3A_19 masked %eq3A_1794 : memref<640x64xf32, #tpu.memory_space<vmem>>[vector<16xi32>, vector<16xi32>], vector<16xf32>, vector<16xi1>
          %broadcast_in_dim3A_1851 = arith.constant 7 : i32
          %broadcast_in_dim3A_1852 = vector.broadcast %broadcast_in_dim3A_1851 : i32 to vector<16xi32>
          %scatter3A_1853 = arith.constant 1 : i32
          %scatter3A_1854 = arith.constant 0 : i32
          %scatter3A_1855 = arith.constant 0 : i32
          %scatter3A_1856 = tpu.memref_slice %arg6[%scatter3A_1853, %scatter3A_1854, %scatter3A_1855] : memref<2x640x64xf32, #tpu.memory_space<vmem>> -> memref<1x640x64xf32, #tpu.memory_space<vmem>>
          %scatter3A_1857 = tpu.memref_squeeze %scatter3A_1856 : memref<1x640x64xf32, #tpu.memory_space<vmem>> -> memref<640x64xf32, #tpu.memory_space<vmem>>
          tpu.vector_store_idx %scatter3A_1857[%add3A_1802, %broadcast_in_dim3A_1852], %broadcast_in_dim3A_19 masked %eq3A_1794 : memref<640x64xf32, #tpu.memory_space<vmem>>[vector<16xi32>, vector<16xi32>], vector<16xf32>, vector<16xi1>
          %broadcast_in_dim3A_1858 = arith.constant 8 : i32
          %broadcast_in_dim3A_1859 = vector.broadcast %broadcast_in_dim3A_1858 : i32 to vector<16xi32>
          %scatter3A_1860 = arith.constant 1 : i32
          %scatter3A_1861 = arith.constant 0 : i32
          %scatter3A_1862 = arith.constant 0 : i32
          %scatter3A_1863 = tpu.memref_slice %arg6[%scatter3A_1860, %scatter3A_1861, %scatter3A_1862] : memref<2x640x64xf32, #tpu.memory_space<vmem>> -> memref<1x640x64xf32, #tpu.memory_space<vmem>>
          %scatter3A_1864 = tpu.memref_squeeze %scatter3A_1863 : memref<1x640x64xf32, #tpu.memory_space<vmem>> -> memref<640x64xf32, #tpu.memory_space<vmem>>
          tpu.vector_store_idx %scatter3A_1864[%add3A_1802, %broadcast_in_dim3A_1859], %broadcast_in_dim3A_19 masked %eq3A_1794 : memref<640x64xf32, #tpu.memory_space<vmem>>[vector<16xi32>, vector<16xi32>], vector<16xf32>, vector<16xi1>
          %broadcast_in_dim3A_1865 = arith.constant 9 : i32
          %broadcast_in_dim3A_1866 = vector.broadcast %broadcast_in_dim3A_1865 : i32 to vector<16xi32>
          %scatter3A_1867 = arith.constant 1 : i32
          %scatter3A_1868 = arith.constant 0 : i32
          %scatter3A_1869 = arith.constant 0 : i32
          %scatter3A_1870 = tpu.memref_slice %arg6[%scatter3A_1867, %scatter3A_1868, %scatter3A_1869] : memref<2x640x64xf32, #tpu.memory_space<vmem>> -> memref<1x640x64xf32, #tpu.memory_space<vmem>>
          %scatter3A_1871 = tpu.memref_squeeze %scatter3A_1870 : memref<1x640x64xf32, #tpu.memory_space<vmem>> -> memref<640x64xf32, #tpu.memory_space<vmem>>
          tpu.vector_store_idx %scatter3A_1871[%add3A_1802, %broadcast_in_dim3A_1866], %broadcast_in_dim3A_19 masked %eq3A_1794 : memref<640x64xf32, #tpu.memory_space<vmem>>[vector<16xi32>, vector<16xi32>], vector<16xf32>, vector<16xi1>
          %broadcast_in_dim3A_1872 = arith.constant 10 : i32
          %broadcast_in_dim3A_1873 = vector.broadcast %broadcast_in_dim3A_1872 : i32 to vector<16xi32>
          %scatter3A_1874 = arith.constant 1 : i32
          %scatter3A_1875 = arith.constant 0 : i32
          %scatter3A_1876 = arith.constant 0 : i32
          %scatter3A_1877 = tpu.memref_slice %arg6[%scatter3A_1874, %scatter3A_1875, %scatter3A_1876] : memref<2x640x64xf32, #tpu.memory_space<vmem>> -> memref<1x640x64xf32, #tpu.memory_space<vmem>>
          %scatter3A_1878 = tpu.memref_squeeze %scatter3A_1877 : memref<1x640x64xf32, #tpu.memory_space<vmem>> -> memref<640x64xf32, #tpu.memory_space<vmem>>
          tpu.vector_store_idx %scatter3A_1878[%add3A_1802, %broadcast_in_dim3A_1873], %broadcast_in_dim3A_19 masked %eq3A_1794 : memref<640x64xf32, #tpu.memory_space<vmem>>[vector<16xi32>, vector<16xi32>], vector<16xf32>, vector<16xi1>
          %broadcast_in_dim3A_1879 = arith.constant 11 : i32
          %broadcast_in_dim3A_1880 = vector.broadcast %broadcast_in_dim3A_1879 : i32 to vector<16xi32>
          %scatter3A_1881 = arith.constant 1 : i32
          %scatter3A_1882 = arith.constant 0 : i32
          %scatter3A_1883 = arith.constant 0 : i32
          %scatter3A_1884 = tpu.memref_slice %arg6[%scatter3A_1881, %scatter3A_1882, %scatter3A_1883] : memref<2x640x64xf32, #tpu.memory_space<vmem>> -> memref<1x640x64xf32, #tpu.memory_space<vmem>>
          %scatter3A_1885 = tpu.memref_squeeze %scatter3A_1884 : memref<1x640x64xf32, #tpu.memory_space<vmem>> -> memref<640x64xf32, #tpu.memory_space<vmem>>
          tpu.vector_store_idx %scatter3A_1885[%add3A_1802, %broadcast_in_dim3A_1880], %broadcast_in_dim3A_19 masked %eq3A_1794 : memref<640x64xf32, #tpu.memory_space<vmem>>[vector<16xi32>, vector<16xi32>], vector<16xf32>, vector<16xi1>
          %broadcast_in_dim3A_1886 = arith.constant 12 : i32
          %broadcast_in_dim3A_1887 = vector.broadcast %broadcast_in_dim3A_1886 : i32 to vector<16xi32>
          %scatter3A_1888 = arith.constant 1 : i32
          %scatter3A_1889 = arith.constant 0 : i32
          %scatter3A_1890 = arith.constant 0 : i32
          %scatter3A_1891 = tpu.memref_slice %arg6[%scatter3A_1888, %scatter3A_1889, %scatter3A_1890] : memref<2x640x64xf32, #tpu.memory_space<vmem>> -> memref<1x640x64xf32, #tpu.memory_space<vmem>>
          %scatter3A_1892 = tpu.memref_squeeze %scatter3A_1891 : memref<1x640x64xf32, #tpu.memory_space<vmem>> -> memref<640x64xf32, #tpu.memory_space<vmem>>
          tpu.vector_store_idx %scatter3A_1892[%add3A_1802, %broadcast_in_dim3A_1887], %broadcast_in_dim3A_19 masked %eq3A_1794 : memref<640x64xf32, #tpu.memory_space<vmem>>[vector<16xi32>, vector<16xi32>], vector<16xf32>, vector<16xi1>
          %broadcast_in_dim3A_1893 = arith.constant 13 : i32
          %broadcast_in_dim3A_1894 = vector.broadcast %broadcast_in_dim3A_1893 : i32 to vector<16xi32>
          %scatter3A_1895 = arith.constant 1 : i32
          %scatter3A_1896 = arith.constant 0 : i32
          %scatter3A_1897 = arith.constant 0 : i32
          %scatter3A_1898 = tpu.memref_slice %arg6[%scatter3A_1895, %scatter3A_1896, %scatter3A_1897] : memref<2x640x64xf32, #tpu.memory_space<vmem>> -> memref<1x640x64xf32, #tpu.memory_space<vmem>>
          %scatter3A_1899 = tpu.memref_squeeze %scatter3A_1898 : memref<1x640x64xf32, #tpu.memory_space<vmem>> -> memref<640x64xf32, #tpu.memory_space<vmem>>
          tpu.vector_store_idx %scatter3A_1899[%add3A_1802, %broadcast_in_dim3A_1894], %broadcast_in_dim3A_19 masked %eq3A_1794 : memref<640x64xf32, #tpu.memory_space<vmem>>[vector<16xi32>, vector<16xi32>], vector<16xf32>, vector<16xi1>
          %broadcast_in_dim3A_1900 = arith.constant 14 : i32
          %broadcast_in_dim3A_1901 = vector.broadcast %broadcast_in_dim3A_1900 : i32 to vector<16xi32>
          %scatter3A_1902 = arith.constant 1 : i32
          %scatter3A_1903 = arith.constant 0 : i32
          %scatter3A_1904 = arith.constant 0 : i32
          %scatter3A_1905 = tpu.memref_slice %arg6[%scatter3A_1902, %scatter3A_1903, %scatter3A_1904] : memref<2x640x64xf32, #tpu.memory_space<vmem>> -> memref<1x640x64xf32, #tpu.memory_space<vmem>>
          %scatter3A_1906 = tpu.memref_squeeze %scatter3A_1905 : memref<1x640x64xf32, #tpu.memory_space<vmem>> -> memref<640x64xf32, #tpu.memory_space<vmem>>
          tpu.vector_store_idx %scatter3A_1906[%add3A_1802, %broadcast_in_dim3A_1901], %broadcast_in_dim3A_19 masked %eq3A_1794 : memref<640x64xf32, #tpu.memory_space<vmem>>[vector<16xi32>, vector<16xi32>], vector<16xf32>, vector<16xi1>
          %broadcast_in_dim3A_1907 = arith.constant 15 : i32
          %broadcast_in_dim3A_1908 = vector.broadcast %broadcast_in_dim3A_1907 : i32 to vector<16xi32>
          %scatter3A_1909 = arith.constant 1 : i32
          %scatter3A_1910 = arith.constant 0 : i32
          %scatter3A_1911 = arith.constant 0 : i32
          %scatter3A_1912 = tpu.memref_slice %arg6[%scatter3A_1909, %scatter3A_1910, %scatter3A_1911] : memref<2x640x64xf32, #tpu.memory_space<vmem>> -> memref<1x640x64xf32, #tpu.memory_space<vmem>>
          %scatter3A_1913 = tpu.memref_squeeze %scatter3A_1912 : memref<1x640x64xf32, #tpu.memory_space<vmem>> -> memref<640x64xf32, #tpu.memory_space<vmem>>
          tpu.vector_store_idx %scatter3A_1913[%add3A_1802, %broadcast_in_dim3A_1908], %broadcast_in_dim3A_19 masked %eq3A_1794 : memref<640x64xf32, #tpu.memory_space<vmem>>[vector<16xi32>, vector<16xi32>], vector<16xf32>, vector<16xi1>
          %broadcast_in_dim3A_1914 = arith.constant 16 : i32
          %broadcast_in_dim3A_1915 = vector.broadcast %broadcast_in_dim3A_1914 : i32 to vector<16xi32>
          %scatter3A_1916 = arith.constant 1 : i32
          %scatter3A_1917 = arith.constant 0 : i32
          %scatter3A_1918 = arith.constant 0 : i32
          %scatter3A_1919 = tpu.memref_slice %arg6[%scatter3A_1916, %scatter3A_1917, %scatter3A_1918] : memref<2x640x64xf32, #tpu.memory_space<vmem>> -> memref<1x640x64xf32, #tpu.memory_space<vmem>>
          %scatter3A_1920 = tpu.memref_squeeze %scatter3A_1919 : memref<1x640x64xf32, #tpu.memory_space<vmem>> -> memref<640x64xf32, #tpu.memory_space<vmem>>
          tpu.vector_store_idx %scatter3A_1920[%add3A_1802, %broadcast_in_dim3A_1915], %broadcast_in_dim3A_19 masked %eq3A_1794 : memref<640x64xf32, #tpu.memory_space<vmem>>[vector<16xi32>, vector<16xi32>], vector<16xf32>, vector<16xi1>
          %broadcast_in_dim3A_1921 = arith.constant 17 : i32
          %broadcast_in_dim3A_1922 = vector.broadcast %broadcast_in_dim3A_1921 : i32 to vector<16xi32>
          %scatter3A_1923 = arith.constant 1 : i32
          %scatter3A_1924 = arith.constant 0 : i32
          %scatter3A_1925 = arith.constant 0 : i32
          %scatter3A_1926 = tpu.memref_slice %arg6[%scatter3A_1923, %scatter3A_1924, %scatter3A_1925] : memref<2x640x64xf32, #tpu.memory_space<vmem>> -> memref<1x640x64xf32, #tpu.memory_space<vmem>>
          %scatter3A_1927 = tpu.memref_squeeze %scatter3A_1926 : memref<1x640x64xf32, #tpu.memory_space<vmem>> -> memref<640x64xf32, #tpu.memory_space<vmem>>
          tpu.vector_store_idx %scatter3A_1927[%add3A_1802, %broadcast_in_dim3A_1922], %broadcast_in_dim3A_19 masked %eq3A_1794 : memref<640x64xf32, #tpu.memory_space<vmem>>[vector<16xi32>, vector<16xi32>], vector<16xf32>, vector<16xi1>
          %broadcast_in_dim3A_1928 = arith.constant 18 : i32
          %broadcast_in_dim3A_1929 = vector.broadcast %broadcast_in_dim3A_1928 : i32 to vector<16xi32>
          %scatter3A_1930 = arith.constant 1 : i32
          %scatter3A_1931 = arith.constant 0 : i32
          %scatter3A_1932 = arith.constant 0 : i32
          %scatter3A_1933 = tpu.memref_slice %arg6[%scatter3A_1930, %scatter3A_1931, %scatter3A_1932] : memref<2x640x64xf32, #tpu.memory_space<vmem>> -> memref<1x640x64xf32, #tpu.memory_space<vmem>>
          %scatter3A_1934 = tpu.memref_squeeze %scatter3A_1933 : memref<1x640x64xf32, #tpu.memory_space<vmem>> -> memref<640x64xf32, #tpu.memory_space<vmem>>
          tpu.vector_store_idx %scatter3A_1934[%add3A_1802, %broadcast_in_dim3A_1929], %broadcast_in_dim3A_19 masked %eq3A_1794 : memref<640x64xf32, #tpu.memory_space<vmem>>[vector<16xi32>, vector<16xi32>], vector<16xf32>, vector<16xi1>
          %broadcast_in_dim3A_1935 = arith.constant 19 : i32
          %broadcast_in_dim3A_1936 = vector.broadcast %broadcast_in_dim3A_1935 : i32 to vector<16xi32>
          %scatter3A_1937 = arith.constant 1 : i32
          %scatter3A_1938 = arith.constant 0 : i32
          %scatter3A_1939 = arith.constant 0 : i32
          %scatter3A_1940 = tpu.memref_slice %arg6[%scatter3A_1937, %scatter3A_1938, %scatter3A_1939] : memref<2x640x64xf32, #tpu.memory_space<vmem>> -> memref<1x640x64xf32, #tpu.memory_space<vmem>>
          %scatter3A_1941 = tpu.memref_squeeze %scatter3A_1940 : memref<1x640x64xf32, #tpu.memory_space<vmem>> -> memref<640x64xf32, #tpu.memory_space<vmem>>
          tpu.vector_store_idx %scatter3A_1941[%add3A_1802, %broadcast_in_dim3A_1936], %broadcast_in_dim3A_19 masked %eq3A_1794 : memref<640x64xf32, #tpu.memory_space<vmem>>[vector<16xi32>, vector<16xi32>], vector<16xf32>, vector<16xi1>
          %broadcast_in_dim3A_1942 = arith.constant 20 : i32
          %broadcast_in_dim3A_1943 = vector.broadcast %broadcast_in_dim3A_1942 : i32 to vector<16xi32>
          %scatter3A_1944 = arith.constant 1 : i32
          %scatter3A_1945 = arith.constant 0 : i32
          %scatter3A_1946 = arith.constant 0 : i32
          %scatter3A_1947 = tpu.memref_slice %arg6[%scatter3A_1944, %scatter3A_1945, %scatter3A_1946] : memref<2x640x64xf32, #tpu.memory_space<vmem>> -> memref<1x640x64xf32, #tpu.memory_space<vmem>>
          %scatter3A_1948 = tpu.memref_squeeze %scatter3A_1947 : memref<1x640x64xf32, #tpu.memory_space<vmem>> -> memref<640x64xf32, #tpu.memory_space<vmem>>
          tpu.vector_store_idx %scatter3A_1948[%add3A_1802, %broadcast_in_dim3A_1943], %broadcast_in_dim3A_19 masked %eq3A_1794 : memref<640x64xf32, #tpu.memory_space<vmem>>[vector<16xi32>, vector<16xi32>], vector<16xf32>, vector<16xi1>
          %broadcast_in_dim3A_1949 = arith.constant 21 : i32
          %broadcast_in_dim3A_1950 = vector.broadcast %broadcast_in_dim3A_1949 : i32 to vector<16xi32>
          %scatter3A_1951 = arith.constant 1 : i32
          %scatter3A_1952 = arith.constant 0 : i32
          %scatter3A_1953 = arith.constant 0 : i32
          %scatter3A_1954 = tpu.memref_slice %arg6[%scatter3A_1951, %scatter3A_1952, %scatter3A_1953] : memref<2x640x64xf32, #tpu.memory_space<vmem>> -> memref<1x640x64xf32, #tpu.memory_space<vmem>>
          %scatter3A_1955 = tpu.memref_squeeze %scatter3A_1954 : memref<1x640x64xf32, #tpu.memory_space<vmem>> -> memref<640x64xf32, #tpu.memory_space<vmem>>
          tpu.vector_store_idx %scatter3A_1955[%add3A_1802, %broadcast_in_dim3A_1950], %broadcast_in_dim3A_19 masked %eq3A_1794 : memref<640x64xf32, #tpu.memory_space<vmem>>[vector<16xi32>, vector<16xi32>], vector<16xf32>, vector<16xi1>
          %broadcast_in_dim3A_1956 = arith.constant 22 : i32
          %broadcast_in_dim3A_1957 = vector.broadcast %broadcast_in_dim3A_1956 : i32 to vector<16xi32>
          %scatter3A_1958 = arith.constant 1 : i32
          %scatter3A_1959 = arith.constant 0 : i32
          %scatter3A_1960 = arith.constant 0 : i32
          %scatter3A_1961 = tpu.memref_slice %arg6[%scatter3A_1958, %scatter3A_1959, %scatter3A_1960] : memref<2x640x64xf32, #tpu.memory_space<vmem>> -> memref<1x640x64xf32, #tpu.memory_space<vmem>>
          %scatter3A_1962 = tpu.memref_squeeze %scatter3A_1961 : memref<1x640x64xf32, #tpu.memory_space<vmem>> -> memref<640x64xf32, #tpu.memory_space<vmem>>
          tpu.vector_store_idx %scatter3A_1962[%add3A_1802, %broadcast_in_dim3A_1957], %broadcast_in_dim3A_19 masked %eq3A_1794 : memref<640x64xf32, #tpu.memory_space<vmem>>[vector<16xi32>, vector<16xi32>], vector<16xf32>, vector<16xi1>
          %broadcast_in_dim3A_1963 = arith.constant 23 : i32
          %broadcast_in_dim3A_1964 = vector.broadcast %broadcast_in_dim3A_1963 : i32 to vector<16xi32>
          %scatter3A_1965 = arith.constant 1 : i32
          %scatter3A_1966 = arith.constant 0 : i32
          %scatter3A_1967 = arith.constant 0 : i32
          %scatter3A_1968 = tpu.memref_slice %arg6[%scatter3A_1965, %scatter3A_1966, %scatter3A_1967] : memref<2x640x64xf32, #tpu.memory_space<vmem>> -> memref<1x640x64xf32, #tpu.memory_space<vmem>>
          %scatter3A_1969 = tpu.memref_squeeze %scatter3A_1968 : memref<1x640x64xf32, #tpu.memory_space<vmem>> -> memref<640x64xf32, #tpu.memory_space<vmem>>
          tpu.vector_store_idx %scatter3A_1969[%add3A_1802, %broadcast_in_dim3A_1964], %broadcast_in_dim3A_19 masked %eq3A_1794 : memref<640x64xf32, #tpu.memory_space<vmem>>[vector<16xi32>, vector<16xi32>], vector<16xf32>, vector<16xi1>
          %broadcast_in_dim3A_1970 = arith.constant 24 : i32
          %broadcast_in_dim3A_1971 = vector.broadcast %broadcast_in_dim3A_1970 : i32 to vector<16xi32>
          %scatter3A_1972 = arith.constant 1 : i32
          %scatter3A_1973 = arith.constant 0 : i32
          %scatter3A_1974 = arith.constant 0 : i32
          %scatter3A_1975 = tpu.memref_slice %arg6[%scatter3A_1972, %scatter3A_1973, %scatter3A_1974] : memref<2x640x64xf32, #tpu.memory_space<vmem>> -> memref<1x640x64xf32, #tpu.memory_space<vmem>>
          %scatter3A_1976 = tpu.memref_squeeze %scatter3A_1975 : memref<1x640x64xf32, #tpu.memory_space<vmem>> -> memref<640x64xf32, #tpu.memory_space<vmem>>
          tpu.vector_store_idx %scatter3A_1976[%add3A_1802, %broadcast_in_dim3A_1971], %broadcast_in_dim3A_19 masked %eq3A_1794 : memref<640x64xf32, #tpu.memory_space<vmem>>[vector<16xi32>, vector<16xi32>], vector<16xf32>, vector<16xi1>
          %broadcast_in_dim3A_1977 = arith.constant 25 : i32
          %broadcast_in_dim3A_1978 = vector.broadcast %broadcast_in_dim3A_1977 : i32 to vector<16xi32>
          %scatter3A_1979 = arith.constant 1 : i32
          %scatter3A_1980 = arith.constant 0 : i32
          %scatter3A_1981 = arith.constant 0 : i32
          %scatter3A_1982 = tpu.memref_slice %arg6[%scatter3A_1979, %scatter3A_1980, %scatter3A_1981] : memref<2x640x64xf32, #tpu.memory_space<vmem>> -> memref<1x640x64xf32, #tpu.memory_space<vmem>>
          %scatter3A_1983 = tpu.memref_squeeze %scatter3A_1982 : memref<1x640x64xf32, #tpu.memory_space<vmem>> -> memref<640x64xf32, #tpu.memory_space<vmem>>
          tpu.vector_store_idx %scatter3A_1983[%add3A_1802, %broadcast_in_dim3A_1978], %broadcast_in_dim3A_19 masked %eq3A_1794 : memref<640x64xf32, #tpu.memory_space<vmem>>[vector<16xi32>, vector<16xi32>], vector<16xf32>, vector<16xi1>
          %broadcast_in_dim3A_1984 = arith.constant 26 : i32
          %broadcast_in_dim3A_1985 = vector.broadcast %broadcast_in_dim3A_1984 : i32 to vector<16xi32>
          %scatter3A_1986 = arith.constant 1 : i32
          %scatter3A_1987 = arith.constant 0 : i32
          %scatter3A_1988 = arith.constant 0 : i32
          %scatter3A_1989 = tpu.memref_slice %arg6[%scatter3A_1986, %scatter3A_1987, %scatter3A_1988] : memref<2x640x64xf32, #tpu.memory_space<vmem>> -> memref<1x640x64xf32, #tpu.memory_space<vmem>>
          %scatter3A_1990 = tpu.memref_squeeze %scatter3A_1989 : memref<1x640x64xf32, #tpu.memory_space<vmem>> -> memref<640x64xf32, #tpu.memory_space<vmem>>
          tpu.vector_store_idx %scatter3A_1990[%add3A_1802, %broadcast_in_dim3A_1985], %broadcast_in_dim3A_19 masked %eq3A_1794 : memref<640x64xf32, #tpu.memory_space<vmem>>[vector<16xi32>, vector<16xi32>], vector<16xf32>, vector<16xi1>
          %broadcast_in_dim3A_1991 = arith.constant 27 : i32
          %broadcast_in_dim3A_1992 = vector.broadcast %broadcast_in_dim3A_1991 : i32 to vector<16xi32>
          %scatter3A_1993 = arith.constant 1 : i32
          %scatter3A_1994 = arith.constant 0 : i32
          %scatter3A_1995 = arith.constant 0 : i32
          %scatter3A_1996 = tpu.memref_slice %arg6[%scatter3A_1993, %scatter3A_1994, %scatter3A_1995] : memref<2x640x64xf32, #tpu.memory_space<vmem>> -> memref<1x640x64xf32, #tpu.memory_space<vmem>>
          %scatter3A_1997 = tpu.memref_squeeze %scatter3A_1996 : memref<1x640x64xf32, #tpu.memory_space<vmem>> -> memref<640x64xf32, #tpu.memory_space<vmem>>
          tpu.vector_store_idx %scatter3A_1997[%add3A_1802, %broadcast_in_dim3A_1992], %broadcast_in_dim3A_19 masked %eq3A_1794 : memref<640x64xf32, #tpu.memory_space<vmem>>[vector<16xi32>, vector<16xi32>], vector<16xf32>, vector<16xi1>
          %broadcast_in_dim3A_1998 = arith.constant 28 : i32
          %broadcast_in_dim3A_1999 = vector.broadcast %broadcast_in_dim3A_1998 : i32 to vector<16xi32>
          %scatter3A_2000 = arith.constant 1 : i32
          %scatter3A_2001 = arith.constant 0 : i32
          %scatter3A_2002 = arith.constant 0 : i32
          %scatter3A_2003 = tpu.memref_slice %arg6[%scatter3A_2000, %scatter3A_2001, %scatter3A_2002] : memref<2x640x64xf32, #tpu.memory_space<vmem>> -> memref<1x640x64xf32, #tpu.memory_space<vmem>>
          %scatter3A_2004 = tpu.memref_squeeze %scatter3A_2003 : memref<1x640x64xf32, #tpu.memory_space<vmem>> -> memref<640x64xf32, #tpu.memory_space<vmem>>
          tpu.vector_store_idx %scatter3A_2004[%add3A_1802, %broadcast_in_dim3A_1999], %broadcast_in_dim3A_19 masked %eq3A_1794 : memref<640x64xf32, #tpu.memory_space<vmem>>[vector<16xi32>, vector<16xi32>], vector<16xf32>, vector<16xi1>
          %broadcast_in_dim3A_2005 = arith.constant 29 : i32
          %broadcast_in_dim3A_2006 = vector.broadcast %broadcast_in_dim3A_2005 : i32 to vector<16xi32>
          %scatter3A_2007 = arith.constant 1 : i32
          %scatter3A_2008 = arith.constant 0 : i32
          %scatter3A_2009 = arith.constant 0 : i32
          %scatter3A_2010 = tpu.memref_slice %arg6[%scatter3A_2007, %scatter3A_2008, %scatter3A_2009] : memref<2x640x64xf32, #tpu.memory_space<vmem>> -> memref<1x640x64xf32, #tpu.memory_space<vmem>>
          %scatter3A_2011 = tpu.memref_squeeze %scatter3A_2010 : memref<1x640x64xf32, #tpu.memory_space<vmem>> -> memref<640x64xf32, #tpu.memory_space<vmem>>
          tpu.vector_store_idx %scatter3A_2011[%add3A_1802, %broadcast_in_dim3A_2006], %broadcast_in_dim3A_19 masked %eq3A_1794 : memref<640x64xf32, #tpu.memory_space<vmem>>[vector<16xi32>, vector<16xi32>], vector<16xf32>, vector<16xi1>
          %broadcast_in_dim3A_2012 = arith.constant 30 : i32
          %broadcast_in_dim3A_2013 = vector.broadcast %broadcast_in_dim3A_2012 : i32 to vector<16xi32>
          %scatter3A_2014 = arith.constant 1 : i32
          %scatter3A_2015 = arith.constant 0 : i32
          %scatter3A_2016 = arith.constant 0 : i32
          %scatter3A_2017 = tpu.memref_slice %arg6[%scatter3A_2014, %scatter3A_2015, %scatter3A_2016] : memref<2x640x64xf32, #tpu.memory_space<vmem>> -> memref<1x640x64xf32, #tpu.memory_space<vmem>>
          %scatter3A_2018 = tpu.memref_squeeze %scatter3A_2017 : memref<1x640x64xf32, #tpu.memory_space<vmem>> -> memref<640x64xf32, #tpu.memory_space<vmem>>
          tpu.vector_store_idx %scatter3A_2018[%add3A_1802, %broadcast_in_dim3A_2013], %broadcast_in_dim3A_19 masked %eq3A_1794 : memref<640x64xf32, #tpu.memory_space<vmem>>[vector<16xi32>, vector<16xi32>], vector<16xf32>, vector<16xi1>
          %broadcast_in_dim3A_2019 = arith.constant 31 : i32
          %broadcast_in_dim3A_2020 = vector.broadcast %broadcast_in_dim3A_2019 : i32 to vector<16xi32>
          %scatter3A_2021 = arith.constant 1 : i32
          %scatter3A_2022 = arith.constant 0 : i32
          %scatter3A_2023 = arith.constant 0 : i32
          %scatter3A_2024 = tpu.memref_slice %arg6[%scatter3A_2021, %scatter3A_2022, %scatter3A_2023] : memref<2x640x64xf32, #tpu.memory_space<vmem>> -> memref<1x640x64xf32, #tpu.memory_space<vmem>>
          %scatter3A_2025 = tpu.memref_squeeze %scatter3A_2024 : memref<1x640x64xf32, #tpu.memory_space<vmem>> -> memref<640x64xf32, #tpu.memory_space<vmem>>
          tpu.vector_store_idx %scatter3A_2025[%add3A_1802, %broadcast_in_dim3A_2020], %broadcast_in_dim3A_19 masked %eq3A_1794 : memref<640x64xf32, #tpu.memory_space<vmem>>[vector<16xi32>, vector<16xi32>], vector<16xf32>, vector<16xi1>
          %broadcast_in_dim3A_2026 = arith.constant 32 : i32
          %broadcast_in_dim3A_2027 = vector.broadcast %broadcast_in_dim3A_2026 : i32 to vector<16xi32>
          %scatter3A_2028 = arith.constant 1 : i32
          %scatter3A_2029 = arith.constant 0 : i32
          %scatter3A_2030 = arith.constant 0 : i32
          %scatter3A_2031 = tpu.memref_slice %arg6[%scatter3A_2028, %scatter3A_2029, %scatter3A_2030] : memref<2x640x64xf32, #tpu.memory_space<vmem>> -> memref<1x640x64xf32, #tpu.memory_space<vmem>>
          %scatter3A_2032 = tpu.memref_squeeze %scatter3A_2031 : memref<1x640x64xf32, #tpu.memory_space<vmem>> -> memref<640x64xf32, #tpu.memory_space<vmem>>
          tpu.vector_store_idx %scatter3A_2032[%add3A_1802, %broadcast_in_dim3A_2027], %broadcast_in_dim3A_19 masked %eq3A_1794 : memref<640x64xf32, #tpu.memory_space<vmem>>[vector<16xi32>, vector<16xi32>], vector<16xf32>, vector<16xi1>
          %broadcast_in_dim3A_2033 = arith.constant 33 : i32
          %broadcast_in_dim3A_2034 = vector.broadcast %broadcast_in_dim3A_2033 : i32 to vector<16xi32>
          %scatter3A_2035 = arith.constant 1 : i32
          %scatter3A_2036 = arith.constant 0 : i32
          %scatter3A_2037 = arith.constant 0 : i32
          %scatter3A_2038 = tpu.memref_slice %arg6[%scatter3A_2035, %scatter3A_2036, %scatter3A_2037] : memref<2x640x64xf32, #tpu.memory_space<vmem>> -> memref<1x640x64xf32, #tpu.memory_space<vmem>>
          %scatter3A_2039 = tpu.memref_squeeze %scatter3A_2038 : memref<1x640x64xf32, #tpu.memory_space<vmem>> -> memref<640x64xf32, #tpu.memory_space<vmem>>
          tpu.vector_store_idx %scatter3A_2039[%add3A_1802, %broadcast_in_dim3A_2034], %broadcast_in_dim3A_19 masked %eq3A_1794 : memref<640x64xf32, #tpu.memory_space<vmem>>[vector<16xi32>, vector<16xi32>], vector<16xf32>, vector<16xi1>
          %broadcast_in_dim3A_2040 = arith.constant 34 : i32
          %broadcast_in_dim3A_2041 = vector.broadcast %broadcast_in_dim3A_2040 : i32 to vector<16xi32>
          %scatter3A_2042 = arith.constant 1 : i32
          %scatter3A_2043 = arith.constant 0 : i32
          %scatter3A_2044 = arith.constant 0 : i32
          %scatter3A_2045 = tpu.memref_slice %arg6[%scatter3A_2042, %scatter3A_2043, %scatter3A_2044] : memref<2x640x64xf32, #tpu.memory_space<vmem>> -> memref<1x640x64xf32, #tpu.memory_space<vmem>>
          %scatter3A_2046 = tpu.memref_squeeze %scatter3A_2045 : memref<1x640x64xf32, #tpu.memory_space<vmem>> -> memref<640x64xf32, #tpu.memory_space<vmem>>
          tpu.vector_store_idx %scatter3A_2046[%add3A_1802, %broadcast_in_dim3A_2041], %broadcast_in_dim3A_19 masked %eq3A_1794 : memref<640x64xf32, #tpu.memory_space<vmem>>[vector<16xi32>, vector<16xi32>], vector<16xf32>, vector<16xi1>
          %broadcast_in_dim3A_2047 = arith.constant 35 : i32
          %broadcast_in_dim3A_2048 = vector.broadcast %broadcast_in_dim3A_2047 : i32 to vector<16xi32>
          %scatter3A_2049 = arith.constant 1 : i32
          %scatter3A_2050 = arith.constant 0 : i32
          %scatter3A_2051 = arith.constant 0 : i32
          %scatter3A_2052 = tpu.memref_slice %arg6[%scatter3A_2049, %scatter3A_2050, %scatter3A_2051] : memref<2x640x64xf32, #tpu.memory_space<vmem>> -> memref<1x640x64xf32, #tpu.memory_space<vmem>>
          %scatter3A_2053 = tpu.memref_squeeze %scatter3A_2052 : memref<1x640x64xf32, #tpu.memory_space<vmem>> -> memref<640x64xf32, #tpu.memory_space<vmem>>
          tpu.vector_store_idx %scatter3A_2053[%add3A_1802, %broadcast_in_dim3A_2048], %broadcast_in_dim3A_19 masked %eq3A_1794 : memref<640x64xf32, #tpu.memory_space<vmem>>[vector<16xi32>, vector<16xi32>], vector<16xf32>, vector<16xi1>
          %broadcast_in_dim3A_2054 = arith.constant 36 : i32
          %broadcast_in_dim3A_2055 = vector.broadcast %broadcast_in_dim3A_2054 : i32 to vector<16xi32>
          %scatter3A_2056 = arith.constant 1 : i32
          %scatter3A_2057 = arith.constant 0 : i32
          %scatter3A_2058 = arith.constant 0 : i32
          %scatter3A_2059 = tpu.memref_slice %arg6[%scatter3A_2056, %scatter3A_2057, %scatter3A_2058] : memref<2x640x64xf32, #tpu.memory_space<vmem>> -> memref<1x640x64xf32, #tpu.memory_space<vmem>>
          %scatter3A_2060 = tpu.memref_squeeze %scatter3A_2059 : memref<1x640x64xf32, #tpu.memory_space<vmem>> -> memref<640x64xf32, #tpu.memory_space<vmem>>
          tpu.vector_store_idx %scatter3A_2060[%add3A_1802, %broadcast_in_dim3A_2055], %broadcast_in_dim3A_19 masked %eq3A_1794 : memref<640x64xf32, #tpu.memory_space<vmem>>[vector<16xi32>, vector<16xi32>], vector<16xf32>, vector<16xi1>
          %broadcast_in_dim3A_2061 = arith.constant 37 : i32
          %broadcast_in_dim3A_2062 = vector.broadcast %broadcast_in_dim3A_2061 : i32 to vector<16xi32>
          %scatter3A_2063 = arith.constant 1 : i32
          %scatter3A_2064 = arith.constant 0 : i32
          %scatter3A_2065 = arith.constant 0 : i32
          %scatter3A_2066 = tpu.memref_slice %arg6[%scatter3A_2063, %scatter3A_2064, %scatter3A_2065] : memref<2x640x64xf32, #tpu.memory_space<vmem>> -> memref<1x640x64xf32, #tpu.memory_space<vmem>>
          %scatter3A_2067 = tpu.memref_squeeze %scatter3A_2066 : memref<1x640x64xf32, #tpu.memory_space<vmem>> -> memref<640x64xf32, #tpu.memory_space<vmem>>
          tpu.vector_store_idx %scatter3A_2067[%add3A_1802, %broadcast_in_dim3A_2062], %broadcast_in_dim3A_19 masked %eq3A_1794 : memref<640x64xf32, #tpu.memory_space<vmem>>[vector<16xi32>, vector<16xi32>], vector<16xf32>, vector<16xi1>
          %broadcast_in_dim3A_2068 = arith.constant 38 : i32
          %broadcast_in_dim3A_2069 = vector.broadcast %broadcast_in_dim3A_2068 : i32 to vector<16xi32>
          %scatter3A_2070 = arith.constant 1 : i32
          %scatter3A_2071 = arith.constant 0 : i32
          %scatter3A_2072 = arith.constant 0 : i32
          %scatter3A_2073 = tpu.memref_slice %arg6[%scatter3A_2070, %scatter3A_2071, %scatter3A_2072] : memref<2x640x64xf32, #tpu.memory_space<vmem>> -> memref<1x640x64xf32, #tpu.memory_space<vmem>>
          %scatter3A_2074 = tpu.memref_squeeze %scatter3A_2073 : memref<1x640x64xf32, #tpu.memory_space<vmem>> -> memref<640x64xf32, #tpu.memory_space<vmem>>
          tpu.vector_store_idx %scatter3A_2074[%add3A_1802, %broadcast_in_dim3A_2069], %broadcast_in_dim3A_19 masked %eq3A_1794 : memref<640x64xf32, #tpu.memory_space<vmem>>[vector<16xi32>, vector<16xi32>], vector<16xf32>, vector<16xi1>
          %broadcast_in_dim3A_2075 = arith.constant 39 : i32
          %broadcast_in_dim3A_2076 = vector.broadcast %broadcast_in_dim3A_2075 : i32 to vector<16xi32>
          %scatter3A_2077 = arith.constant 1 : i32
          %scatter3A_2078 = arith.constant 0 : i32
          %scatter3A_2079 = arith.constant 0 : i32
          %scatter3A_2080 = tpu.memref_slice %arg6[%scatter3A_2077, %scatter3A_2078, %scatter3A_2079] : memref<2x640x64xf32, #tpu.memory_space<vmem>> -> memref<1x640x64xf32, #tpu.memory_space<vmem>>
          %scatter3A_2081 = tpu.memref_squeeze %scatter3A_2080 : memref<1x640x64xf32, #tpu.memory_space<vmem>> -> memref<640x64xf32, #tpu.memory_space<vmem>>
          tpu.vector_store_idx %scatter3A_2081[%add3A_1802, %broadcast_in_dim3A_2076], %broadcast_in_dim3A_19 masked %eq3A_1794 : memref<640x64xf32, #tpu.memory_space<vmem>>[vector<16xi32>, vector<16xi32>], vector<16xf32>, vector<16xi1>
          %broadcast_in_dim3A_2082 = arith.constant 40 : i32
          %broadcast_in_dim3A_2083 = vector.broadcast %broadcast_in_dim3A_2082 : i32 to vector<16xi32>
          %scatter3A_2084 = arith.constant 1 : i32
          %scatter3A_2085 = arith.constant 0 : i32
          %scatter3A_2086 = arith.constant 0 : i32
          %scatter3A_2087 = tpu.memref_slice %arg6[%scatter3A_2084, %scatter3A_2085, %scatter3A_2086] : memref<2x640x64xf32, #tpu.memory_space<vmem>> -> memref<1x640x64xf32, #tpu.memory_space<vmem>>
          %scatter3A_2088 = tpu.memref_squeeze %scatter3A_2087 : memref<1x640x64xf32, #tpu.memory_space<vmem>> -> memref<640x64xf32, #tpu.memory_space<vmem>>
          tpu.vector_store_idx %scatter3A_2088[%add3A_1802, %broadcast_in_dim3A_2083], %broadcast_in_dim3A_19 masked %eq3A_1794 : memref<640x64xf32, #tpu.memory_space<vmem>>[vector<16xi32>, vector<16xi32>], vector<16xf32>, vector<16xi1>
          %broadcast_in_dim3A_2089 = arith.constant 41 : i32
          %broadcast_in_dim3A_2090 = vector.broadcast %broadcast_in_dim3A_2089 : i32 to vector<16xi32>
          %scatter3A_2091 = arith.constant 1 : i32
          %scatter3A_2092 = arith.constant 0 : i32
          %scatter3A_2093 = arith.constant 0 : i32
          %scatter3A_2094 = tpu.memref_slice %arg6[%scatter3A_2091, %scatter3A_2092, %scatter3A_2093] : memref<2x640x64xf32, #tpu.memory_space<vmem>> -> memref<1x640x64xf32, #tpu.memory_space<vmem>>
          %scatter3A_2095 = tpu.memref_squeeze %scatter3A_2094 : memref<1x640x64xf32, #tpu.memory_space<vmem>> -> memref<640x64xf32, #tpu.memory_space<vmem>>
          tpu.vector_store_idx %scatter3A_2095[%add3A_1802, %broadcast_in_dim3A_2090], %broadcast_in_dim3A_19 masked %eq3A_1794 : memref<640x64xf32, #tpu.memory_space<vmem>>[vector<16xi32>, vector<16xi32>], vector<16xf32>, vector<16xi1>
          %broadcast_in_dim3A_2096 = arith.constant 42 : i32
          %broadcast_in_dim3A_2097 = vector.broadcast %broadcast_in_dim3A_2096 : i32 to vector<16xi32>
          %scatter3A_2098 = arith.constant 1 : i32
          %scatter3A_2099 = arith.constant 0 : i32
          %scatter3A_2100 = arith.constant 0 : i32
          %scatter3A_2101 = tpu.memref_slice %arg6[%scatter3A_2098, %scatter3A_2099, %scatter3A_2100] : memref<2x640x64xf32, #tpu.memory_space<vmem>> -> memref<1x640x64xf32, #tpu.memory_space<vmem>>
          %scatter3A_2102 = tpu.memref_squeeze %scatter3A_2101 : memref<1x640x64xf32, #tpu.memory_space<vmem>> -> memref<640x64xf32, #tpu.memory_space<vmem>>
          tpu.vector_store_idx %scatter3A_2102[%add3A_1802, %broadcast_in_dim3A_2097], %broadcast_in_dim3A_19 masked %eq3A_1794 : memref<640x64xf32, #tpu.memory_space<vmem>>[vector<16xi32>, vector<16xi32>], vector<16xf32>, vector<16xi1>
          %broadcast_in_dim3A_2103 = arith.constant 43 : i32
          %broadcast_in_dim3A_2104 = vector.broadcast %broadcast_in_dim3A_2103 : i32 to vector<16xi32>
          %scatter3A_2105 = arith.constant 1 : i32
          %scatter3A_2106 = arith.constant 0 : i32
          %scatter3A_2107 = arith.constant 0 : i32
          %scatter3A_2108 = tpu.memref_slice %arg6[%scatter3A_2105, %scatter3A_2106, %scatter3A_2107] : memref<2x640x64xf32, #tpu.memory_space<vmem>> -> memref<1x640x64xf32, #tpu.memory_space<vmem>>
          %scatter3A_2109 = tpu.memref_squeeze %scatter3A_2108 : memref<1x640x64xf32, #tpu.memory_space<vmem>> -> memref<640x64xf32, #tpu.memory_space<vmem>>
          tpu.vector_store_idx %scatter3A_2109[%add3A_1802, %broadcast_in_dim3A_2104], %broadcast_in_dim3A_19 masked %eq3A_1794 : memref<640x64xf32, #tpu.memory_space<vmem>>[vector<16xi32>, vector<16xi32>], vector<16xf32>, vector<16xi1>
          %broadcast_in_dim3A_2110 = arith.constant 44 : i32
          %broadcast_in_dim3A_2111 = vector.broadcast %broadcast_in_dim3A_2110 : i32 to vector<16xi32>
          %scatter3A_2112 = arith.constant 1 : i32
          %scatter3A_2113 = arith.constant 0 : i32
          %scatter3A_2114 = arith.constant 0 : i32
          %scatter3A_2115 = tpu.memref_slice %arg6[%scatter3A_2112, %scatter3A_2113, %scatter3A_2114] : memref<2x640x64xf32, #tpu.memory_space<vmem>> -> memref<1x640x64xf32, #tpu.memory_space<vmem>>
          %scatter3A_2116 = tpu.memref_squeeze %scatter3A_2115 : memref<1x640x64xf32, #tpu.memory_space<vmem>> -> memref<640x64xf32, #tpu.memory_space<vmem>>
          tpu.vector_store_idx %scatter3A_2116[%add3A_1802, %broadcast_in_dim3A_2111], %broadcast_in_dim3A_19 masked %eq3A_1794 : memref<640x64xf32, #tpu.memory_space<vmem>>[vector<16xi32>, vector<16xi32>], vector<16xf32>, vector<16xi1>
          %broadcast_in_dim3A_2117 = arith.constant 45 : i32
          %broadcast_in_dim3A_2118 = vector.broadcast %broadcast_in_dim3A_2117 : i32 to vector<16xi32>
          %scatter3A_2119 = arith.constant 1 : i32
          %scatter3A_2120 = arith.constant 0 : i32
          %scatter3A_2121 = arith.constant 0 : i32
          %scatter3A_2122 = tpu.memref_slice %arg6[%scatter3A_2119, %scatter3A_2120, %scatter3A_2121] : memref<2x640x64xf32, #tpu.memory_space<vmem>> -> memref<1x640x64xf32, #tpu.memory_space<vmem>>
          %scatter3A_2123 = tpu.memref_squeeze %scatter3A_2122 : memref<1x640x64xf32, #tpu.memory_space<vmem>> -> memref<640x64xf32, #tpu.memory_space<vmem>>
          tpu.vector_store_idx %scatter3A_2123[%add3A_1802, %broadcast_in_dim3A_2118], %broadcast_in_dim3A_19 masked %eq3A_1794 : memref<640x64xf32, #tpu.memory_space<vmem>>[vector<16xi32>, vector<16xi32>], vector<16xf32>, vector<16xi1>
          %broadcast_in_dim3A_2124 = arith.constant 46 : i32
          %broadcast_in_dim3A_2125 = vector.broadcast %broadcast_in_dim3A_2124 : i32 to vector<16xi32>
          %scatter3A_2126 = arith.constant 1 : i32
          %scatter3A_2127 = arith.constant 0 : i32
          %scatter3A_2128 = arith.constant 0 : i32
          %scatter3A_2129 = tpu.memref_slice %arg6[%scatter3A_2126, %scatter3A_2127, %scatter3A_2128] : memref<2x640x64xf32, #tpu.memory_space<vmem>> -> memref<1x640x64xf32, #tpu.memory_space<vmem>>
          %scatter3A_2130 = tpu.memref_squeeze %scatter3A_2129 : memref<1x640x64xf32, #tpu.memory_space<vmem>> -> memref<640x64xf32, #tpu.memory_space<vmem>>
          tpu.vector_store_idx %scatter3A_2130[%add3A_1802, %broadcast_in_dim3A_2125], %broadcast_in_dim3A_19 masked %eq3A_1794 : memref<640x64xf32, #tpu.memory_space<vmem>>[vector<16xi32>, vector<16xi32>], vector<16xf32>, vector<16xi1>
          %broadcast_in_dim3A_2131 = arith.constant 47 : i32
          %broadcast_in_dim3A_2132 = vector.broadcast %broadcast_in_dim3A_2131 : i32 to vector<16xi32>
          %scatter3A_2133 = arith.constant 1 : i32
          %scatter3A_2134 = arith.constant 0 : i32
          %scatter3A_2135 = arith.constant 0 : i32
          %scatter3A_2136 = tpu.memref_slice %arg6[%scatter3A_2133, %scatter3A_2134, %scatter3A_2135] : memref<2x640x64xf32, #tpu.memory_space<vmem>> -> memref<1x640x64xf32, #tpu.memory_space<vmem>>
          %scatter3A_2137 = tpu.memref_squeeze %scatter3A_2136 : memref<1x640x64xf32, #tpu.memory_space<vmem>> -> memref<640x64xf32, #tpu.memory_space<vmem>>
          tpu.vector_store_idx %scatter3A_2137[%add3A_1802, %broadcast_in_dim3A_2132], %broadcast_in_dim3A_19 masked %eq3A_1794 : memref<640x64xf32, #tpu.memory_space<vmem>>[vector<16xi32>, vector<16xi32>], vector<16xf32>, vector<16xi1>
          %broadcast_in_dim3A_2138 = arith.constant 48 : i32
          %broadcast_in_dim3A_2139 = vector.broadcast %broadcast_in_dim3A_2138 : i32 to vector<16xi32>
          %scatter3A_2140 = arith.constant 1 : i32
          %scatter3A_2141 = arith.constant 0 : i32
          %scatter3A_2142 = arith.constant 0 : i32
          %scatter3A_2143 = tpu.memref_slice %arg6[%scatter3A_2140, %scatter3A_2141, %scatter3A_2142] : memref<2x640x64xf32, #tpu.memory_space<vmem>> -> memref<1x640x64xf32, #tpu.memory_space<vmem>>
          %scatter3A_2144 = tpu.memref_squeeze %scatter3A_2143 : memref<1x640x64xf32, #tpu.memory_space<vmem>> -> memref<640x64xf32, #tpu.memory_space<vmem>>
          tpu.vector_store_idx %scatter3A_2144[%add3A_1802, %broadcast_in_dim3A_2139], %broadcast_in_dim3A_19 masked %eq3A_1794 : memref<640x64xf32, #tpu.memory_space<vmem>>[vector<16xi32>, vector<16xi32>], vector<16xf32>, vector<16xi1>
          %broadcast_in_dim3A_2145 = arith.constant 49 : i32
          %broadcast_in_dim3A_2146 = vector.broadcast %broadcast_in_dim3A_2145 : i32 to vector<16xi32>
          %scatter3A_2147 = arith.constant 1 : i32
          %scatter3A_2148 = arith.constant 0 : i32
          %scatter3A_2149 = arith.constant 0 : i32
          %scatter3A_2150 = tpu.memref_slice %arg6[%scatter3A_2147, %scatter3A_2148, %scatter3A_2149] : memref<2x640x64xf32, #tpu.memory_space<vmem>> -> memref<1x640x64xf32, #tpu.memory_space<vmem>>
          %scatter3A_2151 = tpu.memref_squeeze %scatter3A_2150 : memref<1x640x64xf32, #tpu.memory_space<vmem>> -> memref<640x64xf32, #tpu.memory_space<vmem>>
          tpu.vector_store_idx %scatter3A_2151[%add3A_1802, %broadcast_in_dim3A_2146], %broadcast_in_dim3A_19 masked %eq3A_1794 : memref<640x64xf32, #tpu.memory_space<vmem>>[vector<16xi32>, vector<16xi32>], vector<16xf32>, vector<16xi1>
          %broadcast_in_dim3A_2152 = arith.constant 50 : i32
          %broadcast_in_dim3A_2153 = vector.broadcast %broadcast_in_dim3A_2152 : i32 to vector<16xi32>
          %scatter3A_2154 = arith.constant 1 : i32
          %scatter3A_2155 = arith.constant 0 : i32
          %scatter3A_2156 = arith.constant 0 : i32
          %scatter3A_2157 = tpu.memref_slice %arg6[%scatter3A_2154, %scatter3A_2155, %scatter3A_2156] : memref<2x640x64xf32, #tpu.memory_space<vmem>> -> memref<1x640x64xf32, #tpu.memory_space<vmem>>
          %scatter3A_2158 = tpu.memref_squeeze %scatter3A_2157 : memref<1x640x64xf32, #tpu.memory_space<vmem>> -> memref<640x64xf32, #tpu.memory_space<vmem>>
          tpu.vector_store_idx %scatter3A_2158[%add3A_1802, %broadcast_in_dim3A_2153], %broadcast_in_dim3A_19 masked %eq3A_1794 : memref<640x64xf32, #tpu.memory_space<vmem>>[vector<16xi32>, vector<16xi32>], vector<16xf32>, vector<16xi1>
          %broadcast_in_dim3A_2159 = arith.constant 51 : i32
          %broadcast_in_dim3A_2160 = vector.broadcast %broadcast_in_dim3A_2159 : i32 to vector<16xi32>
          %scatter3A_2161 = arith.constant 1 : i32
          %scatter3A_2162 = arith.constant 0 : i32
          %scatter3A_2163 = arith.constant 0 : i32
          %scatter3A_2164 = tpu.memref_slice %arg6[%scatter3A_2161, %scatter3A_2162, %scatter3A_2163] : memref<2x640x64xf32, #tpu.memory_space<vmem>> -> memref<1x640x64xf32, #tpu.memory_space<vmem>>
          %scatter3A_2165 = tpu.memref_squeeze %scatter3A_2164 : memref<1x640x64xf32, #tpu.memory_space<vmem>> -> memref<640x64xf32, #tpu.memory_space<vmem>>
          tpu.vector_store_idx %scatter3A_2165[%add3A_1802, %broadcast_in_dim3A_2160], %broadcast_in_dim3A_19 masked %eq3A_1794 : memref<640x64xf32, #tpu.memory_space<vmem>>[vector<16xi32>, vector<16xi32>], vector<16xf32>, vector<16xi1>
          %broadcast_in_dim3A_2166 = arith.constant 52 : i32
          %broadcast_in_dim3A_2167 = vector.broadcast %broadcast_in_dim3A_2166 : i32 to vector<16xi32>
          %scatter3A_2168 = arith.constant 1 : i32
          %scatter3A_2169 = arith.constant 0 : i32
          %scatter3A_2170 = arith.constant 0 : i32
          %scatter3A_2171 = tpu.memref_slice %arg6[%scatter3A_2168, %scatter3A_2169, %scatter3A_2170] : memref<2x640x64xf32, #tpu.memory_space<vmem>> -> memref<1x640x64xf32, #tpu.memory_space<vmem>>
          %scatter3A_2172 = tpu.memref_squeeze %scatter3A_2171 : memref<1x640x64xf32, #tpu.memory_space<vmem>> -> memref<640x64xf32, #tpu.memory_space<vmem>>
          tpu.vector_store_idx %scatter3A_2172[%add3A_1802, %broadcast_in_dim3A_2167], %broadcast_in_dim3A_19 masked %eq3A_1794 : memref<640x64xf32, #tpu.memory_space<vmem>>[vector<16xi32>, vector<16xi32>], vector<16xf32>, vector<16xi1>
          %broadcast_in_dim3A_2173 = arith.constant 53 : i32
          %broadcast_in_dim3A_2174 = vector.broadcast %broadcast_in_dim3A_2173 : i32 to vector<16xi32>
          %scatter3A_2175 = arith.constant 1 : i32
          %scatter3A_2176 = arith.constant 0 : i32
          %scatter3A_2177 = arith.constant 0 : i32
          %scatter3A_2178 = tpu.memref_slice %arg6[%scatter3A_2175, %scatter3A_2176, %scatter3A_2177] : memref<2x640x64xf32, #tpu.memory_space<vmem>> -> memref<1x640x64xf32, #tpu.memory_space<vmem>>
          %scatter3A_2179 = tpu.memref_squeeze %scatter3A_2178 : memref<1x640x64xf32, #tpu.memory_space<vmem>> -> memref<640x64xf32, #tpu.memory_space<vmem>>
          tpu.vector_store_idx %scatter3A_2179[%add3A_1802, %broadcast_in_dim3A_2174], %broadcast_in_dim3A_19 masked %eq3A_1794 : memref<640x64xf32, #tpu.memory_space<vmem>>[vector<16xi32>, vector<16xi32>], vector<16xf32>, vector<16xi1>
          %broadcast_in_dim3A_2180 = arith.constant 54 : i32
          %broadcast_in_dim3A_2181 = vector.broadcast %broadcast_in_dim3A_2180 : i32 to vector<16xi32>
          %scatter3A_2182 = arith.constant 1 : i32
          %scatter3A_2183 = arith.constant 0 : i32
          %scatter3A_2184 = arith.constant 0 : i32
          %scatter3A_2185 = tpu.memref_slice %arg6[%scatter3A_2182, %scatter3A_2183, %scatter3A_2184] : memref<2x640x64xf32, #tpu.memory_space<vmem>> -> memref<1x640x64xf32, #tpu.memory_space<vmem>>
          %scatter3A_2186 = tpu.memref_squeeze %scatter3A_2185 : memref<1x640x64xf32, #tpu.memory_space<vmem>> -> memref<640x64xf32, #tpu.memory_space<vmem>>
          tpu.vector_store_idx %scatter3A_2186[%add3A_1802, %broadcast_in_dim3A_2181], %broadcast_in_dim3A_19 masked %eq3A_1794 : memref<640x64xf32, #tpu.memory_space<vmem>>[vector<16xi32>, vector<16xi32>], vector<16xf32>, vector<16xi1>
          %broadcast_in_dim3A_2187 = arith.constant 55 : i32
          %broadcast_in_dim3A_2188 = vector.broadcast %broadcast_in_dim3A_2187 : i32 to vector<16xi32>
          %scatter3A_2189 = arith.constant 1 : i32
          %scatter3A_2190 = arith.constant 0 : i32
          %scatter3A_2191 = arith.constant 0 : i32
          %scatter3A_2192 = tpu.memref_slice %arg6[%scatter3A_2189, %scatter3A_2190, %scatter3A_2191] : memref<2x640x64xf32, #tpu.memory_space<vmem>> -> memref<1x640x64xf32, #tpu.memory_space<vmem>>
          %scatter3A_2193 = tpu.memref_squeeze %scatter3A_2192 : memref<1x640x64xf32, #tpu.memory_space<vmem>> -> memref<640x64xf32, #tpu.memory_space<vmem>>
          tpu.vector_store_idx %scatter3A_2193[%add3A_1802, %broadcast_in_dim3A_2188], %broadcast_in_dim3A_19 masked %eq3A_1794 : memref<640x64xf32, #tpu.memory_space<vmem>>[vector<16xi32>, vector<16xi32>], vector<16xf32>, vector<16xi1>
          %broadcast_in_dim3A_2194 = arith.constant 56 : i32
          %broadcast_in_dim3A_2195 = vector.broadcast %broadcast_in_dim3A_2194 : i32 to vector<16xi32>
          %scatter3A_2196 = arith.constant 1 : i32
          %scatter3A_2197 = arith.constant 0 : i32
          %scatter3A_2198 = arith.constant 0 : i32
          %scatter3A_2199 = tpu.memref_slice %arg6[%scatter3A_2196, %scatter3A_2197, %scatter3A_2198] : memref<2x640x64xf32, #tpu.memory_space<vmem>> -> memref<1x640x64xf32, #tpu.memory_space<vmem>>
          %scatter3A_2200 = tpu.memref_squeeze %scatter3A_2199 : memref<1x640x64xf32, #tpu.memory_space<vmem>> -> memref<640x64xf32, #tpu.memory_space<vmem>>
          tpu.vector_store_idx %scatter3A_2200[%add3A_1802, %broadcast_in_dim3A_2195], %broadcast_in_dim3A_19 masked %eq3A_1794 : memref<640x64xf32, #tpu.memory_space<vmem>>[vector<16xi32>, vector<16xi32>], vector<16xf32>, vector<16xi1>
          %broadcast_in_dim3A_2201 = arith.constant 57 : i32
          %broadcast_in_dim3A_2202 = vector.broadcast %broadcast_in_dim3A_2201 : i32 to vector<16xi32>
          %scatter3A_2203 = arith.constant 1 : i32
          %scatter3A_2204 = arith.constant 0 : i32
          %scatter3A_2205 = arith.constant 0 : i32
          %scatter3A_2206 = tpu.memref_slice %arg6[%scatter3A_2203, %scatter3A_2204, %scatter3A_2205] : memref<2x640x64xf32, #tpu.memory_space<vmem>> -> memref<1x640x64xf32, #tpu.memory_space<vmem>>
          %scatter3A_2207 = tpu.memref_squeeze %scatter3A_2206 : memref<1x640x64xf32, #tpu.memory_space<vmem>> -> memref<640x64xf32, #tpu.memory_space<vmem>>
          tpu.vector_store_idx %scatter3A_2207[%add3A_1802, %broadcast_in_dim3A_2202], %broadcast_in_dim3A_19 masked %eq3A_1794 : memref<640x64xf32, #tpu.memory_space<vmem>>[vector<16xi32>, vector<16xi32>], vector<16xf32>, vector<16xi1>
          %broadcast_in_dim3A_2208 = arith.constant 58 : i32
          %broadcast_in_dim3A_2209 = vector.broadcast %broadcast_in_dim3A_2208 : i32 to vector<16xi32>
          %scatter3A_2210 = arith.constant 1 : i32
          %scatter3A_2211 = arith.constant 0 : i32
          %scatter3A_2212 = arith.constant 0 : i32
          %scatter3A_2213 = tpu.memref_slice %arg6[%scatter3A_2210, %scatter3A_2211, %scatter3A_2212] : memref<2x640x64xf32, #tpu.memory_space<vmem>> -> memref<1x640x64xf32, #tpu.memory_space<vmem>>
          %scatter3A_2214 = tpu.memref_squeeze %scatter3A_2213 : memref<1x640x64xf32, #tpu.memory_space<vmem>> -> memref<640x64xf32, #tpu.memory_space<vmem>>
          tpu.vector_store_idx %scatter3A_2214[%add3A_1802, %broadcast_in_dim3A_2209], %broadcast_in_dim3A_19 masked %eq3A_1794 : memref<640x64xf32, #tpu.memory_space<vmem>>[vector<16xi32>, vector<16xi32>], vector<16xf32>, vector<16xi1>
          %broadcast_in_dim3A_2215 = arith.constant 59 : i32
          %broadcast_in_dim3A_2216 = vector.broadcast %broadcast_in_dim3A_2215 : i32 to vector<16xi32>
          %scatter3A_2217 = arith.constant 1 : i32
          %scatter3A_2218 = arith.constant 0 : i32
          %scatter3A_2219 = arith.constant 0 : i32
          %scatter3A_2220 = tpu.memref_slice %arg6[%scatter3A_2217, %scatter3A_2218, %scatter3A_2219] : memref<2x640x64xf32, #tpu.memory_space<vmem>> -> memref<1x640x64xf32, #tpu.memory_space<vmem>>
          %scatter3A_2221 = tpu.memref_squeeze %scatter3A_2220 : memref<1x640x64xf32, #tpu.memory_space<vmem>> -> memref<640x64xf32, #tpu.memory_space<vmem>>
          tpu.vector_store_idx %scatter3A_2221[%add3A_1802, %broadcast_in_dim3A_2216], %broadcast_in_dim3A_19 masked %eq3A_1794 : memref<640x64xf32, #tpu.memory_space<vmem>>[vector<16xi32>, vector<16xi32>], vector<16xf32>, vector<16xi1>
          %broadcast_in_dim3A_2222 = arith.constant 60 : i32
          %broadcast_in_dim3A_2223 = vector.broadcast %broadcast_in_dim3A_2222 : i32 to vector<16xi32>
          %scatter3A_2224 = arith.constant 1 : i32
          %scatter3A_2225 = arith.constant 0 : i32
          %scatter3A_2226 = arith.constant 0 : i32
          %scatter3A_2227 = tpu.memref_slice %arg6[%scatter3A_2224, %scatter3A_2225, %scatter3A_2226] : memref<2x640x64xf32, #tpu.memory_space<vmem>> -> memref<1x640x64xf32, #tpu.memory_space<vmem>>
          %scatter3A_2228 = tpu.memref_squeeze %scatter3A_2227 : memref<1x640x64xf32, #tpu.memory_space<vmem>> -> memref<640x64xf32, #tpu.memory_space<vmem>>
          tpu.vector_store_idx %scatter3A_2228[%add3A_1802, %broadcast_in_dim3A_2223], %broadcast_in_dim3A_19 masked %eq3A_1794 : memref<640x64xf32, #tpu.memory_space<vmem>>[vector<16xi32>, vector<16xi32>], vector<16xf32>, vector<16xi1>
          %broadcast_in_dim3A_2229 = arith.constant 61 : i32
          %broadcast_in_dim3A_2230 = vector.broadcast %broadcast_in_dim3A_2229 : i32 to vector<16xi32>
          %scatter3A_2231 = arith.constant 1 : i32
          %scatter3A_2232 = arith.constant 0 : i32
          %scatter3A_2233 = arith.constant 0 : i32
          %scatter3A_2234 = tpu.memref_slice %arg6[%scatter3A_2231, %scatter3A_2232, %scatter3A_2233] : memref<2x640x64xf32, #tpu.memory_space<vmem>> -> memref<1x640x64xf32, #tpu.memory_space<vmem>>
          %scatter3A_2235 = tpu.memref_squeeze %scatter3A_2234 : memref<1x640x64xf32, #tpu.memory_space<vmem>> -> memref<640x64xf32, #tpu.memory_space<vmem>>
          tpu.vector_store_idx %scatter3A_2235[%add3A_1802, %broadcast_in_dim3A_2230], %broadcast_in_dim3A_19 masked %eq3A_1794 : memref<640x64xf32, #tpu.memory_space<vmem>>[vector<16xi32>, vector<16xi32>], vector<16xf32>, vector<16xi1>
          %broadcast_in_dim3A_2236 = arith.constant 62 : i32
          %broadcast_in_dim3A_2237 = vector.broadcast %broadcast_in_dim3A_2236 : i32 to vector<16xi32>
          %scatter3A_2238 = arith.constant 1 : i32
          %scatter3A_2239 = arith.constant 0 : i32
          %scatter3A_2240 = arith.constant 0 : i32
          %scatter3A_2241 = tpu.memref_slice %arg6[%scatter3A_2238, %scatter3A_2239, %scatter3A_2240] : memref<2x640x64xf32, #tpu.memory_space<vmem>> -> memref<1x640x64xf32, #tpu.memory_space<vmem>>
          %scatter3A_2242 = tpu.memref_squeeze %scatter3A_2241 : memref<1x640x64xf32, #tpu.memory_space<vmem>> -> memref<640x64xf32, #tpu.memory_space<vmem>>
          tpu.vector_store_idx %scatter3A_2242[%add3A_1802, %broadcast_in_dim3A_2237], %broadcast_in_dim3A_19 masked %eq3A_1794 : memref<640x64xf32, #tpu.memory_space<vmem>>[vector<16xi32>, vector<16xi32>], vector<16xf32>, vector<16xi1>
          %broadcast_in_dim3A_2243 = arith.constant 63 : i32
          %broadcast_in_dim3A_2244 = vector.broadcast %broadcast_in_dim3A_2243 : i32 to vector<16xi32>
          %scatter3A_2245 = arith.constant 1 : i32
          %scatter3A_2246 = arith.constant 0 : i32
          %scatter3A_2247 = arith.constant 0 : i32
          %scatter3A_2248 = tpu.memref_slice %arg6[%scatter3A_2245, %scatter3A_2246, %scatter3A_2247] : memref<2x640x64xf32, #tpu.memory_space<vmem>> -> memref<1x640x64xf32, #tpu.memory_space<vmem>>
          %scatter3A_2249 = tpu.memref_squeeze %scatter3A_2248 : memref<1x640x64xf32, #tpu.memory_space<vmem>> -> memref<640x64xf32, #tpu.memory_space<vmem>>
          tpu.vector_store_idx %scatter3A_2249[%add3A_1802, %broadcast_in_dim3A_2244], %broadcast_in_dim3A_19 masked %eq3A_1794 : memref<640x64xf32, #tpu.memory_space<vmem>>[vector<16xi32>, vector<16xi32>], vector<16xf32>, vector<16xi1>
        } else {
        }
      }
      %scan3A_1448 = arith.constant 40 : i32
      %mul3A_1449 = arith.constant 5 : i32
      %mul3A_1450 = arith.muli %add3A_313, %mul3A_1449 : i32
      %add3A_1451 = arith.addi %mul3A_2, %mul3A_1450 : i32
      %add3A_1452 = arith.constant 0 : i32
      %add3A_1453 = arith.addi %add3A_1451, %add3A_1452 : i32
      %jit3A_1454 = arith.constant 8 : i32
      %div3A_1455 = arith.divsi %add3A_1453, %jit3A_1454 : i32
      %sign3A_1456 = arith.constant 0 : i32
      %sign3A_1457 = arith.cmpi sgt, %add3A_1453, %sign3A_1456 : i32
      %sign3A_1458 = arith.extui %sign3A_1457 : i1 to i32
      %sign3A_1459 = arith.constant 0 : i32
      %sign3A_1460 = arith.cmpi slt, %add3A_1453, %sign3A_1459 : i32
      %sign3A_1461 = arith.extui %sign3A_1460 : i1 to i32
      %sign3A_1462 = arith.subi %sign3A_1458, %sign3A_1461 : i32
      %sign3A_1463 = arith.constant 0 : i32
      %sign3A_1464 = arith.cmpi sgt, %jit3A_1454, %sign3A_1463 : i32
      %sign3A_1465 = arith.extui %sign3A_1464 : i1 to i32
      %sign3A_1466 = arith.constant 0 : i32
      %sign3A_1467 = arith.cmpi slt, %jit3A_1454, %sign3A_1466 : i32
      %sign3A_1468 = arith.extui %sign3A_1467 : i1 to i32
      %sign3A_1469 = arith.subi %sign3A_1465, %sign3A_1468 : i32
      %ne3A_1470 = arith.cmpi ne, %sign3A_1462, %sign3A_1469 : i32
      %rem3A_1471 = arith.remsi %add3A_1453, %jit3A_1454 : i32
      %ne3A_1472 = arith.constant 0 : i32
      %ne3A_1473 = arith.cmpi ne, %rem3A_1471, %ne3A_1472 : i32
      %and3A_1474 = arith.andi %ne3A_1470, %ne3A_1473 : i1
      %sub3A_1475 = arith.constant 1 : i32
      %sub3A_1476 = arith.subi %div3A_1455, %sub3A_1475 : i32
      %select_n3A_1477 = arith.select %and3A_1474, %sub3A_1476, %div3A_1455 : i32
      %sub3A_1478 = arith.subi %select_n3A_1477, %select_n3A : i32
      %jit3A_1479 = arith.constant 8 : i32
      %eq3A_1480 = arith.constant 0 : i32
      %eq3A_1481 = arith.cmpi eq, %jit3A_1479, %eq3A_1480 : i32
      %jit3A_1482 = arith.constant 1 : i32
      %select_n3A_1483 = arith.select %eq3A_1481, %jit3A_1482, %jit3A_1479 : i32
      %rem3A_1484 = arith.remsi %add3A_1453, %select_n3A_1483 : i32
      %ne3A_1485 = arith.constant 0 : i32
      %ne3A_1486 = arith.cmpi ne, %rem3A_1484, %ne3A_1485 : i32
      %lt3A_1487 = arith.constant 0 : i32
      %lt3A_1488 = arith.cmpi slt, %rem3A_1484, %lt3A_1487 : i32
      %lt3A_1489 = arith.constant 0 : i32
      %lt3A_1490 = arith.cmpi slt, %select_n3A_1483, %lt3A_1489 : i32
      %ne3A_1491 = arith.xori %lt3A_1488, %lt3A_1490 : i1
      %and3A_1492 = arith.andi %ne3A_1491, %ne3A_1486 : i1
      %add3A_1493 = arith.addi %rem3A_1484, %select_n3A_1483 : i32
      %select_n3A_1494 = arith.select %and3A_1492, %add3A_1493, %rem3A_1484 : i32
      %mul3A_1495 = arith.constant 128 : i32
      %mul3A_1496 = arith.muli %select_n3A_1494, %mul3A_1495 : i32
      %add3A_1497 = arith.addi %sub3A_1478, %select_n3A : i32
      %run_scoped3A_1498 = arith.constant 1 : i32
      "tpu.region"() ({
        %run_scoped3A_1699 = tpu.sem_alloc : memref<!tpu.dma_semaphore, #tpu.memory_space<semaphore_mem>>
        %dma_start3A_1700 = arith.constant 0 : i32
        %dma_start3A_1701 = arith.constant 0 : i32
        %dma_start3A_1702 = tpu.memref_slice %arg6[%run_scoped3A_1498, %dma_start3A_1700, %dma_start3A_1701] : memref<2x640x64xf32, #tpu.memory_space<vmem>> -> memref<1x128x64xf32, #tpu.memory_space<vmem>>
        %dma_start3A_1703 = tpu.memref_squeeze %dma_start3A_1702 : memref<1x128x64xf32, #tpu.memory_space<vmem>> -> memref<128x64xf32, #tpu.memory_space<vmem>>
        %dma_start3A_1704 = arith.constant 0 : i32
        %dma_start3A_1705 = tpu.memref_slice %arg4[%add3A_1497, %mul3A_1496, %dma_start3A_1704] : memref<200x1024x64xf32, #tpu.memory_space<hbm>> -> memref<1x128x64xf32, #tpu.memory_space<hbm>>
        %dma_start3A_1706 = tpu.memref_squeeze %dma_start3A_1705 : memref<1x128x64xf32, #tpu.memory_space<hbm>> -> memref<128x64xf32, #tpu.memory_space<hbm>>
        %dma_start3A_1707 = arith.constant 0 : i32
        %dma_start3A_1708 = tpu.memref_slice %arg4[%add3A_1497, %mul3A_1496, %dma_start3A_1707] : memref<200x1024x64xf32, #tpu.memory_space<hbm>> -> memref<1x128x64xf32, #tpu.memory_space<hbm>>
        %dma_start3A_1709 = tpu.memref_squeeze %dma_start3A_1708 : memref<1x128x64xf32, #tpu.memory_space<hbm>> -> memref<128x64xf32, #tpu.memory_space<hbm>>
        %dma_start3A_1710 = arith.constant 0 : i32
        %dma_start3A_1711 = arith.constant 0 : i32
        %dma_start3A_1712 = tpu.memref_slice %arg6[%run_scoped3A_1498, %dma_start3A_1710, %dma_start3A_1711] : memref<2x640x64xf32, #tpu.memory_space<vmem>> -> memref<1x128x64xf32, #tpu.memory_space<vmem>>
        %dma_start3A_1713 = tpu.memref_squeeze %dma_start3A_1712 : memref<1x128x64xf32, #tpu.memory_space<vmem>> -> memref<128x64xf32, #tpu.memory_space<vmem>>
        tpu.enqueue_dma source(%dma_start3A_1713 : memref<128x64xf32, #tpu.memory_space<vmem>>) target(%dma_start3A_1709 : memref<128x64xf32, #tpu.memory_space<hbm>>) target_semaphore(%run_scoped3A_1699 : memref<!tpu.dma_semaphore, #tpu.memory_space<semaphore_mem>>)
        %dma_wait3A_1714 = arith.constant 0 : i32
        %dma_wait3A_1715 = arith.constant 0 : i32
        %dma_wait3A_1716 = tpu.memref_slice %arg6[%run_scoped3A_1498, %dma_wait3A_1714, %dma_wait3A_1715] : memref<2x640x64xf32, #tpu.memory_space<vmem>> -> memref<1x128x64xf32, #tpu.memory_space<vmem>>
        %dma_wait3A_1717 = tpu.memref_squeeze %dma_wait3A_1716 : memref<1x128x64xf32, #tpu.memory_space<vmem>> -> memref<128x64xf32, #tpu.memory_space<vmem>>
        %dma_wait3A_1718 = arith.constant 0 : i32
        %dma_wait3A_1719 = tpu.memref_slice %arg4[%add3A_1497, %mul3A_1496, %dma_wait3A_1718] : memref<200x1024x64xf32, #tpu.memory_space<hbm>> -> memref<1x128x64xf32, #tpu.memory_space<hbm>>
        %dma_wait3A_1720 = tpu.memref_squeeze %dma_wait3A_1719 : memref<1x128x64xf32, #tpu.memory_space<hbm>> -> memref<128x64xf32, #tpu.memory_space<hbm>>
        %dma_wait3A_1721 = arith.constant 0 : i32
        %dma_wait3A_1722 = tpu.memref_slice %arg4[%add3A_1497, %mul3A_1496, %dma_wait3A_1721] : memref<200x1024x64xf32, #tpu.memory_space<hbm>> -> memref<1x128x64xf32, #tpu.memory_space<hbm>>
        %dma_wait3A_1723 = tpu.memref_squeeze %dma_wait3A_1722 : memref<1x128x64xf32, #tpu.memory_space<hbm>> -> memref<128x64xf32, #tpu.memory_space<hbm>>
        %dma_wait3A_1724 = arith.constant 0 : i32
        %dma_wait3A_1725 = arith.constant 0 : i32
        %dma_wait3A_1726 = tpu.memref_slice %arg6[%run_scoped3A_1498, %dma_wait3A_1724, %dma_wait3A_1725] : memref<2x640x64xf32, #tpu.memory_space<vmem>> -> memref<1x128x64xf32, #tpu.memory_space<vmem>>
        %dma_wait3A_1727 = tpu.memref_squeeze %dma_wait3A_1726 : memref<1x128x64xf32, #tpu.memory_space<vmem>> -> memref<128x64xf32, #tpu.memory_space<vmem>>
        tpu.wait_dma2 semaphore(%run_scoped3A_1699 : memref<!tpu.dma_semaphore, #tpu.memory_space<semaphore_mem>>) src(%dma_wait3A_1727 : memref<128x64xf32, #tpu.memory_space<vmem>>) dst(%dma_wait3A_1723 : memref<128x64xf32, #tpu.memory_space<hbm>>)
        tpu.yield
      }) : () -> ()
      %mul3A_1499 = arith.constant 5 : i32
      %mul3A_1500 = arith.muli %add3A_313, %mul3A_1499 : i32
      %add3A_1501 = arith.addi %mul3A_2, %mul3A_1500 : i32
      %add3A_1502 = arith.constant 1 : i32
      %add3A_1503 = arith.addi %add3A_1501, %add3A_1502 : i32
      %jit3A_1504 = arith.constant 8 : i32
      %div3A_1505 = arith.divsi %add3A_1503, %jit3A_1504 : i32
      %sign3A_1506 = arith.constant 0 : i32
      %sign3A_1507 = arith.cmpi sgt, %add3A_1503, %sign3A_1506 : i32
      %sign3A_1508 = arith.extui %sign3A_1507 : i1 to i32
      %sign3A_1509 = arith.constant 0 : i32
      %sign3A_1510 = arith.cmpi slt, %add3A_1503, %sign3A_1509 : i32
      %sign3A_1511 = arith.extui %sign3A_1510 : i1 to i32
      %sign3A_1512 = arith.subi %sign3A_1508, %sign3A_1511 : i32
      %sign3A_1513 = arith.constant 0 : i32
      %sign3A_1514 = arith.cmpi sgt, %jit3A_1504, %sign3A_1513 : i32
      %sign3A_1515 = arith.extui %sign3A_1514 : i1 to i32
      %sign3A_1516 = arith.constant 0 : i32
      %sign3A_1517 = arith.cmpi slt, %jit3A_1504, %sign3A_1516 : i32
      %sign3A_1518 = arith.extui %sign3A_1517 : i1 to i32
      %sign3A_1519 = arith.subi %sign3A_1515, %sign3A_1518 : i32
      %ne3A_1520 = arith.cmpi ne, %sign3A_1512, %sign3A_1519 : i32
      %rem3A_1521 = arith.remsi %add3A_1503, %jit3A_1504 : i32
      %ne3A_1522 = arith.constant 0 : i32
      %ne3A_1523 = arith.cmpi ne, %rem3A_1521, %ne3A_1522 : i32
      %and3A_1524 = arith.andi %ne3A_1520, %ne3A_1523 : i1
      %sub3A_1525 = arith.constant 1 : i32
      %sub3A_1526 = arith.subi %div3A_1505, %sub3A_1525 : i32
      %select_n3A_1527 = arith.select %and3A_1524, %sub3A_1526, %div3A_1505 : i32
      %sub3A_1528 = arith.subi %select_n3A_1527, %select_n3A : i32
      %jit3A_1529 = arith.constant 8 : i32
      %eq3A_1530 = arith.constant 0 : i32
      %eq3A_1531 = arith.cmpi eq, %jit3A_1529, %eq3A_1530 : i32
      %jit3A_1532 = arith.constant 1 : i32
      %select_n3A_1533 = arith.select %eq3A_1531, %jit3A_1532, %jit3A_1529 : i32
      %rem3A_1534 = arith.remsi %add3A_1503, %select_n3A_1533 : i32
      %ne3A_1535 = arith.constant 0 : i32
      %ne3A_1536 = arith.cmpi ne, %rem3A_1534, %ne3A_1535 : i32
      %lt3A_1537 = arith.constant 0 : i32
      %lt3A_1538 = arith.cmpi slt, %rem3A_1534, %lt3A_1537 : i32
      %lt3A_1539 = arith.constant 0 : i32
      %lt3A_1540 = arith.cmpi slt, %select_n3A_1533, %lt3A_1539 : i32
      %ne3A_1541 = arith.xori %lt3A_1538, %lt3A_1540 : i1
      %and3A_1542 = arith.andi %ne3A_1541, %ne3A_1536 : i1
      %add3A_1543 = arith.addi %rem3A_1534, %select_n3A_1533 : i32
      %select_n3A_1544 = arith.select %and3A_1542, %add3A_1543, %rem3A_1534 : i32
      %mul3A_1545 = arith.constant 128 : i32
      %mul3A_1546 = arith.muli %select_n3A_1544, %mul3A_1545 : i32
      %add3A_1547 = arith.addi %sub3A_1528, %select_n3A : i32
      %run_scoped3A_1548 = arith.constant 1 : i32
      "tpu.region"() ({
        %run_scoped3A_1699 = tpu.sem_alloc : memref<!tpu.dma_semaphore, #tpu.memory_space<semaphore_mem>>
        %dma_start3A_1700 = arith.constant 128 : i32
        %dma_start3A_1701 = arith.constant 0 : i32
        %dma_start3A_1702 = tpu.memref_slice %arg6[%run_scoped3A_1548, %dma_start3A_1700, %dma_start3A_1701] : memref<2x640x64xf32, #tpu.memory_space<vmem>> -> memref<1x128x64xf32, #tpu.memory_space<vmem>>
        %dma_start3A_1703 = tpu.memref_squeeze %dma_start3A_1702 : memref<1x128x64xf32, #tpu.memory_space<vmem>> -> memref<128x64xf32, #tpu.memory_space<vmem>>
        %dma_start3A_1704 = arith.constant 0 : i32
        %dma_start3A_1705 = tpu.memref_slice %arg4[%add3A_1547, %mul3A_1546, %dma_start3A_1704] : memref<200x1024x64xf32, #tpu.memory_space<hbm>> -> memref<1x128x64xf32, #tpu.memory_space<hbm>>
        %dma_start3A_1706 = tpu.memref_squeeze %dma_start3A_1705 : memref<1x128x64xf32, #tpu.memory_space<hbm>> -> memref<128x64xf32, #tpu.memory_space<hbm>>
        %dma_start3A_1707 = arith.constant 0 : i32
        %dma_start3A_1708 = tpu.memref_slice %arg4[%add3A_1547, %mul3A_1546, %dma_start3A_1707] : memref<200x1024x64xf32, #tpu.memory_space<hbm>> -> memref<1x128x64xf32, #tpu.memory_space<hbm>>
        %dma_start3A_1709 = tpu.memref_squeeze %dma_start3A_1708 : memref<1x128x64xf32, #tpu.memory_space<hbm>> -> memref<128x64xf32, #tpu.memory_space<hbm>>
        %dma_start3A_1710 = arith.constant 128 : i32
        %dma_start3A_1711 = arith.constant 0 : i32
        %dma_start3A_1712 = tpu.memref_slice %arg6[%run_scoped3A_1548, %dma_start3A_1710, %dma_start3A_1711] : memref<2x640x64xf32, #tpu.memory_space<vmem>> -> memref<1x128x64xf32, #tpu.memory_space<vmem>>
        %dma_start3A_1713 = tpu.memref_squeeze %dma_start3A_1712 : memref<1x128x64xf32, #tpu.memory_space<vmem>> -> memref<128x64xf32, #tpu.memory_space<vmem>>
        tpu.enqueue_dma source(%dma_start3A_1713 : memref<128x64xf32, #tpu.memory_space<vmem>>) target(%dma_start3A_1709 : memref<128x64xf32, #tpu.memory_space<hbm>>) target_semaphore(%run_scoped3A_1699 : memref<!tpu.dma_semaphore, #tpu.memory_space<semaphore_mem>>)
        %dma_wait3A_1714 = arith.constant 128 : i32
        %dma_wait3A_1715 = arith.constant 0 : i32
        %dma_wait3A_1716 = tpu.memref_slice %arg6[%run_scoped3A_1548, %dma_wait3A_1714, %dma_wait3A_1715] : memref<2x640x64xf32, #tpu.memory_space<vmem>> -> memref<1x128x64xf32, #tpu.memory_space<vmem>>
        %dma_wait3A_1717 = tpu.memref_squeeze %dma_wait3A_1716 : memref<1x128x64xf32, #tpu.memory_space<vmem>> -> memref<128x64xf32, #tpu.memory_space<vmem>>
        %dma_wait3A_1718 = arith.constant 0 : i32
        %dma_wait3A_1719 = tpu.memref_slice %arg4[%add3A_1547, %mul3A_1546, %dma_wait3A_1718] : memref<200x1024x64xf32, #tpu.memory_space<hbm>> -> memref<1x128x64xf32, #tpu.memory_space<hbm>>
        %dma_wait3A_1720 = tpu.memref_squeeze %dma_wait3A_1719 : memref<1x128x64xf32, #tpu.memory_space<hbm>> -> memref<128x64xf32, #tpu.memory_space<hbm>>
        %dma_wait3A_1721 = arith.constant 0 : i32
        %dma_wait3A_1722 = tpu.memref_slice %arg4[%add3A_1547, %mul3A_1546, %dma_wait3A_1721] : memref<200x1024x64xf32, #tpu.memory_space<hbm>> -> memref<1x128x64xf32, #tpu.memory_space<hbm>>
        %dma_wait3A_1723 = tpu.memref_squeeze %dma_wait3A_1722 : memref<1x128x64xf32, #tpu.memory_space<hbm>> -> memref<128x64xf32, #tpu.memory_space<hbm>>
        %dma_wait3A_1724 = arith.constant 128 : i32
        %dma_wait3A_1725 = arith.constant 0 : i32
        %dma_wait3A_1726 = tpu.memref_slice %arg6[%run_scoped3A_1548, %dma_wait3A_1724, %dma_wait3A_1725] : memref<2x640x64xf32, #tpu.memory_space<vmem>> -> memref<1x128x64xf32, #tpu.memory_space<vmem>>
        %dma_wait3A_1727 = tpu.memref_squeeze %dma_wait3A_1726 : memref<1x128x64xf32, #tpu.memory_space<vmem>> -> memref<128x64xf32, #tpu.memory_space<vmem>>
        tpu.wait_dma2 semaphore(%run_scoped3A_1699 : memref<!tpu.dma_semaphore, #tpu.memory_space<semaphore_mem>>) src(%dma_wait3A_1727 : memref<128x64xf32, #tpu.memory_space<vmem>>) dst(%dma_wait3A_1723 : memref<128x64xf32, #tpu.memory_space<hbm>>)
        tpu.yield
      }) : () -> ()
      %mul3A_1549 = arith.constant 5 : i32
      %mul3A_1550 = arith.muli %add3A_313, %mul3A_1549 : i32
      %add3A_1551 = arith.addi %mul3A_2, %mul3A_1550 : i32
      %add3A_1552 = arith.constant 2 : i32
      %add3A_1553 = arith.addi %add3A_1551, %add3A_1552 : i32
      %jit3A_1554 = arith.constant 8 : i32
      %div3A_1555 = arith.divsi %add3A_1553, %jit3A_1554 : i32
      %sign3A_1556 = arith.constant 0 : i32
      %sign3A_1557 = arith.cmpi sgt, %add3A_1553, %sign3A_1556 : i32
      %sign3A_1558 = arith.extui %sign3A_1557 : i1 to i32
      %sign3A_1559 = arith.constant 0 : i32
      %sign3A_1560 = arith.cmpi slt, %add3A_1553, %sign3A_1559 : i32
      %sign3A_1561 = arith.extui %sign3A_1560 : i1 to i32
      %sign3A_1562 = arith.subi %sign3A_1558, %sign3A_1561 : i32
      %sign3A_1563 = arith.constant 0 : i32
      %sign3A_1564 = arith.cmpi sgt, %jit3A_1554, %sign3A_1563 : i32
      %sign3A_1565 = arith.extui %sign3A_1564 : i1 to i32
      %sign3A_1566 = arith.constant 0 : i32
      %sign3A_1567 = arith.cmpi slt, %jit3A_1554, %sign3A_1566 : i32
      %sign3A_1568 = arith.extui %sign3A_1567 : i1 to i32
      %sign3A_1569 = arith.subi %sign3A_1565, %sign3A_1568 : i32
      %ne3A_1570 = arith.cmpi ne, %sign3A_1562, %sign3A_1569 : i32
      %rem3A_1571 = arith.remsi %add3A_1553, %jit3A_1554 : i32
      %ne3A_1572 = arith.constant 0 : i32
      %ne3A_1573 = arith.cmpi ne, %rem3A_1571, %ne3A_1572 : i32
      %and3A_1574 = arith.andi %ne3A_1570, %ne3A_1573 : i1
      %sub3A_1575 = arith.constant 1 : i32
      %sub3A_1576 = arith.subi %div3A_1555, %sub3A_1575 : i32
      %select_n3A_1577 = arith.select %and3A_1574, %sub3A_1576, %div3A_1555 : i32
      %sub3A_1578 = arith.subi %select_n3A_1577, %select_n3A : i32
      %jit3A_1579 = arith.constant 8 : i32
      %eq3A_1580 = arith.constant 0 : i32
      %eq3A_1581 = arith.cmpi eq, %jit3A_1579, %eq3A_1580 : i32
      %jit3A_1582 = arith.constant 1 : i32
      %select_n3A_1583 = arith.select %eq3A_1581, %jit3A_1582, %jit3A_1579 : i32
      %rem3A_1584 = arith.remsi %add3A_1553, %select_n3A_1583 : i32
      %ne3A_1585 = arith.constant 0 : i32
      %ne3A_1586 = arith.cmpi ne, %rem3A_1584, %ne3A_1585 : i32
      %lt3A_1587 = arith.constant 0 : i32
      %lt3A_1588 = arith.cmpi slt, %rem3A_1584, %lt3A_1587 : i32
      %lt3A_1589 = arith.constant 0 : i32
      %lt3A_1590 = arith.cmpi slt, %select_n3A_1583, %lt3A_1589 : i32
      %ne3A_1591 = arith.xori %lt3A_1588, %lt3A_1590 : i1
      %and3A_1592 = arith.andi %ne3A_1591, %ne3A_1586 : i1
      %add3A_1593 = arith.addi %rem3A_1584, %select_n3A_1583 : i32
      %select_n3A_1594 = arith.select %and3A_1592, %add3A_1593, %rem3A_1584 : i32
      %mul3A_1595 = arith.constant 128 : i32
      %mul3A_1596 = arith.muli %select_n3A_1594, %mul3A_1595 : i32
      %add3A_1597 = arith.addi %sub3A_1578, %select_n3A : i32
      %run_scoped3A_1598 = arith.constant 1 : i32
      "tpu.region"() ({
        %run_scoped3A_1699 = tpu.sem_alloc : memref<!tpu.dma_semaphore, #tpu.memory_space<semaphore_mem>>
        %dma_start3A_1700 = arith.constant 256 : i32
        %dma_start3A_1701 = arith.constant 0 : i32
        %dma_start3A_1702 = tpu.memref_slice %arg6[%run_scoped3A_1598, %dma_start3A_1700, %dma_start3A_1701] : memref<2x640x64xf32, #tpu.memory_space<vmem>> -> memref<1x128x64xf32, #tpu.memory_space<vmem>>
        %dma_start3A_1703 = tpu.memref_squeeze %dma_start3A_1702 : memref<1x128x64xf32, #tpu.memory_space<vmem>> -> memref<128x64xf32, #tpu.memory_space<vmem>>
        %dma_start3A_1704 = arith.constant 0 : i32
        %dma_start3A_1705 = tpu.memref_slice %arg4[%add3A_1597, %mul3A_1596, %dma_start3A_1704] : memref<200x1024x64xf32, #tpu.memory_space<hbm>> -> memref<1x128x64xf32, #tpu.memory_space<hbm>>
        %dma_start3A_1706 = tpu.memref_squeeze %dma_start3A_1705 : memref<1x128x64xf32, #tpu.memory_space<hbm>> -> memref<128x64xf32, #tpu.memory_space<hbm>>
        %dma_start3A_1707 = arith.constant 0 : i32
        %dma_start3A_1708 = tpu.memref_slice %arg4[%add3A_1597, %mul3A_1596, %dma_start3A_1707] : memref<200x1024x64xf32, #tpu.memory_space<hbm>> -> memref<1x128x64xf32, #tpu.memory_space<hbm>>
        %dma_start3A_1709 = tpu.memref_squeeze %dma_start3A_1708 : memref<1x128x64xf32, #tpu.memory_space<hbm>> -> memref<128x64xf32, #tpu.memory_space<hbm>>
        %dma_start3A_1710 = arith.constant 256 : i32
        %dma_start3A_1711 = arith.constant 0 : i32
        %dma_start3A_1712 = tpu.memref_slice %arg6[%run_scoped3A_1598, %dma_start3A_1710, %dma_start3A_1711] : memref<2x640x64xf32, #tpu.memory_space<vmem>> -> memref<1x128x64xf32, #tpu.memory_space<vmem>>
        %dma_start3A_1713 = tpu.memref_squeeze %dma_start3A_1712 : memref<1x128x64xf32, #tpu.memory_space<vmem>> -> memref<128x64xf32, #tpu.memory_space<vmem>>
        tpu.enqueue_dma source(%dma_start3A_1713 : memref<128x64xf32, #tpu.memory_space<vmem>>) target(%dma_start3A_1709 : memref<128x64xf32, #tpu.memory_space<hbm>>) target_semaphore(%run_scoped3A_1699 : memref<!tpu.dma_semaphore, #tpu.memory_space<semaphore_mem>>)
        %dma_wait3A_1714 = arith.constant 256 : i32
        %dma_wait3A_1715 = arith.constant 0 : i32
        %dma_wait3A_1716 = tpu.memref_slice %arg6[%run_scoped3A_1598, %dma_wait3A_1714, %dma_wait3A_1715] : memref<2x640x64xf32, #tpu.memory_space<vmem>> -> memref<1x128x64xf32, #tpu.memory_space<vmem>>
        %dma_wait3A_1717 = tpu.memref_squeeze %dma_wait3A_1716 : memref<1x128x64xf32, #tpu.memory_space<vmem>> -> memref<128x64xf32, #tpu.memory_space<vmem>>
        %dma_wait3A_1718 = arith.constant 0 : i32
        %dma_wait3A_1719 = tpu.memref_slice %arg4[%add3A_1597, %mul3A_1596, %dma_wait3A_1718] : memref<200x1024x64xf32, #tpu.memory_space<hbm>> -> memref<1x128x64xf32, #tpu.memory_space<hbm>>
        %dma_wait3A_1720 = tpu.memref_squeeze %dma_wait3A_1719 : memref<1x128x64xf32, #tpu.memory_space<hbm>> -> memref<128x64xf32, #tpu.memory_space<hbm>>
        %dma_wait3A_1721 = arith.constant 0 : i32
        %dma_wait3A_1722 = tpu.memref_slice %arg4[%add3A_1597, %mul3A_1596, %dma_wait3A_1721] : memref<200x1024x64xf32, #tpu.memory_space<hbm>> -> memref<1x128x64xf32, #tpu.memory_space<hbm>>
        %dma_wait3A_1723 = tpu.memref_squeeze %dma_wait3A_1722 : memref<1x128x64xf32, #tpu.memory_space<hbm>> -> memref<128x64xf32, #tpu.memory_space<hbm>>
        %dma_wait3A_1724 = arith.constant 256 : i32
        %dma_wait3A_1725 = arith.constant 0 : i32
        %dma_wait3A_1726 = tpu.memref_slice %arg6[%run_scoped3A_1598, %dma_wait3A_1724, %dma_wait3A_1725] : memref<2x640x64xf32, #tpu.memory_space<vmem>> -> memref<1x128x64xf32, #tpu.memory_space<vmem>>
        %dma_wait3A_1727 = tpu.memref_squeeze %dma_wait3A_1726 : memref<1x128x64xf32, #tpu.memory_space<vmem>> -> memref<128x64xf32, #tpu.memory_space<vmem>>
        tpu.wait_dma2 semaphore(%run_scoped3A_1699 : memref<!tpu.dma_semaphore, #tpu.memory_space<semaphore_mem>>) src(%dma_wait3A_1727 : memref<128x64xf32, #tpu.memory_space<vmem>>) dst(%dma_wait3A_1723 : memref<128x64xf32, #tpu.memory_space<hbm>>)
        tpu.yield
      }) : () -> ()
      %mul3A_1599 = arith.constant 5 : i32
      %mul3A_1600 = arith.muli %add3A_313, %mul3A_1599 : i32
      %add3A_1601 = arith.addi %mul3A_2, %mul3A_1600 : i32
      %add3A_1602 = arith.constant 3 : i32
      %add3A_1603 = arith.addi %add3A_1601, %add3A_1602 : i32
      %jit3A_1604 = arith.constant 8 : i32
      %div3A_1605 = arith.divsi %add3A_1603, %jit3A_1604 : i32
      %sign3A_1606 = arith.constant 0 : i32
      %sign3A_1607 = arith.cmpi sgt, %add3A_1603, %sign3A_1606 : i32
      %sign3A_1608 = arith.extui %sign3A_1607 : i1 to i32
      %sign3A_1609 = arith.constant 0 : i32
      %sign3A_1610 = arith.cmpi slt, %add3A_1603, %sign3A_1609 : i32
      %sign3A_1611 = arith.extui %sign3A_1610 : i1 to i32
      %sign3A_1612 = arith.subi %sign3A_1608, %sign3A_1611 : i32
      %sign3A_1613 = arith.constant 0 : i32
      %sign3A_1614 = arith.cmpi sgt, %jit3A_1604, %sign3A_1613 : i32
      %sign3A_1615 = arith.extui %sign3A_1614 : i1 to i32
      %sign3A_1616 = arith.constant 0 : i32
      %sign3A_1617 = arith.cmpi slt, %jit3A_1604, %sign3A_1616 : i32
      %sign3A_1618 = arith.extui %sign3A_1617 : i1 to i32
      %sign3A_1619 = arith.subi %sign3A_1615, %sign3A_1618 : i32
      %ne3A_1620 = arith.cmpi ne, %sign3A_1612, %sign3A_1619 : i32
      %rem3A_1621 = arith.remsi %add3A_1603, %jit3A_1604 : i32
      %ne3A_1622 = arith.constant 0 : i32
      %ne3A_1623 = arith.cmpi ne, %rem3A_1621, %ne3A_1622 : i32
      %and3A_1624 = arith.andi %ne3A_1620, %ne3A_1623 : i1
      %sub3A_1625 = arith.constant 1 : i32
      %sub3A_1626 = arith.subi %div3A_1605, %sub3A_1625 : i32
      %select_n3A_1627 = arith.select %and3A_1624, %sub3A_1626, %div3A_1605 : i32
      %sub3A_1628 = arith.subi %select_n3A_1627, %select_n3A : i32
      %jit3A_1629 = arith.constant 8 : i32
      %eq3A_1630 = arith.constant 0 : i32
      %eq3A_1631 = arith.cmpi eq, %jit3A_1629, %eq3A_1630 : i32
      %jit3A_1632 = arith.constant 1 : i32
      %select_n3A_1633 = arith.select %eq3A_1631, %jit3A_1632, %jit3A_1629 : i32
      %rem3A_1634 = arith.remsi %add3A_1603, %select_n3A_1633 : i32
      %ne3A_1635 = arith.constant 0 : i32
      %ne3A_1636 = arith.cmpi ne, %rem3A_1634, %ne3A_1635 : i32
      %lt3A_1637 = arith.constant 0 : i32
      %lt3A_1638 = arith.cmpi slt, %rem3A_1634, %lt3A_1637 : i32
      %lt3A_1639 = arith.constant 0 : i32
      %lt3A_1640 = arith.cmpi slt, %select_n3A_1633, %lt3A_1639 : i32
      %ne3A_1641 = arith.xori %lt3A_1638, %lt3A_1640 : i1
      %and3A_1642 = arith.andi %ne3A_1641, %ne3A_1636 : i1
      %add3A_1643 = arith.addi %rem3A_1634, %select_n3A_1633 : i32
      %select_n3A_1644 = arith.select %and3A_1642, %add3A_1643, %rem3A_1634 : i32
      %mul3A_1645 = arith.constant 128 : i32
      %mul3A_1646 = arith.muli %select_n3A_1644, %mul3A_1645 : i32
      %add3A_1647 = arith.addi %sub3A_1628, %select_n3A : i32
      %run_scoped3A_1648 = arith.constant 1 : i32
      "tpu.region"() ({
        %run_scoped3A_1699 = tpu.sem_alloc : memref<!tpu.dma_semaphore, #tpu.memory_space<semaphore_mem>>
        %dma_start3A_1700 = arith.constant 384 : i32
        %dma_start3A_1701 = arith.constant 0 : i32
        %dma_start3A_1702 = tpu.memref_slice %arg6[%run_scoped3A_1648, %dma_start3A_1700, %dma_start3A_1701] : memref<2x640x64xf32, #tpu.memory_space<vmem>> -> memref<1x128x64xf32, #tpu.memory_space<vmem>>
        %dma_start3A_1703 = tpu.memref_squeeze %dma_start3A_1702 : memref<1x128x64xf32, #tpu.memory_space<vmem>> -> memref<128x64xf32, #tpu.memory_space<vmem>>
        %dma_start3A_1704 = arith.constant 0 : i32
        %dma_start3A_1705 = tpu.memref_slice %arg4[%add3A_1647, %mul3A_1646, %dma_start3A_1704] : memref<200x1024x64xf32, #tpu.memory_space<hbm>> -> memref<1x128x64xf32, #tpu.memory_space<hbm>>
        %dma_start3A_1706 = tpu.memref_squeeze %dma_start3A_1705 : memref<1x128x64xf32, #tpu.memory_space<hbm>> -> memref<128x64xf32, #tpu.memory_space<hbm>>
        %dma_start3A_1707 = arith.constant 0 : i32
        %dma_start3A_1708 = tpu.memref_slice %arg4[%add3A_1647, %mul3A_1646, %dma_start3A_1707] : memref<200x1024x64xf32, #tpu.memory_space<hbm>> -> memref<1x128x64xf32, #tpu.memory_space<hbm>>
        %dma_start3A_1709 = tpu.memref_squeeze %dma_start3A_1708 : memref<1x128x64xf32, #tpu.memory_space<hbm>> -> memref<128x64xf32, #tpu.memory_space<hbm>>
        %dma_start3A_1710 = arith.constant 384 : i32
        %dma_start3A_1711 = arith.constant 0 : i32
        %dma_start3A_1712 = tpu.memref_slice %arg6[%run_scoped3A_1648, %dma_start3A_1710, %dma_start3A_1711] : memref<2x640x64xf32, #tpu.memory_space<vmem>> -> memref<1x128x64xf32, #tpu.memory_space<vmem>>
        %dma_start3A_1713 = tpu.memref_squeeze %dma_start3A_1712 : memref<1x128x64xf32, #tpu.memory_space<vmem>> -> memref<128x64xf32, #tpu.memory_space<vmem>>
        tpu.enqueue_dma source(%dma_start3A_1713 : memref<128x64xf32, #tpu.memory_space<vmem>>) target(%dma_start3A_1709 : memref<128x64xf32, #tpu.memory_space<hbm>>) target_semaphore(%run_scoped3A_1699 : memref<!tpu.dma_semaphore, #tpu.memory_space<semaphore_mem>>)
        %dma_wait3A_1714 = arith.constant 384 : i32
        %dma_wait3A_1715 = arith.constant 0 : i32
        %dma_wait3A_1716 = tpu.memref_slice %arg6[%run_scoped3A_1648, %dma_wait3A_1714, %dma_wait3A_1715] : memref<2x640x64xf32, #tpu.memory_space<vmem>> -> memref<1x128x64xf32, #tpu.memory_space<vmem>>
        %dma_wait3A_1717 = tpu.memref_squeeze %dma_wait3A_1716 : memref<1x128x64xf32, #tpu.memory_space<vmem>> -> memref<128x64xf32, #tpu.memory_space<vmem>>
        %dma_wait3A_1718 = arith.constant 0 : i32
        %dma_wait3A_1719 = tpu.memref_slice %arg4[%add3A_1647, %mul3A_1646, %dma_wait3A_1718] : memref<200x1024x64xf32, #tpu.memory_space<hbm>> -> memref<1x128x64xf32, #tpu.memory_space<hbm>>
        %dma_wait3A_1720 = tpu.memref_squeeze %dma_wait3A_1719 : memref<1x128x64xf32, #tpu.memory_space<hbm>> -> memref<128x64xf32, #tpu.memory_space<hbm>>
        %dma_wait3A_1721 = arith.constant 0 : i32
        %dma_wait3A_1722 = tpu.memref_slice %arg4[%add3A_1647, %mul3A_1646, %dma_wait3A_1721] : memref<200x1024x64xf32, #tpu.memory_space<hbm>> -> memref<1x128x64xf32, #tpu.memory_space<hbm>>
        %dma_wait3A_1723 = tpu.memref_squeeze %dma_wait3A_1722 : memref<1x128x64xf32, #tpu.memory_space<hbm>> -> memref<128x64xf32, #tpu.memory_space<hbm>>
        %dma_wait3A_1724 = arith.constant 384 : i32
        %dma_wait3A_1725 = arith.constant 0 : i32
        %dma_wait3A_1726 = tpu.memref_slice %arg6[%run_scoped3A_1648, %dma_wait3A_1724, %dma_wait3A_1725] : memref<2x640x64xf32, #tpu.memory_space<vmem>> -> memref<1x128x64xf32, #tpu.memory_space<vmem>>
        %dma_wait3A_1727 = tpu.memref_squeeze %dma_wait3A_1726 : memref<1x128x64xf32, #tpu.memory_space<vmem>> -> memref<128x64xf32, #tpu.memory_space<vmem>>
        tpu.wait_dma2 semaphore(%run_scoped3A_1699 : memref<!tpu.dma_semaphore, #tpu.memory_space<semaphore_mem>>) src(%dma_wait3A_1727 : memref<128x64xf32, #tpu.memory_space<vmem>>) dst(%dma_wait3A_1723 : memref<128x64xf32, #tpu.memory_space<hbm>>)
        tpu.yield
      }) : () -> ()
      %mul3A_1649 = arith.constant 5 : i32
      %mul3A_1650 = arith.muli %add3A_313, %mul3A_1649 : i32
      %add3A_1651 = arith.addi %mul3A_2, %mul3A_1650 : i32
      %add3A_1652 = arith.constant 4 : i32
      %add3A_1653 = arith.addi %add3A_1651, %add3A_1652 : i32
      %jit3A_1654 = arith.constant 8 : i32
      %div3A_1655 = arith.divsi %add3A_1653, %jit3A_1654 : i32
      %sign3A_1656 = arith.constant 0 : i32
      %sign3A_1657 = arith.cmpi sgt, %add3A_1653, %sign3A_1656 : i32
      %sign3A_1658 = arith.extui %sign3A_1657 : i1 to i32
      %sign3A_1659 = arith.constant 0 : i32
      %sign3A_1660 = arith.cmpi slt, %add3A_1653, %sign3A_1659 : i32
      %sign3A_1661 = arith.extui %sign3A_1660 : i1 to i32
      %sign3A_1662 = arith.subi %sign3A_1658, %sign3A_1661 : i32
      %sign3A_1663 = arith.constant 0 : i32
      %sign3A_1664 = arith.cmpi sgt, %jit3A_1654, %sign3A_1663 : i32
      %sign3A_1665 = arith.extui %sign3A_1664 : i1 to i32
      %sign3A_1666 = arith.constant 0 : i32
      %sign3A_1667 = arith.cmpi slt, %jit3A_1654, %sign3A_1666 : i32
      %sign3A_1668 = arith.extui %sign3A_1667 : i1 to i32
      %sign3A_1669 = arith.subi %sign3A_1665, %sign3A_1668 : i32
      %ne3A_1670 = arith.cmpi ne, %sign3A_1662, %sign3A_1669 : i32
      %rem3A_1671 = arith.remsi %add3A_1653, %jit3A_1654 : i32
      %ne3A_1672 = arith.constant 0 : i32
      %ne3A_1673 = arith.cmpi ne, %rem3A_1671, %ne3A_1672 : i32
      %and3A_1674 = arith.andi %ne3A_1670, %ne3A_1673 : i1
      %sub3A_1675 = arith.constant 1 : i32
      %sub3A_1676 = arith.subi %div3A_1655, %sub3A_1675 : i32
      %select_n3A_1677 = arith.select %and3A_1674, %sub3A_1676, %div3A_1655 : i32
      %sub3A_1678 = arith.subi %select_n3A_1677, %select_n3A : i32
      %jit3A_1679 = arith.constant 8 : i32
      %eq3A_1680 = arith.constant 0 : i32
      %eq3A_1681 = arith.cmpi eq, %jit3A_1679, %eq3A_1680 : i32
      %jit3A_1682 = arith.constant 1 : i32
      %select_n3A_1683 = arith.select %eq3A_1681, %jit3A_1682, %jit3A_1679 : i32
      %rem3A_1684 = arith.remsi %add3A_1653, %select_n3A_1683 : i32
      %ne3A_1685 = arith.constant 0 : i32
      %ne3A_1686 = arith.cmpi ne, %rem3A_1684, %ne3A_1685 : i32
      %lt3A_1687 = arith.constant 0 : i32
      %lt3A_1688 = arith.cmpi slt, %rem3A_1684, %lt3A_1687 : i32
      %lt3A_1689 = arith.constant 0 : i32
      %lt3A_1690 = arith.cmpi slt, %select_n3A_1683, %lt3A_1689 : i32
      %ne3A_1691 = arith.xori %lt3A_1688, %lt3A_1690 : i1
      %and3A_1692 = arith.andi %ne3A_1691, %ne3A_1686 : i1
      %add3A_1693 = arith.addi %rem3A_1684, %select_n3A_1683 : i32
      %select_n3A_1694 = arith.select %and3A_1692, %add3A_1693, %rem3A_1684 : i32
      %mul3A_1695 = arith.constant 128 : i32
      %mul3A_1696 = arith.muli %select_n3A_1694, %mul3A_1695 : i32
      %add3A_1697 = arith.addi %sub3A_1678, %select_n3A : i32
      %run_scoped3A_1698 = arith.constant 1 : i32
      "tpu.region"() ({
        %run_scoped3A_1699 = tpu.sem_alloc : memref<!tpu.dma_semaphore, #tpu.memory_space<semaphore_mem>>
        %dma_start3A_1700 = arith.constant 512 : i32
        %dma_start3A_1701 = arith.constant 0 : i32
        %dma_start3A_1702 = tpu.memref_slice %arg6[%run_scoped3A_1698, %dma_start3A_1700, %dma_start3A_1701] : memref<2x640x64xf32, #tpu.memory_space<vmem>> -> memref<1x128x64xf32, #tpu.memory_space<vmem>>
        %dma_start3A_1703 = tpu.memref_squeeze %dma_start3A_1702 : memref<1x128x64xf32, #tpu.memory_space<vmem>> -> memref<128x64xf32, #tpu.memory_space<vmem>>
        %dma_start3A_1704 = arith.constant 0 : i32
        %dma_start3A_1705 = tpu.memref_slice %arg4[%add3A_1697, %mul3A_1696, %dma_start3A_1704] : memref<200x1024x64xf32, #tpu.memory_space<hbm>> -> memref<1x128x64xf32, #tpu.memory_space<hbm>>
        %dma_start3A_1706 = tpu.memref_squeeze %dma_start3A_1705 : memref<1x128x64xf32, #tpu.memory_space<hbm>> -> memref<128x64xf32, #tpu.memory_space<hbm>>
        %dma_start3A_1707 = arith.constant 0 : i32
        %dma_start3A_1708 = tpu.memref_slice %arg4[%add3A_1697, %mul3A_1696, %dma_start3A_1707] : memref<200x1024x64xf32, #tpu.memory_space<hbm>> -> memref<1x128x64xf32, #tpu.memory_space<hbm>>
        %dma_start3A_1709 = tpu.memref_squeeze %dma_start3A_1708 : memref<1x128x64xf32, #tpu.memory_space<hbm>> -> memref<128x64xf32, #tpu.memory_space<hbm>>
        %dma_start3A_1710 = arith.constant 512 : i32
        %dma_start3A_1711 = arith.constant 0 : i32
        %dma_start3A_1712 = tpu.memref_slice %arg6[%run_scoped3A_1698, %dma_start3A_1710, %dma_start3A_1711] : memref<2x640x64xf32, #tpu.memory_space<vmem>> -> memref<1x128x64xf32, #tpu.memory_space<vmem>>
        %dma_start3A_1713 = tpu.memref_squeeze %dma_start3A_1712 : memref<1x128x64xf32, #tpu.memory_space<vmem>> -> memref<128x64xf32, #tpu.memory_space<vmem>>
        tpu.enqueue_dma source(%dma_start3A_1713 : memref<128x64xf32, #tpu.memory_space<vmem>>) target(%dma_start3A_1709 : memref<128x64xf32, #tpu.memory_space<hbm>>) target_semaphore(%run_scoped3A_1699 : memref<!tpu.dma_semaphore, #tpu.memory_space<semaphore_mem>>)
        %dma_wait3A_1714 = arith.constant 512 : i32
        %dma_wait3A_1715 = arith.constant 0 : i32
        %dma_wait3A_1716 = tpu.memref_slice %arg6[%run_scoped3A_1698, %dma_wait3A_1714, %dma_wait3A_1715] : memref<2x640x64xf32, #tpu.memory_space<vmem>> -> memref<1x128x64xf32, #tpu.memory_space<vmem>>
        %dma_wait3A_1717 = tpu.memref_squeeze %dma_wait3A_1716 : memref<1x128x64xf32, #tpu.memory_space<vmem>> -> memref<128x64xf32, #tpu.memory_space<vmem>>
        %dma_wait3A_1718 = arith.constant 0 : i32
        %dma_wait3A_1719 = tpu.memref_slice %arg4[%add3A_1697, %mul3A_1696, %dma_wait3A_1718] : memref<200x1024x64xf32, #tpu.memory_space<hbm>> -> memref<1x128x64xf32, #tpu.memory_space<hbm>>
        %dma_wait3A_1720 = tpu.memref_squeeze %dma_wait3A_1719 : memref<1x128x64xf32, #tpu.memory_space<hbm>> -> memref<128x64xf32, #tpu.memory_space<hbm>>
        %dma_wait3A_1721 = arith.constant 0 : i32
        %dma_wait3A_1722 = tpu.memref_slice %arg4[%add3A_1697, %mul3A_1696, %dma_wait3A_1721] : memref<200x1024x64xf32, #tpu.memory_space<hbm>> -> memref<1x128x64xf32, #tpu.memory_space<hbm>>
        %dma_wait3A_1723 = tpu.memref_squeeze %dma_wait3A_1722 : memref<1x128x64xf32, #tpu.memory_space<hbm>> -> memref<128x64xf32, #tpu.memory_space<hbm>>
        %dma_wait3A_1724 = arith.constant 512 : i32
        %dma_wait3A_1725 = arith.constant 0 : i32
        %dma_wait3A_1726 = tpu.memref_slice %arg6[%run_scoped3A_1698, %dma_wait3A_1724, %dma_wait3A_1725] : memref<2x640x64xf32, #tpu.memory_space<vmem>> -> memref<1x128x64xf32, #tpu.memory_space<vmem>>
        %dma_wait3A_1727 = tpu.memref_squeeze %dma_wait3A_1726 : memref<1x128x64xf32, #tpu.memory_space<vmem>> -> memref<128x64xf32, #tpu.memory_space<vmem>>
        tpu.wait_dma2 semaphore(%run_scoped3A_1699 : memref<!tpu.dma_semaphore, #tpu.memory_space<semaphore_mem>>) src(%dma_wait3A_1727 : memref<128x64xf32, #tpu.memory_space<vmem>>) dst(%dma_wait3A_1723 : memref<128x64xf32, #tpu.memory_space<hbm>>)
        tpu.yield
      }) : () -> ()
    }
    %scan3A_306 = arith.constant 5 : i32
    return
  }
}

</mosaic_0001>

<sc_bundles>
// kernel: kernel.3.cloned.1.call-start
scs
__scs_entry_jumppad:
0x0: {  	(pc) =	sbr.rel $0x88, $3  }
0x1: {  	(tag) =	ssettag $0x0;
	lr =	simm.s32 $0x1  }
0x2: {  	[smem:$0x3F9F] =	sst lr;
	_ =	strace $0xD0000000  }
0x3: {  	_ = 	snop  }
0x4: {  	_ = 	snop  }
0x5: {  	_ = 	snop  }
0x6: {  	_ = 	snop  }
0x7: {  	_ = 	snop  }
__scs_overlays_trampoline_lowered:
0x8: {  	[smem:$0x3FAE] =	sst s0  }
0x9: {  	[smem:$0x3FAF] =	sst s1  }
0xa: {  	[smem:$0x3FB0] =	sst s2  }
0xb: {  	[smem:$0x3FB1] =	sst s3  }
0xc: {  	[smem:$0x3FB2] =	sst s4  }
0xd: {  	[smem:$0x3FB3] =	sst s5  }
0xe: {  	[smem:$0x3FB4] =	sst s6  }
0xf: {  	[smem:$0x3FB5] =	sst s7  }
0x10: {  	[smem:$0x3FB6] =	sst s8  }
0x11: {  	[smem:$0x3FB7] =	sst s9;
	s0 =	simm.s32 @!p0 $0x0  }
0x12: {  	s1 =	sld [smem:$0x3F9D];
	s0 =	simm.s32 @p0 $0x1  }
0x13: {  	[smem:$0x3FB8] =	sst s0;
	s0 =	simm.s32 @!p1 $0x0  }
0x14: {  	s2 =	sld [smem:$0x3F9C];
	s0 =	simm.s32 @p1 $0x1  }
0x15: {  	[smem:$0x3FB9] =	sst s0;
	s0 =	simm.s32 @!p2 $0x0  }
0x16: {  	s3 =	sld [smem:$0x3FDB];
	s0 =	simm.s32 @p2 $0x1  }
0x17: {  	s4 =	simm.s32 $0x1BF5;
	[smem:$0x3FBB] =	sst s0  }
0x18: {  	s0 =	sld [smem:$0x3F9E];
	_ =	swait.ge [sflag:s4], $0x0  }
0x19: {  	s7 =	sld [smem:$0x3F9F]  }
0x1a: {  	s8 =	sadd.s32 $0xFFFFE003, lr  }
0x1b: {  	s9 =	sadd.s32 $0xFFFFFEF7, lr;
	s5 =	simm.s32 $0xFFFFFFFF;
	p2 =	slt.u32 s8, $0xFFFFF086  }
0x1c: {  	p1 =	slt.u32 s9, $0xF7A;
	s5 =	simm.s32 @!p2 $0x0  }
0x1d: {  	s5 =	simm.s32 @p1 $0x1;
	p0 =	seq.s32 s7, s2  }
0x1e: {  	s7 =	smul.u32 @!p0 $0xF7A, s2;
	p2 =	seq.s32 @!p0 s5, $0x0  }
0x1f: {  	s9 =	smul.u32 $0xF7A, s1;
	s8 =	simm.s32 @!p0 $0x1BF5;
	p2 =	por !p2, p0  }
0x20: {  	[sflag:s8] =	ssyncset.s32 @!p0 $0xFFFFF086;
	s6 =	sadd.s32 @!p0 s3, s7;
	s7 =	simm.s32 @!p0 $0x108  }
0x21: {  	s3 =	sadd.s32 s3, s9;
	s6 =	sadd.s32 @!p0 $0x88, s6;
	s7 =	simm.s32 @p2 $0x1082  }
0x22: {  	[simem:s7], [sflag:s8] =	dma.local @!p0 [hbm:s6], $0xF7A  }
0x23: {  	s9 =	sor.u32 $0xD0000000, s2;
	s6 =	simm.s32 $0x108;
	_ =	swait.ge @!p0 [sflag:s8], $0x0  }
0x24: {  	s3 =	sadd.s32 $0x88, s3;
	s6 =	simm.s32 @!p1 $0x1082;
	[sflag:s4] =	ssyncset.s32 $0xFFFFF086  }
0x25: {  	[simem:s6], [sflag:s4] =	dma.local [hbm:s3], $0xF7A  }
0x26: {  	[smem:$0x3F9F] =	sst s1;
	(tag) =	ssettag s2;
	_ =	strace s9  }
0x27: {  	s1 =	sld [smem:$0x3FAF]  }
0x28: {  	s2 =	sld [smem:$0x3FB0]  }
0x29: {  	s4 =	sld [smem:$0x3FB2]  }
0x2a: {  	p0 =	seq.s32 s5, $0x0;
	s5 =	sld [smem:$0x3FB3]  }
0x2b: {  	s6 =	sld [smem:$0x3FB4]  }
0x2c: {  	s7 =	sld [smem:$0x3FB5]  }
0x2d: {  	s3 =	simm.s32 $0x108;
	s8 =	sld [smem:$0x3FB6]  }
0x2e: {  	s3 =	simm.s32 @!p0 $0x1082;
	s9 =	sld [smem:$0x3FB7]  }
0x2f: {  	lr =	sadd.s32 s0, s3;
	s0 =	sld [smem:$0x3FAE]  }
0x30: {  	s3 =	sld [smem:$0x3FB1]  }
0x31: {  	[smem:$0x3FBA] =	sst s10  }
0x32: {  	s10 =	sld [smem:$0x3FB8];
	_ =	sdelay $0x3  }
0x33: {  	p0 =	seq.s32 s10, $0x1;
	s10 =	sld [smem:$0x3FBA];
	_ =	sdelay $0x3  }
0x34: {  	[smem:$0x3FBA] =	sst s10  }
0x35: {  	s10 =	sld [smem:$0x3FB9];
	_ =	sdelay $0x3  }
0x36: {  	p1 =	seq.s32 s10, $0x1;
	s10 =	sld [smem:$0x3FBA];
	_ =	sdelay $0x3  }
0x37: {  	[smem:$0x3FBA] =	sst s10  }
0x38: {  	s10 =	sld [smem:$0x3FBB]  }
0x39: {  	_ = 	snop;
	(pc) =	sbr.ind lr, $3  }
0x3a: {  	_ = 	snop  }
0x3b: {  	_ = 	snop  }
0x3c: {  	p2 =	seq.s32 s10, $0x1;
	s10 =	sld [smem:$0x3FBA]  }
0x3d: {  	_ =	shalt  }
0x3e: {  	_ =	shalt  }
0x3f: {  	_ =	shalt  }
0x40: {  	_ =	shalt  }
0x41: {  	_ =	shalt  }
0x42: {  	_ =	shalt  }
0x43: {  	_ =	shalt  }
0x44: {  	_ =	shalt  }
0x45: {  	_ =	shalt  }
0x46: {  	_ =	shalt  }
0x47: {  	_ =	shalt  }
0x48: {  	_ =	shalt  }
0x49: {  	_ =	shalt  }
0x4a: {  	_ =	shalt  }
0x4b: {  	_ =	shalt  }
0x4c: {  	_ =	shalt  }
0x4d: {  	_ =	shalt  }
0x4e: {  	_ =	shalt  }
0x4f: {  	_ =	shalt  }
0x50: {  	_ =	shalt  }
0x51: {  	_ =	shalt  }
0x52: {  	_ =	shalt  }
0x53: {  	_ =	shalt  }
0x54: {  	_ =	shalt  }
0x55: {  	_ =	shalt  }
0x56: {  	_ =	shalt  }
0x57: {  	_ =	shalt  }
0x58: {  	_ =	shalt  }
0x59: {  	_ =	shalt  }
0x5a: {  	_ =	shalt  }
0x5b: {  	_ =	shalt  }
0x5c: {  	_ =	shalt  }
0x5d: {  	_ =	shalt  }
0x5e: {  	_ =	shalt  }
0x5f: {  	_ =	shalt  }
0x60: {  	_ =	shalt  }
0x61: {  	_ =	shalt  }
0x62: {  	_ =	shalt  }
0x63: {  	_ =	shalt  }
0x64: {  	_ =	shalt  }
0x65: {  	_ =	shalt  }
0x66: {  	_ =	shalt  }
0x67: {  	_ =	shalt  }
0x68: {  	_ =	shalt  }
0x69: {  	_ =	shalt  }
0x6a: {  	_ =	shalt  }
0x6b: {  	_ =	shalt  }
0x6c: {  	_ =	shalt  }
0x6d: {  	_ =	shalt  }
0x6e: {  	_ =	shalt  }
0x6f: {  	_ =	shalt  }
0x70: {  	_ =	shalt  }
0x71: {  	_ =	shalt  }
0x72: {  	_ =	shalt  }
0x73: {  	_ =	shalt  }
0x74: {  	_ =	shalt  }
0x75: {  	_ =	shalt  }
0x76: {  	_ =	shalt  }
0x77: {  	_ =	shalt  }
0x78: {  	_ =	shalt  }
0x79: {  	_ =	shalt  }
0x7a: {  	_ =	shalt  }
0x7b: {  	_ =	shalt  }
0x7c: {  	_ =	shalt  }
0x7d: {  	_ =	shalt  }
0x7e: {  	_ =	shalt  }
0x7f: {  	_ =	shalt  }
0x80: {  	_ =	shalt  }
0x81: {  	_ =	shalt  }
0x82: {  	_ =	shalt  }
0x83: {  	_ =	shalt  }
0x84: {  	_ =	shalt  }
0x85: {  	_ =	shalt  }
0x86: {  	_ =	shalt  }
0x87: {  	_ =	shalt  }
.Lfunc_end0:
.L_simem_size_0:
called_computation.1_lowered:
.L_overlay_start_0:
0x88: {  	s2 =	sld [smem:$0x3FD9]  }
0x89: {  	s3 =	sld [smem:$0x3FFE];
	_ =	sdelay $0x1  }
0x8a: {  	s1 =	srdreg.scid  }
0x8b: {  	s0 =	sand.u32 $0x1, s1  }
0x8c: {  	s17 =	sshll.u32 s0, $0xA;
	s2 =	sadd.s32 s3, s2  }
0x8d: {  	s2 =	sadd.s32 s2, s17  }
0x8e: {  	[smem:$0x3FC6] =	sst s2  }
0x8f: {  	_ = 	snop  }
0x90: {  	s2 =	sld [smem:$0x3FC9]  }
0x91: {  	s18 =	sld [smem:$0x3FD0];
	(tm) =	ssettm $0x1  }
0x92: {  	s4 =	sld [smem:$0x3FFB];
	_ =	sdelay $0x3  }
0x93: {  	_ =	strace s4  }
0x94: {  	s4 =	sld [smem:$0x3FFC];
	_ =	sdelay $0x3  }
0x95: {  	_ =	strace s4  }
0x96: {  	s4 =	sld [smem:$0x3FFD];
	_ =	sdelay $0x3  }
0x97: {  	_ =	strace s4  }
0x98: {  	_ =	strace $0x8FFFFFFF  }
0x99: {  	s19 =	sld [smem:$0x3FDB];
	_ =	sdelay $0x1  }
0x9a: {  	s5 =	simm.s32 $_scs_section_size  }
0x9b: {  	s6 =	simm.s32 $_size__tile_overlayer_lowered;
	s7 =	simm.s32 $_tile_overlayer_lowered  }
0x9c: {  	s22 =	simm.s32 $0x1BFF;
	s21 =	sshll.u32 s7, $0x1;
	s4 =	sadd.s32 s5, s19  }
0x9d: {  	s8 =	simm.s32 $0x0;
	s20 =	sshll.u32 s6, $0x1;
	s6 =	sadd.s32 s21, s4  }
0x9e: {  	[timem:s8], [sflag:s22] =	dma.local [hbm:s6], s20  }
0x9f: {  	_ =	swait.ge [sflag:s22], s20  }
0xa0: {  	s5 =	ssub.s32 $0x0, s20;
	[sflag:s22] =	ssyncset.done $0x0  }
0xa1: {  	[sflag:s22] =	ssyncadd.s32 s5;
	_ =	sdelay $0x1  }
0xa2: {  	s23 =	simm.s32 $0x1B8B  }
0xa3: {  	_ =	swait.ge [sflag:s23], $0x1  }
0xa4: {  	[sflag:s23] =	ssyncset.done $0x0  }
0xa5: {  	s25 =	simm.s32 $0x1B8E;
	s24 =	sld [smem:$0x3FFE];
	[sflag:s23] =	ssyncadd.s32 $0xFFFFFFFF  }
0xa6: {  	s26 =	simm.s32 $execute0_lowered;
	[smem:$0x3FD2] =	sst s25  }
0xa7: {  	s6 =	sshll.u32 s26, $0x1;
	_ =	strace $0x80000046;
	[dreg:$0x1] =	wrdreg $0xFFFFFFFF  }
0xa8: {  	s28 =	simm.s32 $_size_execute0_lowered;
	s4 =	sadd.s32 s4, s6;
	[dreg:$0x0] =	wrdreg $0x0  }
0xa9: {  	s6 =	sshll.u32 s28, $0x1;
	[dreg:$0x2] =	wrdreg s4  }
0xaa: {  	[dreg:$0x3] =	wrdreg s6  }
0xab: {  	[dreg:$0x4] =	wrdreg $0xC0  }
0xac: {  	_ =	task [dreg:s8], $0x5FFFF  }
0xad: {  	[dreg:$0x1] =	wrdreg $0xFFFFFFFF  }
0xae: {  	[dreg:$0x0] =	wrdreg $0x60  }
0xaf: {  	[dreg:$0x2] =	wrdreg s2  }
0xb0: {  	[dreg:$0x3] =	wrdreg s24  }
0xb1: {  	[dreg:$0x4] =	wrdreg s18  }
0xb2: {  	[dreg:$0x5] =	wrdreg $0x9  }
0xb3: {  	_ =	task.clear_ibuf [dreg:s8], $0x6FFFF;
	_ =	strace $0x90000046  }
0xb4: {  	s29 =	simm.s32 $0x9;
	_ =	strace $0x80000048  }
0xb5: {  	_ =	swait.ge [sflag:s29], $0x1  }
0xb6: {  	[sflag:s29] =	ssyncadd.s32 $0xFFFFFFFF  }
0xb7: {  	_ =	strace $0x90000048  }
0xb8: {  	_ =	sfence  }
0xb9: {  	s30 =	sld [smem:$0x0];
	_ =	sdelay $0x2  }
0xba: {  	s31 =	sshll.u32 s1, $0xD;
	s1 =	sshrl.u32 s1, $0x2  }
0xbb: {  	s3 =	sand.u32 $0x4000, s31;
	s1 =	sadd.s32 s1, s30  }
0xbc: {  	s0 =	sor.u32 s3, s0;
	s1 =	sshll.u32 s1, $0x11  }
0xbd: {  	s0 =	sor.u32 s1, s0  }
0xbe: {  	s0 =	sadd.s32 $0x8F2B, s0  }
0xbf: {  	[sflag:s0] =	ssyncadd.remote.s32 $0x1  }
0xc0: {  	_ =	sfence.sel $0xFFFF  }
0xc1: {  	[dreg:$0x0] =	wrdreg $0xFFFFFFFF;
	(pc) =	sbr.abs _section_cstart, $3  }
0xc2: {  	[dreg:$0x1] =	wrdreg $0xFFFFFFFF  }
0xc3: {  	_ =	task.clear_ibuf [dreg:s8], $0x2FFFF;
	_ =	strace $0x9FFFFFFF  }
0xc4: {  	(tm) =	ssettm $0x7FFFFFFF  }
0xc5: {  	_ =	shalt  }
tec
execute0_lowered:
.L_overlay_start_1:
0x0: {  	(tag) =	ssettag $0x1  }
0x1: {  	s0 =	rddreg [dreg:$0x0]  }
0x2: {  	s1 =	rddreg [dreg:$0x1]  }
0x3: {  	s3 =	srdreg.scid;
	s5 =	stileid.u32  }
0x4: {  	s2 =	rddreg [dreg:$0x2];
	s28 =	simm.s32 $0x1;
	s29 =	simm.s32 $0xBC00  }
0x5: {  	s31 =	simm.s32 $0xFC00;
	s4 =	sand.u32 $0x1, s3;
	s5 =	sshll.u32 s5, $0x1  }
0x6: {  	s3 =	simm.s32 $0x0;
	s22 =	sadd.s32 $0x400, s2;
	s25 =	sadd.s32 $0x800, s2  }
0x7: {  	s26 =	sadd.s32 $0xC00, s2;
	s7 =	sor.u32 s4, s5;
	[smem:$0x7FF] =	sst s3  }
0x8: {  	s4 =	ssub.s32 $0x2, s4;
	s5 =	sadd.s32 $0xF42C00, s1;
	s1 =	simm.s32 $0x11C00  }
0x9: {  	s11 =	smul.u32 $0x32, s7;
	_ =	strace $0x80000047;
	[dreg:$0xc] =	wrdreg s22  }
0xa: {  	s6 =	sshrl.u32 s4, $0x1;
	s13 =	sshll.u32 s7, $0x8;
	[dreg:$0xf] =	wrdreg s25  }
0xb: {  	[dreg:$0x10] =	wrdreg s26;
	s22 =	simm.s32 $0x1C00;
	s30 =	ssub.s32 s4, s6  }
0xc: {  	s7 =	sand.u32 $0x300, s13;
	s12 =	sshll.u32 s11, $0x4;
	s6 =	sshrl.u32 s11, $0x3  }
0xd: {  	s8 =	sadd.s32 $0x2, s11;
	[dreg:$0x6] =	wrdreg s7;
	s7 =	sor.u32 $0x80, s7  }
0xe: {  	s17 =	sadd.s32 $0x3, s11;
	s18 =	sadd.s32 $0x4, s11;
	s21 =	sadd.s32 $0x5, s11  }
0xf: {  	[dreg:$0x4] =	wrdreg s11;
	s23 =	sadd.s32 $0xA, s11;
	s24 =	smax.u32 s30, $0x1  }
0x10: {  	s30 =	sadd.s32 $0x1000, s2;
	s4 =	sand.u32 $0x7F80, s12;
	[dreg:$0x7] =	wrdreg s7  }
0x11: {  	s14 =	sshrl.u32 s8, $0x3;
	s16 =	sshll.u32 s8, $0x7;
	[dreg:$0xb] =	wrdreg s21  }
0x12: {  	s9 =	sshrl.u32 s17, $0x3;
	s7 =	sshll.u32 s17, $0x7;
	[dreg:$0xd] =	wrdreg s23  }
0x13: {  	s10 =	sshrl.u32 s18, $0x3;
	s8 =	sshll.u32 s18, $0x7;
	[dreg:$0xe] =	wrdreg s24  }
0x14: {  	[dreg:$0x11] =	wrdreg s30;
	s21 =	simm.s32 $0x80;
	s0 =	sadd.s32 s0, s4  }
0x15: {  	s15 =	ssub.s32 s14, s6;
	s4 =	sand.u32 $0x300, s16;
	s9 =	ssub.s32 s9, s6  }
0x16: {  	s7 =	sand.u32 $0x380, s7;
	s10 =	ssub.s32 s10, s6;
	s8 =	sand.u32 $0x300, s8  }
0x17: {  	s14 =	simm.s32 $0xDC00;
	[dreg:$0x5] =	wrdreg s0;
	s0 =	sshll.u32 s15, $0xC  }
.Ltmp0:
0x18: {  	s9 =	sshll.u32 s9, $0xC;
	s0 =	sshra.s32 s0, $0x2;
	(pc) =	sbr.rel .LBB2_1-.Ltmp0, $4  }
0x19: {  	s10 =	sshll.u32 s10, $0xC;
	s9 =	sshra.s32 s9, $0x2;
	s0 =	sor.u32 s4, s0  }
0x1a: {  	s10 =	sshra.s32 s10, $0x2;
	s19 =	sor.u32 s7, s9;
	[dreg:$0x8] =	wrdreg s0  }
0x1b: {  	v0 =	vlaneseq.u32;
	s20 =	sor.u32 s8, s10;
	s7 =	simm.s32 $0x0;
	[dreg:$0x9] =	wrdreg s19  }
0x1c: {  	v1 =	vimm.f32 $0.0e+00;
	v0 =	vmul.u32 $0x40, v0;
	[dreg:$0xa] =	wrdreg s20;
	s20 =	simm.s32 $0x2;
	s0 =	simm.s32 $0x13C00  }
.LBB2_11:
0x1d: {  	s7 =	rddreg [dreg:$0x12]  }
0x1e: {  	s4 =	rddreg [dreg:$0xe];
	s7 =	sadd.s32 $0x1, s7  }
0x1f: {  	p0 =	sne.s32 s7, s4  }
.Ltmp1:
0x20: {  	_ = 	snop;
	(pc) =	sbr.rel @!p0 .LBB2_12-.Ltmp1, $1  }
0x21: {  	_ =	sdelay $0x3  }
.LBB2_1:
0x22: {  	[dreg:$0x12] =	wrdreg s7  }
0x23: {  	s4 =	rddreg [dreg:$0x5]  }
0x24: {  	[tilespmem:s3], [sflag:$0x2] =	stream.linear.gather [hbm4b:s4+s3], $0x1C00, $0x38;
	[tilespmem:$0x15C00] =	vst v63  }
0x25: {  	_ =	swait.ge [sflag:s20], $0x1C00  }
0x26: {  	[sflag:s20] =	ssyncset.done $0x0  }
0x27: {  	s16 =	rddreg [dreg:$0x6];
	[sflag:s20] =	ssyncadd.s32 $0xFFFFE400  }
0x28: {  	[tilespmem:s22], [sflag:$0x1] =	stream.indirect.gather [hbm4b:s5+s21], $0x40, s16, s21, $0xb8;
	[tilespmem:$0x15C00] =	vst v63  }
0x29: {  	s18 =	simm.s32 $0x3C00;
	s17 =	rddreg [dreg:$0x7]  }
0x2a: {  	[tilespmem:s18], [sflag:$0x1] =	stream.indirect.gather [hbm4b:s5+s21], $0x40, s17, s21, $0xb8;
	[tilespmem:$0x15C00] =	vst v63  }
0x2b: {  	s23 =	simm.s32 $0x5C00;
	s19 =	rddreg [dreg:$0x8]  }
0x2c: {  	[tilespmem:s23], [sflag:$0x1] =	stream.indirect.gather [hbm4b:s5+s21], $0x40, s19, s21, $0xb8;
	[tilespmem:$0x15C00] =	vst v63  }
.Ltmp2:
0x2d: {  	_ = 	snop;
	(pc) =	sbr.rel .LBB2_2-.Ltmp2, $4  }
0x2e: {  	s25 =	simm.s32 $0x7C00;
	s24 =	rddreg [dreg:$0x9]  }
0x2f: {  	[tilespmem:s25], [sflag:$0x1] =	stream.indirect.gather [hbm4b:s5+s21], $0x40, s24, s21, $0xb8;
	[tilespmem:$0x15C00] =	vst v63  }
0x30: {  	s30 =	simm.s32 $0x9C00;
	s9 =	simm.s32 $0x0;
	s26 =	rddreg [dreg:$0xa]  }
0x31: {  	[tilespmem:s30], [sflag:$0x1] =	stream.indirect.gather [hbm4b:s5+s21], $0x40, s26, s21, $0xb8;
	[tilespmem:$0x15C00] =	vst v63  }
.LBB2_10:
0x32: {  	s8 =	sshll.u32 s10, $0xD  }
0x33: {  	s17 =	sshll.u32 s11, $0x3;
	s8 =	sadd.s32 s2, s8  }
0x34: {  	s18 =	sshll.u32 s12, $0x10;
	s19 =	sshll.u32 s24, $0x6;
	s8 =	sadd.s32 s17, s8  }
0x35: {  	[hbm4b:s8+s3] =	stream.linear.scatter [tilespmem:s29], [sflag:$0x2], $0x2000, $0x38;
	[tilespmem:$0x15C00] =	vst v63  }
0x36: {  	s14 =	simm.s32 $0xDC00;
	s8 =	sor.u32 s18, s19;
	_ =	swait.ge [sflag:s20], $0x2000  }
0x37: {  	s24 =	sshll.u32 s16, $0x10;
	s8 =	sshrl.u32 s8, $0x3;
	[sflag:s20] =	ssyncset.done $0x0  }
0x38: {  	s25 =	sshll.u32 s25, $0x6;
	s8 =	sadd.s32 s2, s8;
	[sflag:s20] =	ssyncadd.s32 $0xFFFFE000  }
0x39: {  	[hbm4b:s8+s3] =	stream.linear.scatter [tilespmem:s14], [sflag:$0x2], $0x2000, $0x38;
	[tilespmem:$0x15C00] =	vst v63  }
0x3a: {  	s8 =	sor.u32 s24, s25;
	_ =	swait.ge [sflag:s20], $0x2000  }
0x3b: {  	s7 =	sshll.u32 s7, $0x10;
	s8 =	sshrl.u32 s8, $0x3;
	[sflag:s20] =	ssyncset.done $0x0  }
0x3c: {  	s26 =	sshll.u32 s26, $0x6;
	s8 =	sadd.s32 s2, s8;
	[sflag:s20] =	ssyncadd.s32 $0xFFFFE000  }
0x3d: {  	[hbm4b:s8+s3] =	stream.linear.scatter [tilespmem:s31], [sflag:$0x2], $0x2000, $0x38;
	[tilespmem:$0x15C00] =	vst v63  }
0x3e: {  	s7 =	sor.u32 s7, s26;
	_ =	swait.ge [sflag:s20], $0x2000  }
0x3f: {  	s30 =	sshll.u32 s23, $0x10;
	s7 =	sshrl.u32 s7, $0x3;
	[sflag:s20] =	ssyncset.done $0x0  }
0x40: {  	s4 =	sshll.u32 s4, $0x6;
	s7 =	sadd.s32 s2, s7;
	[sflag:s20] =	ssyncadd.s32 $0xFFFFE000  }
0x41: {  	[hbm4b:s7+s3] =	stream.linear.scatter [tilespmem:s1], [sflag:$0x2], $0x2000, $0x38;
	[tilespmem:$0x15C00] =	vst v63  }
0x42: {  	s9 =	sadd.s32 $0x1, s9;
	s4 =	sor.u32 s30, s4;
	_ =	swait.ge [sflag:s20], $0x2000  }
0x43: {  	p0 =	sne.s32 s9, $0x5;
	s4 =	sshrl.u32 s4, $0x3;
	[sflag:s20] =	ssyncset.done $0x0  }
.Ltmp3:
0x44: {  	s4 =	sadd.s32 s2, s4;
	[sflag:s20] =	ssyncadd.s32 $0xFFFFE000;
	(pc) =	sbr.rel @!p0 .LBB2_11-.Ltmp3, $4  }
0x45: {  	[hbm4b:s4+s3] =	stream.linear.scatter [tilespmem:s0], [sflag:$0x2], $0x2000, $0x38;
	[tilespmem:$0x15C00] =	vst v63  }
0x46: {  	_ =	swait.ge [sflag:s20], $0x2000  }
0x47: {  	[sflag:s20] =	ssyncset.done $0x0  }
0x48: {  	[sflag:s20] =	ssyncadd.s32 $0xFFFFE000  }
.LBB2_2:
0x49: {  	_ =	swait.ge [sflag:s28], $0x2000  }
0x4a: {  	[sflag:s28] =	ssyncset.done $0x0  }
0x4b: {  	[sflag:s28] =	ssyncadd.s32 $0xFFFFE000  }
0x4c: {  	_ =	swait.ge [sflag:s28], $0x2000  }
0x4d: {  	[sflag:s28] =	ssyncset.done $0x0  }
0x4e: {  	[sflag:s28] =	ssyncadd.s32 $0xFFFFE000  }
0x4f: {  	_ =	swait.ge [sflag:s28], $0x2000  }
0x50: {  	[sflag:s28] =	ssyncset.done $0x0  }
0x51: {  	[sflag:s28] =	ssyncadd.s32 $0xFFFFE000  }
0x52: {  	s13 =	smul.u32 $0xA, s9;
	_ =	swait.ge [sflag:s28], $0x2000  }
0x53: {  	s4 =	rddreg [dreg:$0xb]  }
0x54: {  	[sflag:s28] =	ssyncset.done $0x0;
	s8 =	sadd.s32 s13, s4  }
0x55: {  	[sflag:s28] =	ssyncadd.s32 $0xFFFFE000;
	s10 =	sshrl.u32 s8, $0x3  }
0x56: {  	_ =	swait.ge [sflag:s28], $0x2000;
	s7 =	sshll.u32 s8, $0x7;
	s19 =	ssub.s32 s10, s6  }
0x57: {  	s23 =	sadd.s32 $0x1, s8;
	[sflag:s28] =	ssyncset.done $0x0;
	s4 =	sshll.u32 s19, $0xC  }
0x58: {  	s11 =	sand.u32 $0x380, s7;
	s12 =	sshrl.u32 s23, $0x3;
	s4 =	sshra.s32 s4, $0x2  }
0x59: {  	[sflag:s28] =	ssyncadd.s32 $0xFFFFE000;
	s24 =	ssub.s32 s12, s6;
	s4 =	sor.u32 s11, s4  }
0x5a: {  	[tilespmem:s29], [sflag:$0x1] =	stream.indirect.gather [hbm4b:s5+s21], $0x40, s4, s21, $0xb8;
	[tilespmem:$0x15C00] =	vst v63  }
0x5b: {  	s26 =	sadd.s32 $0x2, s8;
	s7 =	sshll.u32 s24, $0xC;
	s4 =	sshll.u32 s23, $0x7  }
0x5c: {  	s16 =	sshrl.u32 s26, $0x3;
	s25 =	sshra.s32 s7, $0x2;
	s24 =	sand.u32 $0x300, s4  }
0x5d: {  	s30 =	ssub.s32 s16, s6;
	s4 =	sor.u32 s24, s25  }
0x5e: {  	[tilespmem:s14], [sflag:$0x1] =	stream.indirect.gather [hbm4b:s5+s21], $0x40, s4, s21, $0xb8;
	[tilespmem:$0x15C00] =	vst v63  }
0x5f: {  	s7 =	sshll.u32 s30, $0xC;
	s4 =	sshll.u32 s26, $0x7  }
0x60: {  	s7 =	sshra.s32 s7, $0x2;
	s14 =	sadd.s32 $0x3, s8;
	s25 =	sand.u32 $0x380, s4  }
0x61: {  	s4 =	sor.u32 s25, s7;
	s7 =	sshrl.u32 s14, $0x3  }
0x62: {  	[tilespmem:s31], [sflag:$0x1] =	stream.indirect.gather [hbm4b:s5+s21], $0x40, s4, s21, $0xb8;
	[tilespmem:$0x15C00] =	vst v63  }
0x63: {  	s15 =	ssub.s32 s7, s6  }
0x64: {  	s18 =	sadd.s32 $0x4, s8;
	s4 =	sshll.u32 s14, $0x7;
	s14 =	sshll.u32 s15, $0xC  }
0x65: {  	s23 =	sshrl.u32 s18, $0x3;
	s26 =	sand.u32 $0x300, s4;
	s17 =	sshra.s32 s14, $0x2  }
0x66: {  	s19 =	ssub.s32 s23, s6;
	s4 =	sor.u32 s26, s17  }
0x67: {  	[tilespmem:s1], [sflag:$0x1] =	stream.indirect.gather [hbm4b:s5+s21], $0x40, s4, s21, $0xb8;
	[tilespmem:$0x15C00] =	vst v63  }
.Ltmp4:
0x68: {  	s14 =	sshll.u32 s19, $0xC;
	s4 =	sshll.u32 s18, $0x7;
	(pc) =	sbr.rel .LBB2_3-.Ltmp4, $4  }
0x69: {  	s14 =	sshra.s32 s14, $0x2;
	s4 =	sand.u32 $0x380, s4  }
0x6a: {  	s30 =	rddreg [dreg:$0x4];
	s14 =	sor.u32 s4, s14  }
0x6b: {  	[tilespmem:s0], [sflag:$0x1] =	stream.indirect.gather [hbm4b:s5+s21], $0x40, s14, s21, $0xb8;
	[tilespmem:$0x15C00] =	vst v63  }
0x6c: {  	s15 =	simm.s32 $0x0;
	s17 =	simm.s32 $0x0;
	s14 =	sadd.s32 s30, s13  }
.LBB2_5:
0x6d: {  	s17 =	sadd.s32 $0x1, s17  }
0x6e: {  	p0 =	sne.s32 s17, $0x28  }
.Ltmp5:
0x6f: {  	_ = 	snop;
	(pc) =	sbr.rel @!p0 .LBB2_6-.Ltmp5, $2  }
0x70: {  	_ =	sdelay $0x2  }
0x71: {  	s15 =	sadd.s32 $0x10, s15  }
.LBB2_3:
0x72: {  	s18 =	sshrl.u32 s17, $0x3  }
0x73: {  	s18 =	sadd.s32 s18, s14  }
0x74: {  	s19 =	sshrl.u32 s18, $0x3  }
0x75: {  	s19 =	ssub.s32 s19, s6  }
0x76: {  	s18 =	sshll.u32 s18, $0x7;
	s19 =	sshll.u32 s19, $0xC  }
0x77: {  	s18 =	sand.u32 $0x380, s18;
	s19 =	sshra.s32 s19, $0x2  }
0x78: {  	s30 =	sand.u32 $0x70, s15;
	s18 =	sor.u32 s18, s19  }
0x79: {  	s18 =	sor.u32 s30, s18  }
0x7a: {  	v2 =	vld [tilespmem:s18+$0x0];
	_ =	sdelay $0x4  }
0x7b: {  	vm0 =	veq.s32 v2, $0x0  }
0x7c: {  	v2 =	vmpcnt.ones.xlane vm0;
	_ =	sdelay $0x1  }
0x7d: {  	(v2sf) =	vpush v2, $0x0;
	_ =	sdelay $0xe  }
0x7e: {  	s30 =	spop (v2sf)  }
0x7f: {  	p0 =	slt.s32 s30, $0x1  }
.Ltmp6:
0x80: {  	_ = 	snop;
	(pc) =	sbr.rel @p0 .LBB2_5-.Ltmp6, $1  }
0x81: {  	_ =	sdelay $0x3  }
0x82: {  	v2 =	vmov s15  }
0x83: {  	v2 =	vshll.u32 v2, $0x6  }
0x84: {  	v2 =	vor.u32 v0, v2  }
0x85: {  	v3 =	vor.u32 $0x1, v2  }
0x86: {  	v4 =	vor.u32 $0x2, v2  }
0x87: {  	v5 =	vor.u32 $0x3, v2  }
0x88: {  	v6 =	vor.u32 $0x4, v2  }
0x89: {  	v7 =	vor.u32 $0x5, v2;
	[tilespmem:v2+s22+$0x0] =	vst.idx.msk vm0, v1  }
0x8a: {  	[tilespmem:v3+s22+$0x0] =	vst.idx.msk vm0, v1;
	v3 =	vor.u32 $0x6, v2  }
0x8b: {  	v19 =	vor.u32 $0x7, v2;
	[tilespmem:v4+s22+$0x0] =	vst.idx.msk vm0, v1  }
0x8c: {  	v20 =	vor.u32 $0x8, v2;
	[tilespmem:v5+s22+$0x0] =	vst.idx.msk vm0, v1  }
0x8d: {  	v21 =	vor.u32 $0x9, v2;
	[tilespmem:v6+s22+$0x0] =	vst.idx.msk vm0, v1  }
0x8e: {  	v22 =	vor.u32 $0xA, v2;
	[tilespmem:v7+s22+$0x0] =	vst.idx.msk vm0, v1  }
0x8f: {  	[tilespmem:v3+s22+$0x0] =	vst.idx.msk vm0, v1;
	v3 =	vor.u32 $0xB, v2  }
0x90: {  	v23 =	vor.u32 $0xC, v2;
	[tilespmem:v19+s22+$0x0] =	vst.idx.msk vm0, v1  }
0x91: {  	v24 =	vor.u32 $0xD, v2;
	[tilespmem:v20+s22+$0x0] =	vst.idx.msk vm0, v1  }
0x92: {  	v25 =	vor.u32 $0xE, v2;
	[tilespmem:v21+s22+$0x0] =	vst.idx.msk vm0, v1  }
0x93: {  	v26 =	vor.u32 $0xF, v2;
	[tilespmem:v22+s22+$0x0] =	vst.idx.msk vm0, v1  }
0x94: {  	[tilespmem:v3+s22+$0x0] =	vst.idx.msk vm0, v1;
	v3 =	vor.u32 $0x10, v2  }
0x95: {  	v27 =	vor.u32 $0x11, v2;
	[tilespmem:v23+s22+$0x0] =	vst.idx.msk vm0, v1  }
0x96: {  	v28 =	vor.u32 $0x12, v2;
	[tilespmem:v24+s22+$0x0] =	vst.idx.msk vm0, v1  }
0x97: {  	v29 =	vor.u32 $0x13, v2;
	[tilespmem:v25+s22+$0x0] =	vst.idx.msk vm0, v1  }
0x98: {  	v30 =	vor.u32 $0x14, v2;
	[tilespmem:v26+s22+$0x0] =	vst.idx.msk vm0, v1  }
0x99: {  	[tilespmem:v3+s22+$0x0] =	vst.idx.msk vm0, v1;
	v3 =	vor.u32 $0x15, v2  }
0x9a: {  	v31 =	vor.u32 $0x16, v2;
	[tilespmem:v27+s22+$0x0] =	vst.idx.msk vm0, v1  }
0x9b: {  	v32 =	vor.u32 $0x17, v2;
	[tilespmem:v28+s22+$0x0] =	vst.idx.msk vm0, v1  }
0x9c: {  	v33 =	vor.u32 $0x18, v2;
	[tilespmem:v29+s22+$0x0] =	vst.idx.msk vm0, v1  }
0x9d: {  	v34 =	vor.u32 $0x19, v2;
	[tilespmem:v30+s22+$0x0] =	vst.idx.msk vm0, v1  }
0x9e: {  	[tilespmem:v3+s22+$0x0] =	vst.idx.msk vm0, v1;
	v3 =	vor.u32 $0x1A, v2  }
0x9f: {  	v35 =	vor.u32 $0x1B, v2;
	[tilespmem:v31+s22+$0x0] =	vst.idx.msk vm0, v1  }
0xa0: {  	v36 =	vor.u32 $0x1C, v2;
	[tilespmem:v32+s22+$0x0] =	vst.idx.msk vm0, v1  }
0xa1: {  	v37 =	vor.u32 $0x1D, v2;
	[tilespmem:v33+s22+$0x0] =	vst.idx.msk vm0, v1  }
0xa2: {  	v38 =	vor.u32 $0x1E, v2;
	[tilespmem:v34+s22+$0x0] =	vst.idx.msk vm0, v1  }
0xa3: {  	[tilespmem:v3+s22+$0x0] =	vst.idx.msk vm0, v1;
	v3 =	vor.u32 $0x1F, v2  }
0xa4: {  	v39 =	vor.u32 $0x20, v2;
	[tilespmem:v35+s22+$0x0] =	vst.idx.msk vm0, v1  }
0xa5: {  	v40 =	vor.u32 $0x21, v2;
	[tilespmem:v36+s22+$0x0] =	vst.idx.msk vm0, v1  }
0xa6: {  	v41 =	vor.u32 $0x22, v2;
	[tilespmem:v37+s22+$0x0] =	vst.idx.msk vm0, v1  }
0xa7: {  	v42 =	vor.u32 $0x23, v2;
	[tilespmem:v38+s22+$0x0] =	vst.idx.msk vm0, v1  }
0xa8: {  	[tilespmem:v3+s22+$0x0] =	vst.idx.msk vm0, v1;
	v3 =	vor.u32 $0x24, v2  }
0xa9: {  	v43 =	vor.u32 $0x25, v2;
	[tilespmem:v39+s22+$0x0] =	vst.idx.msk vm0, v1  }
0xaa: {  	v44 =	vor.u32 $0x26, v2;
	[tilespmem:v40+s22+$0x0] =	vst.idx.msk vm0, v1  }
0xab: {  	v45 =	vor.u32 $0x27, v2;
	[tilespmem:v41+s22+$0x0] =	vst.idx.msk vm0, v1  }
0xac: {  	v46 =	vor.u32 $0x28, v2;
	[tilespmem:v42+s22+$0x0] =	vst.idx.msk vm0, v1  }
0xad: {  	[tilespmem:v3+s22+$0x0] =	vst.idx.msk vm0, v1;
	v3 =	vor.u32 $0x29, v2  }
0xae: {  	v47 =	vor.u32 $0x2A, v2;
	[tilespmem:v43+s22+$0x0] =	vst.idx.msk vm0, v1  }
0xaf: {  	v48 =	vor.u32 $0x2B, v2;
	[tilespmem:v44+s22+$0x0] =	vst.idx.msk vm0, v1  }
0xb0: {  	v49 =	vor.u32 $0x2C, v2;
	[tilespmem:v45+s22+$0x0] =	vst.idx.msk vm0, v1  }
0xb1: {  	v50 =	vor.u32 $0x2D, v2;
	[tilespmem:v46+s22+$0x0] =	vst.idx.msk vm0, v1  }
0xb2: {  	[tilespmem:v3+s22+$0x0] =	vst.idx.msk vm0, v1;
	v3 =	vor.u32 $0x2E, v2  }
0xb3: {  	v51 =	vor.u32 $0x2F, v2;
	[tilespmem:v47+s22+$0x0] =	vst.idx.msk vm0, v1  }
0xb4: {  	v52 =	vor.u32 $0x30, v2;
	[tilespmem:v48+s22+$0x0] =	vst.idx.msk vm0, v1  }
0xb5: {  	v53 =	vor.u32 $0x31, v2;
	[tilespmem:v49+s22+$0x0] =	vst.idx.msk vm0, v1  }
0xb6: {  	v54 =	vor.u32 $0x32, v2;
	[tilespmem:v50+s22+$0x0] =	vst.idx.msk vm0, v1  }
0xb7: {  	[tilespmem:v3+s22+$0x0] =	vst.idx.msk vm0, v1;
	v3 =	vor.u32 $0x33, v2  }
0xb8: {  	v55 =	vor.u32 $0x34, v2;
	[tilespmem:v51+s22+$0x0] =	vst.idx.msk vm0, v1  }
0xb9: {  	v56 =	vor.u32 $0x35, v2;
	[tilespmem:v52+s22+$0x0] =	vst.idx.msk vm0, v1  }
0xba: {  	v57 =	vor.u32 $0x36, v2;
	[tilespmem:v53+s22+$0x0] =	vst.idx.msk vm0, v1  }
0xbb: {  	v58 =	vor.u32 $0x37, v2;
	[tilespmem:v54+s22+$0x0] =	vst.idx.msk vm0, v1  }
0xbc: {  	[tilespmem:v3+s22+$0x0] =	vst.idx.msk vm0, v1;
	v3 =	vor.u32 $0x38, v2  }
0xbd: {  	v59 =	vor.u32 $0x39, v2;
	[tilespmem:v55+s22+$0x0] =	vst.idx.msk vm0, v1  }
0xbe: {  	v60 =	vor.u32 $0x3A, v2;
	[tilespmem:v56+s22+$0x0] =	vst.idx.msk vm0, v1  }
0xbf: {  	v61 =	vor.u32 $0x3B, v2;
	[tilespmem:v57+s22+$0x0] =	vst.idx.msk vm0, v1  }
0xc0: {  	v62 =	vor.u32 $0x3C, v2;
	[tilespmem:v58+s22+$0x0] =	vst.idx.msk vm0, v1  }
0xc1: {  	[tilespmem:v3+s22+$0x0] =	vst.idx.msk vm0, v1;
	v3 =	vor.u32 $0x3D, v2  }
0xc2: {  	v63 =	vor.u32 $0x3E, v2;
	[tilespmem:v59+s22+$0x0] =	vst.idx.msk vm0, v1  }
0xc3: {  	v2 =	vor.u32 $0x3F, v2;
	[tilespmem:v60+s22+$0x0] =	vst.idx.msk vm0, v1  }
.Ltmp7:
0xc4: {  	[tilespmem:v61+s22+$0x0] =	vst.idx.msk vm0, v1;
	(pc) =	sbr.rel .LBB2_5-.Ltmp7, $4  }
0xc5: {  	[tilespmem:v62+s22+$0x0] =	vst.idx.msk vm0, v1  }
0xc6: {  	[tilespmem:v3+s22+$0x0] =	vst.idx.msk vm0, v1  }
0xc7: {  	[tilespmem:v63+s22+$0x0] =	vst.idx.msk vm0, v1  }
0xc8: {  	[tilespmem:v2+s22+$0x0] =	vst.idx.msk vm0, v1  }
.LBB2_6:
0xc9: {  	s14 =	sshll.u32 s14, $0xA  }
0xca: {  	s15 =	sadd.s32 s2, s14  }
0xcb: {  	[hbm4b:s15+s3] =	stream.linear.scatter [tilespmem:s22], [sflag:$0x2], $0x2000, $0x38;
	[tilespmem:$0x15C00] =	vst v63  }
0xcc: {  	_ =	swait.ge [sflag:s20], $0x2000  }
0xcd: {  	[sflag:s20] =	ssyncset.done $0x0;
	s18 =	rddreg [dreg:$0xc]  }
0xce: {  	s17 =	simm.s32 $0x3C00;
	[sflag:s20] =	ssyncadd.s32 $0xFFFFE000;
	s15 =	sadd.s32 s14, s18  }
0xcf: {  	[hbm4b:s15+s3] =	stream.linear.scatter [tilespmem:s17], [sflag:$0x2], $0x2000, $0x38;
	[tilespmem:$0x15C00] =	vst v63  }
0xd0: {  	_ =	swait.ge [sflag:s20], $0x2000  }
0xd1: {  	[sflag:s20] =	ssyncset.done $0x0;
	s19 =	rddreg [dreg:$0xf]  }
0xd2: {  	s30 =	simm.s32 $0x5C00;
	[sflag:s20] =	ssyncadd.s32 $0xFFFFE000;
	s15 =	sadd.s32 s19, s14  }
0xd3: {  	[hbm4b:s15+s3] =	stream.linear.scatter [tilespmem:s30], [sflag:$0x2], $0x2000, $0x38;
	[tilespmem:$0x15C00] =	vst v63  }
0xd4: {  	_ =	swait.ge [sflag:s20], $0x2000  }
0xd5: {  	[sflag:s20] =	ssyncset.done $0x0;
	s17 =	rddreg [dreg:$0x10]  }
0xd6: {  	s18 =	simm.s32 $0x7C00;
	[sflag:s20] =	ssyncadd.s32 $0xFFFFE000;
	s15 =	sadd.s32 s17, s14  }
0xd7: {  	[hbm4b:s15+s3] =	stream.linear.scatter [tilespmem:s18], [sflag:$0x2], $0x2000, $0x38;
	[tilespmem:$0x15C00] =	vst v63  }
0xd8: {  	_ =	swait.ge [sflag:s20], $0x2000  }
0xd9: {  	[sflag:s20] =	ssyncset.done $0x0;
	s19 =	rddreg [dreg:$0x11]  }
0xda: {  	s30 =	simm.s32 $0x9C00;
	[sflag:s20] =	ssyncadd.s32 $0xFFFFE000;
	s14 =	sadd.s32 s19, s14  }
0xdb: {  	[hbm4b:s14+s3] =	stream.linear.scatter [tilespmem:s30], [sflag:$0x2], $0x2000, $0x38;
	[tilespmem:$0x15C00] =	vst v63  }
0xdc: {  	_ =	swait.ge [sflag:s20], $0x2000  }
0xdd: {  	[sflag:s20] =	ssyncset.done $0x0  }
0xde: {  	[sflag:s20] =	ssyncadd.s32 $0xFFFFE000  }
0xdf: {  	_ =	swait.ge [sflag:s28], $0x2000  }
0xe0: {  	[sflag:s28] =	ssyncset.done $0x0  }
0xe1: {  	[sflag:s28] =	ssyncadd.s32 $0xFFFFE000  }
0xe2: {  	_ =	swait.ge [sflag:s28], $0x2000  }
0xe3: {  	[sflag:s28] =	ssyncset.done $0x0  }
0xe4: {  	[sflag:s28] =	ssyncadd.s32 $0xFFFFE000  }
0xe5: {  	_ =	swait.ge [sflag:s28], $0x2000  }
0xe6: {  	[sflag:s28] =	ssyncset.done $0x0  }
0xe7: {  	[sflag:s28] =	ssyncadd.s32 $0xFFFFE000  }
0xe8: {  	_ =	swait.ge [sflag:s28], $0x2000  }
0xe9: {  	p0 =	seq.s32 s9, $0x4;
	s14 =	rddreg [dreg:$0xd]  }
0xea: {  	s13 =	sadd.s32 @!p0 s13, s14  }
0xeb: {  	[sflag:s28] =	ssyncset.done $0x0;
	s14 =	sshrl.u32 @!p0 s13, $0x3  }
0xec: {  	s17 =	simm.s32 @!p0 $0x1C00;
	[sflag:s28] =	ssyncadd.s32 $0xFFFFE000;
	s14 =	ssub.s32 @!p0 s14, s6  }
0xed: {  	_ =	swait.ge [sflag:s28], $0x2000;
	s15 =	sshll.u32 @!p0 s13, $0x7;
	s14 =	sshll.u32 @!p0 s14, $0xC  }
0xee: {  	[sflag:s28] =	ssyncset.done $0x0;
	s15 =	sand.u32 @!p0 $0x300, s15;
	s14 =	sshra.s32 @!p0 s14, $0x2  }
0xef: {  	[sflag:s28] =	ssyncadd.s32 $0xFFFFE000;
	s14 =	sor.u32 @!p0 s15, s14;
	s15 =	simm.s32 @!p0 $0x80  }
0xf0: {  	[tilespmem:s17], [sflag:$0x1] =	stream.indirect.gather @!p0 [hbm4b:s5+s15], $0x40, s14, s15, $0xb8;
	[tilespmem:$0x15C00] =	vst v63  }
0xf1: {  	s14 =	sor.u32 @!p0 $0x80, s14;
	s17 =	simm.s32 @!p0 $0x3C00  }
0xf2: {  	[tilespmem:s17], [sflag:$0x1] =	stream.indirect.gather @!p0 [hbm4b:s5+s15], $0x40, s14, s15, $0xb8;
	[tilespmem:$0x15C00] =	vst v63  }
0xf3: {  	s14 =	sadd.s32 @!p0 $0x2, s13  }
0xf4: {  	s17 =	sshrl.u32 @!p0 s14, $0x3  }
0xf5: {  	s17 =	ssub.s32 @!p0 s17, s6  }
0xf6: {  	s14 =	sshll.u32 @!p0 s14, $0x7;
	s17 =	sshll.u32 @!p0 s17, $0xC  }
0xf7: {  	s14 =	sand.u32 @!p0 $0x300, s14;
	s17 =	sshra.s32 @!p0 s17, $0x2  }
0xf8: {  	s14 =	sor.u32 @!p0 s14, s17;
	s17 =	simm.s32 @!p0 $0x5C00  }
0xf9: {  	[tilespmem:s17], [sflag:$0x1] =	stream.indirect.gather @!p0 [hbm4b:s5+s15], $0x40, s14, s15, $0xb8;
	[tilespmem:$0x15C00] =	vst v63  }
0xfa: {  	s14 =	sadd.s32 @!p0 $0x3, s13  }
0xfb: {  	s17 =	sshrl.u32 @!p0 s14, $0x3  }
0xfc: {  	s17 =	ssub.s32 @!p0 s17, s6  }
0xfd: {  	s14 =	sshll.u32 @!p0 s14, $0x7;
	s17 =	sshll.u32 @!p0 s17, $0xC  }
0xfe: {  	s14 =	sand.u32 @!p0 $0x380, s14;
	s17 =	sshra.s32 @!p0 s17, $0x2  }
0xff: {  	s13 =	sadd.s32 @!p0 $0x4, s13;
	s14 =	sor.u32 @!p0 s14, s17;
	s17 =	simm.s32 @!p0 $0x7C00  }
0x100: {  	[tilespmem:s17], [sflag:$0x1] =	stream.indirect.gather @!p0 [hbm4b:s5+s15], $0x40, s14, s15, $0xb8;
	[tilespmem:$0x15C00] =	vst v63  }
0x101: {  	s14 =	sshrl.u32 @!p0 s13, $0x3  }
0x102: {  	s14 =	ssub.s32 @!p0 s14, s6  }
.Ltmp8:
0x103: {  	s13 =	sshll.u32 @!p0 s13, $0x7;
	s14 =	sshll.u32 @!p0 s14, $0xC;
	(pc) =	sbr.rel .LBB2_7-.Ltmp8, $4  }
0x104: {  	s13 =	sand.u32 @!p0 $0x300, s13;
	s14 =	sshra.s32 @!p0 s14, $0x2  }
0x105: {  	s13 =	sor.u32 @!p0 s13, s14;
	s14 =	simm.s32 @!p0 $0x9C00  }
0x106: {  	[tilespmem:s14], [sflag:$0x1] =	stream.indirect.gather @!p0 [hbm4b:s5+s15], $0x40, s13, s15, $0xb8;
	[tilespmem:$0x15C00] =	vst v63  }
0x107: {  	s13 =	simm.s32 $0x0;
	s14 =	simm.s32 $0x0  }
.LBB2_9:
0x108: {  	s14 =	sadd.s32 $0x1, s14  }
0x109: {  	p0 =	sne.s32 s14, $0x28  }
.Ltmp9:
0x10a: {  	_ = 	snop;
	(pc) =	sbr.rel @!p0 .LBB2_10-.Ltmp9, $2  }
0x10b: {  	_ =	sdelay $0x2  }
0x10c: {  	s13 =	sadd.s32 $0x10, s13  }
.LBB2_7:
0x10d: {  	s15 =	sshrl.u32 s14, $0x3  }
0x10e: {  	s15 =	sadd.s32 s8, s15  }
0x10f: {  	s17 =	sshrl.u32 s15, $0x3  }
0x110: {  	s17 =	ssub.s32 s17, s6  }
0x111: {  	s15 =	sshll.u32 s15, $0x7;
	s17 =	sshll.u32 s17, $0xC  }
0x112: {  	s15 =	sand.u32 $0x380, s15;
	s17 =	sshra.s32 s17, $0x2  }
0x113: {  	s18 =	sand.u32 $0x70, s13;
	s15 =	sor.u32 s15, s17  }
0x114: {  	s15 =	sor.u32 s18, s15  }
0x115: {  	v2 =	vld [tilespmem:s15+$0x0];
	_ =	sdelay $0x4  }
0x116: {  	vm0 =	veq.s32 v2, $0x0  }
0x117: {  	v2 =	vmpcnt.ones.xlane vm0;
	_ =	sdelay $0x1  }
0x118: {  	(v2sf) =	vpush v2, $0x0;
	_ =	sdelay $0xe  }
0x119: {  	s30 =	spop (v2sf)  }
0x11a: {  	p0 =	slt.s32 s30, $0x1  }
.Ltmp10:
0x11b: {  	_ = 	snop;
	(pc) =	sbr.rel @p0 .LBB2_9-.Ltmp10, $1  }
0x11c: {  	_ =	sdelay $0x3  }
0x11d: {  	v2 =	vmov s13  }
0x11e: {  	v2 =	vshll.u32 v2, $0x6  }
0x11f: {  	v2 =	vor.u32 v0, v2  }
0x120: {  	v3 =	vor.u32 $0x1, v2  }
0x121: {  	v4 =	vor.u32 $0x2, v2  }
0x122: {  	v5 =	vor.u32 $0x3, v2  }
0x123: {  	v6 =	vor.u32 $0x4, v2  }
0x124: {  	v7 =	vor.u32 $0x5, v2;
	[tilespmem:v2+s29+$0x0] =	vst.idx.msk vm0, v1  }
0x125: {  	[tilespmem:v3+s29+$0x0] =	vst.idx.msk vm0, v1;
	v3 =	vor.u32 $0x6, v2  }
0x126: {  	v19 =	vor.u32 $0x7, v2;
	[tilespmem:v4+s29+$0x0] =	vst.idx.msk vm0, v1  }
0x127: {  	v20 =	vor.u32 $0x8, v2;
	[tilespmem:v5+s29+$0x0] =	vst.idx.msk vm0, v1  }
0x128: {  	v21 =	vor.u32 $0x9, v2;
	[tilespmem:v6+s29+$0x0] =	vst.idx.msk vm0, v1  }
0x129: {  	v22 =	vor.u32 $0xA, v2;
	[tilespmem:v7+s29+$0x0] =	vst.idx.msk vm0, v1  }
0x12a: {  	[tilespmem:v3+s29+$0x0] =	vst.idx.msk vm0, v1;
	v3 =	vor.u32 $0xB, v2  }
0x12b: {  	v23 =	vor.u32 $0xC, v2;
	[tilespmem:v19+s29+$0x0] =	vst.idx.msk vm0, v1  }
0x12c: {  	v24 =	vor.u32 $0xD, v2;
	[tilespmem:v20+s29+$0x0] =	vst.idx.msk vm0, v1  }
0x12d: {  	v25 =	vor.u32 $0xE, v2;
	[tilespmem:v21+s29+$0x0] =	vst.idx.msk vm0, v1  }
0x12e: {  	v26 =	vor.u32 $0xF, v2;
	[tilespmem:v22+s29+$0x0] =	vst.idx.msk vm0, v1  }
0x12f: {  	[tilespmem:v3+s29+$0x0] =	vst.idx.msk vm0, v1;
	v3 =	vor.u32 $0x10, v2  }
0x130: {  	v27 =	vor.u32 $0x11, v2;
	[tilespmem:v23+s29+$0x0] =	vst.idx.msk vm0, v1  }
0x131: {  	v28 =	vor.u32 $0x12, v2;
	[tilespmem:v24+s29+$0x0] =	vst.idx.msk vm0, v1  }
0x132: {  	v29 =	vor.u32 $0x13, v2;
	[tilespmem:v25+s29+$0x0] =	vst.idx.msk vm0, v1  }
0x133: {  	v30 =	vor.u32 $0x14, v2;
	[tilespmem:v26+s29+$0x0] =	vst.idx.msk vm0, v1  }
0x134: {  	[tilespmem:v3+s29+$0x0] =	vst.idx.msk vm0, v1;
	v3 =	vor.u32 $0x15, v2  }
0x135: {  	v31 =	vor.u32 $0x16, v2;
	[tilespmem:v27+s29+$0x0] =	vst.idx.msk vm0, v1  }
0x136: {  	v32 =	vor.u32 $0x17, v2;
	[tilespmem:v28+s29+$0x0] =	vst.idx.msk vm0, v1  }
0x137: {  	v33 =	vor.u32 $0x18, v2;
	[tilespmem:v29+s29+$0x0] =	vst.idx.msk vm0, v1  }
0x138: {  	v34 =	vor.u32 $0x19, v2;
	[tilespmem:v30+s29+$0x0] =	vst.idx.msk vm0, v1  }
0x139: {  	[tilespmem:v3+s29+$0x0] =	vst.idx.msk vm0, v1;
	v3 =	vor.u32 $0x1A, v2  }
0x13a: {  	v35 =	vor.u32 $0x1B, v2;
	[tilespmem:v31+s29+$0x0] =	vst.idx.msk vm0, v1  }
0x13b: {  	v36 =	vor.u32 $0x1C, v2;
	[tilespmem:v32+s29+$0x0] =	vst.idx.msk vm0, v1  }
0x13c: {  	v37 =	vor.u32 $0x1D, v2;
	[tilespmem:v33+s29+$0x0] =	vst.idx.msk vm0, v1  }
0x13d: {  	v38 =	vor.u32 $0x1E, v2;
	[tilespmem:v34+s29+$0x0] =	vst.idx.msk vm0, v1  }
0x13e: {  	[tilespmem:v3+s29+$0x0] =	vst.idx.msk vm0, v1;
	v3 =	vor.u32 $0x1F, v2  }
0x13f: {  	v39 =	vor.u32 $0x20, v2;
	[tilespmem:v35+s29+$0x0] =	vst.idx.msk vm0, v1  }
0x140: {  	v40 =	vor.u32 $0x21, v2;
	[tilespmem:v36+s29+$0x0] =	vst.idx.msk vm0, v1  }
0x141: {  	v41 =	vor.u32 $0x22, v2;
	[tilespmem:v37+s29+$0x0] =	vst.idx.msk vm0, v1  }
0x142: {  	v42 =	vor.u32 $0x23, v2;
	[tilespmem:v38+s29+$0x0] =	vst.idx.msk vm0, v1  }
0x143: {  	[tilespmem:v3+s29+$0x0] =	vst.idx.msk vm0, v1;
	v3 =	vor.u32 $0x24, v2  }
0x144: {  	v43 =	vor.u32 $0x25, v2;
	[tilespmem:v39+s29+$0x0] =	vst.idx.msk vm0, v1  }
0x145: {  	v44 =	vor.u32 $0x26, v2;
	[tilespmem:v40+s29+$0x0] =	vst.idx.msk vm0, v1  }
0x146: {  	v45 =	vor.u32 $0x27, v2;
	[tilespmem:v41+s29+$0x0] =	vst.idx.msk vm0, v1  }
0x147: {  	v46 =	vor.u32 $0x28, v2;
	[tilespmem:v42+s29+$0x0] =	vst.idx.msk vm0, v1  }
0x148: {  	[tilespmem:v3+s29+$0x0] =	vst.idx.msk vm0, v1;
	v3 =	vor.u32 $0x29, v2  }
0x149: {  	v47 =	vor.u32 $0x2A, v2;
	[tilespmem:v43+s29+$0x0] =	vst.idx.msk vm0, v1  }
0x14a: {  	v48 =	vor.u32 $0x2B, v2;
	[tilespmem:v44+s29+$0x0] =	vst.idx.msk vm0, v1  }
0x14b: {  	v49 =	vor.u32 $0x2C, v2;
	[tilespmem:v45+s29+$0x0] =	vst.idx.msk vm0, v1  }
0x14c: {  	v50 =	vor.u32 $0x2D, v2;
	[tilespmem:v46+s29+$0x0] =	vst.idx.msk vm0, v1  }
0x14d: {  	[tilespmem:v3+s29+$0x0] =	vst.idx.msk vm0, v1;
	v3 =	vor.u32 $0x2E, v2  }
0x14e: {  	v51 =	vor.u32 $0x2F, v2;
	[tilespmem:v47+s29+$0x0] =	vst.idx.msk vm0, v1  }
0x14f: {  	v52 =	vor.u32 $0x30, v2;
	[tilespmem:v48+s29+$0x0] =	vst.idx.msk vm0, v1  }
0x150: {  	v53 =	vor.u32 $0x31, v2;
	[tilespmem:v49+s29+$0x0] =	vst.idx.msk vm0, v1  }
0x151: {  	v54 =	vor.u32 $0x32, v2;
	[tilespmem:v50+s29+$0x0] =	vst.idx.msk vm0, v1  }
0x152: {  	[tilespmem:v3+s29+$0x0] =	vst.idx.msk vm0, v1;
	v3 =	vor.u32 $0x33, v2  }
0x153: {  	v55 =	vor.u32 $0x34, v2;
	[tilespmem:v51+s29+$0x0] =	vst.idx.msk vm0, v1  }
0x154: {  	v56 =	vor.u32 $0x35, v2;
	[tilespmem:v52+s29+$0x0] =	vst.idx.msk vm0, v1  }
0x155: {  	v57 =	vor.u32 $0x36, v2;
	[tilespmem:v53+s29+$0x0] =	vst.idx.msk vm0, v1  }
0x156: {  	v58 =	vor.u32 $0x37, v2;
	[tilespmem:v54+s29+$0x0] =	vst.idx.msk vm0, v1  }
0x157: {  	[tilespmem:v3+s29+$0x0] =	vst.idx.msk vm0, v1;
	v3 =	vor.u32 $0x38, v2  }
0x158: {  	v59 =	vor.u32 $0x39, v2;
	[tilespmem:v55+s29+$0x0] =	vst.idx.msk vm0, v1  }
0x159: {  	v60 =	vor.u32 $0x3A, v2;
	[tilespmem:v56+s29+$0x0] =	vst.idx.msk vm0, v1  }
0x15a: {  	v61 =	vor.u32 $0x3B, v2;
	[tilespmem:v57+s29+$0x0] =	vst.idx.msk vm0, v1  }
0x15b: {  	v62 =	vor.u32 $0x3C, v2;
	[tilespmem:v58+s29+$0x0] =	vst.idx.msk vm0, v1  }
0x15c: {  	[tilespmem:v3+s29+$0x0] =	vst.idx.msk vm0, v1;
	v3 =	vor.u32 $0x3D, v2  }
0x15d: {  	v63 =	vor.u32 $0x3E, v2;
	[tilespmem:v59+s29+$0x0] =	vst.idx.msk vm0, v1  }
0x15e: {  	v2 =	vor.u32 $0x3F, v2;
	[tilespmem:v60+s29+$0x0] =	vst.idx.msk vm0, v1  }
.Ltmp11:
0x15f: {  	[tilespmem:v61+s29+$0x0] =	vst.idx.msk vm0, v1;
	(pc) =	sbr.rel .LBB2_9-.Ltmp11, $4  }
0x160: {  	[tilespmem:v62+s29+$0x0] =	vst.idx.msk vm0, v1  }
0x161: {  	[tilespmem:v3+s29+$0x0] =	vst.idx.msk vm0, v1  }
0x162: {  	[tilespmem:v63+s29+$0x0] =	vst.idx.msk vm0, v1  }
0x163: {  	[tilespmem:v2+s29+$0x0] =	vst.idx.msk vm0, v1  }
.LBB2_12:
0x164: {  	_ =	sfence.sel $0x180000  }
0x165: {  	[bflag:$0x0] =	sbarrier.arrive $0xFFFF  }
0x166: {  	_ =	strace $0x90000047  }
0x167: {  	s0 =	stileid.u32;
	[bflag:$0x2] =	sbarrier.arrive $0xFFFF  }
0x168: {  	p0 =	sne.s32 s0, $0x0;
	s0 =	rddreg [dreg:$0x3]  }
0x169: {  	s0 =	sadd.s32 @!p0 $0x100000, s0  }
0x16a: {  	[sflag:s0] =	ssyncadd.tile.s32 @!p0 $0x1;
	_ =	shalt  }
.Lfunc_end2:
_tile_overlayer_lowered:
.L_overlay_start_2:
0x16b: {  	(tag) =	ssettag $0x2  }
0x16c: {  	s0 =	rddreg [dreg:$0x0];
	s2 =	stileid.u32  }
0x16d: {  	s1 =	rddreg [dreg:$0x1];
	p0 =	sne.s32 s2, $0x0  }
0x16e: {  	s3 =	rddreg [dreg:$0x2];
	[bflag:$0x3] =	sbarrier.arrive $0xFFFF;
	s2 =	simm.s32 @!p0 $0x1C02  }
0x16f: {  	[timem:s3], [sflag:s2] =	dma.local @!p0 [hbm:s0], s1  }
0x170: {  	s0 =	simm.s32 @!p0 $0x2  }
0x171: {  	_ =	swait.ge @!p0 [sflag:s0], s1  }
0x172: {  	s1 =	ssub.s32 @!p0 $0x0, s1;
	[sflag:s0] =	ssyncset.done @!p0 $0x0  }
0x173: {  	[sflag:s0] =	ssyncadd.s32 @!p0 s1  }
0x174: {  	[bflag:$0x3] =	sbarrier.arrive $0xFFFF  }
0x175: {  	_ =	shalt  }

// kernel: sparse-core-data-format-call.cloned.1.call-start
scs
called_computation_lowered:
.L_overlay_start_0:
0x0: {  	s2 =	sld [smem:$0x3FD9]  }
0x1: {  	s3 =	sld [smem:$0x3FFE];
	_ =	sdelay $0x1  }
0x2: {  	s1 =	srdreg.scid  }
0x3: {  	s0 =	sand.u32 $0x1, s1  }
0x4: {  	s18 =	sshll.u32 s0, $0xA;
	s2 =	sadd.s32 s3, s2  }
0x5: {  	s2 =	sadd.s32 s2, s18  }
0x6: {  	[smem:$0x3FC6] =	sst s2  }
0x7: {  	_ = 	snop  }
0x8: {  	s2 =	sld [smem:$0x3FD0];
	(tm) =	ssettm $0x1  }
0x9: {  	s19 =	sld [smem:$0x3FFB];
	_ =	sdelay $0x3  }
0xa: {  	_ =	strace s19  }
0xb: {  	s3 =	sld [smem:$0x3FFC];
	_ =	sdelay $0x3  }
0xc: {  	_ =	strace s3  }
0xd: {  	s3 =	sld [smem:$0x3FFD];
	_ =	sdelay $0x3  }
0xe: {  	_ =	strace s3  }
0xf: {  	_ =	strace $0x8FFFFFFF  }
0x10: {  	s20 =	sld [smem:$0x3FDB];
	_ =	sdelay $0x1  }
0x11: {  	s4 =	simm.s32 $_scs_section_size  }
0x12: {  	s5 =	simm.s32 $_size__tile_overlayer_lowered;
	s6 =	simm.s32 $_tile_overlayer_lowered  }
0x13: {  	s23 =	simm.s32 $0x1BFF;
	s22 =	sshll.u32 s6, $0x1;
	s3 =	sadd.s32 s4, s20  }
0x14: {  	s7 =	simm.s32 $0x0;
	s21 =	sshll.u32 s5, $0x1;
	s5 =	sadd.s32 s22, s3  }
0x15: {  	[timem:s7], [sflag:s23] =	dma.local [hbm:s5], s21  }
0x16: {  	_ =	swait.ge [sflag:s23], s21  }
0x17: {  	s4 =	ssub.s32 $0x0, s21;
	[sflag:s23] =	ssyncset.done $0x0  }
0x18: {  	[sflag:s23] =	ssyncadd.s32 s4;
	_ =	sdelay $0x1  }
0x19: {  	s24 =	simm.s32 $0x1B8B  }
0x1a: {  	_ =	swait.ge [sflag:s24], $0x1  }
0x1b: {  	[sflag:s24] =	ssyncset.done $0x0  }
0x1c: {  	s26 =	simm.s32 $0x1B8E;
	s25 =	sld [smem:$0x3FFE];
	[sflag:s24] =	ssyncadd.s32 $0xFFFFFFFF  }
0x1d: {  	s27 =	simm.s32 $execute0_lowered;
	[smem:$0x3FD2] =	sst s26  }
0x1e: {  	s5 =	sshll.u32 s27, $0x1;
	_ =	strace $0x80000049;
	[dreg:$0x1] =	wrdreg $0xFFFFFFFF  }
0x1f: {  	s28 =	simm.s32 $_size_execute0_lowered;
	s3 =	sadd.s32 s3, s5;
	[dreg:$0x0] =	wrdreg $0x0  }
0x20: {  	s5 =	sshll.u32 s28, $0x1;
	[dreg:$0x2] =	wrdreg s3  }
0x21: {  	[dreg:$0x3] =	wrdreg s5  }
0x22: {  	[dreg:$0x4] =	wrdreg $0xC0  }
0x23: {  	_ =	task [dreg:s7], $0x5FFFF  }
0x24: {  	[dreg:$0x1] =	wrdreg $0xFFFFFFFF  }
0x25: {  	[dreg:$0x0] =	wrdreg $0x60  }
0x26: {  	[dreg:$0x2] =	wrdreg s25  }
0x27: {  	[dreg:$0x3] =	wrdreg s2  }
0x28: {  	[dreg:$0x4] =	wrdreg $0x9  }
0x29: {  	_ =	task.clear_ibuf [dreg:s7], $0x5FFFF;
	_ =	strace $0x90000049  }
0x2a: {  	s29 =	simm.s32 $0x9;
	_ =	strace $0x8000004B  }
0x2b: {  	_ =	swait.ge [sflag:s29], $0x1  }
0x2c: {  	[sflag:s29] =	ssyncadd.s32 $0xFFFFFFFF  }
0x2d: {  	_ =	strace $0x9000004B  }
0x2e: {  	_ =	sfence  }
0x2f: {  	s30 =	sld [smem:$0x0];
	_ =	sdelay $0x2  }
0x30: {  	s31 =	sshll.u32 s1, $0xD;
	s1 =	sshrl.u32 s1, $0x2  }
0x31: {  	s3 =	sand.u32 $0x4000, s31;
	s1 =	sadd.s32 s1, s30  }
0x32: {  	s0 =	sor.u32 s3, s0;
	s1 =	sshll.u32 s1, $0x11  }
0x33: {  	s0 =	sor.u32 s1, s0  }
0x34: {  	s0 =	sadd.s32 $0x8F2B, s0  }
0x35: {  	[sflag:s0] =	ssyncadd.remote.s32 $0x1  }
0x36: {  	_ =	sfence.sel $0xFFFF  }
0x37: {  	[dreg:$0x0] =	wrdreg $0xFFFFFFFF;
	(pc) =	sbr.abs _section_cstart, $3  }
0x38: {  	[dreg:$0x1] =	wrdreg $0xFFFFFFFF  }
0x39: {  	_ =	task.clear_ibuf [dreg:s7], $0x2FFFF;
	_ =	strace $0x9FFFFFFF  }
0x3a: {  	(tm) =	ssettm $0x7FFFFFFF  }
0x3b: {  	_ =	shalt  }
tec
execute0_lowered:
.L_overlay_start_1:
0x0: {  	(tag) =	ssettag $0x1  }
0x1: {  	s7 =	rddreg [dreg:$0x0]  }
0x2: {  	s2 =	rddreg [dreg:$0x1]  }
0x3: {  	s0 =	stileid.u32;
	s1 =	srdreg.scid;
	s31 =	simm.s32 $0x2  }
0x4: {  	s14 =	simm.s32 $0x0;
	s15 =	simm.s32 $0x0;
	s13 =	simm.s32 $0x0  }
0x5: {  	s3 =	sshll.u32 s0, $0x5;
	s4 =	sshll.u32 s1, $0x9;
	s5 =	sshll.u32 s0, $0x1  }
0x6: {  	s1 =	rddreg [dreg:$0x2];
	s4 =	sor.u32 s3, s4;
	s3 =	sand.u32 $0x6, s5  }
0x7: {  	_ =	strace $0x8000004A;
	s4 =	sand.u32 $0x380, s4;
	s5 =	ssub.s32 $0xC8, s3  }
0x8: {  	s12 =	smov.u32 s3;
	s8 =	sshll.u32 s4, $0x4;
	s6 =	sand.u32 $0x6, s5  }
0x9: {  	s9 =	ssub.s32 $0x400, s4;
	s11 =	sshrl.u32 s5, $0x3;
	s5 =	simm.s32 $0x1  }
0xa: {  	p0 =	sne.s32 s6, $0x0;
	s6 =	simm.s32 $0x1;
	s10 =	sand.u32 $0x380, s9  }
0xb: {  	s6 =	simm.s32 @!p0 $0x0;
	p0 =	sne.s32 s10, $0x0;
	s10 =	simm.s32 $0x1  }
.Ltmp0:
0xc: {  	s9 =	sshrl.u32 s9, $0xA;
	s10 =	simm.s32 @!p0 $0x0;
	(pc) =	sbr.rel .LBB1_1-.Ltmp0, $4  }
0xd: {  	[sflag:s5] =	ssyncpa.u1 $0x0;
	s6 =	sadd.s32 s6, s11;
	s9 =	sadd.s32 s10, s9  }
0xe: {  	s8 =	sadd.s32 s8, s7;
	[sflag:s31] =	ssyncpa.u1 $0x0;
	s6 =	smul.u32 s6, s9  }
0xf: {  	s7 =	sadd.s32 $0x800, s8;
	s8 =	sadd.s32 $0x4800, s8;
	p0 =	por $0x0, $0x0  }
0x10: {  	s11 =	simm.s32 $0x2000;
	s10 =	simm.s32 $0x400;
	s9 =	sadd.s32 $0x1, s6  }
.LBB1_7:
0x11: {  	s16 =	sadd.s32 $0x8, s12  }
0x12: {  	p2 =	sgt.s32 s16, $0xC7  }
0x13: {  	s16 =	smov.u32 @p2 s3;
	p2 =	sne.s32 s13, s9  }
.Ltmp1:
0x14: {  	p1 =	slt.u32 s13, $0x2;
	(pc) =	sbr.rel @!p2 .LBB1_8-.Ltmp1, $4  }
0x15: {  	s14 =	simm.s32 @!p1 $0x2  }
0x16: {  	s17 =	sadd.s32 $0x1, s13;
	s15 =	smov.u32 s12;
	_ =	swait.ge @!p1 [sflag:s14], $0x4000  }
0x17: {  	p0 =	por !p0, !p0;
	s13 =	smov.u32 s17;
	[sflag:s14] =	ssyncset.done @!p1 $0x0  }
0x18: {  	s12 =	smov.u32 s16;
	[sflag:s14] =	ssyncadd.s32 @!p1 $0xFFFFC000;
	s14 =	smov.u32 s4  }
.LBB1_1:
0x19: {  	p1 =	sge.u32 s13, s6  }
0x1a: {  	s16 =	sxor.u32 @!p1 $0xFFFFFFFF, s13  }
0x1b: {  	s17 =	sshll.u32 @!p1 s12, $0xE;
	s19 =	simm.s32 @!p1 $0x40;
	s16 =	sshll.u32 @!p1 s16, $0xE  }
0x1c: {  	s20 =	simm.s32 @!p1 $0x80;
	s18 =	sadd.s32 @!p1 s17, s7;
	s16 =	sand.u32 @!p1 $0x4000, s16  }
0x1d: {  	[tilespmem:s16], [sflag:$0x1] =	stream.strided.gather @!p1 [hbm4b:s18+s19], $0x2000, s20, s19, $0x38;
	[tilespmem:$0x10100] =	vst v63  }
0x1e: {  	s31 =	sadd.s32 $0xFFFFFFFF, s13;
	s17 =	sadd.s32 @!p1 s17, s8;
	s16 =	sor.u32 @!p1 $0x2000, s16  }
0x1f: {  	[tilespmem:s16], [sflag:$0x1] =	stream.strided.gather @!p1 [hbm4b:s17+s19], $0x2000, s20, s19, $0x38;
	[tilespmem:$0x10100] =	vst v63  }
0x20: {  	p1 =	sge.u32 s31, s6  }
.Ltmp2:
0x21: {  	_ = 	snop;
	(pc) =	sbr.rel @p1 .LBB1_7-.Ltmp2, $1  }
0x22: {  	_ =	sdelay $0x3  }
0x23: {  	s16 =	simm.s32 $0x1;
	s18 =	sand.u32 $0x1, s13  }
0x24: {  	_ =	swait.ge [sflag:s5], $0x4000;
	s16 =	simm.s32 @!p0 $0x0;
	s18 =	smul.u32 $0x10200, s18  }
0x25: {  	p2 =	por $0x1, $0x1;
	[sflag:s5] =	ssyncset.done $0x0;
	s17 =	smul.u32 $0x10200, s16  }
0x26: {  	s19 =	sshll.u32 s16, $0x10;
	[sflag:s5] =	ssyncadd.s32 $0xFFFFC000;
	s30 =	sshrl.u32 s18, $0x2  }
0x27: {  	s31 =	sshrl.u32 s19, $0x2;
	s19 =	simm.s32 $0x0;
	s17 =	sshrl.u32 s17, $0x2  }
0x28: {  	s16 =	sor.u32 $0x8000, s30;
	s18 =	sadd.s32 $0x20, s31;
	s17 =	sor.u32 $0x8000, s17  }
.LBB1_3:
0x29: {  	s20 =	sshll.u32 s19, $0xD  }
0x2a: {  	s20 =	sand.u32 $0x3FFFE000, s20  }
0x2b: {  	s22 =	sadd.s32 s20, s18  }
0x2c: {  	s31 =	smul.u32 $0x8100, s19;
	v3 =	vld [tilespmem:s22+$0x10]  }
0x2d: {  	v1 =	vld [tilespmem:s22+$0xFFFFFFF0]  }
0x2e: {  	s19 =	sshra.s32 s31, $0x2;
	v0 =	vld [tilespmem:s22+$0x0]  }
0x2f: {  	s19 =	sadd.s32 s19, s17;
	v2 =	vld [tilespmem:s22+$0xFFFFFFE0]  }
0x30: {  	s20 =	sadd.s32 $0x0, s19  }
0x31: {  	p1 =	por p2, p2;
	s21 =	simm.s32 $0x4;
	s22 =	sadd.s32 $0x40, s22;
	[tilespmem:s20+$0x1830 ss:$0x81] =	vst.msk $0xffff, v3  }
.LBB1_4:
0x32: {  	v3 =	vld [tilespmem:s22+$0x10];
	p2 =	sne.s32 s21, $0x1FC;
	[tilespmem:s20+$0x810 ss:$0x81] =	vst.msk $0xffff, v1;
	s23 =	smov.u32 s21;
	s21 =	sadd.s32 $0x4, s21  }
.Ltmp3:
0x33: {  	v1 =	vld [tilespmem:s22+$0xFFFFFFF0];
	[tilespmem:s20+$0x1020 ss:$0x81] =	vst.msk $0xffff, v0;
	(pc) =	sbr.rel @p2 .LBB1_4-.Ltmp3, $4  }
0x34: {  	v0 =	vld [tilespmem:s22+$0x0];
	[tilespmem:s20+$0x0 ss:$0x81] =	vst.msk $0xffff, v2  }
0x35: {  	s20 =	sshra.s32 s23, $0x2;
	v2 =	vld [tilespmem:s22+$0xFFFFFFE0]  }
0x36: {  	s20 =	sadd.s32 s20, s19  }
0x37: {  	s22 =	sadd.s32 $0x40, s22;
	[tilespmem:s20+$0x1830 ss:$0x81] =	vst.msk $0xffff, v3  }
.Ltmp4:
0x38: {  	(pc) =	sbr.rel @p1 .LBB1_3-.Ltmp4, $4  }
0x39: {  	_ = 	snop  }
0x3a: {  	[tilespmem:s20+$0x810 ss:$0x81] =	vst.msk $0xffff, v1  }
0x3b: {  	[tilespmem:s20+$0x1020 ss:$0x81] =	vst.msk $0xffff, v0  }
0x3c: {  	s19 =	simm.s32 $0x1;
	p2 =	por $0x0, $0x0;
	[tilespmem:s20+$0x0 ss:$0x81] =	vst.msk $0xffff, v2  }
.Ltmp5:
0x3d: {  	(pc) =	sbr.rel .LBB1_7-.Ltmp5, $4  }
0x3e: {  	_ = 	snop  }
0x3f: {  	s15 =	sshll.u32 s15, $0xD;
	s14 =	sadd.s32 s2, s14  }
0x40: {  	s14 =	sadd.s32 s15, s14  }
0x41: {  	[hbm4b:s14+s10] =	stream.strided.scatter [tilespmem:s16], [sflag:$0x2], $0x4000, s11, s10, $0x20;
	[tilespmem:$0x10100] =	vst v63  }
.LBB1_8:
0x42: {  	_ =	sfence.sel $0x180000  }
0x43: {  	s2 =	simm.s32 $0x1;
	[bflag:$0x0] =	sbarrier.arrive $0xFFFF  }
0x44: {  	s31 =	simm.s32 $0x2;
	[sflag:s2] =	ssyncpa.u1 $0x1  }
0x45: {  	[sflag:s31] =	ssyncpa.u1 $0x1  }
0x46: {  	p0 =	sne.s32 s0, $0x0;
	_ =	strace $0x9000004A  }
0x47: {  	s0 =	sadd.s32 @!p0 $0x100000, s1;
	[bflag:$0x2] =	sbarrier.arrive $0xFFFF  }
0x48: {  	[sflag:s0] =	ssyncadd.tile.s32 @!p0 $0x1;
	_ =	shalt  }
.Lfunc_end1:
_tile_overlayer_lowered:
.L_overlay_start_2:
0x49: {  	(tag) =	ssettag $0x2  }
0x4a: {  	s0 =	rddreg [dreg:$0x0];
	s2 =	stileid.u32  }
0x4b: {  	s1 =	rddreg [dreg:$0x1];
	p0 =	sne.s32 s2, $0x0  }
0x4c: {  	s3 =	rddreg [dreg:$0x2];
	[bflag:$0x3] =	sbarrier.arrive $0xFFFF;
	s2 =	simm.s32 @!p0 $0x1C01  }
0x4d: {  	[timem:s3], [sflag:s2] =	dma.local @!p0 [hbm:s0], s1  }
0x4e: {  	s0 =	simm.s32 @!p0 $0x1  }
0x4f: {  	_ =	swait.ge @!p0 [sflag:s0], s1  }
0x50: {  	s1 =	ssub.s32 @!p0 $0x0, s1;
	[sflag:s0] =	ssyncset.done @!p0 $0x0  }
0x51: {  	[sflag:s0] =	ssyncadd.s32 @!p0 s1  }
0x52: {  	[bflag:$0x3] =	sbarrier.arrive $0xFFFF  }
0x53: {  	_ =	shalt  }

</sc_bundles>
